<compile_context>
chip_gen: v7x
topology: tpu7x:2x2x1
jax: 0.10.2.dev20260603
libtpu: 0.0.44.dev20260713+nightly
codegen_flags: <defaults>
</compile_context>

<pallas_src>
import functools

import jax
import jax.numpy as jnp
from jax import lax
from jax.experimental import pallas as pl
from jax.experimental.pallas import tpu as pltpu
from jax.experimental.pallas import tpu_sc as plsc

_N = 10000
_E = 320000
_D = 128
_NPAD = 10240
_DP = 144
_CH = 64
_NCHUNK = _E // _CH
_NC, _NS = 2, 16
_NW = _NC * _NS
_G = 40
_NG = 4
_KMAX = _G * _NG
_CPAD = _NW * _KMAX
_NBUF = 3
_RB = 2048


def _mesh():
    return plsc.VectorSubcoreMesh(
        core_axis_name="c", subcore_axis_name="s",
        num_cores=_NC, num_subcores=_NS)


def _sc_deg(row, z, oh):
    @functools.partial(
        pl.kernel,
        out_type=jax.ShapeDtypeStruct((_NC, _NPAD, 16), jnp.float32),
        mesh=_mesh(),
        compiler_params=pltpu.CompilerParams(use_tc_tiling_on_sc=False),
        scratch_types=[
            pltpu.VMEM((_KMAX, _CH), jnp.int32),
            pltpu.VMEM((_CH, 16), jnp.float32),
            pltpu.VMEM_SHARED((_NPAD, 16), jnp.float32),
            pltpu.SemaphoreType.DMA,
        ],
    )
    def k(row_hbm, z_hbm, oh_hbm, out_hbm, idxrall, stage, dacc, sem):
        cid = lax.axis_index("c")
        sid = lax.axis_index("s")
        wid = cid * _NS + sid
        rpt = _NPAD // _NS
        base = wid * _KMAX
        nk = jnp.minimum(_KMAX, _NCHUNK - base)
        pltpu.sync_copy(row_hbm.at[pl.ds(base, _KMAX)], idxrall)
        pltpu.sync_copy(z_hbm, stage)
        for j in range(rpt // _CH):
            pltpu.sync_copy(stage, dacc.at[pl.ds(sid * rpt + j * _CH, _CH)])
        pltpu.sync_copy(oh_hbm, stage)
        plsc.subcore_barrier()

        def body(kk, carry):
            @pl.when(kk < nk)
            def _():
                pltpu.async_copy(stage, dacc.at[idxrall.at[kk]], sem, add=True)

            return carry

        lax.fori_loop(0, _KMAX, body, 0)

        def drain(kk, carry):
            @pl.when(kk < nk)
            def _():
                pltpu.make_async_copy(stage, dacc.at[idxrall.at[0]],
                                      sem).wait()

            return carry

        lax.fori_loop(0, _KMAX, drain, 0)
        plsc.subcore_barrier()
        for j in range(rpt // _CH):
            base = sid * rpt + j * _CH
            pltpu.sync_copy(dacc.at[pl.ds(base, _CH)], stage)
            pltpu.sync_copy(stage, out_hbm.at[cid, pl.ds(base, _CH)])

    return k(row, z, oh)


_NBB = 2 * _NBUF


def _sc_spmm(ypa, ypb, row, col, z):
    @functools.partial(
        pl.kernel,
        out_type=[
            jax.ShapeDtypeStruct((_NC, _NPAD, _D), jnp.float32),
            jax.ShapeDtypeStruct((_NC, _NPAD, 16), jnp.float32),
        ],
        mesh=_mesh(),
        compiler_params=pltpu.CompilerParams(use_tc_tiling_on_sc=False),
        scratch_types=[
            pltpu.VMEM((_G, _CH), jnp.int32),
            pltpu.VMEM((_G, _CH), jnp.int32),
            pltpu.VMEM((_NBUF, _CH, _D), jnp.float32),
            pltpu.VMEM((_NBB, _CH, 16), jnp.float32),
            pltpu.VMEM_SHARED((_NPAD, _D), jnp.float32),
            pltpu.VMEM_SHARED((_NPAD, 16), jnp.float32),
        ] + [pltpu.SemaphoreType.DMA] * (_NBUF + _NBB),
    )
    def k(ypa_hbm, ypb_hbm, row_hbm, col_hbm, z_hbm, outa_hbm, outb_hbm,
          idxr_g, idxc_g, sta, stb, acca, accb, *sems):
        gsems = sems[:_NBUF]
        bsems = sems[_NBUF:]
        cid = lax.axis_index("c")
        sid = lax.axis_index("s")
        wid = cid * _NS + sid
        rpt = _NPAD // _NS
        base = wid * _KMAX
        nk = jnp.minimum(_KMAX, _NCHUNK - base)
        pltpu.sync_copy(z_hbm, sta.at[0])
        pltpu.sync_copy(z_hbm.at[:, pl.ds(0, 16)], stb.at[0])
        for j in range(rpt // _CH):
            rb = sid * rpt + j * _CH
            pltpu.sync_copy(sta.at[0], acca.at[pl.ds(rb, _CH)])
            pltpu.sync_copy(stb.at[0], accb.at[pl.ds(rb, _CH)])
        plsc.subcore_barrier()

        def group_body(g, carry):
            g0 = g * _G
            ng = jnp.clip(nk - g0, 0, _G)

            @pl.when(ng > 0)
            def _():
                pltpu.sync_copy(row_hbm.at[pl.ds(base + g0, _G)], idxr_g)
                pltpu.sync_copy(col_hbm.at[pl.ds(base + g0, _G)], idxc_g)
                for b in range(_NBUF):
                    @pl.when(b < ng)
                    def _(b=b):
                        pltpu.async_copy(
                            ypa_hbm.at[idxc_g.at[b]], sta.at[b], gsems[b])
                        pltpu.async_copy(
                            ypb_hbm.at[idxc_g.at[b]], stb.at[b], gsems[b])

                def round_body(q, carry2):
                    for u in range(_NBB):
                        kk = q * _NBB + u
                        b = u % _NBUF

                        @pl.when(kk < ng)
                        def _(b=b, u=u, kk=kk):
                            pltpu.make_async_copy(
                                ypa_hbm.at[idxc_g.at[kk]], sta.at[b],
                                gsems[b]).wait()
                            pltpu.make_async_copy(
                                ypb_hbm.at[idxc_g.at[kk]], stb.at[u],
                                gsems[b]).wait()
                            pltpu.sync_copy(
                                sta.at[b], acca.at[idxr_g.at[kk]], add=True)
                            pltpu.async_copy(
                                stb.at[u], accb.at[idxr_g.at[kk]],
                                bsems[u], add=True)

                            kn = kk + _NBUF
                            un = (u + _NBUF) % _NBB

                            @pl.when(kn < ng)
                            def _():
                                pltpu.async_copy(
                                    ypa_hbm.at[idxc_g.at[kn]], sta.at[b],
                                    gsems[b])

                                @pl.when(kk >= _NBUF)
                                def _():
                                    pltpu.make_async_copy(
                                        stb.at[un],
                                        accb.at[idxr_g.at[0]],
                                        bsems[un]).wait()

                                pltpu.async_copy(
                                    ypb_hbm.at[idxc_g.at[kn]], stb.at[un],
                                    gsems[b])

                    return carry2

                lax.fori_loop(0, -(-_G // _NBB), round_body, 0)

                for u in range(_NBB):
                    @pl.when(u < ng)
                    def _(u=u):
                        pltpu.make_async_copy(
                            stb.at[u], accb.at[idxr_g.at[0]],
                            bsems[u]).wait()

            return carry

        lax.fori_loop(0, _NG, group_body, 0)
        plsc.subcore_barrier()
        for j in range(rpt // _CH):
            rb = sid * rpt + j * _CH
            pltpu.sync_copy(acca.at[pl.ds(rb, _CH)], sta.at[0])
            pltpu.sync_copy(sta.at[0], outa_hbm.at[cid, pl.ds(rb, _CH)])
            pltpu.sync_copy(accb.at[pl.ds(rb, _CH)], stb.at[0])
            pltpu.sync_copy(stb.at[0], outb_hbm.at[cid, pl.ds(rb, _CH)])

    return k(ypa, ypb, row, col, z)


def _tc_prep_body(degp_ref, x_ref, m_ref, ya_ref, yb_ref):
    d16 = degp_ref[0] + degp_ref[1]
    deg = d16[:, 0:1]
    dis = jnp.where(deg > 0, lax.rsqrt(jnp.where(deg > 0, deg, 1.0)), 0.0)
    m = m_ref[...]
    ya_ref[...] = jnp.nan_to_num(x_ref[...]) * (m * dis)
    one = jnp.ones((_RB, 1), jnp.float32)
    pad = jnp.zeros((_RB, 13), jnp.float32)
    yb_ref[...] = jnp.concatenate([dis, dis * m, one, pad], axis=1)


def _tc_prep(degp, xu, mu):
    grid = _NPAD // _RB
    return pl.pallas_call(
        _tc_prep_body,
        grid=(grid,),
        in_specs=[
            pl.BlockSpec((_NC, _RB, 16), lambda i: (0, i, 0)),
            pl.BlockSpec((_RB, _D), lambda i: (i, 0)),
            pl.BlockSpec((_RB, 1), lambda i: (i, 0)),
        ],
        out_specs=[
            pl.BlockSpec((_RB, _D), lambda i: (i, 0)),
            pl.BlockSpec((_RB, 16), lambda i: (i, 0)),
        ],
        out_shape=[
            jax.ShapeDtypeStruct((_NPAD, _D), jnp.float32),
            jax.ShapeDtypeStruct((_NPAD, 16), jnp.float32),
        ],
    )(degp, xu, mu)


def _tc_final_body(acca_ref, accb_ref, w_ref, b_ref, o_ref):
    a = acca_ref[0] + acca_ref[1]
    sb = accb_ref[0] + accb_ref[1]
    s = sb[:, 0:1]
    mm = sb[:, 1:2]
    deg = sb[:, 2:3]
    dis = jnp.where(deg > 0, lax.rsqrt(jnp.where(deg > 0, deg, 1.0)), 0.0)
    scale = jnp.where(mm > 0, dis * s / jnp.where(mm > 0, mm, 1.0), 0.0)
    r = a * scale
    o_ref[...] = lax.dot_general(
        r, w_ref[...], (((1,), (1,)), ((), ())),
        preferred_element_type=jnp.float32) + b_ref[...]


def _tc_final(acca, accb, W, b2):
    grid = _NPAD // _RB
    return pl.pallas_call(
        _tc_final_body,
        grid=(grid,),
        in_specs=[
            pl.BlockSpec((_NC, _RB, _D), lambda i: (0, i, 0)),
            pl.BlockSpec((_NC, _RB, 16), lambda i: (0, i, 0)),
            pl.BlockSpec((_D, _D), lambda i: (0, 0)),
            pl.BlockSpec((1, _D), lambda i: (0, 0)),
        ],
        out_specs=pl.BlockSpec((_RB, _D), lambda i: (i, 0)),
        out_shape=jax.ShapeDtypeStruct((_N, _D), jnp.float32),
    )(acca, accb, W, b2)


def kernel(x, edge_index, train_mask, W, b):
    row2 = edge_index[0].reshape(_NCHUNK, _CH)
    col2 = edge_index[1].reshape(_NCHUNK, _CH)

    z16 = jnp.zeros((_CH, 16), jnp.float32)
    oh16 = z16.at[:, 0].set(1.0)
    degp = _sc_deg(row2, z16, oh16)
    col2, degp = lax.optimization_barrier((col2, degp))

    ypa, ypb = _tc_prep(degp, x, train_mask)

    zd = jnp.zeros((_CH, _D), jnp.float32)
    acca, accb = _sc_spmm(ypa, ypb, row2, col2, zd)

    return _tc_final(acca, accb, W, b.reshape(1, _D))

# --- scband reference (transcript-rebuilt; emitter-appended) ---
"""Pipeline reference for scband-pa-gnnconv-8607114461518 (READ-ONLY COPY).

The authoritative reference and input builder live on the scoring server;
editing this copy changes nothing except your own understanding.
"""

import jax, jax.numpy as jnp
import numpy as np

N = 10000
E = 320000
D_IN = 128
D_OUT = 128


def setup_inputs(seed: int = 0) -> dict:
    key = jax.random.key(seed)
    k1, k2, k3, k4 = jax.random.split(key, 4)
    x = jax.random.normal(k1, (N, D_IN), dtype=jnp.float32)
    edge_index = jax.random.randint(k2, (2, E), 0, N, dtype=jnp.int32)
    # train_mask buffer: 0/1 float mask of shape [N, 1] (mask is unused in the
    # taken branch since len(x) == len(train_mask))
    train_mask = (jax.random.uniform(k3, (N, 1)) < 0.5).astype(jnp.float32)
    # Linear layer parameters (torch.nn.Linear(in_features, out_features))
    W = jax.random.normal(k4, (D_OUT, D_IN), dtype=jnp.float32) * 0.05
    b = jnp.zeros((D_OUT,), dtype=jnp.float32)
    return {"x": x, "edge_index": edge_index, "train_mask": train_mask, "W": W, "b": b}


def reference(x, edge_index, train_mask, W, b):
    # x[x.isnan()] = 0
    x = jnp.nan_to_num(x)
    row = edge_index[0]
    col = edge_index[1]
    # get_symmetrically_normalized_adjacency: GCN-style D^{-1/2} A D^{-1/2}
    deg = jax.ops.segment_sum(jnp.ones((E,), dtype=jnp.float32), row, num_segments=N)
    deg_safe = jnp.where(deg > 0, deg, 1.0)
    dis = jnp.where(deg > 0, 1.0 / jnp.sqrt(deg_safe), 0.0)
    w = dis[row] * dis[col]

    def spmm(Y):
        # torch.sparse.mm(newadj, Y): out[i] = sum_{(i,j) in E} w_ij * Y[j]
        return jax.ops.segment_sum(w[:, None] * Y[col], row, num_segments=N)

    numerator = spmm(jnp.ones_like(x)) * spmm(train_mask * x)
    denominator = spmm(train_mask)
    # torch.nan_to_num(numerator / denominator): whenever denominator == 0 the
    # numerator is provably 0 too (same nonnegative edge weights * 0/1 mask),
    # so safe masked division is exactly equivalent.
    den_safe = jnp.where(denominator == 0.0, 1.0, denominator)
    ratio = jnp.where(denominator == 0.0, 0.0, numerator / den_safe)
    out = ratio @ W.T + b
    return out

if __name__ == "__main__":
    import jax
    _d = setup_inputs()
    print(jax.jit(kernel)(*tuple(_d.values())))

</pallas_src>

<mosaic_0001>
#map = affine_map<(d0, d1) -> (0, 0)>
#map1 = affine_map<(d0, d1) -> (0, 0, 0)>
module attributes {stable_mosaic.version = 14 : i64} {
  func.func @k(%arg0: i32, %arg1: i32, %arg2: memref<5000x64xi32, #tpu.memory_space<hbm>>, %arg3: memref<64x16xf32, #tpu.memory_space<hbm>>, %arg4: memref<64x16xf32, #tpu.memory_space<hbm>>, %arg5: memref<2x10240x16xf32, #tpu.memory_space<hbm>>, %arg6: memref<160x64xi32, #tpu.memory_space<vmem>>, %arg7: memref<64x16xf32, #tpu.memory_space<vmem>>, %arg8: memref<10240x16xf32, #tpu.memory_space<vmem_shared>>, %arg9: memref<!tpu.dma_semaphore, #tpu.memory_space<semaphore_mem>>) attributes {dimension_semantics = [#tpu.dimension_semantics<core_parallel>, #tpu.dimension_semantics<subcore_parallel>], iteration_bounds = array<i64: 2, 16>, scalar_prefetch = 0 : i64, scratch_operands = 4 : i64, tpu.core_type = #tpu.core_type<sc_vector_subcore>, window_params = [{transform_indices = #map}, {transform_indices = #map}, {transform_indices = #map}, {transform_indices = #map1}]} {
    %mul3A = arith.constant 16 : i32
    %mul3A_0 = arith.muli %arg0, %mul3A : i32
    %add3A = arith.addi %mul3A_0, %arg1 : i32
    %mul3A_1 = arith.constant 160 : i32
    %mul3A_2 = arith.muli %add3A, %mul3A_1 : i32
    %sub3A = arith.constant 5000 : i32
    %sub3A_3 = arith.subi %sub3A, %mul3A_2 : i32
    %min3A = arith.constant 160 : i32
    %min3A_4 = arith.minsi %min3A, %sub3A_3 : i32
    "tpu.region"() ({
      %run_scoped3A = tpu.sem_alloc : memref<!tpu.dma_semaphore, #tpu.memory_space<semaphore_mem>>
      %dma_start3A = arith.constant 0 : i32
      %dma_start3A_97 = tpu.memref_slice %arg2[%mul3A_2, %dma_start3A] : memref<5000x64xi32, #tpu.memory_space<hbm>> -> memref<160x64xi32, #tpu.memory_space<hbm>>
      %dma_start3A_98 = arith.constant 0 : i32
      %dma_start3A_99 = tpu.memref_slice %arg2[%mul3A_2, %dma_start3A_98] : memref<5000x64xi32, #tpu.memory_space<hbm>> -> memref<160x64xi32, #tpu.memory_space<hbm>>
      tpu.enqueue_dma source(%dma_start3A_99 : memref<160x64xi32, #tpu.memory_space<hbm>>) target(%arg6 : memref<160x64xi32, #tpu.memory_space<vmem>>) target_semaphore(%run_scoped3A : memref<!tpu.dma_semaphore, #tpu.memory_space<semaphore_mem>>)
      %dma_wait3A = arith.constant 0 : i32
      %dma_wait3A_100 = tpu.memref_slice %arg2[%mul3A_2, %dma_wait3A] : memref<5000x64xi32, #tpu.memory_space<hbm>> -> memref<160x64xi32, #tpu.memory_space<hbm>>
      %dma_wait3A_101 = arith.constant 0 : i32
      %dma_wait3A_102 = tpu.memref_slice %arg2[%mul3A_2, %dma_wait3A_101] : memref<5000x64xi32, #tpu.memory_space<hbm>> -> memref<160x64xi32, #tpu.memory_space<hbm>>
      tpu.wait_dma2 semaphore(%run_scoped3A : memref<!tpu.dma_semaphore, #tpu.memory_space<semaphore_mem>>) src(%dma_wait3A_102 : memref<160x64xi32, #tpu.memory_space<hbm>>) dst(%arg6 : memref<160x64xi32, #tpu.memory_space<vmem>>)
      tpu.yield
    }) : () -> ()
    "tpu.region"() ({
      %run_scoped3A = tpu.sem_alloc : memref<!tpu.dma_semaphore, #tpu.memory_space<semaphore_mem>>
      tpu.enqueue_dma source(%arg3 : memref<64x16xf32, #tpu.memory_space<hbm>>) target(%arg7 : memref<64x16xf32, #tpu.memory_space<vmem>>) target_semaphore(%run_scoped3A : memref<!tpu.dma_semaphore, #tpu.memory_space<semaphore_mem>>)
      tpu.wait_dma2 semaphore(%run_scoped3A : memref<!tpu.dma_semaphore, #tpu.memory_space<semaphore_mem>>) src(%arg3 : memref<64x16xf32, #tpu.memory_space<hbm>>) dst(%arg7 : memref<64x16xf32, #tpu.memory_space<vmem>>)
      tpu.yield
    }) : () -> ()
    %mul3A_5 = arith.constant 640 : i32
    %mul3A_6 = arith.muli %arg1, %mul3A_5 : i32
    %add3A_7 = arith.constant 0 : i32
    %add3A_8 = arith.addi %mul3A_6, %add3A_7 : i32
    "tpu.region"() ({
      %run_scoped3A = tpu.sem_alloc : memref<!tpu.dma_semaphore, #tpu.memory_space<semaphore_mem>>
      %dma_start3A = arith.constant 0 : i32
      %dma_start3A_97 = tpu.memref_slice %arg8[%add3A_8, %dma_start3A] : memref<10240x16xf32, #tpu.memory_space<vmem_shared>> -> memref<64x16xf32, #tpu.memory_space<vmem_shared>>
      %dma_start3A_98 = arith.constant 0 : i32
      %dma_start3A_99 = tpu.memref_slice %arg8[%add3A_8, %dma_start3A_98] : memref<10240x16xf32, #tpu.memory_space<vmem_shared>> -> memref<64x16xf32, #tpu.memory_space<vmem_shared>>
      tpu.enqueue_dma source(%arg7 : memref<64x16xf32, #tpu.memory_space<vmem>>) target(%dma_start3A_99 : memref<64x16xf32, #tpu.memory_space<vmem_shared>>) target_semaphore(%run_scoped3A : memref<!tpu.dma_semaphore, #tpu.memory_space<semaphore_mem>>)
      %dma_wait3A = arith.constant 0 : i32
      %dma_wait3A_100 = tpu.memref_slice %arg8[%add3A_8, %dma_wait3A] : memref<10240x16xf32, #tpu.memory_space<vmem_shared>> -> memref<64x16xf32, #tpu.memory_space<vmem_shared>>
      %dma_wait3A_101 = arith.constant 0 : i32
      %dma_wait3A_102 = tpu.memref_slice %arg8[%add3A_8, %dma_wait3A_101] : memref<10240x16xf32, #tpu.memory_space<vmem_shared>> -> memref<64x16xf32, #tpu.memory_space<vmem_shared>>
      tpu.wait_dma2 semaphore(%run_scoped3A : memref<!tpu.dma_semaphore, #tpu.memory_space<semaphore_mem>>) src(%arg7 : memref<64x16xf32, #tpu.memory_space<vmem>>) dst(%dma_wait3A_102 : memref<64x16xf32, #tpu.memory_space<vmem_shared>>)
      tpu.yield
    }) : () -> ()
    %mul3A_9 = arith.constant 640 : i32
    %mul3A_10 = arith.muli %arg1, %mul3A_9 : i32
    %add3A_11 = arith.constant 64 : i32
    %add3A_12 = arith.addi %mul3A_10, %add3A_11 : i32
    "tpu.region"() ({
      %run_scoped3A = tpu.sem_alloc : memref<!tpu.dma_semaphore, #tpu.memory_space<semaphore_mem>>
      %dma_start3A = arith.constant 0 : i32
      %dma_start3A_97 = tpu.memref_slice %arg8[%add3A_12, %dma_start3A] : memref<10240x16xf32, #tpu.memory_space<vmem_shared>> -> memref<64x16xf32, #tpu.memory_space<vmem_shared>>
      %dma_start3A_98 = arith.constant 0 : i32
      %dma_start3A_99 = tpu.memref_slice %arg8[%add3A_12, %dma_start3A_98] : memref<10240x16xf32, #tpu.memory_space<vmem_shared>> -> memref<64x16xf32, #tpu.memory_space<vmem_shared>>
      tpu.enqueue_dma source(%arg7 : memref<64x16xf32, #tpu.memory_space<vmem>>) target(%dma_start3A_99 : memref<64x16xf32, #tpu.memory_space<vmem_shared>>) target_semaphore(%run_scoped3A : memref<!tpu.dma_semaphore, #tpu.memory_space<semaphore_mem>>)
      %dma_wait3A = arith.constant 0 : i32
      %dma_wait3A_100 = tpu.memref_slice %arg8[%add3A_12, %dma_wait3A] : memref<10240x16xf32, #tpu.memory_space<vmem_shared>> -> memref<64x16xf32, #tpu.memory_space<vmem_shared>>
      %dma_wait3A_101 = arith.constant 0 : i32
      %dma_wait3A_102 = tpu.memref_slice %arg8[%add3A_12, %dma_wait3A_101] : memref<10240x16xf32, #tpu.memory_space<vmem_shared>> -> memref<64x16xf32, #tpu.memory_space<vmem_shared>>
      tpu.wait_dma2 semaphore(%run_scoped3A : memref<!tpu.dma_semaphore, #tpu.memory_space<semaphore_mem>>) src(%arg7 : memref<64x16xf32, #tpu.memory_space<vmem>>) dst(%dma_wait3A_102 : memref<64x16xf32, #tpu.memory_space<vmem_shared>>)
      tpu.yield
    }) : () -> ()
    %mul3A_13 = arith.constant 640 : i32
    %mul3A_14 = arith.muli %arg1, %mul3A_13 : i32
    %add3A_15 = arith.constant 128 : i32
    %add3A_16 = arith.addi %mul3A_14, %add3A_15 : i32
    "tpu.region"() ({
      %run_scoped3A = tpu.sem_alloc : memref<!tpu.dma_semaphore, #tpu.memory_space<semaphore_mem>>
      %dma_start3A = arith.constant 0 : i32
      %dma_start3A_97 = tpu.memref_slice %arg8[%add3A_16, %dma_start3A] : memref<10240x16xf32, #tpu.memory_space<vmem_shared>> -> memref<64x16xf32, #tpu.memory_space<vmem_shared>>
      %dma_start3A_98 = arith.constant 0 : i32
      %dma_start3A_99 = tpu.memref_slice %arg8[%add3A_16, %dma_start3A_98] : memref<10240x16xf32, #tpu.memory_space<vmem_shared>> -> memref<64x16xf32, #tpu.memory_space<vmem_shared>>
      tpu.enqueue_dma source(%arg7 : memref<64x16xf32, #tpu.memory_space<vmem>>) target(%dma_start3A_99 : memref<64x16xf32, #tpu.memory_space<vmem_shared>>) target_semaphore(%run_scoped3A : memref<!tpu.dma_semaphore, #tpu.memory_space<semaphore_mem>>)
      %dma_wait3A = arith.constant 0 : i32
      %dma_wait3A_100 = tpu.memref_slice %arg8[%add3A_16, %dma_wait3A] : memref<10240x16xf32, #tpu.memory_space<vmem_shared>> -> memref<64x16xf32, #tpu.memory_space<vmem_shared>>
      %dma_wait3A_101 = arith.constant 0 : i32
      %dma_wait3A_102 = tpu.memref_slice %arg8[%add3A_16, %dma_wait3A_101] : memref<10240x16xf32, #tpu.memory_space<vmem_shared>> -> memref<64x16xf32, #tpu.memory_space<vmem_shared>>
      tpu.wait_dma2 semaphore(%run_scoped3A : memref<!tpu.dma_semaphore, #tpu.memory_space<semaphore_mem>>) src(%arg7 : memref<64x16xf32, #tpu.memory_space<vmem>>) dst(%dma_wait3A_102 : memref<64x16xf32, #tpu.memory_space<vmem_shared>>)
      tpu.yield
    }) : () -> ()
    %mul3A_17 = arith.constant 640 : i32
    %mul3A_18 = arith.muli %arg1, %mul3A_17 : i32
    %add3A_19 = arith.constant 192 : i32
    %add3A_20 = arith.addi %mul3A_18, %add3A_19 : i32
    "tpu.region"() ({
      %run_scoped3A = tpu.sem_alloc : memref<!tpu.dma_semaphore, #tpu.memory_space<semaphore_mem>>
      %dma_start3A = arith.constant 0 : i32
      %dma_start3A_97 = tpu.memref_slice %arg8[%add3A_20, %dma_start3A] : memref<10240x16xf32, #tpu.memory_space<vmem_shared>> -> memref<64x16xf32, #tpu.memory_space<vmem_shared>>
      %dma_start3A_98 = arith.constant 0 : i32
      %dma_start3A_99 = tpu.memref_slice %arg8[%add3A_20, %dma_start3A_98] : memref<10240x16xf32, #tpu.memory_space<vmem_shared>> -> memref<64x16xf32, #tpu.memory_space<vmem_shared>>
      tpu.enqueue_dma source(%arg7 : memref<64x16xf32, #tpu.memory_space<vmem>>) target(%dma_start3A_99 : memref<64x16xf32, #tpu.memory_space<vmem_shared>>) target_semaphore(%run_scoped3A : memref<!tpu.dma_semaphore, #tpu.memory_space<semaphore_mem>>)
      %dma_wait3A = arith.constant 0 : i32
      %dma_wait3A_100 = tpu.memref_slice %arg8[%add3A_20, %dma_wait3A] : memref<10240x16xf32, #tpu.memory_space<vmem_shared>> -> memref<64x16xf32, #tpu.memory_space<vmem_shared>>
      %dma_wait3A_101 = arith.constant 0 : i32
      %dma_wait3A_102 = tpu.memref_slice %arg8[%add3A_20, %dma_wait3A_101] : memref<10240x16xf32, #tpu.memory_space<vmem_shared>> -> memref<64x16xf32, #tpu.memory_space<vmem_shared>>
      tpu.wait_dma2 semaphore(%run_scoped3A : memref<!tpu.dma_semaphore, #tpu.memory_space<semaphore_mem>>) src(%arg7 : memref<64x16xf32, #tpu.memory_space<vmem>>) dst(%dma_wait3A_102 : memref<64x16xf32, #tpu.memory_space<vmem_shared>>)
      tpu.yield
    }) : () -> ()
    %mul3A_21 = arith.constant 640 : i32
    %mul3A_22 = arith.muli %arg1, %mul3A_21 : i32
    %add3A_23 = arith.constant 256 : i32
    %add3A_24 = arith.addi %mul3A_22, %add3A_23 : i32
    "tpu.region"() ({
      %run_scoped3A = tpu.sem_alloc : memref<!tpu.dma_semaphore, #tpu.memory_space<semaphore_mem>>
      %dma_start3A = arith.constant 0 : i32
      %dma_start3A_97 = tpu.memref_slice %arg8[%add3A_24, %dma_start3A] : memref<10240x16xf32, #tpu.memory_space<vmem_shared>> -> memref<64x16xf32, #tpu.memory_space<vmem_shared>>
      %dma_start3A_98 = arith.constant 0 : i32
      %dma_start3A_99 = tpu.memref_slice %arg8[%add3A_24, %dma_start3A_98] : memref<10240x16xf32, #tpu.memory_space<vmem_shared>> -> memref<64x16xf32, #tpu.memory_space<vmem_shared>>
      tpu.enqueue_dma source(%arg7 : memref<64x16xf32, #tpu.memory_space<vmem>>) target(%dma_start3A_99 : memref<64x16xf32, #tpu.memory_space<vmem_shared>>) target_semaphore(%run_scoped3A : memref<!tpu.dma_semaphore, #tpu.memory_space<semaphore_mem>>)
      %dma_wait3A = arith.constant 0 : i32
      %dma_wait3A_100 = tpu.memref_slice %arg8[%add3A_24, %dma_wait3A] : memref<10240x16xf32, #tpu.memory_space<vmem_shared>> -> memref<64x16xf32, #tpu.memory_space<vmem_shared>>
      %dma_wait3A_101 = arith.constant 0 : i32
      %dma_wait3A_102 = tpu.memref_slice %arg8[%add3A_24, %dma_wait3A_101] : memref<10240x16xf32, #tpu.memory_space<vmem_shared>> -> memref<64x16xf32, #tpu.memory_space<vmem_shared>>
      tpu.wait_dma2 semaphore(%run_scoped3A : memref<!tpu.dma_semaphore, #tpu.memory_space<semaphore_mem>>) src(%arg7 : memref<64x16xf32, #tpu.memory_space<vmem>>) dst(%dma_wait3A_102 : memref<64x16xf32, #tpu.memory_space<vmem_shared>>)
      tpu.yield
    }) : () -> ()
    %mul3A_25 = arith.constant 640 : i32
    %mul3A_26 = arith.muli %arg1, %mul3A_25 : i32
    %add3A_27 = arith.constant 320 : i32
    %add3A_28 = arith.addi %mul3A_26, %add3A_27 : i32
    "tpu.region"() ({
      %run_scoped3A = tpu.sem_alloc : memref<!tpu.dma_semaphore, #tpu.memory_space<semaphore_mem>>
      %dma_start3A = arith.constant 0 : i32
      %dma_start3A_97 = tpu.memref_slice %arg8[%add3A_28, %dma_start3A] : memref<10240x16xf32, #tpu.memory_space<vmem_shared>> -> memref<64x16xf32, #tpu.memory_space<vmem_shared>>
      %dma_start3A_98 = arith.constant 0 : i32
      %dma_start3A_99 = tpu.memref_slice %arg8[%add3A_28, %dma_start3A_98] : memref<10240x16xf32, #tpu.memory_space<vmem_shared>> -> memref<64x16xf32, #tpu.memory_space<vmem_shared>>
      tpu.enqueue_dma source(%arg7 : memref<64x16xf32, #tpu.memory_space<vmem>>) target(%dma_start3A_99 : memref<64x16xf32, #tpu.memory_space<vmem_shared>>) target_semaphore(%run_scoped3A : memref<!tpu.dma_semaphore, #tpu.memory_space<semaphore_mem>>)
      %dma_wait3A = arith.constant 0 : i32
      %dma_wait3A_100 = tpu.memref_slice %arg8[%add3A_28, %dma_wait3A] : memref<10240x16xf32, #tpu.memory_space<vmem_shared>> -> memref<64x16xf32, #tpu.memory_space<vmem_shared>>
      %dma_wait3A_101 = arith.constant 0 : i32
      %dma_wait3A_102 = tpu.memref_slice %arg8[%add3A_28, %dma_wait3A_101] : memref<10240x16xf32, #tpu.memory_space<vmem_shared>> -> memref<64x16xf32, #tpu.memory_space<vmem_shared>>
      tpu.wait_dma2 semaphore(%run_scoped3A : memref<!tpu.dma_semaphore, #tpu.memory_space<semaphore_mem>>) src(%arg7 : memref<64x16xf32, #tpu.memory_space<vmem>>) dst(%dma_wait3A_102 : memref<64x16xf32, #tpu.memory_space<vmem_shared>>)
      tpu.yield
    }) : () -> ()
    %mul3A_29 = arith.constant 640 : i32
    %mul3A_30 = arith.muli %arg1, %mul3A_29 : i32
    %add3A_31 = arith.constant 384 : i32
    %add3A_32 = arith.addi %mul3A_30, %add3A_31 : i32
    "tpu.region"() ({
      %run_scoped3A = tpu.sem_alloc : memref<!tpu.dma_semaphore, #tpu.memory_space<semaphore_mem>>
      %dma_start3A = arith.constant 0 : i32
      %dma_start3A_97 = tpu.memref_slice %arg8[%add3A_32, %dma_start3A] : memref<10240x16xf32, #tpu.memory_space<vmem_shared>> -> memref<64x16xf32, #tpu.memory_space<vmem_shared>>
      %dma_start3A_98 = arith.constant 0 : i32
      %dma_start3A_99 = tpu.memref_slice %arg8[%add3A_32, %dma_start3A_98] : memref<10240x16xf32, #tpu.memory_space<vmem_shared>> -> memref<64x16xf32, #tpu.memory_space<vmem_shared>>
      tpu.enqueue_dma source(%arg7 : memref<64x16xf32, #tpu.memory_space<vmem>>) target(%dma_start3A_99 : memref<64x16xf32, #tpu.memory_space<vmem_shared>>) target_semaphore(%run_scoped3A : memref<!tpu.dma_semaphore, #tpu.memory_space<semaphore_mem>>)
      %dma_wait3A = arith.constant 0 : i32
      %dma_wait3A_100 = tpu.memref_slice %arg8[%add3A_32, %dma_wait3A] : memref<10240x16xf32, #tpu.memory_space<vmem_shared>> -> memref<64x16xf32, #tpu.memory_space<vmem_shared>>
      %dma_wait3A_101 = arith.constant 0 : i32
      %dma_wait3A_102 = tpu.memref_slice %arg8[%add3A_32, %dma_wait3A_101] : memref<10240x16xf32, #tpu.memory_space<vmem_shared>> -> memref<64x16xf32, #tpu.memory_space<vmem_shared>>
      tpu.wait_dma2 semaphore(%run_scoped3A : memref<!tpu.dma_semaphore, #tpu.memory_space<semaphore_mem>>) src(%arg7 : memref<64x16xf32, #tpu.memory_space<vmem>>) dst(%dma_wait3A_102 : memref<64x16xf32, #tpu.memory_space<vmem_shared>>)
      tpu.yield
    }) : () -> ()
    %mul3A_33 = arith.constant 640 : i32
    %mul3A_34 = arith.muli %arg1, %mul3A_33 : i32
    %add3A_35 = arith.constant 448 : i32
    %add3A_36 = arith.addi %mul3A_34, %add3A_35 : i32
    "tpu.region"() ({
      %run_scoped3A = tpu.sem_alloc : memref<!tpu.dma_semaphore, #tpu.memory_space<semaphore_mem>>
      %dma_start3A = arith.constant 0 : i32
      %dma_start3A_97 = tpu.memref_slice %arg8[%add3A_36, %dma_start3A] : memref<10240x16xf32, #tpu.memory_space<vmem_shared>> -> memref<64x16xf32, #tpu.memory_space<vmem_shared>>
      %dma_start3A_98 = arith.constant 0 : i32
      %dma_start3A_99 = tpu.memref_slice %arg8[%add3A_36, %dma_start3A_98] : memref<10240x16xf32, #tpu.memory_space<vmem_shared>> -> memref<64x16xf32, #tpu.memory_space<vmem_shared>>
      tpu.enqueue_dma source(%arg7 : memref<64x16xf32, #tpu.memory_space<vmem>>) target(%dma_start3A_99 : memref<64x16xf32, #tpu.memory_space<vmem_shared>>) target_semaphore(%run_scoped3A : memref<!tpu.dma_semaphore, #tpu.memory_space<semaphore_mem>>)
      %dma_wait3A = arith.constant 0 : i32
      %dma_wait3A_100 = tpu.memref_slice %arg8[%add3A_36, %dma_wait3A] : memref<10240x16xf32, #tpu.memory_space<vmem_shared>> -> memref<64x16xf32, #tpu.memory_space<vmem_shared>>
      %dma_wait3A_101 = arith.constant 0 : i32
      %dma_wait3A_102 = tpu.memref_slice %arg8[%add3A_36, %dma_wait3A_101] : memref<10240x16xf32, #tpu.memory_space<vmem_shared>> -> memref<64x16xf32, #tpu.memory_space<vmem_shared>>
      tpu.wait_dma2 semaphore(%run_scoped3A : memref<!tpu.dma_semaphore, #tpu.memory_space<semaphore_mem>>) src(%arg7 : memref<64x16xf32, #tpu.memory_space<vmem>>) dst(%dma_wait3A_102 : memref<64x16xf32, #tpu.memory_space<vmem_shared>>)
      tpu.yield
    }) : () -> ()
    %mul3A_37 = arith.constant 640 : i32
    %mul3A_38 = arith.muli %arg1, %mul3A_37 : i32
    %add3A_39 = arith.constant 512 : i32
    %add3A_40 = arith.addi %mul3A_38, %add3A_39 : i32
    "tpu.region"() ({
      %run_scoped3A = tpu.sem_alloc : memref<!tpu.dma_semaphore, #tpu.memory_space<semaphore_mem>>
      %dma_start3A = arith.constant 0 : i32
      %dma_start3A_97 = tpu.memref_slice %arg8[%add3A_40, %dma_start3A] : memref<10240x16xf32, #tpu.memory_space<vmem_shared>> -> memref<64x16xf32, #tpu.memory_space<vmem_shared>>
      %dma_start3A_98 = arith.constant 0 : i32
      %dma_start3A_99 = tpu.memref_slice %arg8[%add3A_40, %dma_start3A_98] : memref<10240x16xf32, #tpu.memory_space<vmem_shared>> -> memref<64x16xf32, #tpu.memory_space<vmem_shared>>
      tpu.enqueue_dma source(%arg7 : memref<64x16xf32, #tpu.memory_space<vmem>>) target(%dma_start3A_99 : memref<64x16xf32, #tpu.memory_space<vmem_shared>>) target_semaphore(%run_scoped3A : memref<!tpu.dma_semaphore, #tpu.memory_space<semaphore_mem>>)
      %dma_wait3A = arith.constant 0 : i32
      %dma_wait3A_100 = tpu.memref_slice %arg8[%add3A_40, %dma_wait3A] : memref<10240x16xf32, #tpu.memory_space<vmem_shared>> -> memref<64x16xf32, #tpu.memory_space<vmem_shared>>
      %dma_wait3A_101 = arith.constant 0 : i32
      %dma_wait3A_102 = tpu.memref_slice %arg8[%add3A_40, %dma_wait3A_101] : memref<10240x16xf32, #tpu.memory_space<vmem_shared>> -> memref<64x16xf32, #tpu.memory_space<vmem_shared>>
      tpu.wait_dma2 semaphore(%run_scoped3A : memref<!tpu.dma_semaphore, #tpu.memory_space<semaphore_mem>>) src(%arg7 : memref<64x16xf32, #tpu.memory_space<vmem>>) dst(%dma_wait3A_102 : memref<64x16xf32, #tpu.memory_space<vmem_shared>>)
      tpu.yield
    }) : () -> ()
    %mul3A_41 = arith.constant 640 : i32
    %mul3A_42 = arith.muli %arg1, %mul3A_41 : i32
    %add3A_43 = arith.constant 576 : i32
    %add3A_44 = arith.addi %mul3A_42, %add3A_43 : i32
    "tpu.region"() ({
      %run_scoped3A = tpu.sem_alloc : memref<!tpu.dma_semaphore, #tpu.memory_space<semaphore_mem>>
      %dma_start3A = arith.constant 0 : i32
      %dma_start3A_97 = tpu.memref_slice %arg8[%add3A_44, %dma_start3A] : memref<10240x16xf32, #tpu.memory_space<vmem_shared>> -> memref<64x16xf32, #tpu.memory_space<vmem_shared>>
      %dma_start3A_98 = arith.constant 0 : i32
      %dma_start3A_99 = tpu.memref_slice %arg8[%add3A_44, %dma_start3A_98] : memref<10240x16xf32, #tpu.memory_space<vmem_shared>> -> memref<64x16xf32, #tpu.memory_space<vmem_shared>>
      tpu.enqueue_dma source(%arg7 : memref<64x16xf32, #tpu.memory_space<vmem>>) target(%dma_start3A_99 : memref<64x16xf32, #tpu.memory_space<vmem_shared>>) target_semaphore(%run_scoped3A : memref<!tpu.dma_semaphore, #tpu.memory_space<semaphore_mem>>)
      %dma_wait3A = arith.constant 0 : i32
      %dma_wait3A_100 = tpu.memref_slice %arg8[%add3A_44, %dma_wait3A] : memref<10240x16xf32, #tpu.memory_space<vmem_shared>> -> memref<64x16xf32, #tpu.memory_space<vmem_shared>>
      %dma_wait3A_101 = arith.constant 0 : i32
      %dma_wait3A_102 = tpu.memref_slice %arg8[%add3A_44, %dma_wait3A_101] : memref<10240x16xf32, #tpu.memory_space<vmem_shared>> -> memref<64x16xf32, #tpu.memory_space<vmem_shared>>
      tpu.wait_dma2 semaphore(%run_scoped3A : memref<!tpu.dma_semaphore, #tpu.memory_space<semaphore_mem>>) src(%arg7 : memref<64x16xf32, #tpu.memory_space<vmem>>) dst(%dma_wait3A_102 : memref<64x16xf32, #tpu.memory_space<vmem_shared>>)
      tpu.yield
    }) : () -> ()
    "tpu.region"() ({
      %run_scoped3A = tpu.sem_alloc : memref<!tpu.dma_semaphore, #tpu.memory_space<semaphore_mem>>
      tpu.enqueue_dma source(%arg4 : memref<64x16xf32, #tpu.memory_space<hbm>>) target(%arg7 : memref<64x16xf32, #tpu.memory_space<vmem>>) target_semaphore(%run_scoped3A : memref<!tpu.dma_semaphore, #tpu.memory_space<semaphore_mem>>)
      tpu.wait_dma2 semaphore(%run_scoped3A : memref<!tpu.dma_semaphore, #tpu.memory_space<semaphore_mem>>) src(%arg4 : memref<64x16xf32, #tpu.memory_space<hbm>>) dst(%arg7 : memref<64x16xf32, #tpu.memory_space<vmem>>)
      tpu.yield
    }) : () -> ()
    %barrier3A = arith.constant 0 : index
    tpu.barrier barrier_id(%barrier3A)
    %scan3A = arith.constant 0 : i32
    %scan3A_45 = arith.constant 0 : i32
    %scan3A_46 = arith.constant 160 : i32
    %scan3A_47 = arith.addi %scan3A_45, %scan3A_46 : i32
    %scan3A_48 = arith.constant 1 : i32
    scf.for %scan3A_97 = %scan3A_45 to %scan3A_47 step %scan3A_48  : i32 {
      %lt3A = arith.cmpi slt, %scan3A_97, %min3A_4 : i32
      %convert_element_type3A = arith.extui %lt3A : i1 to i32
      %cond3A = arith.constant 0 : i32
      %cond3A_98 = arith.cmpi ne, %convert_element_type3A, %cond3A : i32
      scf.if %cond3A_98 {
        %dma_start3A = arith.constant 0 : i32
        %dma_start3A_99 = tpu.memref_slice %arg6[%scan3A_97, %dma_start3A] : memref<160x64xi32, #tpu.memory_space<vmem>> -> memref<1x64xi32, #tpu.memory_space<vmem>>
        %dma_start3A_100 = tpu.memref_squeeze %dma_start3A_99 : memref<1x64xi32, #tpu.memory_space<vmem>> -> memref<64xi32, #tpu.memory_space<vmem>>
        %dma_start3A_101 = arith.constant 0 : i32
        %dma_start3A_102 = arith.constant 0 : i32
        %dma_start3A_103 = tpu.memref_slice %arg8[%dma_start3A_101, %dma_start3A_102] : memref<10240x16xf32, #tpu.memory_space<vmem_shared>> -> memref<10240x16xf32, #tpu.memory_space<vmem_shared>>
        tpu.enqueue_indirect_dma source(%arg7 : memref<64x16xf32, #tpu.memory_space<vmem>>) target(%dma_start3A_103 : memref<10240x16xf32, #tpu.memory_space<vmem_shared>>) offsets(%dma_start3A_100 : memref<64xi32, #tpu.memory_space<vmem>>) semaphore(%arg9 : memref<!tpu.dma_semaphore, #tpu.memory_space<semaphore_mem>>) {add = true}
      } else {
      }
    }
    %scan3A_49 = arith.constant 160 : i32
    %scan3A_50 = arith.constant 0 : i32
    %scan3A_51 = arith.constant 0 : i32
    %scan3A_52 = arith.constant 160 : i32
    %scan3A_53 = arith.addi %scan3A_51, %scan3A_52 : i32
    %scan3A_54 = arith.constant 1 : i32
    scf.for %scan3A_97 = %scan3A_51 to %scan3A_53 step %scan3A_54  : i32 {
      %lt3A = arith.cmpi slt, %scan3A_97, %min3A_4 : i32
      %convert_element_type3A = arith.extui %lt3A : i1 to i32
      %cond3A = arith.constant 0 : i32
      %cond3A_98 = arith.cmpi ne, %convert_element_type3A, %cond3A : i32
      scf.if %cond3A_98 {
        %dma_wait3A = arith.constant 0 : i32
        %dma_wait3A_99 = arith.constant 0 : i32
        %dma_wait3A_100 = tpu.memref_slice %arg6[%dma_wait3A, %dma_wait3A_99] : memref<160x64xi32, #tpu.memory_space<vmem>> -> memref<1x64xi32, #tpu.memory_space<vmem>>
        %dma_wait3A_101 = tpu.memref_squeeze %dma_wait3A_100 : memref<1x64xi32, #tpu.memory_space<vmem>> -> memref<64xi32, #tpu.memory_space<vmem>>
        %dma_wait3A_102 = arith.constant 0 : i32
        %dma_wait3A_103 = arith.constant 0 : i32
        %dma_wait3A_104 = tpu.memref_slice %arg8[%dma_wait3A_102, %dma_wait3A_103] : memref<10240x16xf32, #tpu.memory_space<vmem_shared>> -> memref<10240x16xf32, #tpu.memory_space<vmem_shared>>
        tpu.wait_indirect_dma semaphore(%arg9 : memref<!tpu.dma_semaphore, #tpu.memory_space<semaphore_mem>>) src(%arg7 : memref<64x16xf32, #tpu.memory_space<vmem>>) dst(%dma_wait3A_104 : memref<10240x16xf32, #tpu.memory_space<vmem_shared>>)
      } else {
      }
    }
    %scan3A_55 = arith.constant 160 : i32
    %barrier3A_56 = arith.constant 0 : index
    tpu.barrier barrier_id(%barrier3A_56)
    %mul3A_57 = arith.constant 640 : i32
    %mul3A_58 = arith.muli %arg1, %mul3A_57 : i32
    %add3A_59 = arith.constant 0 : i32
    %add3A_60 = arith.addi %mul3A_58, %add3A_59 : i32
    "tpu.region"() ({
      %run_scoped3A = tpu.sem_alloc : memref<!tpu.dma_semaphore, #tpu.memory_space<semaphore_mem>>
      %dma_start3A = arith.constant 0 : i32
      %dma_start3A_97 = tpu.memref_slice %arg8[%add3A_60, %dma_start3A] : memref<10240x16xf32, #tpu.memory_space<vmem_shared>> -> memref<64x16xf32, #tpu.memory_space<vmem_shared>>
      %dma_start3A_98 = arith.constant 0 : i32
      %dma_start3A_99 = tpu.memref_slice %arg8[%add3A_60, %dma_start3A_98] : memref<10240x16xf32, #tpu.memory_space<vmem_shared>> -> memref<64x16xf32, #tpu.memory_space<vmem_shared>>
      tpu.enqueue_dma source(%dma_start3A_99 : memref<64x16xf32, #tpu.memory_space<vmem_shared>>) target(%arg7 : memref<64x16xf32, #tpu.memory_space<vmem>>) target_semaphore(%run_scoped3A : memref<!tpu.dma_semaphore, #tpu.memory_space<semaphore_mem>>)
      %dma_wait3A = arith.constant 0 : i32
      %dma_wait3A_100 = tpu.memref_slice %arg8[%add3A_60, %dma_wait3A] : memref<10240x16xf32, #tpu.memory_space<vmem_shared>> -> memref<64x16xf32, #tpu.memory_space<vmem_shared>>
      %dma_wait3A_101 = arith.constant 0 : i32
      %dma_wait3A_102 = tpu.memref_slice %arg8[%add3A_60, %dma_wait3A_101] : memref<10240x16xf32, #tpu.memory_space<vmem_shared>> -> memref<64x16xf32, #tpu.memory_space<vmem_shared>>
      tpu.wait_dma2 semaphore(%run_scoped3A : memref<!tpu.dma_semaphore, #tpu.memory_space<semaphore_mem>>) src(%dma_wait3A_102 : memref<64x16xf32, #tpu.memory_space<vmem_shared>>) dst(%arg7 : memref<64x16xf32, #tpu.memory_space<vmem>>)
      tpu.yield
    }) : () -> ()
    "tpu.region"() ({
      %run_scoped3A = tpu.sem_alloc : memref<!tpu.dma_semaphore, #tpu.memory_space<semaphore_mem>>
      %dma_start3A = arith.constant 0 : i32
      %dma_start3A_97 = tpu.memref_slice %arg5[%arg0, %add3A_60, %dma_start3A] : memref<2x10240x16xf32, #tpu.memory_space<hbm>> -> memref<1x64x16xf32, #tpu.memory_space<hbm>>
      %dma_start3A_98 = tpu.memref_squeeze %dma_start3A_97 : memref<1x64x16xf32, #tpu.memory_space<hbm>> -> memref<64x16xf32, #tpu.memory_space<hbm>>
      %dma_start3A_99 = arith.constant 0 : i32
      %dma_start3A_100 = tpu.memref_slice %arg5[%arg0, %add3A_60, %dma_start3A_99] : memref<2x10240x16xf32, #tpu.memory_space<hbm>> -> memref<1x64x16xf32, #tpu.memory_space<hbm>>
      %dma_start3A_101 = tpu.memref_squeeze %dma_start3A_100 : memref<1x64x16xf32, #tpu.memory_space<hbm>> -> memref<64x16xf32, #tpu.memory_space<hbm>>
      tpu.enqueue_dma source(%arg7 : memref<64x16xf32, #tpu.memory_space<vmem>>) target(%dma_start3A_101 : memref<64x16xf32, #tpu.memory_space<hbm>>) target_semaphore(%run_scoped3A : memref<!tpu.dma_semaphore, #tpu.memory_space<semaphore_mem>>)
      %dma_wait3A = arith.constant 0 : i32
      %dma_wait3A_102 = tpu.memref_slice %arg5[%arg0, %add3A_60, %dma_wait3A] : memref<2x10240x16xf32, #tpu.memory_space<hbm>> -> memref<1x64x16xf32, #tpu.memory_space<hbm>>
      %dma_wait3A_103 = tpu.memref_squeeze %dma_wait3A_102 : memref<1x64x16xf32, #tpu.memory_space<hbm>> -> memref<64x16xf32, #tpu.memory_space<hbm>>
      %dma_wait3A_104 = arith.constant 0 : i32
      %dma_wait3A_105 = tpu.memref_slice %arg5[%arg0, %add3A_60, %dma_wait3A_104] : memref<2x10240x16xf32, #tpu.memory_space<hbm>> -> memref<1x64x16xf32, #tpu.memory_space<hbm>>
      %dma_wait3A_106 = tpu.memref_squeeze %dma_wait3A_105 : memref<1x64x16xf32, #tpu.memory_space<hbm>> -> memref<64x16xf32, #tpu.memory_space<hbm>>
      tpu.wait_dma2 semaphore(%run_scoped3A : memref<!tpu.dma_semaphore, #tpu.memory_space<semaphore_mem>>) src(%arg7 : memref<64x16xf32, #tpu.memory_space<vmem>>) dst(%dma_wait3A_106 : memref<64x16xf32, #tpu.memory_space<hbm>>)
      tpu.yield
    }) : () -> ()
    %mul3A_61 = arith.constant 640 : i32
    %mul3A_62 = arith.muli %arg1, %mul3A_61 : i32
    %add3A_63 = arith.constant 64 : i32
    %add3A_64 = arith.addi %mul3A_62, %add3A_63 : i32
    "tpu.region"() ({
      %run_scoped3A = tpu.sem_alloc : memref<!tpu.dma_semaphore, #tpu.memory_space<semaphore_mem>>
      %dma_start3A = arith.constant 0 : i32
      %dma_start3A_97 = tpu.memref_slice %arg8[%add3A_64, %dma_start3A] : memref<10240x16xf32, #tpu.memory_space<vmem_shared>> -> memref<64x16xf32, #tpu.memory_space<vmem_shared>>
      %dma_start3A_98 = arith.constant 0 : i32
      %dma_start3A_99 = tpu.memref_slice %arg8[%add3A_64, %dma_start3A_98] : memref<10240x16xf32, #tpu.memory_space<vmem_shared>> -> memref<64x16xf32, #tpu.memory_space<vmem_shared>>
      tpu.enqueue_dma source(%dma_start3A_99 : memref<64x16xf32, #tpu.memory_space<vmem_shared>>) target(%arg7 : memref<64x16xf32, #tpu.memory_space<vmem>>) target_semaphore(%run_scoped3A : memref<!tpu.dma_semaphore, #tpu.memory_space<semaphore_mem>>)
      %dma_wait3A = arith.constant 0 : i32
      %dma_wait3A_100 = tpu.memref_slice %arg8[%add3A_64, %dma_wait3A] : memref<10240x16xf32, #tpu.memory_space<vmem_shared>> -> memref<64x16xf32, #tpu.memory_space<vmem_shared>>
      %dma_wait3A_101 = arith.constant 0 : i32
      %dma_wait3A_102 = tpu.memref_slice %arg8[%add3A_64, %dma_wait3A_101] : memref<10240x16xf32, #tpu.memory_space<vmem_shared>> -> memref<64x16xf32, #tpu.memory_space<vmem_shared>>
      tpu.wait_dma2 semaphore(%run_scoped3A : memref<!tpu.dma_semaphore, #tpu.memory_space<semaphore_mem>>) src(%dma_wait3A_102 : memref<64x16xf32, #tpu.memory_space<vmem_shared>>) dst(%arg7 : memref<64x16xf32, #tpu.memory_space<vmem>>)
      tpu.yield
    }) : () -> ()
    "tpu.region"() ({
      %run_scoped3A = tpu.sem_alloc : memref<!tpu.dma_semaphore, #tpu.memory_space<semaphore_mem>>
      %dma_start3A = arith.constant 0 : i32
      %dma_start3A_97 = tpu.memref_slice %arg5[%arg0, %add3A_64, %dma_start3A] : memref<2x10240x16xf32, #tpu.memory_space<hbm>> -> memref<1x64x16xf32, #tpu.memory_space<hbm>>
      %dma_start3A_98 = tpu.memref_squeeze %dma_start3A_97 : memref<1x64x16xf32, #tpu.memory_space<hbm>> -> memref<64x16xf32, #tpu.memory_space<hbm>>
      %dma_start3A_99 = arith.constant 0 : i32
      %dma_start3A_100 = tpu.memref_slice %arg5[%arg0, %add3A_64, %dma_start3A_99] : memref<2x10240x16xf32, #tpu.memory_space<hbm>> -> memref<1x64x16xf32, #tpu.memory_space<hbm>>
      %dma_start3A_101 = tpu.memref_squeeze %dma_start3A_100 : memref<1x64x16xf32, #tpu.memory_space<hbm>> -> memref<64x16xf32, #tpu.memory_space<hbm>>
      tpu.enqueue_dma source(%arg7 : memref<64x16xf32, #tpu.memory_space<vmem>>) target(%dma_start3A_101 : memref<64x16xf32, #tpu.memory_space<hbm>>) target_semaphore(%run_scoped3A : memref<!tpu.dma_semaphore, #tpu.memory_space<semaphore_mem>>)
      %dma_wait3A = arith.constant 0 : i32
      %dma_wait3A_102 = tpu.memref_slice %arg5[%arg0, %add3A_64, %dma_wait3A] : memref<2x10240x16xf32, #tpu.memory_space<hbm>> -> memref<1x64x16xf32, #tpu.memory_space<hbm>>
      %dma_wait3A_103 = tpu.memref_squeeze %dma_wait3A_102 : memref<1x64x16xf32, #tpu.memory_space<hbm>> -> memref<64x16xf32, #tpu.memory_space<hbm>>
      %dma_wait3A_104 = arith.constant 0 : i32
      %dma_wait3A_105 = tpu.memref_slice %arg5[%arg0, %add3A_64, %dma_wait3A_104] : memref<2x10240x16xf32, #tpu.memory_space<hbm>> -> memref<1x64x16xf32, #tpu.memory_space<hbm>>
      %dma_wait3A_106 = tpu.memref_squeeze %dma_wait3A_105 : memref<1x64x16xf32, #tpu.memory_space<hbm>> -> memref<64x16xf32, #tpu.memory_space<hbm>>
      tpu.wait_dma2 semaphore(%run_scoped3A : memref<!tpu.dma_semaphore, #tpu.memory_space<semaphore_mem>>) src(%arg7 : memref<64x16xf32, #tpu.memory_space<vmem>>) dst(%dma_wait3A_106 : memref<64x16xf32, #tpu.memory_space<hbm>>)
      tpu.yield
    }) : () -> ()
    %mul3A_65 = arith.constant 640 : i32
    %mul3A_66 = arith.muli %arg1, %mul3A_65 : i32
    %add3A_67 = arith.constant 128 : i32
    %add3A_68 = arith.addi %mul3A_66, %add3A_67 : i32
    "tpu.region"() ({
      %run_scoped3A = tpu.sem_alloc : memref<!tpu.dma_semaphore, #tpu.memory_space<semaphore_mem>>
      %dma_start3A = arith.constant 0 : i32
      %dma_start3A_97 = tpu.memref_slice %arg8[%add3A_68, %dma_start3A] : memref<10240x16xf32, #tpu.memory_space<vmem_shared>> -> memref<64x16xf32, #tpu.memory_space<vmem_shared>>
      %dma_start3A_98 = arith.constant 0 : i32
      %dma_start3A_99 = tpu.memref_slice %arg8[%add3A_68, %dma_start3A_98] : memref<10240x16xf32, #tpu.memory_space<vmem_shared>> -> memref<64x16xf32, #tpu.memory_space<vmem_shared>>
      tpu.enqueue_dma source(%dma_start3A_99 : memref<64x16xf32, #tpu.memory_space<vmem_shared>>) target(%arg7 : memref<64x16xf32, #tpu.memory_space<vmem>>) target_semaphore(%run_scoped3A : memref<!tpu.dma_semaphore, #tpu.memory_space<semaphore_mem>>)
      %dma_wait3A = arith.constant 0 : i32
      %dma_wait3A_100 = tpu.memref_slice %arg8[%add3A_68, %dma_wait3A] : memref<10240x16xf32, #tpu.memory_space<vmem_shared>> -> memref<64x16xf32, #tpu.memory_space<vmem_shared>>
      %dma_wait3A_101 = arith.constant 0 : i32
      %dma_wait3A_102 = tpu.memref_slice %arg8[%add3A_68, %dma_wait3A_101] : memref<10240x16xf32, #tpu.memory_space<vmem_shared>> -> memref<64x16xf32, #tpu.memory_space<vmem_shared>>
      tpu.wait_dma2 semaphore(%run_scoped3A : memref<!tpu.dma_semaphore, #tpu.memory_space<semaphore_mem>>) src(%dma_wait3A_102 : memref<64x16xf32, #tpu.memory_space<vmem_shared>>) dst(%arg7 : memref<64x16xf32, #tpu.memory_space<vmem>>)
      tpu.yield
    }) : () -> ()
    "tpu.region"() ({
      %run_scoped3A = tpu.sem_alloc : memref<!tpu.dma_semaphore, #tpu.memory_space<semaphore_mem>>
      %dma_start3A = arith.constant 0 : i32
      %dma_start3A_97 = tpu.memref_slice %arg5[%arg0, %add3A_68, %dma_start3A] : memref<2x10240x16xf32, #tpu.memory_space<hbm>> -> memref<1x64x16xf32, #tpu.memory_space<hbm>>
      %dma_start3A_98 = tpu.memref_squeeze %dma_start3A_97 : memref<1x64x16xf32, #tpu.memory_space<hbm>> -> memref<64x16xf32, #tpu.memory_space<hbm>>
      %dma_start3A_99 = arith.constant 0 : i32
      %dma_start3A_100 = tpu.memref_slice %arg5[%arg0, %add3A_68, %dma_start3A_99] : memref<2x10240x16xf32, #tpu.memory_space<hbm>> -> memref<1x64x16xf32, #tpu.memory_space<hbm>>
      %dma_start3A_101 = tpu.memref_squeeze %dma_start3A_100 : memref<1x64x16xf32, #tpu.memory_space<hbm>> -> memref<64x16xf32, #tpu.memory_space<hbm>>
      tpu.enqueue_dma source(%arg7 : memref<64x16xf32, #tpu.memory_space<vmem>>) target(%dma_start3A_101 : memref<64x16xf32, #tpu.memory_space<hbm>>) target_semaphore(%run_scoped3A : memref<!tpu.dma_semaphore, #tpu.memory_space<semaphore_mem>>)
      %dma_wait3A = arith.constant 0 : i32
      %dma_wait3A_102 = tpu.memref_slice %arg5[%arg0, %add3A_68, %dma_wait3A] : memref<2x10240x16xf32, #tpu.memory_space<hbm>> -> memref<1x64x16xf32, #tpu.memory_space<hbm>>
      %dma_wait3A_103 = tpu.memref_squeeze %dma_wait3A_102 : memref<1x64x16xf32, #tpu.memory_space<hbm>> -> memref<64x16xf32, #tpu.memory_space<hbm>>
      %dma_wait3A_104 = arith.constant 0 : i32
      %dma_wait3A_105 = tpu.memref_slice %arg5[%arg0, %add3A_68, %dma_wait3A_104] : memref<2x10240x16xf32, #tpu.memory_space<hbm>> -> memref<1x64x16xf32, #tpu.memory_space<hbm>>
      %dma_wait3A_106 = tpu.memref_squeeze %dma_wait3A_105 : memref<1x64x16xf32, #tpu.memory_space<hbm>> -> memref<64x16xf32, #tpu.memory_space<hbm>>
      tpu.wait_dma2 semaphore(%run_scoped3A : memref<!tpu.dma_semaphore, #tpu.memory_space<semaphore_mem>>) src(%arg7 : memref<64x16xf32, #tpu.memory_space<vmem>>) dst(%dma_wait3A_106 : memref<64x16xf32, #tpu.memory_space<hbm>>)
      tpu.yield
    }) : () -> ()
    %mul3A_69 = arith.constant 640 : i32
    %mul3A_70 = arith.muli %arg1, %mul3A_69 : i32
    %add3A_71 = arith.constant 192 : i32
    %add3A_72 = arith.addi %mul3A_70, %add3A_71 : i32
    "tpu.region"() ({
      %run_scoped3A = tpu.sem_alloc : memref<!tpu.dma_semaphore, #tpu.memory_space<semaphore_mem>>
      %dma_start3A = arith.constant 0 : i32
      %dma_start3A_97 = tpu.memref_slice %arg8[%add3A_72, %dma_start3A] : memref<10240x16xf32, #tpu.memory_space<vmem_shared>> -> memref<64x16xf32, #tpu.memory_space<vmem_shared>>
      %dma_start3A_98 = arith.constant 0 : i32
      %dma_start3A_99 = tpu.memref_slice %arg8[%add3A_72, %dma_start3A_98] : memref<10240x16xf32, #tpu.memory_space<vmem_shared>> -> memref<64x16xf32, #tpu.memory_space<vmem_shared>>
      tpu.enqueue_dma source(%dma_start3A_99 : memref<64x16xf32, #tpu.memory_space<vmem_shared>>) target(%arg7 : memref<64x16xf32, #tpu.memory_space<vmem>>) target_semaphore(%run_scoped3A : memref<!tpu.dma_semaphore, #tpu.memory_space<semaphore_mem>>)
      %dma_wait3A = arith.constant 0 : i32
      %dma_wait3A_100 = tpu.memref_slice %arg8[%add3A_72, %dma_wait3A] : memref<10240x16xf32, #tpu.memory_space<vmem_shared>> -> memref<64x16xf32, #tpu.memory_space<vmem_shared>>
      %dma_wait3A_101 = arith.constant 0 : i32
      %dma_wait3A_102 = tpu.memref_slice %arg8[%add3A_72, %dma_wait3A_101] : memref<10240x16xf32, #tpu.memory_space<vmem_shared>> -> memref<64x16xf32, #tpu.memory_space<vmem_shared>>
      tpu.wait_dma2 semaphore(%run_scoped3A : memref<!tpu.dma_semaphore, #tpu.memory_space<semaphore_mem>>) src(%dma_wait3A_102 : memref<64x16xf32, #tpu.memory_space<vmem_shared>>) dst(%arg7 : memref<64x16xf32, #tpu.memory_space<vmem>>)
      tpu.yield
    }) : () -> ()
    "tpu.region"() ({
      %run_scoped3A = tpu.sem_alloc : memref<!tpu.dma_semaphore, #tpu.memory_space<semaphore_mem>>
      %dma_start3A = arith.constant 0 : i32
      %dma_start3A_97 = tpu.memref_slice %arg5[%arg0, %add3A_72, %dma_start3A] : memref<2x10240x16xf32, #tpu.memory_space<hbm>> -> memref<1x64x16xf32, #tpu.memory_space<hbm>>
      %dma_start3A_98 = tpu.memref_squeeze %dma_start3A_97 : memref<1x64x16xf32, #tpu.memory_space<hbm>> -> memref<64x16xf32, #tpu.memory_space<hbm>>
      %dma_start3A_99 = arith.constant 0 : i32
      %dma_start3A_100 = tpu.memref_slice %arg5[%arg0, %add3A_72, %dma_start3A_99] : memref<2x10240x16xf32, #tpu.memory_space<hbm>> -> memref<1x64x16xf32, #tpu.memory_space<hbm>>
      %dma_start3A_101 = tpu.memref_squeeze %dma_start3A_100 : memref<1x64x16xf32, #tpu.memory_space<hbm>> -> memref<64x16xf32, #tpu.memory_space<hbm>>
      tpu.enqueue_dma source(%arg7 : memref<64x16xf32, #tpu.memory_space<vmem>>) target(%dma_start3A_101 : memref<64x16xf32, #tpu.memory_space<hbm>>) target_semaphore(%run_scoped3A : memref<!tpu.dma_semaphore, #tpu.memory_space<semaphore_mem>>)
      %dma_wait3A = arith.constant 0 : i32
      %dma_wait3A_102 = tpu.memref_slice %arg5[%arg0, %add3A_72, %dma_wait3A] : memref<2x10240x16xf32, #tpu.memory_space<hbm>> -> memref<1x64x16xf32, #tpu.memory_space<hbm>>
      %dma_wait3A_103 = tpu.memref_squeeze %dma_wait3A_102 : memref<1x64x16xf32, #tpu.memory_space<hbm>> -> memref<64x16xf32, #tpu.memory_space<hbm>>
      %dma_wait3A_104 = arith.constant 0 : i32
      %dma_wait3A_105 = tpu.memref_slice %arg5[%arg0, %add3A_72, %dma_wait3A_104] : memref<2x10240x16xf32, #tpu.memory_space<hbm>> -> memref<1x64x16xf32, #tpu.memory_space<hbm>>
      %dma_wait3A_106 = tpu.memref_squeeze %dma_wait3A_105 : memref<1x64x16xf32, #tpu.memory_space<hbm>> -> memref<64x16xf32, #tpu.memory_space<hbm>>
      tpu.wait_dma2 semaphore(%run_scoped3A : memref<!tpu.dma_semaphore, #tpu.memory_space<semaphore_mem>>) src(%arg7 : memref<64x16xf32, #tpu.memory_space<vmem>>) dst(%dma_wait3A_106 : memref<64x16xf32, #tpu.memory_space<hbm>>)
      tpu.yield
    }) : () -> ()
    %mul3A_73 = arith.constant 640 : i32
    %mul3A_74 = arith.muli %arg1, %mul3A_73 : i32
    %add3A_75 = arith.constant 256 : i32
    %add3A_76 = arith.addi %mul3A_74, %add3A_75 : i32
    "tpu.region"() ({
      %run_scoped3A = tpu.sem_alloc : memref<!tpu.dma_semaphore, #tpu.memory_space<semaphore_mem>>
      %dma_start3A = arith.constant 0 : i32
      %dma_start3A_97 = tpu.memref_slice %arg8[%add3A_76, %dma_start3A] : memref<10240x16xf32, #tpu.memory_space<vmem_shared>> -> memref<64x16xf32, #tpu.memory_space<vmem_shared>>
      %dma_start3A_98 = arith.constant 0 : i32
      %dma_start3A_99 = tpu.memref_slice %arg8[%add3A_76, %dma_start3A_98] : memref<10240x16xf32, #tpu.memory_space<vmem_shared>> -> memref<64x16xf32, #tpu.memory_space<vmem_shared>>
      tpu.enqueue_dma source(%dma_start3A_99 : memref<64x16xf32, #tpu.memory_space<vmem_shared>>) target(%arg7 : memref<64x16xf32, #tpu.memory_space<vmem>>) target_semaphore(%run_scoped3A : memref<!tpu.dma_semaphore, #tpu.memory_space<semaphore_mem>>)
      %dma_wait3A = arith.constant 0 : i32
      %dma_wait3A_100 = tpu.memref_slice %arg8[%add3A_76, %dma_wait3A] : memref<10240x16xf32, #tpu.memory_space<vmem_shared>> -> memref<64x16xf32, #tpu.memory_space<vmem_shared>>
      %dma_wait3A_101 = arith.constant 0 : i32
      %dma_wait3A_102 = tpu.memref_slice %arg8[%add3A_76, %dma_wait3A_101] : memref<10240x16xf32, #tpu.memory_space<vmem_shared>> -> memref<64x16xf32, #tpu.memory_space<vmem_shared>>
      tpu.wait_dma2 semaphore(%run_scoped3A : memref<!tpu.dma_semaphore, #tpu.memory_space<semaphore_mem>>) src(%dma_wait3A_102 : memref<64x16xf32, #tpu.memory_space<vmem_shared>>) dst(%arg7 : memref<64x16xf32, #tpu.memory_space<vmem>>)
      tpu.yield
    }) : () -> ()
    "tpu.region"() ({
      %run_scoped3A = tpu.sem_alloc : memref<!tpu.dma_semaphore, #tpu.memory_space<semaphore_mem>>
      %dma_start3A = arith.constant 0 : i32
      %dma_start3A_97 = tpu.memref_slice %arg5[%arg0, %add3A_76, %dma_start3A] : memref<2x10240x16xf32, #tpu.memory_space<hbm>> -> memref<1x64x16xf32, #tpu.memory_space<hbm>>
      %dma_start3A_98 = tpu.memref_squeeze %dma_start3A_97 : memref<1x64x16xf32, #tpu.memory_space<hbm>> -> memref<64x16xf32, #tpu.memory_space<hbm>>
      %dma_start3A_99 = arith.constant 0 : i32
      %dma_start3A_100 = tpu.memref_slice %arg5[%arg0, %add3A_76, %dma_start3A_99] : memref<2x10240x16xf32, #tpu.memory_space<hbm>> -> memref<1x64x16xf32, #tpu.memory_space<hbm>>
      %dma_start3A_101 = tpu.memref_squeeze %dma_start3A_100 : memref<1x64x16xf32, #tpu.memory_space<hbm>> -> memref<64x16xf32, #tpu.memory_space<hbm>>
      tpu.enqueue_dma source(%arg7 : memref<64x16xf32, #tpu.memory_space<vmem>>) target(%dma_start3A_101 : memref<64x16xf32, #tpu.memory_space<hbm>>) target_semaphore(%run_scoped3A : memref<!tpu.dma_semaphore, #tpu.memory_space<semaphore_mem>>)
      %dma_wait3A = arith.constant 0 : i32
      %dma_wait3A_102 = tpu.memref_slice %arg5[%arg0, %add3A_76, %dma_wait3A] : memref<2x10240x16xf32, #tpu.memory_space<hbm>> -> memref<1x64x16xf32, #tpu.memory_space<hbm>>
      %dma_wait3A_103 = tpu.memref_squeeze %dma_wait3A_102 : memref<1x64x16xf32, #tpu.memory_space<hbm>> -> memref<64x16xf32, #tpu.memory_space<hbm>>
      %dma_wait3A_104 = arith.constant 0 : i32
      %dma_wait3A_105 = tpu.memref_slice %arg5[%arg0, %add3A_76, %dma_wait3A_104] : memref<2x10240x16xf32, #tpu.memory_space<hbm>> -> memref<1x64x16xf32, #tpu.memory_space<hbm>>
      %dma_wait3A_106 = tpu.memref_squeeze %dma_wait3A_105 : memref<1x64x16xf32, #tpu.memory_space<hbm>> -> memref<64x16xf32, #tpu.memory_space<hbm>>
      tpu.wait_dma2 semaphore(%run_scoped3A : memref<!tpu.dma_semaphore, #tpu.memory_space<semaphore_mem>>) src(%arg7 : memref<64x16xf32, #tpu.memory_space<vmem>>) dst(%dma_wait3A_106 : memref<64x16xf32, #tpu.memory_space<hbm>>)
      tpu.yield
    }) : () -> ()
    %mul3A_77 = arith.constant 640 : i32
    %mul3A_78 = arith.muli %arg1, %mul3A_77 : i32
    %add3A_79 = arith.constant 320 : i32
    %add3A_80 = arith.addi %mul3A_78, %add3A_79 : i32
    "tpu.region"() ({
      %run_scoped3A = tpu.sem_alloc : memref<!tpu.dma_semaphore, #tpu.memory_space<semaphore_mem>>
      %dma_start3A = arith.constant 0 : i32
      %dma_start3A_97 = tpu.memref_slice %arg8[%add3A_80, %dma_start3A] : memref<10240x16xf32, #tpu.memory_space<vmem_shared>> -> memref<64x16xf32, #tpu.memory_space<vmem_shared>>
      %dma_start3A_98 = arith.constant 0 : i32
      %dma_start3A_99 = tpu.memref_slice %arg8[%add3A_80, %dma_start3A_98] : memref<10240x16xf32, #tpu.memory_space<vmem_shared>> -> memref<64x16xf32, #tpu.memory_space<vmem_shared>>
      tpu.enqueue_dma source(%dma_start3A_99 : memref<64x16xf32, #tpu.memory_space<vmem_shared>>) target(%arg7 : memref<64x16xf32, #tpu.memory_space<vmem>>) target_semaphore(%run_scoped3A : memref<!tpu.dma_semaphore, #tpu.memory_space<semaphore_mem>>)
      %dma_wait3A = arith.constant 0 : i32
      %dma_wait3A_100 = tpu.memref_slice %arg8[%add3A_80, %dma_wait3A] : memref<10240x16xf32, #tpu.memory_space<vmem_shared>> -> memref<64x16xf32, #tpu.memory_space<vmem_shared>>
      %dma_wait3A_101 = arith.constant 0 : i32
      %dma_wait3A_102 = tpu.memref_slice %arg8[%add3A_80, %dma_wait3A_101] : memref<10240x16xf32, #tpu.memory_space<vmem_shared>> -> memref<64x16xf32, #tpu.memory_space<vmem_shared>>
      tpu.wait_dma2 semaphore(%run_scoped3A : memref<!tpu.dma_semaphore, #tpu.memory_space<semaphore_mem>>) src(%dma_wait3A_102 : memref<64x16xf32, #tpu.memory_space<vmem_shared>>) dst(%arg7 : memref<64x16xf32, #tpu.memory_space<vmem>>)
      tpu.yield
    }) : () -> ()
    "tpu.region"() ({
      %run_scoped3A = tpu.sem_alloc : memref<!tpu.dma_semaphore, #tpu.memory_space<semaphore_mem>>
      %dma_start3A = arith.constant 0 : i32
      %dma_start3A_97 = tpu.memref_slice %arg5[%arg0, %add3A_80, %dma_start3A] : memref<2x10240x16xf32, #tpu.memory_space<hbm>> -> memref<1x64x16xf32, #tpu.memory_space<hbm>>
      %dma_start3A_98 = tpu.memref_squeeze %dma_start3A_97 : memref<1x64x16xf32, #tpu.memory_space<hbm>> -> memref<64x16xf32, #tpu.memory_space<hbm>>
      %dma_start3A_99 = arith.constant 0 : i32
      %dma_start3A_100 = tpu.memref_slice %arg5[%arg0, %add3A_80, %dma_start3A_99] : memref<2x10240x16xf32, #tpu.memory_space<hbm>> -> memref<1x64x16xf32, #tpu.memory_space<hbm>>
      %dma_start3A_101 = tpu.memref_squeeze %dma_start3A_100 : memref<1x64x16xf32, #tpu.memory_space<hbm>> -> memref<64x16xf32, #tpu.memory_space<hbm>>
      tpu.enqueue_dma source(%arg7 : memref<64x16xf32, #tpu.memory_space<vmem>>) target(%dma_start3A_101 : memref<64x16xf32, #tpu.memory_space<hbm>>) target_semaphore(%run_scoped3A : memref<!tpu.dma_semaphore, #tpu.memory_space<semaphore_mem>>)
      %dma_wait3A = arith.constant 0 : i32
      %dma_wait3A_102 = tpu.memref_slice %arg5[%arg0, %add3A_80, %dma_wait3A] : memref<2x10240x16xf32, #tpu.memory_space<hbm>> -> memref<1x64x16xf32, #tpu.memory_space<hbm>>
      %dma_wait3A_103 = tpu.memref_squeeze %dma_wait3A_102 : memref<1x64x16xf32, #tpu.memory_space<hbm>> -> memref<64x16xf32, #tpu.memory_space<hbm>>
      %dma_wait3A_104 = arith.constant 0 : i32
      %dma_wait3A_105 = tpu.memref_slice %arg5[%arg0, %add3A_80, %dma_wait3A_104] : memref<2x10240x16xf32, #tpu.memory_space<hbm>> -> memref<1x64x16xf32, #tpu.memory_space<hbm>>
      %dma_wait3A_106 = tpu.memref_squeeze %dma_wait3A_105 : memref<1x64x16xf32, #tpu.memory_space<hbm>> -> memref<64x16xf32, #tpu.memory_space<hbm>>
      tpu.wait_dma2 semaphore(%run_scoped3A : memref<!tpu.dma_semaphore, #tpu.memory_space<semaphore_mem>>) src(%arg7 : memref<64x16xf32, #tpu.memory_space<vmem>>) dst(%dma_wait3A_106 : memref<64x16xf32, #tpu.memory_space<hbm>>)
      tpu.yield
    }) : () -> ()
    %mul3A_81 = arith.constant 640 : i32
    %mul3A_82 = arith.muli %arg1, %mul3A_81 : i32
    %add3A_83 = arith.constant 384 : i32
    %add3A_84 = arith.addi %mul3A_82, %add3A_83 : i32
    "tpu.region"() ({
      %run_scoped3A = tpu.sem_alloc : memref<!tpu.dma_semaphore, #tpu.memory_space<semaphore_mem>>
      %dma_start3A = arith.constant 0 : i32
      %dma_start3A_97 = tpu.memref_slice %arg8[%add3A_84, %dma_start3A] : memref<10240x16xf32, #tpu.memory_space<vmem_shared>> -> memref<64x16xf32, #tpu.memory_space<vmem_shared>>
      %dma_start3A_98 = arith.constant 0 : i32
      %dma_start3A_99 = tpu.memref_slice %arg8[%add3A_84, %dma_start3A_98] : memref<10240x16xf32, #tpu.memory_space<vmem_shared>> -> memref<64x16xf32, #tpu.memory_space<vmem_shared>>
      tpu.enqueue_dma source(%dma_start3A_99 : memref<64x16xf32, #tpu.memory_space<vmem_shared>>) target(%arg7 : memref<64x16xf32, #tpu.memory_space<vmem>>) target_semaphore(%run_scoped3A : memref<!tpu.dma_semaphore, #tpu.memory_space<semaphore_mem>>)
      %dma_wait3A = arith.constant 0 : i32
      %dma_wait3A_100 = tpu.memref_slice %arg8[%add3A_84, %dma_wait3A] : memref<10240x16xf32, #tpu.memory_space<vmem_shared>> -> memref<64x16xf32, #tpu.memory_space<vmem_shared>>
      %dma_wait3A_101 = arith.constant 0 : i32
      %dma_wait3A_102 = tpu.memref_slice %arg8[%add3A_84, %dma_wait3A_101] : memref<10240x16xf32, #tpu.memory_space<vmem_shared>> -> memref<64x16xf32, #tpu.memory_space<vmem_shared>>
      tpu.wait_dma2 semaphore(%run_scoped3A : memref<!tpu.dma_semaphore, #tpu.memory_space<semaphore_mem>>) src(%dma_wait3A_102 : memref<64x16xf32, #tpu.memory_space<vmem_shared>>) dst(%arg7 : memref<64x16xf32, #tpu.memory_space<vmem>>)
      tpu.yield
    }) : () -> ()
    "tpu.region"() ({
      %run_scoped3A = tpu.sem_alloc : memref<!tpu.dma_semaphore, #tpu.memory_space<semaphore_mem>>
      %dma_start3A = arith.constant 0 : i32
      %dma_start3A_97 = tpu.memref_slice %arg5[%arg0, %add3A_84, %dma_start3A] : memref<2x10240x16xf32, #tpu.memory_space<hbm>> -> memref<1x64x16xf32, #tpu.memory_space<hbm>>
      %dma_start3A_98 = tpu.memref_squeeze %dma_start3A_97 : memref<1x64x16xf32, #tpu.memory_space<hbm>> -> memref<64x16xf32, #tpu.memory_space<hbm>>
      %dma_start3A_99 = arith.constant 0 : i32
      %dma_start3A_100 = tpu.memref_slice %arg5[%arg0, %add3A_84, %dma_start3A_99] : memref<2x10240x16xf32, #tpu.memory_space<hbm>> -> memref<1x64x16xf32, #tpu.memory_space<hbm>>
      %dma_start3A_101 = tpu.memref_squeeze %dma_start3A_100 : memref<1x64x16xf32, #tpu.memory_space<hbm>> -> memref<64x16xf32, #tpu.memory_space<hbm>>
      tpu.enqueue_dma source(%arg7 : memref<64x16xf32, #tpu.memory_space<vmem>>) target(%dma_start3A_101 : memref<64x16xf32, #tpu.memory_space<hbm>>) target_semaphore(%run_scoped3A : memref<!tpu.dma_semaphore, #tpu.memory_space<semaphore_mem>>)
      %dma_wait3A = arith.constant 0 : i32
      %dma_wait3A_102 = tpu.memref_slice %arg5[%arg0, %add3A_84, %dma_wait3A] : memref<2x10240x16xf32, #tpu.memory_space<hbm>> -> memref<1x64x16xf32, #tpu.memory_space<hbm>>
      %dma_wait3A_103 = tpu.memref_squeeze %dma_wait3A_102 : memref<1x64x16xf32, #tpu.memory_space<hbm>> -> memref<64x16xf32, #tpu.memory_space<hbm>>
      %dma_wait3A_104 = arith.constant 0 : i32
      %dma_wait3A_105 = tpu.memref_slice %arg5[%arg0, %add3A_84, %dma_wait3A_104] : memref<2x10240x16xf32, #tpu.memory_space<hbm>> -> memref<1x64x16xf32, #tpu.memory_space<hbm>>
      %dma_wait3A_106 = tpu.memref_squeeze %dma_wait3A_105 : memref<1x64x16xf32, #tpu.memory_space<hbm>> -> memref<64x16xf32, #tpu.memory_space<hbm>>
      tpu.wait_dma2 semaphore(%run_scoped3A : memref<!tpu.dma_semaphore, #tpu.memory_space<semaphore_mem>>) src(%arg7 : memref<64x16xf32, #tpu.memory_space<vmem>>) dst(%dma_wait3A_106 : memref<64x16xf32, #tpu.memory_space<hbm>>)
      tpu.yield
    }) : () -> ()
    %mul3A_85 = arith.constant 640 : i32
    %mul3A_86 = arith.muli %arg1, %mul3A_85 : i32
    %add3A_87 = arith.constant 448 : i32
    %add3A_88 = arith.addi %mul3A_86, %add3A_87 : i32
    "tpu.region"() ({
      %run_scoped3A = tpu.sem_alloc : memref<!tpu.dma_semaphore, #tpu.memory_space<semaphore_mem>>
      %dma_start3A = arith.constant 0 : i32
      %dma_start3A_97 = tpu.memref_slice %arg8[%add3A_88, %dma_start3A] : memref<10240x16xf32, #tpu.memory_space<vmem_shared>> -> memref<64x16xf32, #tpu.memory_space<vmem_shared>>
      %dma_start3A_98 = arith.constant 0 : i32
      %dma_start3A_99 = tpu.memref_slice %arg8[%add3A_88, %dma_start3A_98] : memref<10240x16xf32, #tpu.memory_space<vmem_shared>> -> memref<64x16xf32, #tpu.memory_space<vmem_shared>>
      tpu.enqueue_dma source(%dma_start3A_99 : memref<64x16xf32, #tpu.memory_space<vmem_shared>>) target(%arg7 : memref<64x16xf32, #tpu.memory_space<vmem>>) target_semaphore(%run_scoped3A : memref<!tpu.dma_semaphore, #tpu.memory_space<semaphore_mem>>)
      %dma_wait3A = arith.constant 0 : i32
      %dma_wait3A_100 = tpu.memref_slice %arg8[%add3A_88, %dma_wait3A] : memref<10240x16xf32, #tpu.memory_space<vmem_shared>> -> memref<64x16xf32, #tpu.memory_space<vmem_shared>>
      %dma_wait3A_101 = arith.constant 0 : i32
      %dma_wait3A_102 = tpu.memref_slice %arg8[%add3A_88, %dma_wait3A_101] : memref<10240x16xf32, #tpu.memory_space<vmem_shared>> -> memref<64x16xf32, #tpu.memory_space<vmem_shared>>
      tpu.wait_dma2 semaphore(%run_scoped3A : memref<!tpu.dma_semaphore, #tpu.memory_space<semaphore_mem>>) src(%dma_wait3A_102 : memref<64x16xf32, #tpu.memory_space<vmem_shared>>) dst(%arg7 : memref<64x16xf32, #tpu.memory_space<vmem>>)
      tpu.yield
    }) : () -> ()
    "tpu.region"() ({
      %run_scoped3A = tpu.sem_alloc : memref<!tpu.dma_semaphore, #tpu.memory_space<semaphore_mem>>
      %dma_start3A = arith.constant 0 : i32
      %dma_start3A_97 = tpu.memref_slice %arg5[%arg0, %add3A_88, %dma_start3A] : memref<2x10240x16xf32, #tpu.memory_space<hbm>> -> memref<1x64x16xf32, #tpu.memory_space<hbm>>
      %dma_start3A_98 = tpu.memref_squeeze %dma_start3A_97 : memref<1x64x16xf32, #tpu.memory_space<hbm>> -> memref<64x16xf32, #tpu.memory_space<hbm>>
      %dma_start3A_99 = arith.constant 0 : i32
      %dma_start3A_100 = tpu.memref_slice %arg5[%arg0, %add3A_88, %dma_start3A_99] : memref<2x10240x16xf32, #tpu.memory_space<hbm>> -> memref<1x64x16xf32, #tpu.memory_space<hbm>>
      %dma_start3A_101 = tpu.memref_squeeze %dma_start3A_100 : memref<1x64x16xf32, #tpu.memory_space<hbm>> -> memref<64x16xf32, #tpu.memory_space<hbm>>
      tpu.enqueue_dma source(%arg7 : memref<64x16xf32, #tpu.memory_space<vmem>>) target(%dma_start3A_101 : memref<64x16xf32, #tpu.memory_space<hbm>>) target_semaphore(%run_scoped3A : memref<!tpu.dma_semaphore, #tpu.memory_space<semaphore_mem>>)
      %dma_wait3A = arith.constant 0 : i32
      %dma_wait3A_102 = tpu.memref_slice %arg5[%arg0, %add3A_88, %dma_wait3A] : memref<2x10240x16xf32, #tpu.memory_space<hbm>> -> memref<1x64x16xf32, #tpu.memory_space<hbm>>
      %dma_wait3A_103 = tpu.memref_squeeze %dma_wait3A_102 : memref<1x64x16xf32, #tpu.memory_space<hbm>> -> memref<64x16xf32, #tpu.memory_space<hbm>>
      %dma_wait3A_104 = arith.constant 0 : i32
      %dma_wait3A_105 = tpu.memref_slice %arg5[%arg0, %add3A_88, %dma_wait3A_104] : memref<2x10240x16xf32, #tpu.memory_space<hbm>> -> memref<1x64x16xf32, #tpu.memory_space<hbm>>
      %dma_wait3A_106 = tpu.memref_squeeze %dma_wait3A_105 : memref<1x64x16xf32, #tpu.memory_space<hbm>> -> memref<64x16xf32, #tpu.memory_space<hbm>>
      tpu.wait_dma2 semaphore(%run_scoped3A : memref<!tpu.dma_semaphore, #tpu.memory_space<semaphore_mem>>) src(%arg7 : memref<64x16xf32, #tpu.memory_space<vmem>>) dst(%dma_wait3A_106 : memref<64x16xf32, #tpu.memory_space<hbm>>)
      tpu.yield
    }) : () -> ()
    %mul3A_89 = arith.constant 640 : i32
    %mul3A_90 = arith.muli %arg1, %mul3A_89 : i32
    %add3A_91 = arith.constant 512 : i32
    %add3A_92 = arith.addi %mul3A_90, %add3A_91 : i32
    "tpu.region"() ({
      %run_scoped3A = tpu.sem_alloc : memref<!tpu.dma_semaphore, #tpu.memory_space<semaphore_mem>>
      %dma_start3A = arith.constant 0 : i32
      %dma_start3A_97 = tpu.memref_slice %arg8[%add3A_92, %dma_start3A] : memref<10240x16xf32, #tpu.memory_space<vmem_shared>> -> memref<64x16xf32, #tpu.memory_space<vmem_shared>>
      %dma_start3A_98 = arith.constant 0 : i32
      %dma_start3A_99 = tpu.memref_slice %arg8[%add3A_92, %dma_start3A_98] : memref<10240x16xf32, #tpu.memory_space<vmem_shared>> -> memref<64x16xf32, #tpu.memory_space<vmem_shared>>
      tpu.enqueue_dma source(%dma_start3A_99 : memref<64x16xf32, #tpu.memory_space<vmem_shared>>) target(%arg7 : memref<64x16xf32, #tpu.memory_space<vmem>>) target_semaphore(%run_scoped3A : memref<!tpu.dma_semaphore, #tpu.memory_space<semaphore_mem>>)
      %dma_wait3A = arith.constant 0 : i32
      %dma_wait3A_100 = tpu.memref_slice %arg8[%add3A_92, %dma_wait3A] : memref<10240x16xf32, #tpu.memory_space<vmem_shared>> -> memref<64x16xf32, #tpu.memory_space<vmem_shared>>
      %dma_wait3A_101 = arith.constant 0 : i32
      %dma_wait3A_102 = tpu.memref_slice %arg8[%add3A_92, %dma_wait3A_101] : memref<10240x16xf32, #tpu.memory_space<vmem_shared>> -> memref<64x16xf32, #tpu.memory_space<vmem_shared>>
      tpu.wait_dma2 semaphore(%run_scoped3A : memref<!tpu.dma_semaphore, #tpu.memory_space<semaphore_mem>>) src(%dma_wait3A_102 : memref<64x16xf32, #tpu.memory_space<vmem_shared>>) dst(%arg7 : memref<64x16xf32, #tpu.memory_space<vmem>>)
      tpu.yield
    }) : () -> ()
    "tpu.region"() ({
      %run_scoped3A = tpu.sem_alloc : memref<!tpu.dma_semaphore, #tpu.memory_space<semaphore_mem>>
      %dma_start3A = arith.constant 0 : i32
      %dma_start3A_97 = tpu.memref_slice %arg5[%arg0, %add3A_92, %dma_start3A] : memref<2x10240x16xf32, #tpu.memory_space<hbm>> -> memref<1x64x16xf32, #tpu.memory_space<hbm>>
      %dma_start3A_98 = tpu.memref_squeeze %dma_start3A_97 : memref<1x64x16xf32, #tpu.memory_space<hbm>> -> memref<64x16xf32, #tpu.memory_space<hbm>>
      %dma_start3A_99 = arith.constant 0 : i32
      %dma_start3A_100 = tpu.memref_slice %arg5[%arg0, %add3A_92, %dma_start3A_99] : memref<2x10240x16xf32, #tpu.memory_space<hbm>> -> memref<1x64x16xf32, #tpu.memory_space<hbm>>
      %dma_start3A_101 = tpu.memref_squeeze %dma_start3A_100 : memref<1x64x16xf32, #tpu.memory_space<hbm>> -> memref<64x16xf32, #tpu.memory_space<hbm>>
      tpu.enqueue_dma source(%arg7 : memref<64x16xf32, #tpu.memory_space<vmem>>) target(%dma_start3A_101 : memref<64x16xf32, #tpu.memory_space<hbm>>) target_semaphore(%run_scoped3A : memref<!tpu.dma_semaphore, #tpu.memory_space<semaphore_mem>>)
      %dma_wait3A = arith.constant 0 : i32
      %dma_wait3A_102 = tpu.memref_slice %arg5[%arg0, %add3A_92, %dma_wait3A] : memref<2x10240x16xf32, #tpu.memory_space<hbm>> -> memref<1x64x16xf32, #tpu.memory_space<hbm>>
      %dma_wait3A_103 = tpu.memref_squeeze %dma_wait3A_102 : memref<1x64x16xf32, #tpu.memory_space<hbm>> -> memref<64x16xf32, #tpu.memory_space<hbm>>
      %dma_wait3A_104 = arith.constant 0 : i32
      %dma_wait3A_105 = tpu.memref_slice %arg5[%arg0, %add3A_92, %dma_wait3A_104] : memref<2x10240x16xf32, #tpu.memory_space<hbm>> -> memref<1x64x16xf32, #tpu.memory_space<hbm>>
      %dma_wait3A_106 = tpu.memref_squeeze %dma_wait3A_105 : memref<1x64x16xf32, #tpu.memory_space<hbm>> -> memref<64x16xf32, #tpu.memory_space<hbm>>
      tpu.wait_dma2 semaphore(%run_scoped3A : memref<!tpu.dma_semaphore, #tpu.memory_space<semaphore_mem>>) src(%arg7 : memref<64x16xf32, #tpu.memory_space<vmem>>) dst(%dma_wait3A_106 : memref<64x16xf32, #tpu.memory_space<hbm>>)
      tpu.yield
    }) : () -> ()
    %mul3A_93 = arith.constant 640 : i32
    %mul3A_94 = arith.muli %arg1, %mul3A_93 : i32
    %add3A_95 = arith.constant 576 : i32
    %add3A_96 = arith.addi %mul3A_94, %add3A_95 : i32
    "tpu.region"() ({
      %run_scoped3A = tpu.sem_alloc : memref<!tpu.dma_semaphore, #tpu.memory_space<semaphore_mem>>
      %dma_start3A = arith.constant 0 : i32
      %dma_start3A_97 = tpu.memref_slice %arg8[%add3A_96, %dma_start3A] : memref<10240x16xf32, #tpu.memory_space<vmem_shared>> -> memref<64x16xf32, #tpu.memory_space<vmem_shared>>
      %dma_start3A_98 = arith.constant 0 : i32
      %dma_start3A_99 = tpu.memref_slice %arg8[%add3A_96, %dma_start3A_98] : memref<10240x16xf32, #tpu.memory_space<vmem_shared>> -> memref<64x16xf32, #tpu.memory_space<vmem_shared>>
      tpu.enqueue_dma source(%dma_start3A_99 : memref<64x16xf32, #tpu.memory_space<vmem_shared>>) target(%arg7 : memref<64x16xf32, #tpu.memory_space<vmem>>) target_semaphore(%run_scoped3A : memref<!tpu.dma_semaphore, #tpu.memory_space<semaphore_mem>>)
      %dma_wait3A = arith.constant 0 : i32
      %dma_wait3A_100 = tpu.memref_slice %arg8[%add3A_96, %dma_wait3A] : memref<10240x16xf32, #tpu.memory_space<vmem_shared>> -> memref<64x16xf32, #tpu.memory_space<vmem_shared>>
      %dma_wait3A_101 = arith.constant 0 : i32
      %dma_wait3A_102 = tpu.memref_slice %arg8[%add3A_96, %dma_wait3A_101] : memref<10240x16xf32, #tpu.memory_space<vmem_shared>> -> memref<64x16xf32, #tpu.memory_space<vmem_shared>>
      tpu.wait_dma2 semaphore(%run_scoped3A : memref<!tpu.dma_semaphore, #tpu.memory_space<semaphore_mem>>) src(%dma_wait3A_102 : memref<64x16xf32, #tpu.memory_space<vmem_shared>>) dst(%arg7 : memref<64x16xf32, #tpu.memory_space<vmem>>)
      tpu.yield
    }) : () -> ()
    "tpu.region"() ({
      %run_scoped3A = tpu.sem_alloc : memref<!tpu.dma_semaphore, #tpu.memory_space<semaphore_mem>>
      %dma_start3A = arith.constant 0 : i32
      %dma_start3A_97 = tpu.memref_slice %arg5[%arg0, %add3A_96, %dma_start3A] : memref<2x10240x16xf32, #tpu.memory_space<hbm>> -> memref<1x64x16xf32, #tpu.memory_space<hbm>>
      %dma_start3A_98 = tpu.memref_squeeze %dma_start3A_97 : memref<1x64x16xf32, #tpu.memory_space<hbm>> -> memref<64x16xf32, #tpu.memory_space<hbm>>
      %dma_start3A_99 = arith.constant 0 : i32
      %dma_start3A_100 = tpu.memref_slice %arg5[%arg0, %add3A_96, %dma_start3A_99] : memref<2x10240x16xf32, #tpu.memory_space<hbm>> -> memref<1x64x16xf32, #tpu.memory_space<hbm>>
      %dma_start3A_101 = tpu.memref_squeeze %dma_start3A_100 : memref<1x64x16xf32, #tpu.memory_space<hbm>> -> memref<64x16xf32, #tpu.memory_space<hbm>>
      tpu.enqueue_dma source(%arg7 : memref<64x16xf32, #tpu.memory_space<vmem>>) target(%dma_start3A_101 : memref<64x16xf32, #tpu.memory_space<hbm>>) target_semaphore(%run_scoped3A : memref<!tpu.dma_semaphore, #tpu.memory_space<semaphore_mem>>)
      %dma_wait3A = arith.constant 0 : i32
      %dma_wait3A_102 = tpu.memref_slice %arg5[%arg0, %add3A_96, %dma_wait3A] : memref<2x10240x16xf32, #tpu.memory_space<hbm>> -> memref<1x64x16xf32, #tpu.memory_space<hbm>>
      %dma_wait3A_103 = tpu.memref_squeeze %dma_wait3A_102 : memref<1x64x16xf32, #tpu.memory_space<hbm>> -> memref<64x16xf32, #tpu.memory_space<hbm>>
      %dma_wait3A_104 = arith.constant 0 : i32
      %dma_wait3A_105 = tpu.memref_slice %arg5[%arg0, %add3A_96, %dma_wait3A_104] : memref<2x10240x16xf32, #tpu.memory_space<hbm>> -> memref<1x64x16xf32, #tpu.memory_space<hbm>>
      %dma_wait3A_106 = tpu.memref_squeeze %dma_wait3A_105 : memref<1x64x16xf32, #tpu.memory_space<hbm>> -> memref<64x16xf32, #tpu.memory_space<hbm>>
      tpu.wait_dma2 semaphore(%run_scoped3A : memref<!tpu.dma_semaphore, #tpu.memory_space<semaphore_mem>>) src(%arg7 : memref<64x16xf32, #tpu.memory_space<vmem>>) dst(%dma_wait3A_106 : memref<64x16xf32, #tpu.memory_space<hbm>>)
      tpu.yield
    }) : () -> ()
    return
  }
}

#map = affine_map<(d0, d1) -> (0, 0)>
#map1 = affine_map<(d0, d1) -> (0, 0, 0)>
module attributes {stable_mosaic.version = 14 : i64} {
  func.func @k(%arg0: i32, %arg1: i32, %arg2: memref<10240x128xf32, #tpu.memory_space<hbm>>, %arg3: memref<10240x16xf32, #tpu.memory_space<hbm>>, %arg4: memref<5000x64xi32, #tpu.memory_space<hbm>>, %arg5: memref<5000x64xi32, #tpu.memory_space<hbm>>, %arg6: memref<64x128xf32, #tpu.memory_space<hbm>>, %arg7: memref<2x10240x128xf32, #tpu.memory_space<hbm>>, %arg8: memref<2x10240x16xf32, #tpu.memory_space<hbm>>, %arg9: memref<40x64xi32, #tpu.memory_space<vmem>>, %arg10: memref<40x64xi32, #tpu.memory_space<vmem>>, %arg11: memref<3x64x128xf32, #tpu.memory_space<vmem>>, %arg12: memref<6x64x16xf32, #tpu.memory_space<vmem>>, %arg13: memref<10240x128xf32, #tpu.memory_space<vmem_shared>>, %arg14: memref<10240x16xf32, #tpu.memory_space<vmem_shared>>, %arg15: memref<!tpu.dma_semaphore, #tpu.memory_space<semaphore_mem>>, %arg16: memref<!tpu.dma_semaphore, #tpu.memory_space<semaphore_mem>>, %arg17: memref<!tpu.dma_semaphore, #tpu.memory_space<semaphore_mem>>, %arg18: memref<!tpu.dma_semaphore, #tpu.memory_space<semaphore_mem>>, %arg19: memref<!tpu.dma_semaphore, #tpu.memory_space<semaphore_mem>>, %arg20: memref<!tpu.dma_semaphore, #tpu.memory_space<semaphore_mem>>, %arg21: memref<!tpu.dma_semaphore, #tpu.memory_space<semaphore_mem>>, %arg22: memref<!tpu.dma_semaphore, #tpu.memory_space<semaphore_mem>>, %arg23: memref<!tpu.dma_semaphore, #tpu.memory_space<semaphore_mem>>) attributes {dimension_semantics = [#tpu.dimension_semantics<core_parallel>, #tpu.dimension_semantics<subcore_parallel>], iteration_bounds = array<i64: 2, 16>, scalar_prefetch = 0 : i64, scratch_operands = 15 : i64, tpu.core_type = #tpu.core_type<sc_vector_subcore>, window_params = [{transform_indices = #map}, {transform_indices = #map}, {transform_indices = #map}, {transform_indices = #map}, {transform_indices = #map}, {transform_indices = #map1}, {transform_indices = #map1}]} {
    %mul3A = arith.constant 16 : i32
    %mul3A_0 = arith.muli %arg0, %mul3A : i32
    %add3A = arith.addi %mul3A_0, %arg1 : i32
    %mul3A_1 = arith.constant 160 : i32
    %mul3A_2 = arith.muli %add3A, %mul3A_1 : i32
    %sub3A = arith.constant 5000 : i32
    %sub3A_3 = arith.subi %sub3A, %mul3A_2 : i32
    %min3A = arith.constant 160 : i32
    %min3A_4 = arith.minsi %min3A, %sub3A_3 : i32
    %run_scoped3A = arith.constant 0 : i32
    "tpu.region"() ({
      %run_scoped3A_152 = tpu.sem_alloc : memref<!tpu.dma_semaphore, #tpu.memory_space<semaphore_mem>>
      %dma_start3A = arith.constant 0 : i32
      %dma_start3A_153 = arith.constant 0 : i32
      %dma_start3A_154 = tpu.memref_slice %arg11[%run_scoped3A, %dma_start3A, %dma_start3A_153] : memref<3x64x128xf32, #tpu.memory_space<vmem>> -> memref<1x64x128xf32, #tpu.memory_space<vmem>>
      %dma_start3A_155 = tpu.memref_squeeze %dma_start3A_154 : memref<1x64x128xf32, #tpu.memory_space<vmem>> -> memref<64x128xf32, #tpu.memory_space<vmem>>
      %dma_start3A_156 = arith.constant 0 : i32
      %dma_start3A_157 = arith.constant 0 : i32
      %dma_start3A_158 = tpu.memref_slice %arg11[%run_scoped3A, %dma_start3A_156, %dma_start3A_157] : memref<3x64x128xf32, #tpu.memory_space<vmem>> -> memref<1x64x128xf32, #tpu.memory_space<vmem>>
      %dma_start3A_159 = tpu.memref_squeeze %dma_start3A_158 : memref<1x64x128xf32, #tpu.memory_space<vmem>> -> memref<64x128xf32, #tpu.memory_space<vmem>>
      tpu.enqueue_dma source(%arg6 : memref<64x128xf32, #tpu.memory_space<hbm>>) target(%dma_start3A_159 : memref<64x128xf32, #tpu.memory_space<vmem>>) target_semaphore(%run_scoped3A_152 : memref<!tpu.dma_semaphore, #tpu.memory_space<semaphore_mem>>)
      %dma_wait3A = arith.constant 0 : i32
      %dma_wait3A_160 = arith.constant 0 : i32
      %dma_wait3A_161 = tpu.memref_slice %arg11[%run_scoped3A, %dma_wait3A, %dma_wait3A_160] : memref<3x64x128xf32, #tpu.memory_space<vmem>> -> memref<1x64x128xf32, #tpu.memory_space<vmem>>
      %dma_wait3A_162 = tpu.memref_squeeze %dma_wait3A_161 : memref<1x64x128xf32, #tpu.memory_space<vmem>> -> memref<64x128xf32, #tpu.memory_space<vmem>>
      %dma_wait3A_163 = arith.constant 0 : i32
      %dma_wait3A_164 = arith.constant 0 : i32
      %dma_wait3A_165 = tpu.memref_slice %arg11[%run_scoped3A, %dma_wait3A_163, %dma_wait3A_164] : memref<3x64x128xf32, #tpu.memory_space<vmem>> -> memref<1x64x128xf32, #tpu.memory_space<vmem>>
      %dma_wait3A_166 = tpu.memref_squeeze %dma_wait3A_165 : memref<1x64x128xf32, #tpu.memory_space<vmem>> -> memref<64x128xf32, #tpu.memory_space<vmem>>
      tpu.wait_dma2 semaphore(%run_scoped3A_152 : memref<!tpu.dma_semaphore, #tpu.memory_space<semaphore_mem>>) src(%arg6 : memref<64x128xf32, #tpu.memory_space<hbm>>) dst(%dma_wait3A_166 : memref<64x128xf32, #tpu.memory_space<vmem>>)
      tpu.yield
    }) : () -> ()
    %run_scoped3A_5 = arith.constant 0 : i32
    "tpu.region"() ({
      %run_scoped3A_152 = tpu.sem_alloc : memref<!tpu.dma_semaphore, #tpu.memory_space<semaphore_mem>>
      %dma_start3A = arith.constant 0 : i32
      %dma_start3A_153 = arith.constant 0 : i32
      %dma_start3A_154 = tpu.memref_slice %arg12[%run_scoped3A_5, %dma_start3A, %dma_start3A_153] : memref<6x64x16xf32, #tpu.memory_space<vmem>> -> memref<1x64x16xf32, #tpu.memory_space<vmem>>
      %dma_start3A_155 = tpu.memref_squeeze %dma_start3A_154 : memref<1x64x16xf32, #tpu.memory_space<vmem>> -> memref<64x16xf32, #tpu.memory_space<vmem>>
      %dma_start3A_156 = arith.constant 0 : i32
      %dma_start3A_157 = arith.constant 0 : i32
      %dma_start3A_158 = tpu.memref_slice %arg6[%dma_start3A_156, %dma_start3A_157] : memref<64x128xf32, #tpu.memory_space<hbm>> -> memref<64x16xf32, #tpu.memory_space<hbm>>
      %dma_start3A_159 = arith.constant 0 : i32
      %dma_start3A_160 = arith.constant 0 : i32
      %dma_start3A_161 = tpu.memref_slice %arg12[%run_scoped3A_5, %dma_start3A_159, %dma_start3A_160] : memref<6x64x16xf32, #tpu.memory_space<vmem>> -> memref<1x64x16xf32, #tpu.memory_space<vmem>>
      %dma_start3A_162 = tpu.memref_squeeze %dma_start3A_161 : memref<1x64x16xf32, #tpu.memory_space<vmem>> -> memref<64x16xf32, #tpu.memory_space<vmem>>
      %dma_start3A_163 = arith.constant 0 : i32
      %dma_start3A_164 = arith.constant 0 : i32
      %dma_start3A_165 = tpu.memref_slice %arg6[%dma_start3A_163, %dma_start3A_164] : memref<64x128xf32, #tpu.memory_space<hbm>> -> memref<64x16xf32, #tpu.memory_space<hbm>>
      tpu.enqueue_dma source(%dma_start3A_165 : memref<64x16xf32, #tpu.memory_space<hbm>>) target(%dma_start3A_162 : memref<64x16xf32, #tpu.memory_space<vmem>>) target_semaphore(%run_scoped3A_152 : memref<!tpu.dma_semaphore, #tpu.memory_space<semaphore_mem>>)
      %dma_wait3A = arith.constant 0 : i32
      %dma_wait3A_166 = arith.constant 0 : i32
      %dma_wait3A_167 = tpu.memref_slice %arg12[%run_scoped3A_5, %dma_wait3A, %dma_wait3A_166] : memref<6x64x16xf32, #tpu.memory_space<vmem>> -> memref<1x64x16xf32, #tpu.memory_space<vmem>>
      %dma_wait3A_168 = tpu.memref_squeeze %dma_wait3A_167 : memref<1x64x16xf32, #tpu.memory_space<vmem>> -> memref<64x16xf32, #tpu.memory_space<vmem>>
      %dma_wait3A_169 = arith.constant 0 : i32
      %dma_wait3A_170 = arith.constant 0 : i32
      %dma_wait3A_171 = tpu.memref_slice %arg6[%dma_wait3A_169, %dma_wait3A_170] : memref<64x128xf32, #tpu.memory_space<hbm>> -> memref<64x16xf32, #tpu.memory_space<hbm>>
      %dma_wait3A_172 = arith.constant 0 : i32
      %dma_wait3A_173 = arith.constant 0 : i32
      %dma_wait3A_174 = tpu.memref_slice %arg12[%run_scoped3A_5, %dma_wait3A_172, %dma_wait3A_173] : memref<6x64x16xf32, #tpu.memory_space<vmem>> -> memref<1x64x16xf32, #tpu.memory_space<vmem>>
      %dma_wait3A_175 = tpu.memref_squeeze %dma_wait3A_174 : memref<1x64x16xf32, #tpu.memory_space<vmem>> -> memref<64x16xf32, #tpu.memory_space<vmem>>
      %dma_wait3A_176 = arith.constant 0 : i32
      %dma_wait3A_177 = arith.constant 0 : i32
      %dma_wait3A_178 = tpu.memref_slice %arg6[%dma_wait3A_176, %dma_wait3A_177] : memref<64x128xf32, #tpu.memory_space<hbm>> -> memref<64x16xf32, #tpu.memory_space<hbm>>
      tpu.wait_dma2 semaphore(%run_scoped3A_152 : memref<!tpu.dma_semaphore, #tpu.memory_space<semaphore_mem>>) src(%dma_wait3A_178 : memref<64x16xf32, #tpu.memory_space<hbm>>) dst(%dma_wait3A_175 : memref<64x16xf32, #tpu.memory_space<vmem>>)
      tpu.yield
    }) : () -> ()
    %mul3A_6 = arith.constant 640 : i32
    %mul3A_7 = arith.muli %arg1, %mul3A_6 : i32
    %add3A_8 = arith.constant 0 : i32
    %add3A_9 = arith.addi %mul3A_7, %add3A_8 : i32
    %run_scoped3A_10 = arith.constant 0 : i32
    "tpu.region"() ({
      %run_scoped3A_152 = tpu.sem_alloc : memref<!tpu.dma_semaphore, #tpu.memory_space<semaphore_mem>>
      %dma_start3A = arith.constant 0 : i32
      %dma_start3A_153 = arith.constant 0 : i32
      %dma_start3A_154 = tpu.memref_slice %arg11[%run_scoped3A_10, %dma_start3A, %dma_start3A_153] : memref<3x64x128xf32, #tpu.memory_space<vmem>> -> memref<1x64x128xf32, #tpu.memory_space<vmem>>
      %dma_start3A_155 = tpu.memref_squeeze %dma_start3A_154 : memref<1x64x128xf32, #tpu.memory_space<vmem>> -> memref<64x128xf32, #tpu.memory_space<vmem>>
      %dma_start3A_156 = arith.constant 0 : i32
      %dma_start3A_157 = tpu.memref_slice %arg13[%add3A_9, %dma_start3A_156] : memref<10240x128xf32, #tpu.memory_space<vmem_shared>> -> memref<64x128xf32, #tpu.memory_space<vmem_shared>>
      %dma_start3A_158 = arith.constant 0 : i32
      %dma_start3A_159 = tpu.memref_slice %arg13[%add3A_9, %dma_start3A_158] : memref<10240x128xf32, #tpu.memory_space<vmem_shared>> -> memref<64x128xf32, #tpu.memory_space<vmem_shared>>
      %dma_start3A_160 = arith.constant 0 : i32
      %dma_start3A_161 = arith.constant 0 : i32
      %dma_start3A_162 = tpu.memref_slice %arg11[%run_scoped3A_10, %dma_start3A_160, %dma_start3A_161] : memref<3x64x128xf32, #tpu.memory_space<vmem>> -> memref<1x64x128xf32, #tpu.memory_space<vmem>>
      %dma_start3A_163 = tpu.memref_squeeze %dma_start3A_162 : memref<1x64x128xf32, #tpu.memory_space<vmem>> -> memref<64x128xf32, #tpu.memory_space<vmem>>
      tpu.enqueue_dma source(%dma_start3A_163 : memref<64x128xf32, #tpu.memory_space<vmem>>) target(%dma_start3A_159 : memref<64x128xf32, #tpu.memory_space<vmem_shared>>) target_semaphore(%run_scoped3A_152 : memref<!tpu.dma_semaphore, #tpu.memory_space<semaphore_mem>>)
      %dma_wait3A = arith.constant 0 : i32
      %dma_wait3A_164 = arith.constant 0 : i32
      %dma_wait3A_165 = tpu.memref_slice %arg11[%run_scoped3A_10, %dma_wait3A, %dma_wait3A_164] : memref<3x64x128xf32, #tpu.memory_space<vmem>> -> memref<1x64x128xf32, #tpu.memory_space<vmem>>
      %dma_wait3A_166 = tpu.memref_squeeze %dma_wait3A_165 : memref<1x64x128xf32, #tpu.memory_space<vmem>> -> memref<64x128xf32, #tpu.memory_space<vmem>>
      %dma_wait3A_167 = arith.constant 0 : i32
      %dma_wait3A_168 = tpu.memref_slice %arg13[%add3A_9, %dma_wait3A_167] : memref<10240x128xf32, #tpu.memory_space<vmem_shared>> -> memref<64x128xf32, #tpu.memory_space<vmem_shared>>
      %dma_wait3A_169 = arith.constant 0 : i32
      %dma_wait3A_170 = tpu.memref_slice %arg13[%add3A_9, %dma_wait3A_169] : memref<10240x128xf32, #tpu.memory_space<vmem_shared>> -> memref<64x128xf32, #tpu.memory_space<vmem_shared>>
      %dma_wait3A_171 = arith.constant 0 : i32
      %dma_wait3A_172 = arith.constant 0 : i32
      %dma_wait3A_173 = tpu.memref_slice %arg11[%run_scoped3A_10, %dma_wait3A_171, %dma_wait3A_172] : memref<3x64x128xf32, #tpu.memory_space<vmem>> -> memref<1x64x128xf32, #tpu.memory_space<vmem>>
      %dma_wait3A_174 = tpu.memref_squeeze %dma_wait3A_173 : memref<1x64x128xf32, #tpu.memory_space<vmem>> -> memref<64x128xf32, #tpu.memory_space<vmem>>
      tpu.wait_dma2 semaphore(%run_scoped3A_152 : memref<!tpu.dma_semaphore, #tpu.memory_space<semaphore_mem>>) src(%dma_wait3A_174 : memref<64x128xf32, #tpu.memory_space<vmem>>) dst(%dma_wait3A_170 : memref<64x128xf32, #tpu.memory_space<vmem_shared>>)
      tpu.yield
    }) : () -> ()
    %run_scoped3A_11 = arith.constant 0 : i32
    "tpu.region"() ({
      %run_scoped3A_152 = tpu.sem_alloc : memref<!tpu.dma_semaphore, #tpu.memory_space<semaphore_mem>>
      %dma_start3A = arith.constant 0 : i32
      %dma_start3A_153 = arith.constant 0 : i32
      %dma_start3A_154 = tpu.memref_slice %arg12[%run_scoped3A_11, %dma_start3A, %dma_start3A_153] : memref<6x64x16xf32, #tpu.memory_space<vmem>> -> memref<1x64x16xf32, #tpu.memory_space<vmem>>
      %dma_start3A_155 = tpu.memref_squeeze %dma_start3A_154 : memref<1x64x16xf32, #tpu.memory_space<vmem>> -> memref<64x16xf32, #tpu.memory_space<vmem>>
      %dma_start3A_156 = arith.constant 0 : i32
      %dma_start3A_157 = tpu.memref_slice %arg14[%add3A_9, %dma_start3A_156] : memref<10240x16xf32, #tpu.memory_space<vmem_shared>> -> memref<64x16xf32, #tpu.memory_space<vmem_shared>>
      %dma_start3A_158 = arith.constant 0 : i32
      %dma_start3A_159 = tpu.memref_slice %arg14[%add3A_9, %dma_start3A_158] : memref<10240x16xf32, #tpu.memory_space<vmem_shared>> -> memref<64x16xf32, #tpu.memory_space<vmem_shared>>
      %dma_start3A_160 = arith.constant 0 : i32
      %dma_start3A_161 = arith.constant 0 : i32
      %dma_start3A_162 = tpu.memref_slice %arg12[%run_scoped3A_11, %dma_start3A_160, %dma_start3A_161] : memref<6x64x16xf32, #tpu.memory_space<vmem>> -> memref<1x64x16xf32, #tpu.memory_space<vmem>>
      %dma_start3A_163 = tpu.memref_squeeze %dma_start3A_162 : memref<1x64x16xf32, #tpu.memory_space<vmem>> -> memref<64x16xf32, #tpu.memory_space<vmem>>
      tpu.enqueue_dma source(%dma_start3A_163 : memref<64x16xf32, #tpu.memory_space<vmem>>) target(%dma_start3A_159 : memref<64x16xf32, #tpu.memory_space<vmem_shared>>) target_semaphore(%run_scoped3A_152 : memref<!tpu.dma_semaphore, #tpu.memory_space<semaphore_mem>>)
      %dma_wait3A = arith.constant 0 : i32
      %dma_wait3A_164 = arith.constant 0 : i32
      %dma_wait3A_165 = tpu.memref_slice %arg12[%run_scoped3A_11, %dma_wait3A, %dma_wait3A_164] : memref<6x64x16xf32, #tpu.memory_space<vmem>> -> memref<1x64x16xf32, #tpu.memory_space<vmem>>
      %dma_wait3A_166 = tpu.memref_squeeze %dma_wait3A_165 : memref<1x64x16xf32, #tpu.memory_space<vmem>> -> memref<64x16xf32, #tpu.memory_space<vmem>>
      %dma_wait3A_167 = arith.constant 0 : i32
      %dma_wait3A_168 = tpu.memref_slice %arg14[%add3A_9, %dma_wait3A_167] : memref<10240x16xf32, #tpu.memory_space<vmem_shared>> -> memref<64x16xf32, #tpu.memory_space<vmem_shared>>
      %dma_wait3A_169 = arith.constant 0 : i32
      %dma_wait3A_170 = tpu.memref_slice %arg14[%add3A_9, %dma_wait3A_169] : memref<10240x16xf32, #tpu.memory_space<vmem_shared>> -> memref<64x16xf32, #tpu.memory_space<vmem_shared>>
      %dma_wait3A_171 = arith.constant 0 : i32
      %dma_wait3A_172 = arith.constant 0 : i32
      %dma_wait3A_173 = tpu.memref_slice %arg12[%run_scoped3A_11, %dma_wait3A_171, %dma_wait3A_172] : memref<6x64x16xf32, #tpu.memory_space<vmem>> -> memref<1x64x16xf32, #tpu.memory_space<vmem>>
      %dma_wait3A_174 = tpu.memref_squeeze %dma_wait3A_173 : memref<1x64x16xf32, #tpu.memory_space<vmem>> -> memref<64x16xf32, #tpu.memory_space<vmem>>
      tpu.wait_dma2 semaphore(%run_scoped3A_152 : memref<!tpu.dma_semaphore, #tpu.memory_space<semaphore_mem>>) src(%dma_wait3A_174 : memref<64x16xf32, #tpu.memory_space<vmem>>) dst(%dma_wait3A_170 : memref<64x16xf32, #tpu.memory_space<vmem_shared>>)
      tpu.yield
    }) : () -> ()
    %mul3A_12 = arith.constant 640 : i32
    %mul3A_13 = arith.muli %arg1, %mul3A_12 : i32
    %add3A_14 = arith.constant 64 : i32
    %add3A_15 = arith.addi %mul3A_13, %add3A_14 : i32
    %run_scoped3A_16 = arith.constant 0 : i32
    "tpu.region"() ({
      %run_scoped3A_152 = tpu.sem_alloc : memref<!tpu.dma_semaphore, #tpu.memory_space<semaphore_mem>>
      %dma_start3A = arith.constant 0 : i32
      %dma_start3A_153 = arith.constant 0 : i32
      %dma_start3A_154 = tpu.memref_slice %arg11[%run_scoped3A_16, %dma_start3A, %dma_start3A_153] : memref<3x64x128xf32, #tpu.memory_space<vmem>> -> memref<1x64x128xf32, #tpu.memory_space<vmem>>
      %dma_start3A_155 = tpu.memref_squeeze %dma_start3A_154 : memref<1x64x128xf32, #tpu.memory_space<vmem>> -> memref<64x128xf32, #tpu.memory_space<vmem>>
      %dma_start3A_156 = arith.constant 0 : i32
      %dma_start3A_157 = tpu.memref_slice %arg13[%add3A_15, %dma_start3A_156] : memref<10240x128xf32, #tpu.memory_space<vmem_shared>> -> memref<64x128xf32, #tpu.memory_space<vmem_shared>>
      %dma_start3A_158 = arith.constant 0 : i32
      %dma_start3A_159 = tpu.memref_slice %arg13[%add3A_15, %dma_start3A_158] : memref<10240x128xf32, #tpu.memory_space<vmem_shared>> -> memref<64x128xf32, #tpu.memory_space<vmem_shared>>
      %dma_start3A_160 = arith.constant 0 : i32
      %dma_start3A_161 = arith.constant 0 : i32
      %dma_start3A_162 = tpu.memref_slice %arg11[%run_scoped3A_16, %dma_start3A_160, %dma_start3A_161] : memref<3x64x128xf32, #tpu.memory_space<vmem>> -> memref<1x64x128xf32, #tpu.memory_space<vmem>>
      %dma_start3A_163 = tpu.memref_squeeze %dma_start3A_162 : memref<1x64x128xf32, #tpu.memory_space<vmem>> -> memref<64x128xf32, #tpu.memory_space<vmem>>
      tpu.enqueue_dma source(%dma_start3A_163 : memref<64x128xf32, #tpu.memory_space<vmem>>) target(%dma_start3A_159 : memref<64x128xf32, #tpu.memory_space<vmem_shared>>) target_semaphore(%run_scoped3A_152 : memref<!tpu.dma_semaphore, #tpu.memory_space<semaphore_mem>>)
      %dma_wait3A = arith.constant 0 : i32
      %dma_wait3A_164 = arith.constant 0 : i32
      %dma_wait3A_165 = tpu.memref_slice %arg11[%run_scoped3A_16, %dma_wait3A, %dma_wait3A_164] : memref<3x64x128xf32, #tpu.memory_space<vmem>> -> memref<1x64x128xf32, #tpu.memory_space<vmem>>
      %dma_wait3A_166 = tpu.memref_squeeze %dma_wait3A_165 : memref<1x64x128xf32, #tpu.memory_space<vmem>> -> memref<64x128xf32, #tpu.memory_space<vmem>>
      %dma_wait3A_167 = arith.constant 0 : i32
      %dma_wait3A_168 = tpu.memref_slice %arg13[%add3A_15, %dma_wait3A_167] : memref<10240x128xf32, #tpu.memory_space<vmem_shared>> -> memref<64x128xf32, #tpu.memory_space<vmem_shared>>
      %dma_wait3A_169 = arith.constant 0 : i32
      %dma_wait3A_170 = tpu.memref_slice %arg13[%add3A_15, %dma_wait3A_169] : memref<10240x128xf32, #tpu.memory_space<vmem_shared>> -> memref<64x128xf32, #tpu.memory_space<vmem_shared>>
      %dma_wait3A_171 = arith.constant 0 : i32
      %dma_wait3A_172 = arith.constant 0 : i32
      %dma_wait3A_173 = tpu.memref_slice %arg11[%run_scoped3A_16, %dma_wait3A_171, %dma_wait3A_172] : memref<3x64x128xf32, #tpu.memory_space<vmem>> -> memref<1x64x128xf32, #tpu.memory_space<vmem>>
      %dma_wait3A_174 = tpu.memref_squeeze %dma_wait3A_173 : memref<1x64x128xf32, #tpu.memory_space<vmem>> -> memref<64x128xf32, #tpu.memory_space<vmem>>
      tpu.wait_dma2 semaphore(%run_scoped3A_152 : memref<!tpu.dma_semaphore, #tpu.memory_space<semaphore_mem>>) src(%dma_wait3A_174 : memref<64x128xf32, #tpu.memory_space<vmem>>) dst(%dma_wait3A_170 : memref<64x128xf32, #tpu.memory_space<vmem_shared>>)
      tpu.yield
    }) : () -> ()
    %run_scoped3A_17 = arith.constant 0 : i32
    "tpu.region"() ({
      %run_scoped3A_152 = tpu.sem_alloc : memref<!tpu.dma_semaphore, #tpu.memory_space<semaphore_mem>>
      %dma_start3A = arith.constant 0 : i32
      %dma_start3A_153 = arith.constant 0 : i32
      %dma_start3A_154 = tpu.memref_slice %arg12[%run_scoped3A_17, %dma_start3A, %dma_start3A_153] : memref<6x64x16xf32, #tpu.memory_space<vmem>> -> memref<1x64x16xf32, #tpu.memory_space<vmem>>
      %dma_start3A_155 = tpu.memref_squeeze %dma_start3A_154 : memref<1x64x16xf32, #tpu.memory_space<vmem>> -> memref<64x16xf32, #tpu.memory_space<vmem>>
      %dma_start3A_156 = arith.constant 0 : i32
      %dma_start3A_157 = tpu.memref_slice %arg14[%add3A_15, %dma_start3A_156] : memref<10240x16xf32, #tpu.memory_space<vmem_shared>> -> memref<64x16xf32, #tpu.memory_space<vmem_shared>>
      %dma_start3A_158 = arith.constant 0 : i32
      %dma_start3A_159 = tpu.memref_slice %arg14[%add3A_15, %dma_start3A_158] : memref<10240x16xf32, #tpu.memory_space<vmem_shared>> -> memref<64x16xf32, #tpu.memory_space<vmem_shared>>
      %dma_start3A_160 = arith.constant 0 : i32
      %dma_start3A_161 = arith.constant 0 : i32
      %dma_start3A_162 = tpu.memref_slice %arg12[%run_scoped3A_17, %dma_start3A_160, %dma_start3A_161] : memref<6x64x16xf32, #tpu.memory_space<vmem>> -> memref<1x64x16xf32, #tpu.memory_space<vmem>>
      %dma_start3A_163 = tpu.memref_squeeze %dma_start3A_162 : memref<1x64x16xf32, #tpu.memory_space<vmem>> -> memref<64x16xf32, #tpu.memory_space<vmem>>
      tpu.enqueue_dma source(%dma_start3A_163 : memref<64x16xf32, #tpu.memory_space<vmem>>) target(%dma_start3A_159 : memref<64x16xf32, #tpu.memory_space<vmem_shared>>) target_semaphore(%run_scoped3A_152 : memref<!tpu.dma_semaphore, #tpu.memory_space<semaphore_mem>>)
      %dma_wait3A = arith.constant 0 : i32
      %dma_wait3A_164 = arith.constant 0 : i32
      %dma_wait3A_165 = tpu.memref_slice %arg12[%run_scoped3A_17, %dma_wait3A, %dma_wait3A_164] : memref<6x64x16xf32, #tpu.memory_space<vmem>> -> memref<1x64x16xf32, #tpu.memory_space<vmem>>
      %dma_wait3A_166 = tpu.memref_squeeze %dma_wait3A_165 : memref<1x64x16xf32, #tpu.memory_space<vmem>> -> memref<64x16xf32, #tpu.memory_space<vmem>>
      %dma_wait3A_167 = arith.constant 0 : i32
      %dma_wait3A_168 = tpu.memref_slice %arg14[%add3A_15, %dma_wait3A_167] : memref<10240x16xf32, #tpu.memory_space<vmem_shared>> -> memref<64x16xf32, #tpu.memory_space<vmem_shared>>
      %dma_wait3A_169 = arith.constant 0 : i32
      %dma_wait3A_170 = tpu.memref_slice %arg14[%add3A_15, %dma_wait3A_169] : memref<10240x16xf32, #tpu.memory_space<vmem_shared>> -> memref<64x16xf32, #tpu.memory_space<vmem_shared>>
      %dma_wait3A_171 = arith.constant 0 : i32
      %dma_wait3A_172 = arith.constant 0 : i32
      %dma_wait3A_173 = tpu.memref_slice %arg12[%run_scoped3A_17, %dma_wait3A_171, %dma_wait3A_172] : memref<6x64x16xf32, #tpu.memory_space<vmem>> -> memref<1x64x16xf32, #tpu.memory_space<vmem>>
      %dma_wait3A_174 = tpu.memref_squeeze %dma_wait3A_173 : memref<1x64x16xf32, #tpu.memory_space<vmem>> -> memref<64x16xf32, #tpu.memory_space<vmem>>
      tpu.wait_dma2 semaphore(%run_scoped3A_152 : memref<!tpu.dma_semaphore, #tpu.memory_space<semaphore_mem>>) src(%dma_wait3A_174 : memref<64x16xf32, #tpu.memory_space<vmem>>) dst(%dma_wait3A_170 : memref<64x16xf32, #tpu.memory_space<vmem_shared>>)
      tpu.yield
    }) : () -> ()
    %mul3A_18 = arith.constant 640 : i32
    %mul3A_19 = arith.muli %arg1, %mul3A_18 : i32
    %add3A_20 = arith.constant 128 : i32
    %add3A_21 = arith.addi %mul3A_19, %add3A_20 : i32
    %run_scoped3A_22 = arith.constant 0 : i32
    "tpu.region"() ({
      %run_scoped3A_152 = tpu.sem_alloc : memref<!tpu.dma_semaphore, #tpu.memory_space<semaphore_mem>>
      %dma_start3A = arith.constant 0 : i32
      %dma_start3A_153 = arith.constant 0 : i32
      %dma_start3A_154 = tpu.memref_slice %arg11[%run_scoped3A_22, %dma_start3A, %dma_start3A_153] : memref<3x64x128xf32, #tpu.memory_space<vmem>> -> memref<1x64x128xf32, #tpu.memory_space<vmem>>
      %dma_start3A_155 = tpu.memref_squeeze %dma_start3A_154 : memref<1x64x128xf32, #tpu.memory_space<vmem>> -> memref<64x128xf32, #tpu.memory_space<vmem>>
      %dma_start3A_156 = arith.constant 0 : i32
      %dma_start3A_157 = tpu.memref_slice %arg13[%add3A_21, %dma_start3A_156] : memref<10240x128xf32, #tpu.memory_space<vmem_shared>> -> memref<64x128xf32, #tpu.memory_space<vmem_shared>>
      %dma_start3A_158 = arith.constant 0 : i32
      %dma_start3A_159 = tpu.memref_slice %arg13[%add3A_21, %dma_start3A_158] : memref<10240x128xf32, #tpu.memory_space<vmem_shared>> -> memref<64x128xf32, #tpu.memory_space<vmem_shared>>
      %dma_start3A_160 = arith.constant 0 : i32
      %dma_start3A_161 = arith.constant 0 : i32
      %dma_start3A_162 = tpu.memref_slice %arg11[%run_scoped3A_22, %dma_start3A_160, %dma_start3A_161] : memref<3x64x128xf32, #tpu.memory_space<vmem>> -> memref<1x64x128xf32, #tpu.memory_space<vmem>>
      %dma_start3A_163 = tpu.memref_squeeze %dma_start3A_162 : memref<1x64x128xf32, #tpu.memory_space<vmem>> -> memref<64x128xf32, #tpu.memory_space<vmem>>
      tpu.enqueue_dma source(%dma_start3A_163 : memref<64x128xf32, #tpu.memory_space<vmem>>) target(%dma_start3A_159 : memref<64x128xf32, #tpu.memory_space<vmem_shared>>) target_semaphore(%run_scoped3A_152 : memref<!tpu.dma_semaphore, #tpu.memory_space<semaphore_mem>>)
      %dma_wait3A = arith.constant 0 : i32
      %dma_wait3A_164 = arith.constant 0 : i32
      %dma_wait3A_165 = tpu.memref_slice %arg11[%run_scoped3A_22, %dma_wait3A, %dma_wait3A_164] : memref<3x64x128xf32, #tpu.memory_space<vmem>> -> memref<1x64x128xf32, #tpu.memory_space<vmem>>
      %dma_wait3A_166 = tpu.memref_squeeze %dma_wait3A_165 : memref<1x64x128xf32, #tpu.memory_space<vmem>> -> memref<64x128xf32, #tpu.memory_space<vmem>>
      %dma_wait3A_167 = arith.constant 0 : i32
      %dma_wait3A_168 = tpu.memref_slice %arg13[%add3A_21, %dma_wait3A_167] : memref<10240x128xf32, #tpu.memory_space<vmem_shared>> -> memref<64x128xf32, #tpu.memory_space<vmem_shared>>
      %dma_wait3A_169 = arith.constant 0 : i32
      %dma_wait3A_170 = tpu.memref_slice %arg13[%add3A_21, %dma_wait3A_169] : memref<10240x128xf32, #tpu.memory_space<vmem_shared>> -> memref<64x128xf32, #tpu.memory_space<vmem_shared>>
      %dma_wait3A_171 = arith.constant 0 : i32
      %dma_wait3A_172 = arith.constant 0 : i32
      %dma_wait3A_173 = tpu.memref_slice %arg11[%run_scoped3A_22, %dma_wait3A_171, %dma_wait3A_172] : memref<3x64x128xf32, #tpu.memory_space<vmem>> -> memref<1x64x128xf32, #tpu.memory_space<vmem>>
      %dma_wait3A_174 = tpu.memref_squeeze %dma_wait3A_173 : memref<1x64x128xf32, #tpu.memory_space<vmem>> -> memref<64x128xf32, #tpu.memory_space<vmem>>
      tpu.wait_dma2 semaphore(%run_scoped3A_152 : memref<!tpu.dma_semaphore, #tpu.memory_space<semaphore_mem>>) src(%dma_wait3A_174 : memref<64x128xf32, #tpu.memory_space<vmem>>) dst(%dma_wait3A_170 : memref<64x128xf32, #tpu.memory_space<vmem_shared>>)
      tpu.yield
    }) : () -> ()
    %run_scoped3A_23 = arith.constant 0 : i32
    "tpu.region"() ({
      %run_scoped3A_152 = tpu.sem_alloc : memref<!tpu.dma_semaphore, #tpu.memory_space<semaphore_mem>>
      %dma_start3A = arith.constant 0 : i32
      %dma_start3A_153 = arith.constant 0 : i32
      %dma_start3A_154 = tpu.memref_slice %arg12[%run_scoped3A_23, %dma_start3A, %dma_start3A_153] : memref<6x64x16xf32, #tpu.memory_space<vmem>> -> memref<1x64x16xf32, #tpu.memory_space<vmem>>
      %dma_start3A_155 = tpu.memref_squeeze %dma_start3A_154 : memref<1x64x16xf32, #tpu.memory_space<vmem>> -> memref<64x16xf32, #tpu.memory_space<vmem>>
      %dma_start3A_156 = arith.constant 0 : i32
      %dma_start3A_157 = tpu.memref_slice %arg14[%add3A_21, %dma_start3A_156] : memref<10240x16xf32, #tpu.memory_space<vmem_shared>> -> memref<64x16xf32, #tpu.memory_space<vmem_shared>>
      %dma_start3A_158 = arith.constant 0 : i32
      %dma_start3A_159 = tpu.memref_slice %arg14[%add3A_21, %dma_start3A_158] : memref<10240x16xf32, #tpu.memory_space<vmem_shared>> -> memref<64x16xf32, #tpu.memory_space<vmem_shared>>
      %dma_start3A_160 = arith.constant 0 : i32
      %dma_start3A_161 = arith.constant 0 : i32
      %dma_start3A_162 = tpu.memref_slice %arg12[%run_scoped3A_23, %dma_start3A_160, %dma_start3A_161] : memref<6x64x16xf32, #tpu.memory_space<vmem>> -> memref<1x64x16xf32, #tpu.memory_space<vmem>>
      %dma_start3A_163 = tpu.memref_squeeze %dma_start3A_162 : memref<1x64x16xf32, #tpu.memory_space<vmem>> -> memref<64x16xf32, #tpu.memory_space<vmem>>
      tpu.enqueue_dma source(%dma_start3A_163 : memref<64x16xf32, #tpu.memory_space<vmem>>) target(%dma_start3A_159 : memref<64x16xf32, #tpu.memory_space<vmem_shared>>) target_semaphore(%run_scoped3A_152 : memref<!tpu.dma_semaphore, #tpu.memory_space<semaphore_mem>>)
      %dma_wait3A = arith.constant 0 : i32
      %dma_wait3A_164 = arith.constant 0 : i32
      %dma_wait3A_165 = tpu.memref_slice %arg12[%run_scoped3A_23, %dma_wait3A, %dma_wait3A_164] : memref<6x64x16xf32, #tpu.memory_space<vmem>> -> memref<1x64x16xf32, #tpu.memory_space<vmem>>
      %dma_wait3A_166 = tpu.memref_squeeze %dma_wait3A_165 : memref<1x64x16xf32, #tpu.memory_space<vmem>> -> memref<64x16xf32, #tpu.memory_space<vmem>>
      %dma_wait3A_167 = arith.constant 0 : i32
      %dma_wait3A_168 = tpu.memref_slice %arg14[%add3A_21, %dma_wait3A_167] : memref<10240x16xf32, #tpu.memory_space<vmem_shared>> -> memref<64x16xf32, #tpu.memory_space<vmem_shared>>
      %dma_wait3A_169 = arith.constant 0 : i32
      %dma_wait3A_170 = tpu.memref_slice %arg14[%add3A_21, %dma_wait3A_169] : memref<10240x16xf32, #tpu.memory_space<vmem_shared>> -> memref<64x16xf32, #tpu.memory_space<vmem_shared>>
      %dma_wait3A_171 = arith.constant 0 : i32
      %dma_wait3A_172 = arith.constant 0 : i32
      %dma_wait3A_173 = tpu.memref_slice %arg12[%run_scoped3A_23, %dma_wait3A_171, %dma_wait3A_172] : memref<6x64x16xf32, #tpu.memory_space<vmem>> -> memref<1x64x16xf32, #tpu.memory_space<vmem>>
      %dma_wait3A_174 = tpu.memref_squeeze %dma_wait3A_173 : memref<1x64x16xf32, #tpu.memory_space<vmem>> -> memref<64x16xf32, #tpu.memory_space<vmem>>
      tpu.wait_dma2 semaphore(%run_scoped3A_152 : memref<!tpu.dma_semaphore, #tpu.memory_space<semaphore_mem>>) src(%dma_wait3A_174 : memref<64x16xf32, #tpu.memory_space<vmem>>) dst(%dma_wait3A_170 : memref<64x16xf32, #tpu.memory_space<vmem_shared>>)
      tpu.yield
    }) : () -> ()
    %mul3A_24 = arith.constant 640 : i32
    %mul3A_25 = arith.muli %arg1, %mul3A_24 : i32
    %add3A_26 = arith.constant 192 : i32
    %add3A_27 = arith.addi %mul3A_25, %add3A_26 : i32
    %run_scoped3A_28 = arith.constant 0 : i32
    "tpu.region"() ({
      %run_scoped3A_152 = tpu.sem_alloc : memref<!tpu.dma_semaphore, #tpu.memory_space<semaphore_mem>>
      %dma_start3A = arith.constant 0 : i32
      %dma_start3A_153 = arith.constant 0 : i32
      %dma_start3A_154 = tpu.memref_slice %arg11[%run_scoped3A_28, %dma_start3A, %dma_start3A_153] : memref<3x64x128xf32, #tpu.memory_space<vmem>> -> memref<1x64x128xf32, #tpu.memory_space<vmem>>
      %dma_start3A_155 = tpu.memref_squeeze %dma_start3A_154 : memref<1x64x128xf32, #tpu.memory_space<vmem>> -> memref<64x128xf32, #tpu.memory_space<vmem>>
      %dma_start3A_156 = arith.constant 0 : i32
      %dma_start3A_157 = tpu.memref_slice %arg13[%add3A_27, %dma_start3A_156] : memref<10240x128xf32, #tpu.memory_space<vmem_shared>> -> memref<64x128xf32, #tpu.memory_space<vmem_shared>>
      %dma_start3A_158 = arith.constant 0 : i32
      %dma_start3A_159 = tpu.memref_slice %arg13[%add3A_27, %dma_start3A_158] : memref<10240x128xf32, #tpu.memory_space<vmem_shared>> -> memref<64x128xf32, #tpu.memory_space<vmem_shared>>
      %dma_start3A_160 = arith.constant 0 : i32
      %dma_start3A_161 = arith.constant 0 : i32
      %dma_start3A_162 = tpu.memref_slice %arg11[%run_scoped3A_28, %dma_start3A_160, %dma_start3A_161] : memref<3x64x128xf32, #tpu.memory_space<vmem>> -> memref<1x64x128xf32, #tpu.memory_space<vmem>>
      %dma_start3A_163 = tpu.memref_squeeze %dma_start3A_162 : memref<1x64x128xf32, #tpu.memory_space<vmem>> -> memref<64x128xf32, #tpu.memory_space<vmem>>
      tpu.enqueue_dma source(%dma_start3A_163 : memref<64x128xf32, #tpu.memory_space<vmem>>) target(%dma_start3A_159 : memref<64x128xf32, #tpu.memory_space<vmem_shared>>) target_semaphore(%run_scoped3A_152 : memref<!tpu.dma_semaphore, #tpu.memory_space<semaphore_mem>>)
      %dma_wait3A = arith.constant 0 : i32
      %dma_wait3A_164 = arith.constant 0 : i32
      %dma_wait3A_165 = tpu.memref_slice %arg11[%run_scoped3A_28, %dma_wait3A, %dma_wait3A_164] : memref<3x64x128xf32, #tpu.memory_space<vmem>> -> memref<1x64x128xf32, #tpu.memory_space<vmem>>
      %dma_wait3A_166 = tpu.memref_squeeze %dma_wait3A_165 : memref<1x64x128xf32, #tpu.memory_space<vmem>> -> memref<64x128xf32, #tpu.memory_space<vmem>>
      %dma_wait3A_167 = arith.constant 0 : i32
      %dma_wait3A_168 = tpu.memref_slice %arg13[%add3A_27, %dma_wait3A_167] : memref<10240x128xf32, #tpu.memory_space<vmem_shared>> -> memref<64x128xf32, #tpu.memory_space<vmem_shared>>
      %dma_wait3A_169 = arith.constant 0 : i32
      %dma_wait3A_170 = tpu.memref_slice %arg13[%add3A_27, %dma_wait3A_169] : memref<10240x128xf32, #tpu.memory_space<vmem_shared>> -> memref<64x128xf32, #tpu.memory_space<vmem_shared>>
      %dma_wait3A_171 = arith.constant 0 : i32
      %dma_wait3A_172 = arith.constant 0 : i32
      %dma_wait3A_173 = tpu.memref_slice %arg11[%run_scoped3A_28, %dma_wait3A_171, %dma_wait3A_172] : memref<3x64x128xf32, #tpu.memory_space<vmem>> -> memref<1x64x128xf32, #tpu.memory_space<vmem>>
      %dma_wait3A_174 = tpu.memref_squeeze %dma_wait3A_173 : memref<1x64x128xf32, #tpu.memory_space<vmem>> -> memref<64x128xf32, #tpu.memory_space<vmem>>
      tpu.wait_dma2 semaphore(%run_scoped3A_152 : memref<!tpu.dma_semaphore, #tpu.memory_space<semaphore_mem>>) src(%dma_wait3A_174 : memref<64x128xf32, #tpu.memory_space<vmem>>) dst(%dma_wait3A_170 : memref<64x128xf32, #tpu.memory_space<vmem_shared>>)
      tpu.yield
    }) : () -> ()
    %run_scoped3A_29 = arith.constant 0 : i32
    "tpu.region"() ({
      %run_scoped3A_152 = tpu.sem_alloc : memref<!tpu.dma_semaphore, #tpu.memory_space<semaphore_mem>>
      %dma_start3A = arith.constant 0 : i32
      %dma_start3A_153 = arith.constant 0 : i32
      %dma_start3A_154 = tpu.memref_slice %arg12[%run_scoped3A_29, %dma_start3A, %dma_start3A_153] : memref<6x64x16xf32, #tpu.memory_space<vmem>> -> memref<1x64x16xf32, #tpu.memory_space<vmem>>
      %dma_start3A_155 = tpu.memref_squeeze %dma_start3A_154 : memref<1x64x16xf32, #tpu.memory_space<vmem>> -> memref<64x16xf32, #tpu.memory_space<vmem>>
      %dma_start3A_156 = arith.constant 0 : i32
      %dma_start3A_157 = tpu.memref_slice %arg14[%add3A_27, %dma_start3A_156] : memref<10240x16xf32, #tpu.memory_space<vmem_shared>> -> memref<64x16xf32, #tpu.memory_space<vmem_shared>>
      %dma_start3A_158 = arith.constant 0 : i32
      %dma_start3A_159 = tpu.memref_slice %arg14[%add3A_27, %dma_start3A_158] : memref<10240x16xf32, #tpu.memory_space<vmem_shared>> -> memref<64x16xf32, #tpu.memory_space<vmem_shared>>
      %dma_start3A_160 = arith.constant 0 : i32
      %dma_start3A_161 = arith.constant 0 : i32
      %dma_start3A_162 = tpu.memref_slice %arg12[%run_scoped3A_29, %dma_start3A_160, %dma_start3A_161] : memref<6x64x16xf32, #tpu.memory_space<vmem>> -> memref<1x64x16xf32, #tpu.memory_space<vmem>>
      %dma_start3A_163 = tpu.memref_squeeze %dma_start3A_162 : memref<1x64x16xf32, #tpu.memory_space<vmem>> -> memref<64x16xf32, #tpu.memory_space<vmem>>
      tpu.enqueue_dma source(%dma_start3A_163 : memref<64x16xf32, #tpu.memory_space<vmem>>) target(%dma_start3A_159 : memref<64x16xf32, #tpu.memory_space<vmem_shared>>) target_semaphore(%run_scoped3A_152 : memref<!tpu.dma_semaphore, #tpu.memory_space<semaphore_mem>>)
      %dma_wait3A = arith.constant 0 : i32
      %dma_wait3A_164 = arith.constant 0 : i32
      %dma_wait3A_165 = tpu.memref_slice %arg12[%run_scoped3A_29, %dma_wait3A, %dma_wait3A_164] : memref<6x64x16xf32, #tpu.memory_space<vmem>> -> memref<1x64x16xf32, #tpu.memory_space<vmem>>
      %dma_wait3A_166 = tpu.memref_squeeze %dma_wait3A_165 : memref<1x64x16xf32, #tpu.memory_space<vmem>> -> memref<64x16xf32, #tpu.memory_space<vmem>>
      %dma_wait3A_167 = arith.constant 0 : i32
      %dma_wait3A_168 = tpu.memref_slice %arg14[%add3A_27, %dma_wait3A_167] : memref<10240x16xf32, #tpu.memory_space<vmem_shared>> -> memref<64x16xf32, #tpu.memory_space<vmem_shared>>
      %dma_wait3A_169 = arith.constant 0 : i32
      %dma_wait3A_170 = tpu.memref_slice %arg14[%add3A_27, %dma_wait3A_169] : memref<10240x16xf32, #tpu.memory_space<vmem_shared>> -> memref<64x16xf32, #tpu.memory_space<vmem_shared>>
      %dma_wait3A_171 = arith.constant 0 : i32
      %dma_wait3A_172 = arith.constant 0 : i32
      %dma_wait3A_173 = tpu.memref_slice %arg12[%run_scoped3A_29, %dma_wait3A_171, %dma_wait3A_172] : memref<6x64x16xf32, #tpu.memory_space<vmem>> -> memref<1x64x16xf32, #tpu.memory_space<vmem>>
      %dma_wait3A_174 = tpu.memref_squeeze %dma_wait3A_173 : memref<1x64x16xf32, #tpu.memory_space<vmem>> -> memref<64x16xf32, #tpu.memory_space<vmem>>
      tpu.wait_dma2 semaphore(%run_scoped3A_152 : memref<!tpu.dma_semaphore, #tpu.memory_space<semaphore_mem>>) src(%dma_wait3A_174 : memref<64x16xf32, #tpu.memory_space<vmem>>) dst(%dma_wait3A_170 : memref<64x16xf32, #tpu.memory_space<vmem_shared>>)
      tpu.yield
    }) : () -> ()
    %mul3A_30 = arith.constant 640 : i32
    %mul3A_31 = arith.muli %arg1, %mul3A_30 : i32
    %add3A_32 = arith.constant 256 : i32
    %add3A_33 = arith.addi %mul3A_31, %add3A_32 : i32
    %run_scoped3A_34 = arith.constant 0 : i32
    "tpu.region"() ({
      %run_scoped3A_152 = tpu.sem_alloc : memref<!tpu.dma_semaphore, #tpu.memory_space<semaphore_mem>>
      %dma_start3A = arith.constant 0 : i32
      %dma_start3A_153 = arith.constant 0 : i32
      %dma_start3A_154 = tpu.memref_slice %arg11[%run_scoped3A_34, %dma_start3A, %dma_start3A_153] : memref<3x64x128xf32, #tpu.memory_space<vmem>> -> memref<1x64x128xf32, #tpu.memory_space<vmem>>
      %dma_start3A_155 = tpu.memref_squeeze %dma_start3A_154 : memref<1x64x128xf32, #tpu.memory_space<vmem>> -> memref<64x128xf32, #tpu.memory_space<vmem>>
      %dma_start3A_156 = arith.constant 0 : i32
      %dma_start3A_157 = tpu.memref_slice %arg13[%add3A_33, %dma_start3A_156] : memref<10240x128xf32, #tpu.memory_space<vmem_shared>> -> memref<64x128xf32, #tpu.memory_space<vmem_shared>>
      %dma_start3A_158 = arith.constant 0 : i32
      %dma_start3A_159 = tpu.memref_slice %arg13[%add3A_33, %dma_start3A_158] : memref<10240x128xf32, #tpu.memory_space<vmem_shared>> -> memref<64x128xf32, #tpu.memory_space<vmem_shared>>
      %dma_start3A_160 = arith.constant 0 : i32
      %dma_start3A_161 = arith.constant 0 : i32
      %dma_start3A_162 = tpu.memref_slice %arg11[%run_scoped3A_34, %dma_start3A_160, %dma_start3A_161] : memref<3x64x128xf32, #tpu.memory_space<vmem>> -> memref<1x64x128xf32, #tpu.memory_space<vmem>>
      %dma_start3A_163 = tpu.memref_squeeze %dma_start3A_162 : memref<1x64x128xf32, #tpu.memory_space<vmem>> -> memref<64x128xf32, #tpu.memory_space<vmem>>
      tpu.enqueue_dma source(%dma_start3A_163 : memref<64x128xf32, #tpu.memory_space<vmem>>) target(%dma_start3A_159 : memref<64x128xf32, #tpu.memory_space<vmem_shared>>) target_semaphore(%run_scoped3A_152 : memref<!tpu.dma_semaphore, #tpu.memory_space<semaphore_mem>>)
      %dma_wait3A = arith.constant 0 : i32
      %dma_wait3A_164 = arith.constant 0 : i32
      %dma_wait3A_165 = tpu.memref_slice %arg11[%run_scoped3A_34, %dma_wait3A, %dma_wait3A_164] : memref<3x64x128xf32, #tpu.memory_space<vmem>> -> memref<1x64x128xf32, #tpu.memory_space<vmem>>
      %dma_wait3A_166 = tpu.memref_squeeze %dma_wait3A_165 : memref<1x64x128xf32, #tpu.memory_space<vmem>> -> memref<64x128xf32, #tpu.memory_space<vmem>>
      %dma_wait3A_167 = arith.constant 0 : i32
      %dma_wait3A_168 = tpu.memref_slice %arg13[%add3A_33, %dma_wait3A_167] : memref<10240x128xf32, #tpu.memory_space<vmem_shared>> -> memref<64x128xf32, #tpu.memory_space<vmem_shared>>
      %dma_wait3A_169 = arith.constant 0 : i32
      %dma_wait3A_170 = tpu.memref_slice %arg13[%add3A_33, %dma_wait3A_169] : memref<10240x128xf32, #tpu.memory_space<vmem_shared>> -> memref<64x128xf32, #tpu.memory_space<vmem_shared>>
      %dma_wait3A_171 = arith.constant 0 : i32
      %dma_wait3A_172 = arith.constant 0 : i32
      %dma_wait3A_173 = tpu.memref_slice %arg11[%run_scoped3A_34, %dma_wait3A_171, %dma_wait3A_172] : memref<3x64x128xf32, #tpu.memory_space<vmem>> -> memref<1x64x128xf32, #tpu.memory_space<vmem>>
      %dma_wait3A_174 = tpu.memref_squeeze %dma_wait3A_173 : memref<1x64x128xf32, #tpu.memory_space<vmem>> -> memref<64x128xf32, #tpu.memory_space<vmem>>
      tpu.wait_dma2 semaphore(%run_scoped3A_152 : memref<!tpu.dma_semaphore, #tpu.memory_space<semaphore_mem>>) src(%dma_wait3A_174 : memref<64x128xf32, #tpu.memory_space<vmem>>) dst(%dma_wait3A_170 : memref<64x128xf32, #tpu.memory_space<vmem_shared>>)
      tpu.yield
    }) : () -> ()
    %run_scoped3A_35 = arith.constant 0 : i32
    "tpu.region"() ({
      %run_scoped3A_152 = tpu.sem_alloc : memref<!tpu.dma_semaphore, #tpu.memory_space<semaphore_mem>>
      %dma_start3A = arith.constant 0 : i32
      %dma_start3A_153 = arith.constant 0 : i32
      %dma_start3A_154 = tpu.memref_slice %arg12[%run_scoped3A_35, %dma_start3A, %dma_start3A_153] : memref<6x64x16xf32, #tpu.memory_space<vmem>> -> memref<1x64x16xf32, #tpu.memory_space<vmem>>
      %dma_start3A_155 = tpu.memref_squeeze %dma_start3A_154 : memref<1x64x16xf32, #tpu.memory_space<vmem>> -> memref<64x16xf32, #tpu.memory_space<vmem>>
      %dma_start3A_156 = arith.constant 0 : i32
      %dma_start3A_157 = tpu.memref_slice %arg14[%add3A_33, %dma_start3A_156] : memref<10240x16xf32, #tpu.memory_space<vmem_shared>> -> memref<64x16xf32, #tpu.memory_space<vmem_shared>>
      %dma_start3A_158 = arith.constant 0 : i32
      %dma_start3A_159 = tpu.memref_slice %arg14[%add3A_33, %dma_start3A_158] : memref<10240x16xf32, #tpu.memory_space<vmem_shared>> -> memref<64x16xf32, #tpu.memory_space<vmem_shared>>
      %dma_start3A_160 = arith.constant 0 : i32
      %dma_start3A_161 = arith.constant 0 : i32
      %dma_start3A_162 = tpu.memref_slice %arg12[%run_scoped3A_35, %dma_start3A_160, %dma_start3A_161] : memref<6x64x16xf32, #tpu.memory_space<vmem>> -> memref<1x64x16xf32, #tpu.memory_space<vmem>>
      %dma_start3A_163 = tpu.memref_squeeze %dma_start3A_162 : memref<1x64x16xf32, #tpu.memory_space<vmem>> -> memref<64x16xf32, #tpu.memory_space<vmem>>
      tpu.enqueue_dma source(%dma_start3A_163 : memref<64x16xf32, #tpu.memory_space<vmem>>) target(%dma_start3A_159 : memref<64x16xf32, #tpu.memory_space<vmem_shared>>) target_semaphore(%run_scoped3A_152 : memref<!tpu.dma_semaphore, #tpu.memory_space<semaphore_mem>>)
      %dma_wait3A = arith.constant 0 : i32
      %dma_wait3A_164 = arith.constant 0 : i32
      %dma_wait3A_165 = tpu.memref_slice %arg12[%run_scoped3A_35, %dma_wait3A, %dma_wait3A_164] : memref<6x64x16xf32, #tpu.memory_space<vmem>> -> memref<1x64x16xf32, #tpu.memory_space<vmem>>
      %dma_wait3A_166 = tpu.memref_squeeze %dma_wait3A_165 : memref<1x64x16xf32, #tpu.memory_space<vmem>> -> memref<64x16xf32, #tpu.memory_space<vmem>>
      %dma_wait3A_167 = arith.constant 0 : i32
      %dma_wait3A_168 = tpu.memref_slice %arg14[%add3A_33, %dma_wait3A_167] : memref<10240x16xf32, #tpu.memory_space<vmem_shared>> -> memref<64x16xf32, #tpu.memory_space<vmem_shared>>
      %dma_wait3A_169 = arith.constant 0 : i32
      %dma_wait3A_170 = tpu.memref_slice %arg14[%add3A_33, %dma_wait3A_169] : memref<10240x16xf32, #tpu.memory_space<vmem_shared>> -> memref<64x16xf32, #tpu.memory_space<vmem_shared>>
      %dma_wait3A_171 = arith.constant 0 : i32
      %dma_wait3A_172 = arith.constant 0 : i32
      %dma_wait3A_173 = tpu.memref_slice %arg12[%run_scoped3A_35, %dma_wait3A_171, %dma_wait3A_172] : memref<6x64x16xf32, #tpu.memory_space<vmem>> -> memref<1x64x16xf32, #tpu.memory_space<vmem>>
      %dma_wait3A_174 = tpu.memref_squeeze %dma_wait3A_173 : memref<1x64x16xf32, #tpu.memory_space<vmem>> -> memref<64x16xf32, #tpu.memory_space<vmem>>
      tpu.wait_dma2 semaphore(%run_scoped3A_152 : memref<!tpu.dma_semaphore, #tpu.memory_space<semaphore_mem>>) src(%dma_wait3A_174 : memref<64x16xf32, #tpu.memory_space<vmem>>) dst(%dma_wait3A_170 : memref<64x16xf32, #tpu.memory_space<vmem_shared>>)
      tpu.yield
    }) : () -> ()
    %mul3A_36 = arith.constant 640 : i32
    %mul3A_37 = arith.muli %arg1, %mul3A_36 : i32
    %add3A_38 = arith.constant 320 : i32
    %add3A_39 = arith.addi %mul3A_37, %add3A_38 : i32
    %run_scoped3A_40 = arith.constant 0 : i32
    "tpu.region"() ({
      %run_scoped3A_152 = tpu.sem_alloc : memref<!tpu.dma_semaphore, #tpu.memory_space<semaphore_mem>>
      %dma_start3A = arith.constant 0 : i32
      %dma_start3A_153 = arith.constant 0 : i32
      %dma_start3A_154 = tpu.memref_slice %arg11[%run_scoped3A_40, %dma_start3A, %dma_start3A_153] : memref<3x64x128xf32, #tpu.memory_space<vmem>> -> memref<1x64x128xf32, #tpu.memory_space<vmem>>
      %dma_start3A_155 = tpu.memref_squeeze %dma_start3A_154 : memref<1x64x128xf32, #tpu.memory_space<vmem>> -> memref<64x128xf32, #tpu.memory_space<vmem>>
      %dma_start3A_156 = arith.constant 0 : i32
      %dma_start3A_157 = tpu.memref_slice %arg13[%add3A_39, %dma_start3A_156] : memref<10240x128xf32, #tpu.memory_space<vmem_shared>> -> memref<64x128xf32, #tpu.memory_space<vmem_shared>>
      %dma_start3A_158 = arith.constant 0 : i32
      %dma_start3A_159 = tpu.memref_slice %arg13[%add3A_39, %dma_start3A_158] : memref<10240x128xf32, #tpu.memory_space<vmem_shared>> -> memref<64x128xf32, #tpu.memory_space<vmem_shared>>
      %dma_start3A_160 = arith.constant 0 : i32
      %dma_start3A_161 = arith.constant 0 : i32
      %dma_start3A_162 = tpu.memref_slice %arg11[%run_scoped3A_40, %dma_start3A_160, %dma_start3A_161] : memref<3x64x128xf32, #tpu.memory_space<vmem>> -> memref<1x64x128xf32, #tpu.memory_space<vmem>>
      %dma_start3A_163 = tpu.memref_squeeze %dma_start3A_162 : memref<1x64x128xf32, #tpu.memory_space<vmem>> -> memref<64x128xf32, #tpu.memory_space<vmem>>
      tpu.enqueue_dma source(%dma_start3A_163 : memref<64x128xf32, #tpu.memory_space<vmem>>) target(%dma_start3A_159 : memref<64x128xf32, #tpu.memory_space<vmem_shared>>) target_semaphore(%run_scoped3A_152 : memref<!tpu.dma_semaphore, #tpu.memory_space<semaphore_mem>>)
      %dma_wait3A = arith.constant 0 : i32
      %dma_wait3A_164 = arith.constant 0 : i32
      %dma_wait3A_165 = tpu.memref_slice %arg11[%run_scoped3A_40, %dma_wait3A, %dma_wait3A_164] : memref<3x64x128xf32, #tpu.memory_space<vmem>> -> memref<1x64x128xf32, #tpu.memory_space<vmem>>
      %dma_wait3A_166 = tpu.memref_squeeze %dma_wait3A_165 : memref<1x64x128xf32, #tpu.memory_space<vmem>> -> memref<64x128xf32, #tpu.memory_space<vmem>>
      %dma_wait3A_167 = arith.constant 0 : i32
      %dma_wait3A_168 = tpu.memref_slice %arg13[%add3A_39, %dma_wait3A_167] : memref<10240x128xf32, #tpu.memory_space<vmem_shared>> -> memref<64x128xf32, #tpu.memory_space<vmem_shared>>
      %dma_wait3A_169 = arith.constant 0 : i32
      %dma_wait3A_170 = tpu.memref_slice %arg13[%add3A_39, %dma_wait3A_169] : memref<10240x128xf32, #tpu.memory_space<vmem_shared>> -> memref<64x128xf32, #tpu.memory_space<vmem_shared>>
      %dma_wait3A_171 = arith.constant 0 : i32
      %dma_wait3A_172 = arith.constant 0 : i32
      %dma_wait3A_173 = tpu.memref_slice %arg11[%run_scoped3A_40, %dma_wait3A_171, %dma_wait3A_172] : memref<3x64x128xf32, #tpu.memory_space<vmem>> -> memref<1x64x128xf32, #tpu.memory_space<vmem>>
      %dma_wait3A_174 = tpu.memref_squeeze %dma_wait3A_173 : memref<1x64x128xf32, #tpu.memory_space<vmem>> -> memref<64x128xf32, #tpu.memory_space<vmem>>
      tpu.wait_dma2 semaphore(%run_scoped3A_152 : memref<!tpu.dma_semaphore, #tpu.memory_space<semaphore_mem>>) src(%dma_wait3A_174 : memref<64x128xf32, #tpu.memory_space<vmem>>) dst(%dma_wait3A_170 : memref<64x128xf32, #tpu.memory_space<vmem_shared>>)
      tpu.yield
    }) : () -> ()
    %run_scoped3A_41 = arith.constant 0 : i32
    "tpu.region"() ({
      %run_scoped3A_152 = tpu.sem_alloc : memref<!tpu.dma_semaphore, #tpu.memory_space<semaphore_mem>>
      %dma_start3A = arith.constant 0 : i32
      %dma_start3A_153 = arith.constant 0 : i32
      %dma_start3A_154 = tpu.memref_slice %arg12[%run_scoped3A_41, %dma_start3A, %dma_start3A_153] : memref<6x64x16xf32, #tpu.memory_space<vmem>> -> memref<1x64x16xf32, #tpu.memory_space<vmem>>
      %dma_start3A_155 = tpu.memref_squeeze %dma_start3A_154 : memref<1x64x16xf32, #tpu.memory_space<vmem>> -> memref<64x16xf32, #tpu.memory_space<vmem>>
      %dma_start3A_156 = arith.constant 0 : i32
      %dma_start3A_157 = tpu.memref_slice %arg14[%add3A_39, %dma_start3A_156] : memref<10240x16xf32, #tpu.memory_space<vmem_shared>> -> memref<64x16xf32, #tpu.memory_space<vmem_shared>>
      %dma_start3A_158 = arith.constant 0 : i32
      %dma_start3A_159 = tpu.memref_slice %arg14[%add3A_39, %dma_start3A_158] : memref<10240x16xf32, #tpu.memory_space<vmem_shared>> -> memref<64x16xf32, #tpu.memory_space<vmem_shared>>
      %dma_start3A_160 = arith.constant 0 : i32
      %dma_start3A_161 = arith.constant 0 : i32
      %dma_start3A_162 = tpu.memref_slice %arg12[%run_scoped3A_41, %dma_start3A_160, %dma_start3A_161] : memref<6x64x16xf32, #tpu.memory_space<vmem>> -> memref<1x64x16xf32, #tpu.memory_space<vmem>>
      %dma_start3A_163 = tpu.memref_squeeze %dma_start3A_162 : memref<1x64x16xf32, #tpu.memory_space<vmem>> -> memref<64x16xf32, #tpu.memory_space<vmem>>
      tpu.enqueue_dma source(%dma_start3A_163 : memref<64x16xf32, #tpu.memory_space<vmem>>) target(%dma_start3A_159 : memref<64x16xf32, #tpu.memory_space<vmem_shared>>) target_semaphore(%run_scoped3A_152 : memref<!tpu.dma_semaphore, #tpu.memory_space<semaphore_mem>>)
      %dma_wait3A = arith.constant 0 : i32
      %dma_wait3A_164 = arith.constant 0 : i32
      %dma_wait3A_165 = tpu.memref_slice %arg12[%run_scoped3A_41, %dma_wait3A, %dma_wait3A_164] : memref<6x64x16xf32, #tpu.memory_space<vmem>> -> memref<1x64x16xf32, #tpu.memory_space<vmem>>
      %dma_wait3A_166 = tpu.memref_squeeze %dma_wait3A_165 : memref<1x64x16xf32, #tpu.memory_space<vmem>> -> memref<64x16xf32, #tpu.memory_space<vmem>>
      %dma_wait3A_167 = arith.constant 0 : i32
      %dma_wait3A_168 = tpu.memref_slice %arg14[%add3A_39, %dma_wait3A_167] : memref<10240x16xf32, #tpu.memory_space<vmem_shared>> -> memref<64x16xf32, #tpu.memory_space<vmem_shared>>
      %dma_wait3A_169 = arith.constant 0 : i32
      %dma_wait3A_170 = tpu.memref_slice %arg14[%add3A_39, %dma_wait3A_169] : memref<10240x16xf32, #tpu.memory_space<vmem_shared>> -> memref<64x16xf32, #tpu.memory_space<vmem_shared>>
      %dma_wait3A_171 = arith.constant 0 : i32
      %dma_wait3A_172 = arith.constant 0 : i32
      %dma_wait3A_173 = tpu.memref_slice %arg12[%run_scoped3A_41, %dma_wait3A_171, %dma_wait3A_172] : memref<6x64x16xf32, #tpu.memory_space<vmem>> -> memref<1x64x16xf32, #tpu.memory_space<vmem>>
      %dma_wait3A_174 = tpu.memref_squeeze %dma_wait3A_173 : memref<1x64x16xf32, #tpu.memory_space<vmem>> -> memref<64x16xf32, #tpu.memory_space<vmem>>
      tpu.wait_dma2 semaphore(%run_scoped3A_152 : memref<!tpu.dma_semaphore, #tpu.memory_space<semaphore_mem>>) src(%dma_wait3A_174 : memref<64x16xf32, #tpu.memory_space<vmem>>) dst(%dma_wait3A_170 : memref<64x16xf32, #tpu.memory_space<vmem_shared>>)
      tpu.yield
    }) : () -> ()
    %mul3A_42 = arith.constant 640 : i32
    %mul3A_43 = arith.muli %arg1, %mul3A_42 : i32
    %add3A_44 = arith.constant 384 : i32
    %add3A_45 = arith.addi %mul3A_43, %add3A_44 : i32
    %run_scoped3A_46 = arith.constant 0 : i32
    "tpu.region"() ({
      %run_scoped3A_152 = tpu.sem_alloc : memref<!tpu.dma_semaphore, #tpu.memory_space<semaphore_mem>>
      %dma_start3A = arith.constant 0 : i32
      %dma_start3A_153 = arith.constant 0 : i32
      %dma_start3A_154 = tpu.memref_slice %arg11[%run_scoped3A_46, %dma_start3A, %dma_start3A_153] : memref<3x64x128xf32, #tpu.memory_space<vmem>> -> memref<1x64x128xf32, #tpu.memory_space<vmem>>
      %dma_start3A_155 = tpu.memref_squeeze %dma_start3A_154 : memref<1x64x128xf32, #tpu.memory_space<vmem>> -> memref<64x128xf32, #tpu.memory_space<vmem>>
      %dma_start3A_156 = arith.constant 0 : i32
      %dma_start3A_157 = tpu.memref_slice %arg13[%add3A_45, %dma_start3A_156] : memref<10240x128xf32, #tpu.memory_space<vmem_shared>> -> memref<64x128xf32, #tpu.memory_space<vmem_shared>>
      %dma_start3A_158 = arith.constant 0 : i32
      %dma_start3A_159 = tpu.memref_slice %arg13[%add3A_45, %dma_start3A_158] : memref<10240x128xf32, #tpu.memory_space<vmem_shared>> -> memref<64x128xf32, #tpu.memory_space<vmem_shared>>
      %dma_start3A_160 = arith.constant 0 : i32
      %dma_start3A_161 = arith.constant 0 : i32
      %dma_start3A_162 = tpu.memref_slice %arg11[%run_scoped3A_46, %dma_start3A_160, %dma_start3A_161] : memref<3x64x128xf32, #tpu.memory_space<vmem>> -> memref<1x64x128xf32, #tpu.memory_space<vmem>>
      %dma_start3A_163 = tpu.memref_squeeze %dma_start3A_162 : memref<1x64x128xf32, #tpu.memory_space<vmem>> -> memref<64x128xf32, #tpu.memory_space<vmem>>
      tpu.enqueue_dma source(%dma_start3A_163 : memref<64x128xf32, #tpu.memory_space<vmem>>) target(%dma_start3A_159 : memref<64x128xf32, #tpu.memory_space<vmem_shared>>) target_semaphore(%run_scoped3A_152 : memref<!tpu.dma_semaphore, #tpu.memory_space<semaphore_mem>>)
      %dma_wait3A = arith.constant 0 : i32
      %dma_wait3A_164 = arith.constant 0 : i32
      %dma_wait3A_165 = tpu.memref_slice %arg11[%run_scoped3A_46, %dma_wait3A, %dma_wait3A_164] : memref<3x64x128xf32, #tpu.memory_space<vmem>> -> memref<1x64x128xf32, #tpu.memory_space<vmem>>
      %dma_wait3A_166 = tpu.memref_squeeze %dma_wait3A_165 : memref<1x64x128xf32, #tpu.memory_space<vmem>> -> memref<64x128xf32, #tpu.memory_space<vmem>>
      %dma_wait3A_167 = arith.constant 0 : i32
      %dma_wait3A_168 = tpu.memref_slice %arg13[%add3A_45, %dma_wait3A_167] : memref<10240x128xf32, #tpu.memory_space<vmem_shared>> -> memref<64x128xf32, #tpu.memory_space<vmem_shared>>
      %dma_wait3A_169 = arith.constant 0 : i32
      %dma_wait3A_170 = tpu.memref_slice %arg13[%add3A_45, %dma_wait3A_169] : memref<10240x128xf32, #tpu.memory_space<vmem_shared>> -> memref<64x128xf32, #tpu.memory_space<vmem_shared>>
      %dma_wait3A_171 = arith.constant 0 : i32
      %dma_wait3A_172 = arith.constant 0 : i32
      %dma_wait3A_173 = tpu.memref_slice %arg11[%run_scoped3A_46, %dma_wait3A_171, %dma_wait3A_172] : memref<3x64x128xf32, #tpu.memory_space<vmem>> -> memref<1x64x128xf32, #tpu.memory_space<vmem>>
      %dma_wait3A_174 = tpu.memref_squeeze %dma_wait3A_173 : memref<1x64x128xf32, #tpu.memory_space<vmem>> -> memref<64x128xf32, #tpu.memory_space<vmem>>
      tpu.wait_dma2 semaphore(%run_scoped3A_152 : memref<!tpu.dma_semaphore, #tpu.memory_space<semaphore_mem>>) src(%dma_wait3A_174 : memref<64x128xf32, #tpu.memory_space<vmem>>) dst(%dma_wait3A_170 : memref<64x128xf32, #tpu.memory_space<vmem_shared>>)
      tpu.yield
    }) : () -> ()
    %run_scoped3A_47 = arith.constant 0 : i32
    "tpu.region"() ({
      %run_scoped3A_152 = tpu.sem_alloc : memref<!tpu.dma_semaphore, #tpu.memory_space<semaphore_mem>>
      %dma_start3A = arith.constant 0 : i32
      %dma_start3A_153 = arith.constant 0 : i32
      %dma_start3A_154 = tpu.memref_slice %arg12[%run_scoped3A_47, %dma_start3A, %dma_start3A_153] : memref<6x64x16xf32, #tpu.memory_space<vmem>> -> memref<1x64x16xf32, #tpu.memory_space<vmem>>
      %dma_start3A_155 = tpu.memref_squeeze %dma_start3A_154 : memref<1x64x16xf32, #tpu.memory_space<vmem>> -> memref<64x16xf32, #tpu.memory_space<vmem>>
      %dma_start3A_156 = arith.constant 0 : i32
      %dma_start3A_157 = tpu.memref_slice %arg14[%add3A_45, %dma_start3A_156] : memref<10240x16xf32, #tpu.memory_space<vmem_shared>> -> memref<64x16xf32, #tpu.memory_space<vmem_shared>>
      %dma_start3A_158 = arith.constant 0 : i32
      %dma_start3A_159 = tpu.memref_slice %arg14[%add3A_45, %dma_start3A_158] : memref<10240x16xf32, #tpu.memory_space<vmem_shared>> -> memref<64x16xf32, #tpu.memory_space<vmem_shared>>
      %dma_start3A_160 = arith.constant 0 : i32
      %dma_start3A_161 = arith.constant 0 : i32
      %dma_start3A_162 = tpu.memref_slice %arg12[%run_scoped3A_47, %dma_start3A_160, %dma_start3A_161] : memref<6x64x16xf32, #tpu.memory_space<vmem>> -> memref<1x64x16xf32, #tpu.memory_space<vmem>>
      %dma_start3A_163 = tpu.memref_squeeze %dma_start3A_162 : memref<1x64x16xf32, #tpu.memory_space<vmem>> -> memref<64x16xf32, #tpu.memory_space<vmem>>
      tpu.enqueue_dma source(%dma_start3A_163 : memref<64x16xf32, #tpu.memory_space<vmem>>) target(%dma_start3A_159 : memref<64x16xf32, #tpu.memory_space<vmem_shared>>) target_semaphore(%run_scoped3A_152 : memref<!tpu.dma_semaphore, #tpu.memory_space<semaphore_mem>>)
      %dma_wait3A = arith.constant 0 : i32
      %dma_wait3A_164 = arith.constant 0 : i32
      %dma_wait3A_165 = tpu.memref_slice %arg12[%run_scoped3A_47, %dma_wait3A, %dma_wait3A_164] : memref<6x64x16xf32, #tpu.memory_space<vmem>> -> memref<1x64x16xf32, #tpu.memory_space<vmem>>
      %dma_wait3A_166 = tpu.memref_squeeze %dma_wait3A_165 : memref<1x64x16xf32, #tpu.memory_space<vmem>> -> memref<64x16xf32, #tpu.memory_space<vmem>>
      %dma_wait3A_167 = arith.constant 0 : i32
      %dma_wait3A_168 = tpu.memref_slice %arg14[%add3A_45, %dma_wait3A_167] : memref<10240x16xf32, #tpu.memory_space<vmem_shared>> -> memref<64x16xf32, #tpu.memory_space<vmem_shared>>
      %dma_wait3A_169 = arith.constant 0 : i32
      %dma_wait3A_170 = tpu.memref_slice %arg14[%add3A_45, %dma_wait3A_169] : memref<10240x16xf32, #tpu.memory_space<vmem_shared>> -> memref<64x16xf32, #tpu.memory_space<vmem_shared>>
      %dma_wait3A_171 = arith.constant 0 : i32
      %dma_wait3A_172 = arith.constant 0 : i32
      %dma_wait3A_173 = tpu.memref_slice %arg12[%run_scoped3A_47, %dma_wait3A_171, %dma_wait3A_172] : memref<6x64x16xf32, #tpu.memory_space<vmem>> -> memref<1x64x16xf32, #tpu.memory_space<vmem>>
      %dma_wait3A_174 = tpu.memref_squeeze %dma_wait3A_173 : memref<1x64x16xf32, #tpu.memory_space<vmem>> -> memref<64x16xf32, #tpu.memory_space<vmem>>
      tpu.wait_dma2 semaphore(%run_scoped3A_152 : memref<!tpu.dma_semaphore, #tpu.memory_space<semaphore_mem>>) src(%dma_wait3A_174 : memref<64x16xf32, #tpu.memory_space<vmem>>) dst(%dma_wait3A_170 : memref<64x16xf32, #tpu.memory_space<vmem_shared>>)
      tpu.yield
    }) : () -> ()
    %mul3A_48 = arith.constant 640 : i32
    %mul3A_49 = arith.muli %arg1, %mul3A_48 : i32
    %add3A_50 = arith.constant 448 : i32
    %add3A_51 = arith.addi %mul3A_49, %add3A_50 : i32
    %run_scoped3A_52 = arith.constant 0 : i32
    "tpu.region"() ({
      %run_scoped3A_152 = tpu.sem_alloc : memref<!tpu.dma_semaphore, #tpu.memory_space<semaphore_mem>>
      %dma_start3A = arith.constant 0 : i32
      %dma_start3A_153 = arith.constant 0 : i32
      %dma_start3A_154 = tpu.memref_slice %arg11[%run_scoped3A_52, %dma_start3A, %dma_start3A_153] : memref<3x64x128xf32, #tpu.memory_space<vmem>> -> memref<1x64x128xf32, #tpu.memory_space<vmem>>
      %dma_start3A_155 = tpu.memref_squeeze %dma_start3A_154 : memref<1x64x128xf32, #tpu.memory_space<vmem>> -> memref<64x128xf32, #tpu.memory_space<vmem>>
      %dma_start3A_156 = arith.constant 0 : i32
      %dma_start3A_157 = tpu.memref_slice %arg13[%add3A_51, %dma_start3A_156] : memref<10240x128xf32, #tpu.memory_space<vmem_shared>> -> memref<64x128xf32, #tpu.memory_space<vmem_shared>>
      %dma_start3A_158 = arith.constant 0 : i32
      %dma_start3A_159 = tpu.memref_slice %arg13[%add3A_51, %dma_start3A_158] : memref<10240x128xf32, #tpu.memory_space<vmem_shared>> -> memref<64x128xf32, #tpu.memory_space<vmem_shared>>
      %dma_start3A_160 = arith.constant 0 : i32
      %dma_start3A_161 = arith.constant 0 : i32
      %dma_start3A_162 = tpu.memref_slice %arg11[%run_scoped3A_52, %dma_start3A_160, %dma_start3A_161] : memref<3x64x128xf32, #tpu.memory_space<vmem>> -> memref<1x64x128xf32, #tpu.memory_space<vmem>>
      %dma_start3A_163 = tpu.memref_squeeze %dma_start3A_162 : memref<1x64x128xf32, #tpu.memory_space<vmem>> -> memref<64x128xf32, #tpu.memory_space<vmem>>
      tpu.enqueue_dma source(%dma_start3A_163 : memref<64x128xf32, #tpu.memory_space<vmem>>) target(%dma_start3A_159 : memref<64x128xf32, #tpu.memory_space<vmem_shared>>) target_semaphore(%run_scoped3A_152 : memref<!tpu.dma_semaphore, #tpu.memory_space<semaphore_mem>>)
      %dma_wait3A = arith.constant 0 : i32
      %dma_wait3A_164 = arith.constant 0 : i32
      %dma_wait3A_165 = tpu.memref_slice %arg11[%run_scoped3A_52, %dma_wait3A, %dma_wait3A_164] : memref<3x64x128xf32, #tpu.memory_space<vmem>> -> memref<1x64x128xf32, #tpu.memory_space<vmem>>
      %dma_wait3A_166 = tpu.memref_squeeze %dma_wait3A_165 : memref<1x64x128xf32, #tpu.memory_space<vmem>> -> memref<64x128xf32, #tpu.memory_space<vmem>>
      %dma_wait3A_167 = arith.constant 0 : i32
      %dma_wait3A_168 = tpu.memref_slice %arg13[%add3A_51, %dma_wait3A_167] : memref<10240x128xf32, #tpu.memory_space<vmem_shared>> -> memref<64x128xf32, #tpu.memory_space<vmem_shared>>
      %dma_wait3A_169 = arith.constant 0 : i32
      %dma_wait3A_170 = tpu.memref_slice %arg13[%add3A_51, %dma_wait3A_169] : memref<10240x128xf32, #tpu.memory_space<vmem_shared>> -> memref<64x128xf32, #tpu.memory_space<vmem_shared>>
      %dma_wait3A_171 = arith.constant 0 : i32
      %dma_wait3A_172 = arith.constant 0 : i32
      %dma_wait3A_173 = tpu.memref_slice %arg11[%run_scoped3A_52, %dma_wait3A_171, %dma_wait3A_172] : memref<3x64x128xf32, #tpu.memory_space<vmem>> -> memref<1x64x128xf32, #tpu.memory_space<vmem>>
      %dma_wait3A_174 = tpu.memref_squeeze %dma_wait3A_173 : memref<1x64x128xf32, #tpu.memory_space<vmem>> -> memref<64x128xf32, #tpu.memory_space<vmem>>
      tpu.wait_dma2 semaphore(%run_scoped3A_152 : memref<!tpu.dma_semaphore, #tpu.memory_space<semaphore_mem>>) src(%dma_wait3A_174 : memref<64x128xf32, #tpu.memory_space<vmem>>) dst(%dma_wait3A_170 : memref<64x128xf32, #tpu.memory_space<vmem_shared>>)
      tpu.yield
    }) : () -> ()
    %run_scoped3A_53 = arith.constant 0 : i32
    "tpu.region"() ({
      %run_scoped3A_152 = tpu.sem_alloc : memref<!tpu.dma_semaphore, #tpu.memory_space<semaphore_mem>>
      %dma_start3A = arith.constant 0 : i32
      %dma_start3A_153 = arith.constant 0 : i32
      %dma_start3A_154 = tpu.memref_slice %arg12[%run_scoped3A_53, %dma_start3A, %dma_start3A_153] : memref<6x64x16xf32, #tpu.memory_space<vmem>> -> memref<1x64x16xf32, #tpu.memory_space<vmem>>
      %dma_start3A_155 = tpu.memref_squeeze %dma_start3A_154 : memref<1x64x16xf32, #tpu.memory_space<vmem>> -> memref<64x16xf32, #tpu.memory_space<vmem>>
      %dma_start3A_156 = arith.constant 0 : i32
      %dma_start3A_157 = tpu.memref_slice %arg14[%add3A_51, %dma_start3A_156] : memref<10240x16xf32, #tpu.memory_space<vmem_shared>> -> memref<64x16xf32, #tpu.memory_space<vmem_shared>>
      %dma_start3A_158 = arith.constant 0 : i32
      %dma_start3A_159 = tpu.memref_slice %arg14[%add3A_51, %dma_start3A_158] : memref<10240x16xf32, #tpu.memory_space<vmem_shared>> -> memref<64x16xf32, #tpu.memory_space<vmem_shared>>
      %dma_start3A_160 = arith.constant 0 : i32
      %dma_start3A_161 = arith.constant 0 : i32
      %dma_start3A_162 = tpu.memref_slice %arg12[%run_scoped3A_53, %dma_start3A_160, %dma_start3A_161] : memref<6x64x16xf32, #tpu.memory_space<vmem>> -> memref<1x64x16xf32, #tpu.memory_space<vmem>>
      %dma_start3A_163 = tpu.memref_squeeze %dma_start3A_162 : memref<1x64x16xf32, #tpu.memory_space<vmem>> -> memref<64x16xf32, #tpu.memory_space<vmem>>
      tpu.enqueue_dma source(%dma_start3A_163 : memref<64x16xf32, #tpu.memory_space<vmem>>) target(%dma_start3A_159 : memref<64x16xf32, #tpu.memory_space<vmem_shared>>) target_semaphore(%run_scoped3A_152 : memref<!tpu.dma_semaphore, #tpu.memory_space<semaphore_mem>>)
      %dma_wait3A = arith.constant 0 : i32
      %dma_wait3A_164 = arith.constant 0 : i32
      %dma_wait3A_165 = tpu.memref_slice %arg12[%run_scoped3A_53, %dma_wait3A, %dma_wait3A_164] : memref<6x64x16xf32, #tpu.memory_space<vmem>> -> memref<1x64x16xf32, #tpu.memory_space<vmem>>
      %dma_wait3A_166 = tpu.memref_squeeze %dma_wait3A_165 : memref<1x64x16xf32, #tpu.memory_space<vmem>> -> memref<64x16xf32, #tpu.memory_space<vmem>>
      %dma_wait3A_167 = arith.constant 0 : i32
      %dma_wait3A_168 = tpu.memref_slice %arg14[%add3A_51, %dma_wait3A_167] : memref<10240x16xf32, #tpu.memory_space<vmem_shared>> -> memref<64x16xf32, #tpu.memory_space<vmem_shared>>
      %dma_wait3A_169 = arith.constant 0 : i32
      %dma_wait3A_170 = tpu.memref_slice %arg14[%add3A_51, %dma_wait3A_169] : memref<10240x16xf32, #tpu.memory_space<vmem_shared>> -> memref<64x16xf32, #tpu.memory_space<vmem_shared>>
      %dma_wait3A_171 = arith.constant 0 : i32
      %dma_wait3A_172 = arith.constant 0 : i32
      %dma_wait3A_173 = tpu.memref_slice %arg12[%run_scoped3A_53, %dma_wait3A_171, %dma_wait3A_172] : memref<6x64x16xf32, #tpu.memory_space<vmem>> -> memref<1x64x16xf32, #tpu.memory_space<vmem>>
      %dma_wait3A_174 = tpu.memref_squeeze %dma_wait3A_173 : memref<1x64x16xf32, #tpu.memory_space<vmem>> -> memref<64x16xf32, #tpu.memory_space<vmem>>
      tpu.wait_dma2 semaphore(%run_scoped3A_152 : memref<!tpu.dma_semaphore, #tpu.memory_space<semaphore_mem>>) src(%dma_wait3A_174 : memref<64x16xf32, #tpu.memory_space<vmem>>) dst(%dma_wait3A_170 : memref<64x16xf32, #tpu.memory_space<vmem_shared>>)
      tpu.yield
    }) : () -> ()
    %mul3A_54 = arith.constant 640 : i32
    %mul3A_55 = arith.muli %arg1, %mul3A_54 : i32
    %add3A_56 = arith.constant 512 : i32
    %add3A_57 = arith.addi %mul3A_55, %add3A_56 : i32
    %run_scoped3A_58 = arith.constant 0 : i32
    "tpu.region"() ({
      %run_scoped3A_152 = tpu.sem_alloc : memref<!tpu.dma_semaphore, #tpu.memory_space<semaphore_mem>>
      %dma_start3A = arith.constant 0 : i32
      %dma_start3A_153 = arith.constant 0 : i32
      %dma_start3A_154 = tpu.memref_slice %arg11[%run_scoped3A_58, %dma_start3A, %dma_start3A_153] : memref<3x64x128xf32, #tpu.memory_space<vmem>> -> memref<1x64x128xf32, #tpu.memory_space<vmem>>
      %dma_start3A_155 = tpu.memref_squeeze %dma_start3A_154 : memref<1x64x128xf32, #tpu.memory_space<vmem>> -> memref<64x128xf32, #tpu.memory_space<vmem>>
      %dma_start3A_156 = arith.constant 0 : i32
      %dma_start3A_157 = tpu.memref_slice %arg13[%add3A_57, %dma_start3A_156] : memref<10240x128xf32, #tpu.memory_space<vmem_shared>> -> memref<64x128xf32, #tpu.memory_space<vmem_shared>>
      %dma_start3A_158 = arith.constant 0 : i32
      %dma_start3A_159 = tpu.memref_slice %arg13[%add3A_57, %dma_start3A_158] : memref<10240x128xf32, #tpu.memory_space<vmem_shared>> -> memref<64x128xf32, #tpu.memory_space<vmem_shared>>
      %dma_start3A_160 = arith.constant 0 : i32
      %dma_start3A_161 = arith.constant 0 : i32
      %dma_start3A_162 = tpu.memref_slice %arg11[%run_scoped3A_58, %dma_start3A_160, %dma_start3A_161] : memref<3x64x128xf32, #tpu.memory_space<vmem>> -> memref<1x64x128xf32, #tpu.memory_space<vmem>>
      %dma_start3A_163 = tpu.memref_squeeze %dma_start3A_162 : memref<1x64x128xf32, #tpu.memory_space<vmem>> -> memref<64x128xf32, #tpu.memory_space<vmem>>
      tpu.enqueue_dma source(%dma_start3A_163 : memref<64x128xf32, #tpu.memory_space<vmem>>) target(%dma_start3A_159 : memref<64x128xf32, #tpu.memory_space<vmem_shared>>) target_semaphore(%run_scoped3A_152 : memref<!tpu.dma_semaphore, #tpu.memory_space<semaphore_mem>>)
      %dma_wait3A = arith.constant 0 : i32
      %dma_wait3A_164 = arith.constant 0 : i32
      %dma_wait3A_165 = tpu.memref_slice %arg11[%run_scoped3A_58, %dma_wait3A, %dma_wait3A_164] : memref<3x64x128xf32, #tpu.memory_space<vmem>> -> memref<1x64x128xf32, #tpu.memory_space<vmem>>
      %dma_wait3A_166 = tpu.memref_squeeze %dma_wait3A_165 : memref<1x64x128xf32, #tpu.memory_space<vmem>> -> memref<64x128xf32, #tpu.memory_space<vmem>>
      %dma_wait3A_167 = arith.constant 0 : i32
      %dma_wait3A_168 = tpu.memref_slice %arg13[%add3A_57, %dma_wait3A_167] : memref<10240x128xf32, #tpu.memory_space<vmem_shared>> -> memref<64x128xf32, #tpu.memory_space<vmem_shared>>
      %dma_wait3A_169 = arith.constant 0 : i32
      %dma_wait3A_170 = tpu.memref_slice %arg13[%add3A_57, %dma_wait3A_169] : memref<10240x128xf32, #tpu.memory_space<vmem_shared>> -> memref<64x128xf32, #tpu.memory_space<vmem_shared>>
      %dma_wait3A_171 = arith.constant 0 : i32
      %dma_wait3A_172 = arith.constant 0 : i32
      %dma_wait3A_173 = tpu.memref_slice %arg11[%run_scoped3A_58, %dma_wait3A_171, %dma_wait3A_172] : memref<3x64x128xf32, #tpu.memory_space<vmem>> -> memref<1x64x128xf32, #tpu.memory_space<vmem>>
      %dma_wait3A_174 = tpu.memref_squeeze %dma_wait3A_173 : memref<1x64x128xf32, #tpu.memory_space<vmem>> -> memref<64x128xf32, #tpu.memory_space<vmem>>
      tpu.wait_dma2 semaphore(%run_scoped3A_152 : memref<!tpu.dma_semaphore, #tpu.memory_space<semaphore_mem>>) src(%dma_wait3A_174 : memref<64x128xf32, #tpu.memory_space<vmem>>) dst(%dma_wait3A_170 : memref<64x128xf32, #tpu.memory_space<vmem_shared>>)
      tpu.yield
    }) : () -> ()
    %run_scoped3A_59 = arith.constant 0 : i32
    "tpu.region"() ({
      %run_scoped3A_152 = tpu.sem_alloc : memref<!tpu.dma_semaphore, #tpu.memory_space<semaphore_mem>>
      %dma_start3A = arith.constant 0 : i32
      %dma_start3A_153 = arith.constant 0 : i32
      %dma_start3A_154 = tpu.memref_slice %arg12[%run_scoped3A_59, %dma_start3A, %dma_start3A_153] : memref<6x64x16xf32, #tpu.memory_space<vmem>> -> memref<1x64x16xf32, #tpu.memory_space<vmem>>
      %dma_start3A_155 = tpu.memref_squeeze %dma_start3A_154 : memref<1x64x16xf32, #tpu.memory_space<vmem>> -> memref<64x16xf32, #tpu.memory_space<vmem>>
      %dma_start3A_156 = arith.constant 0 : i32
      %dma_start3A_157 = tpu.memref_slice %arg14[%add3A_57, %dma_start3A_156] : memref<10240x16xf32, #tpu.memory_space<vmem_shared>> -> memref<64x16xf32, #tpu.memory_space<vmem_shared>>
      %dma_start3A_158 = arith.constant 0 : i32
      %dma_start3A_159 = tpu.memref_slice %arg14[%add3A_57, %dma_start3A_158] : memref<10240x16xf32, #tpu.memory_space<vmem_shared>> -> memref<64x16xf32, #tpu.memory_space<vmem_shared>>
      %dma_start3A_160 = arith.constant 0 : i32
      %dma_start3A_161 = arith.constant 0 : i32
      %dma_start3A_162 = tpu.memref_slice %arg12[%run_scoped3A_59, %dma_start3A_160, %dma_start3A_161] : memref<6x64x16xf32, #tpu.memory_space<vmem>> -> memref<1x64x16xf32, #tpu.memory_space<vmem>>
      %dma_start3A_163 = tpu.memref_squeeze %dma_start3A_162 : memref<1x64x16xf32, #tpu.memory_space<vmem>> -> memref<64x16xf32, #tpu.memory_space<vmem>>
      tpu.enqueue_dma source(%dma_start3A_163 : memref<64x16xf32, #tpu.memory_space<vmem>>) target(%dma_start3A_159 : memref<64x16xf32, #tpu.memory_space<vmem_shared>>) target_semaphore(%run_scoped3A_152 : memref<!tpu.dma_semaphore, #tpu.memory_space<semaphore_mem>>)
      %dma_wait3A = arith.constant 0 : i32
      %dma_wait3A_164 = arith.constant 0 : i32
      %dma_wait3A_165 = tpu.memref_slice %arg12[%run_scoped3A_59, %dma_wait3A, %dma_wait3A_164] : memref<6x64x16xf32, #tpu.memory_space<vmem>> -> memref<1x64x16xf32, #tpu.memory_space<vmem>>
      %dma_wait3A_166 = tpu.memref_squeeze %dma_wait3A_165 : memref<1x64x16xf32, #tpu.memory_space<vmem>> -> memref<64x16xf32, #tpu.memory_space<vmem>>
      %dma_wait3A_167 = arith.constant 0 : i32
      %dma_wait3A_168 = tpu.memref_slice %arg14[%add3A_57, %dma_wait3A_167] : memref<10240x16xf32, #tpu.memory_space<vmem_shared>> -> memref<64x16xf32, #tpu.memory_space<vmem_shared>>
      %dma_wait3A_169 = arith.constant 0 : i32
      %dma_wait3A_170 = tpu.memref_slice %arg14[%add3A_57, %dma_wait3A_169] : memref<10240x16xf32, #tpu.memory_space<vmem_shared>> -> memref<64x16xf32, #tpu.memory_space<vmem_shared>>
      %dma_wait3A_171 = arith.constant 0 : i32
      %dma_wait3A_172 = arith.constant 0 : i32
      %dma_wait3A_173 = tpu.memref_slice %arg12[%run_scoped3A_59, %dma_wait3A_171, %dma_wait3A_172] : memref<6x64x16xf32, #tpu.memory_space<vmem>> -> memref<1x64x16xf32, #tpu.memory_space<vmem>>
      %dma_wait3A_174 = tpu.memref_squeeze %dma_wait3A_173 : memref<1x64x16xf32, #tpu.memory_space<vmem>> -> memref<64x16xf32, #tpu.memory_space<vmem>>
      tpu.wait_dma2 semaphore(%run_scoped3A_152 : memref<!tpu.dma_semaphore, #tpu.memory_space<semaphore_mem>>) src(%dma_wait3A_174 : memref<64x16xf32, #tpu.memory_space<vmem>>) dst(%dma_wait3A_170 : memref<64x16xf32, #tpu.memory_space<vmem_shared>>)
      tpu.yield
    }) : () -> ()
    %mul3A_60 = arith.constant 640 : i32
    %mul3A_61 = arith.muli %arg1, %mul3A_60 : i32
    %add3A_62 = arith.constant 576 : i32
    %add3A_63 = arith.addi %mul3A_61, %add3A_62 : i32
    %run_scoped3A_64 = arith.constant 0 : i32
    "tpu.region"() ({
      %run_scoped3A_152 = tpu.sem_alloc : memref<!tpu.dma_semaphore, #tpu.memory_space<semaphore_mem>>
      %dma_start3A = arith.constant 0 : i32
      %dma_start3A_153 = arith.constant 0 : i32
      %dma_start3A_154 = tpu.memref_slice %arg11[%run_scoped3A_64, %dma_start3A, %dma_start3A_153] : memref<3x64x128xf32, #tpu.memory_space<vmem>> -> memref<1x64x128xf32, #tpu.memory_space<vmem>>
      %dma_start3A_155 = tpu.memref_squeeze %dma_start3A_154 : memref<1x64x128xf32, #tpu.memory_space<vmem>> -> memref<64x128xf32, #tpu.memory_space<vmem>>
      %dma_start3A_156 = arith.constant 0 : i32
      %dma_start3A_157 = tpu.memref_slice %arg13[%add3A_63, %dma_start3A_156] : memref<10240x128xf32, #tpu.memory_space<vmem_shared>> -> memref<64x128xf32, #tpu.memory_space<vmem_shared>>
      %dma_start3A_158 = arith.constant 0 : i32
      %dma_start3A_159 = tpu.memref_slice %arg13[%add3A_63, %dma_start3A_158] : memref<10240x128xf32, #tpu.memory_space<vmem_shared>> -> memref<64x128xf32, #tpu.memory_space<vmem_shared>>
      %dma_start3A_160 = arith.constant 0 : i32
      %dma_start3A_161 = arith.constant 0 : i32
      %dma_start3A_162 = tpu.memref_slice %arg11[%run_scoped3A_64, %dma_start3A_160, %dma_start3A_161] : memref<3x64x128xf32, #tpu.memory_space<vmem>> -> memref<1x64x128xf32, #tpu.memory_space<vmem>>
      %dma_start3A_163 = tpu.memref_squeeze %dma_start3A_162 : memref<1x64x128xf32, #tpu.memory_space<vmem>> -> memref<64x128xf32, #tpu.memory_space<vmem>>
      tpu.enqueue_dma source(%dma_start3A_163 : memref<64x128xf32, #tpu.memory_space<vmem>>) target(%dma_start3A_159 : memref<64x128xf32, #tpu.memory_space<vmem_shared>>) target_semaphore(%run_scoped3A_152 : memref<!tpu.dma_semaphore, #tpu.memory_space<semaphore_mem>>)
      %dma_wait3A = arith.constant 0 : i32
      %dma_wait3A_164 = arith.constant 0 : i32
      %dma_wait3A_165 = tpu.memref_slice %arg11[%run_scoped3A_64, %dma_wait3A, %dma_wait3A_164] : memref<3x64x128xf32, #tpu.memory_space<vmem>> -> memref<1x64x128xf32, #tpu.memory_space<vmem>>
      %dma_wait3A_166 = tpu.memref_squeeze %dma_wait3A_165 : memref<1x64x128xf32, #tpu.memory_space<vmem>> -> memref<64x128xf32, #tpu.memory_space<vmem>>
      %dma_wait3A_167 = arith.constant 0 : i32
      %dma_wait3A_168 = tpu.memref_slice %arg13[%add3A_63, %dma_wait3A_167] : memref<10240x128xf32, #tpu.memory_space<vmem_shared>> -> memref<64x128xf32, #tpu.memory_space<vmem_shared>>
      %dma_wait3A_169 = arith.constant 0 : i32
      %dma_wait3A_170 = tpu.memref_slice %arg13[%add3A_63, %dma_wait3A_169] : memref<10240x128xf32, #tpu.memory_space<vmem_shared>> -> memref<64x128xf32, #tpu.memory_space<vmem_shared>>
      %dma_wait3A_171 = arith.constant 0 : i32
      %dma_wait3A_172 = arith.constant 0 : i32
      %dma_wait3A_173 = tpu.memref_slice %arg11[%run_scoped3A_64, %dma_wait3A_171, %dma_wait3A_172] : memref<3x64x128xf32, #tpu.memory_space<vmem>> -> memref<1x64x128xf32, #tpu.memory_space<vmem>>
      %dma_wait3A_174 = tpu.memref_squeeze %dma_wait3A_173 : memref<1x64x128xf32, #tpu.memory_space<vmem>> -> memref<64x128xf32, #tpu.memory_space<vmem>>
      tpu.wait_dma2 semaphore(%run_scoped3A_152 : memref<!tpu.dma_semaphore, #tpu.memory_space<semaphore_mem>>) src(%dma_wait3A_174 : memref<64x128xf32, #tpu.memory_space<vmem>>) dst(%dma_wait3A_170 : memref<64x128xf32, #tpu.memory_space<vmem_shared>>)
      tpu.yield
    }) : () -> ()
    %run_scoped3A_65 = arith.constant 0 : i32
    "tpu.region"() ({
      %run_scoped3A_152 = tpu.sem_alloc : memref<!tpu.dma_semaphore, #tpu.memory_space<semaphore_mem>>
      %dma_start3A = arith.constant 0 : i32
      %dma_start3A_153 = arith.constant 0 : i32
      %dma_start3A_154 = tpu.memref_slice %arg12[%run_scoped3A_65, %dma_start3A, %dma_start3A_153] : memref<6x64x16xf32, #tpu.memory_space<vmem>> -> memref<1x64x16xf32, #tpu.memory_space<vmem>>
      %dma_start3A_155 = tpu.memref_squeeze %dma_start3A_154 : memref<1x64x16xf32, #tpu.memory_space<vmem>> -> memref<64x16xf32, #tpu.memory_space<vmem>>
      %dma_start3A_156 = arith.constant 0 : i32
      %dma_start3A_157 = tpu.memref_slice %arg14[%add3A_63, %dma_start3A_156] : memref<10240x16xf32, #tpu.memory_space<vmem_shared>> -> memref<64x16xf32, #tpu.memory_space<vmem_shared>>
      %dma_start3A_158 = arith.constant 0 : i32
      %dma_start3A_159 = tpu.memref_slice %arg14[%add3A_63, %dma_start3A_158] : memref<10240x16xf32, #tpu.memory_space<vmem_shared>> -> memref<64x16xf32, #tpu.memory_space<vmem_shared>>
      %dma_start3A_160 = arith.constant 0 : i32
      %dma_start3A_161 = arith.constant 0 : i32
      %dma_start3A_162 = tpu.memref_slice %arg12[%run_scoped3A_65, %dma_start3A_160, %dma_start3A_161] : memref<6x64x16xf32, #tpu.memory_space<vmem>> -> memref<1x64x16xf32, #tpu.memory_space<vmem>>
      %dma_start3A_163 = tpu.memref_squeeze %dma_start3A_162 : memref<1x64x16xf32, #tpu.memory_space<vmem>> -> memref<64x16xf32, #tpu.memory_space<vmem>>
      tpu.enqueue_dma source(%dma_start3A_163 : memref<64x16xf32, #tpu.memory_space<vmem>>) target(%dma_start3A_159 : memref<64x16xf32, #tpu.memory_space<vmem_shared>>) target_semaphore(%run_scoped3A_152 : memref<!tpu.dma_semaphore, #tpu.memory_space<semaphore_mem>>)
      %dma_wait3A = arith.constant 0 : i32
      %dma_wait3A_164 = arith.constant 0 : i32
      %dma_wait3A_165 = tpu.memref_slice %arg12[%run_scoped3A_65, %dma_wait3A, %dma_wait3A_164] : memref<6x64x16xf32, #tpu.memory_space<vmem>> -> memref<1x64x16xf32, #tpu.memory_space<vmem>>
      %dma_wait3A_166 = tpu.memref_squeeze %dma_wait3A_165 : memref<1x64x16xf32, #tpu.memory_space<vmem>> -> memref<64x16xf32, #tpu.memory_space<vmem>>
      %dma_wait3A_167 = arith.constant 0 : i32
      %dma_wait3A_168 = tpu.memref_slice %arg14[%add3A_63, %dma_wait3A_167] : memref<10240x16xf32, #tpu.memory_space<vmem_shared>> -> memref<64x16xf32, #tpu.memory_space<vmem_shared>>
      %dma_wait3A_169 = arith.constant 0 : i32
      %dma_wait3A_170 = tpu.memref_slice %arg14[%add3A_63, %dma_wait3A_169] : memref<10240x16xf32, #tpu.memory_space<vmem_shared>> -> memref<64x16xf32, #tpu.memory_space<vmem_shared>>
      %dma_wait3A_171 = arith.constant 0 : i32
      %dma_wait3A_172 = arith.constant 0 : i32
      %dma_wait3A_173 = tpu.memref_slice %arg12[%run_scoped3A_65, %dma_wait3A_171, %dma_wait3A_172] : memref<6x64x16xf32, #tpu.memory_space<vmem>> -> memref<1x64x16xf32, #tpu.memory_space<vmem>>
      %dma_wait3A_174 = tpu.memref_squeeze %dma_wait3A_173 : memref<1x64x16xf32, #tpu.memory_space<vmem>> -> memref<64x16xf32, #tpu.memory_space<vmem>>
      tpu.wait_dma2 semaphore(%run_scoped3A_152 : memref<!tpu.dma_semaphore, #tpu.memory_space<semaphore_mem>>) src(%dma_wait3A_174 : memref<64x16xf32, #tpu.memory_space<vmem>>) dst(%dma_wait3A_170 : memref<64x16xf32, #tpu.memory_space<vmem_shared>>)
      tpu.yield
    }) : () -> ()
    %barrier3A = arith.constant 0 : index
    tpu.barrier barrier_id(%barrier3A)
    %scan3A = arith.constant 0 : i32
    %scan3A_66 = arith.constant 0 : i32
    %scan3A_67 = arith.constant 4 : i32
    %scan3A_68 = arith.addi %scan3A_66, %scan3A_67 : i32
    %scan3A_69 = arith.constant 1 : i32
    scf.for %scan3A_152 = %scan3A_66 to %scan3A_68 step %scan3A_69  : i32 {
      %mul3A_153 = arith.constant 40 : i32
      %mul3A_154 = arith.muli %scan3A_152, %mul3A_153 : i32
      %sub3A_155 = arith.subi %min3A_4, %mul3A_154 : i32
      %jit3A = arith.constant 0 : i32
      %jit3A_156 = arith.constant 40 : i32
      %max3A = arith.maxsi %jit3A, %sub3A_155 : i32
      %min3A_157 = arith.minsi %jit3A_156, %max3A : i32
      %gt3A = arith.constant 0 : i32
      %gt3A_158 = arith.cmpi sgt, %min3A_157, %gt3A : i32
      %convert_element_type3A = arith.extui %gt3A_158 : i1 to i32
      %cond3A = arith.constant 0 : i32
      %cond3A_159 = arith.cmpi ne, %convert_element_type3A, %cond3A : i32
      scf.if %cond3A_159 {
        %add3A_160 = arith.addi %mul3A_2, %mul3A_154 : i32
        "tpu.region"() ({
          %run_scoped3A_213 = tpu.sem_alloc : memref<!tpu.dma_semaphore, #tpu.memory_space<semaphore_mem>>
          %dma_start3A = arith.constant 0 : i32
          %dma_start3A_214 = tpu.memref_slice %arg4[%add3A_160, %dma_start3A] : memref<5000x64xi32, #tpu.memory_space<hbm>> -> memref<40x64xi32, #tpu.memory_space<hbm>>
          %dma_start3A_215 = arith.constant 0 : i32
          %dma_start3A_216 = tpu.memref_slice %arg4[%add3A_160, %dma_start3A_215] : memref<5000x64xi32, #tpu.memory_space<hbm>> -> memref<40x64xi32, #tpu.memory_space<hbm>>
          tpu.enqueue_dma source(%dma_start3A_216 : memref<40x64xi32, #tpu.memory_space<hbm>>) target(%arg9 : memref<40x64xi32, #tpu.memory_space<vmem>>) target_semaphore(%run_scoped3A_213 : memref<!tpu.dma_semaphore, #tpu.memory_space<semaphore_mem>>)
          %dma_wait3A = arith.constant 0 : i32
          %dma_wait3A_217 = tpu.memref_slice %arg4[%add3A_160, %dma_wait3A] : memref<5000x64xi32, #tpu.memory_space<hbm>> -> memref<40x64xi32, #tpu.memory_space<hbm>>
          %dma_wait3A_218 = arith.constant 0 : i32
          %dma_wait3A_219 = tpu.memref_slice %arg4[%add3A_160, %dma_wait3A_218] : memref<5000x64xi32, #tpu.memory_space<hbm>> -> memref<40x64xi32, #tpu.memory_space<hbm>>
          tpu.wait_dma2 semaphore(%run_scoped3A_213 : memref<!tpu.dma_semaphore, #tpu.memory_space<semaphore_mem>>) src(%dma_wait3A_219 : memref<40x64xi32, #tpu.memory_space<hbm>>) dst(%arg9 : memref<40x64xi32, #tpu.memory_space<vmem>>)
          tpu.yield
        }) : () -> ()
        %add3A_161 = arith.addi %mul3A_2, %mul3A_154 : i32
        "tpu.region"() ({
          %run_scoped3A_213 = tpu.sem_alloc : memref<!tpu.dma_semaphore, #tpu.memory_space<semaphore_mem>>
          %dma_start3A = arith.constant 0 : i32
          %dma_start3A_214 = tpu.memref_slice %arg5[%add3A_161, %dma_start3A] : memref<5000x64xi32, #tpu.memory_space<hbm>> -> memref<40x64xi32, #tpu.memory_space<hbm>>
          %dma_start3A_215 = arith.constant 0 : i32
          %dma_start3A_216 = tpu.memref_slice %arg5[%add3A_161, %dma_start3A_215] : memref<5000x64xi32, #tpu.memory_space<hbm>> -> memref<40x64xi32, #tpu.memory_space<hbm>>
          tpu.enqueue_dma source(%dma_start3A_216 : memref<40x64xi32, #tpu.memory_space<hbm>>) target(%arg10 : memref<40x64xi32, #tpu.memory_space<vmem>>) target_semaphore(%run_scoped3A_213 : memref<!tpu.dma_semaphore, #tpu.memory_space<semaphore_mem>>)
          %dma_wait3A = arith.constant 0 : i32
          %dma_wait3A_217 = tpu.memref_slice %arg5[%add3A_161, %dma_wait3A] : memref<5000x64xi32, #tpu.memory_space<hbm>> -> memref<40x64xi32, #tpu.memory_space<hbm>>
          %dma_wait3A_218 = arith.constant 0 : i32
          %dma_wait3A_219 = tpu.memref_slice %arg5[%add3A_161, %dma_wait3A_218] : memref<5000x64xi32, #tpu.memory_space<hbm>> -> memref<40x64xi32, #tpu.memory_space<hbm>>
          tpu.wait_dma2 semaphore(%run_scoped3A_213 : memref<!tpu.dma_semaphore, #tpu.memory_space<semaphore_mem>>) src(%dma_wait3A_219 : memref<40x64xi32, #tpu.memory_space<hbm>>) dst(%arg10 : memref<40x64xi32, #tpu.memory_space<vmem>>)
          tpu.yield
        }) : () -> ()
        %gt3A_162 = arith.constant 0 : i32
        %gt3A_163 = arith.cmpi sgt, %min3A_157, %gt3A_162 : i32
        %convert_element_type3A_164 = arith.extui %gt3A_163 : i1 to i32
        %cond3A_165 = arith.constant 0 : i32
        %cond3A_166 = arith.cmpi ne, %convert_element_type3A_164, %cond3A_165 : i32
        scf.if %cond3A_166 {
          %dma_start3A = arith.constant 0 : i32
          %dma_start3A_213 = arith.constant 0 : i32
          %dma_start3A_214 = arith.constant 0 : i32
          %dma_start3A_215 = arith.constant 0 : i32
          %dma_start3A_216 = tpu.memref_slice %arg11[%dma_start3A_213, %dma_start3A_214, %dma_start3A_215] : memref<3x64x128xf32, #tpu.memory_space<vmem>> -> memref<1x64x128xf32, #tpu.memory_space<vmem>>
          %dma_start3A_217 = tpu.memref_squeeze %dma_start3A_216 : memref<1x64x128xf32, #tpu.memory_space<vmem>> -> memref<64x128xf32, #tpu.memory_space<vmem>>
          %dma_start3A_218 = arith.constant 0 : i32
          %dma_start3A_219 = tpu.memref_slice %arg10[%dma_start3A, %dma_start3A_218] : memref<40x64xi32, #tpu.memory_space<vmem>> -> memref<1x64xi32, #tpu.memory_space<vmem>>
          %dma_start3A_220 = tpu.memref_squeeze %dma_start3A_219 : memref<1x64xi32, #tpu.memory_space<vmem>> -> memref<64xi32, #tpu.memory_space<vmem>>
          %dma_start3A_221 = arith.constant 0 : i32
          %dma_start3A_222 = arith.constant 0 : i32
          %dma_start3A_223 = tpu.memref_slice %arg2[%dma_start3A_221, %dma_start3A_222] : memref<10240x128xf32, #tpu.memory_space<hbm>> -> memref<10240x128xf32, #tpu.memory_space<hbm>>
          tpu.enqueue_indirect_dma source(%dma_start3A_223 : memref<10240x128xf32, #tpu.memory_space<hbm>>) target(%dma_start3A_217 : memref<64x128xf32, #tpu.memory_space<vmem>>) offsets(%dma_start3A_220 : memref<64xi32, #tpu.memory_space<vmem>>) semaphore(%arg15 : memref<!tpu.dma_semaphore, #tpu.memory_space<semaphore_mem>>)
          %dma_start3A_224 = arith.constant 0 : i32
          %dma_start3A_225 = arith.constant 0 : i32
          %dma_start3A_226 = arith.constant 0 : i32
          %dma_start3A_227 = arith.constant 0 : i32
          %dma_start3A_228 = tpu.memref_slice %arg12[%dma_start3A_225, %dma_start3A_226, %dma_start3A_227] : memref<6x64x16xf32, #tpu.memory_space<vmem>> -> memref<1x64x16xf32, #tpu.memory_space<vmem>>
          %dma_start3A_229 = tpu.memref_squeeze %dma_start3A_228 : memref<1x64x16xf32, #tpu.memory_space<vmem>> -> memref<64x16xf32, #tpu.memory_space<vmem>>
          %dma_start3A_230 = arith.constant 0 : i32
          %dma_start3A_231 = tpu.memref_slice %arg10[%dma_start3A_224, %dma_start3A_230] : memref<40x64xi32, #tpu.memory_space<vmem>> -> memref<1x64xi32, #tpu.memory_space<vmem>>
          %dma_start3A_232 = tpu.memref_squeeze %dma_start3A_231 : memref<1x64xi32, #tpu.memory_space<vmem>> -> memref<64xi32, #tpu.memory_space<vmem>>
          %dma_start3A_233 = arith.constant 0 : i32
          %dma_start3A_234 = arith.constant 0 : i32
          %dma_start3A_235 = tpu.memref_slice %arg3[%dma_start3A_233, %dma_start3A_234] : memref<10240x16xf32, #tpu.memory_space<hbm>> -> memref<10240x16xf32, #tpu.memory_space<hbm>>
          tpu.enqueue_indirect_dma source(%dma_start3A_235 : memref<10240x16xf32, #tpu.memory_space<hbm>>) target(%dma_start3A_229 : memref<64x16xf32, #tpu.memory_space<vmem>>) offsets(%dma_start3A_232 : memref<64xi32, #tpu.memory_space<vmem>>) semaphore(%arg15 : memref<!tpu.dma_semaphore, #tpu.memory_space<semaphore_mem>>)
        } else {
        }
        %gt3A_167 = arith.constant 1 : i32
        %gt3A_168 = arith.cmpi sgt, %min3A_157, %gt3A_167 : i32
        %convert_element_type3A_169 = arith.extui %gt3A_168 : i1 to i32
        %cond3A_170 = arith.constant 0 : i32
        %cond3A_171 = arith.cmpi ne, %convert_element_type3A_169, %cond3A_170 : i32
        scf.if %cond3A_171 {
          %dma_start3A = arith.constant 1 : i32
          %dma_start3A_213 = arith.constant 1 : i32
          %dma_start3A_214 = arith.constant 0 : i32
          %dma_start3A_215 = arith.constant 0 : i32
          %dma_start3A_216 = tpu.memref_slice %arg11[%dma_start3A_213, %dma_start3A_214, %dma_start3A_215] : memref<3x64x128xf32, #tpu.memory_space<vmem>> -> memref<1x64x128xf32, #tpu.memory_space<vmem>>
          %dma_start3A_217 = tpu.memref_squeeze %dma_start3A_216 : memref<1x64x128xf32, #tpu.memory_space<vmem>> -> memref<64x128xf32, #tpu.memory_space<vmem>>
          %dma_start3A_218 = arith.constant 0 : i32
          %dma_start3A_219 = tpu.memref_slice %arg10[%dma_start3A, %dma_start3A_218] : memref<40x64xi32, #tpu.memory_space<vmem>> -> memref<1x64xi32, #tpu.memory_space<vmem>>
          %dma_start3A_220 = tpu.memref_squeeze %dma_start3A_219 : memref<1x64xi32, #tpu.memory_space<vmem>> -> memref<64xi32, #tpu.memory_space<vmem>>
          %dma_start3A_221 = arith.constant 0 : i32
          %dma_start3A_222 = arith.constant 0 : i32
          %dma_start3A_223 = tpu.memref_slice %arg2[%dma_start3A_221, %dma_start3A_222] : memref<10240x128xf32, #tpu.memory_space<hbm>> -> memref<10240x128xf32, #tpu.memory_space<hbm>>
          tpu.enqueue_indirect_dma source(%dma_start3A_223 : memref<10240x128xf32, #tpu.memory_space<hbm>>) target(%dma_start3A_217 : memref<64x128xf32, #tpu.memory_space<vmem>>) offsets(%dma_start3A_220 : memref<64xi32, #tpu.memory_space<vmem>>) semaphore(%arg16 : memref<!tpu.dma_semaphore, #tpu.memory_space<semaphore_mem>>)
          %dma_start3A_224 = arith.constant 1 : i32
          %dma_start3A_225 = arith.constant 1 : i32
          %dma_start3A_226 = arith.constant 0 : i32
          %dma_start3A_227 = arith.constant 0 : i32
          %dma_start3A_228 = tpu.memref_slice %arg12[%dma_start3A_225, %dma_start3A_226, %dma_start3A_227] : memref<6x64x16xf32, #tpu.memory_space<vmem>> -> memref<1x64x16xf32, #tpu.memory_space<vmem>>
          %dma_start3A_229 = tpu.memref_squeeze %dma_start3A_228 : memref<1x64x16xf32, #tpu.memory_space<vmem>> -> memref<64x16xf32, #tpu.memory_space<vmem>>
          %dma_start3A_230 = arith.constant 0 : i32
          %dma_start3A_231 = tpu.memref_slice %arg10[%dma_start3A_224, %dma_start3A_230] : memref<40x64xi32, #tpu.memory_space<vmem>> -> memref<1x64xi32, #tpu.memory_space<vmem>>
          %dma_start3A_232 = tpu.memref_squeeze %dma_start3A_231 : memref<1x64xi32, #tpu.memory_space<vmem>> -> memref<64xi32, #tpu.memory_space<vmem>>
          %dma_start3A_233 = arith.constant 0 : i32
          %dma_start3A_234 = arith.constant 0 : i32
          %dma_start3A_235 = tpu.memref_slice %arg3[%dma_start3A_233, %dma_start3A_234] : memref<10240x16xf32, #tpu.memory_space<hbm>> -> memref<10240x16xf32, #tpu.memory_space<hbm>>
          tpu.enqueue_indirect_dma source(%dma_start3A_235 : memref<10240x16xf32, #tpu.memory_space<hbm>>) target(%dma_start3A_229 : memref<64x16xf32, #tpu.memory_space<vmem>>) offsets(%dma_start3A_232 : memref<64xi32, #tpu.memory_space<vmem>>) semaphore(%arg16 : memref<!tpu.dma_semaphore, #tpu.memory_space<semaphore_mem>>)
        } else {
        }
        %gt3A_172 = arith.constant 2 : i32
        %gt3A_173 = arith.cmpi sgt, %min3A_157, %gt3A_172 : i32
        %convert_element_type3A_174 = arith.extui %gt3A_173 : i1 to i32
        %cond3A_175 = arith.constant 0 : i32
        %cond3A_176 = arith.cmpi ne, %convert_element_type3A_174, %cond3A_175 : i32
        scf.if %cond3A_176 {
          %dma_start3A = arith.constant 2 : i32
          %dma_start3A_213 = arith.constant 2 : i32
          %dma_start3A_214 = arith.constant 0 : i32
          %dma_start3A_215 = arith.constant 0 : i32
          %dma_start3A_216 = tpu.memref_slice %arg11[%dma_start3A_213, %dma_start3A_214, %dma_start3A_215] : memref<3x64x128xf32, #tpu.memory_space<vmem>> -> memref<1x64x128xf32, #tpu.memory_space<vmem>>
          %dma_start3A_217 = tpu.memref_squeeze %dma_start3A_216 : memref<1x64x128xf32, #tpu.memory_space<vmem>> -> memref<64x128xf32, #tpu.memory_space<vmem>>
          %dma_start3A_218 = arith.constant 0 : i32
          %dma_start3A_219 = tpu.memref_slice %arg10[%dma_start3A, %dma_start3A_218] : memref<40x64xi32, #tpu.memory_space<vmem>> -> memref<1x64xi32, #tpu.memory_space<vmem>>
          %dma_start3A_220 = tpu.memref_squeeze %dma_start3A_219 : memref<1x64xi32, #tpu.memory_space<vmem>> -> memref<64xi32, #tpu.memory_space<vmem>>
          %dma_start3A_221 = arith.constant 0 : i32
          %dma_start3A_222 = arith.constant 0 : i32
          %dma_start3A_223 = tpu.memref_slice %arg2[%dma_start3A_221, %dma_start3A_222] : memref<10240x128xf32, #tpu.memory_space<hbm>> -> memref<10240x128xf32, #tpu.memory_space<hbm>>
          tpu.enqueue_indirect_dma source(%dma_start3A_223 : memref<10240x128xf32, #tpu.memory_space<hbm>>) target(%dma_start3A_217 : memref<64x128xf32, #tpu.memory_space<vmem>>) offsets(%dma_start3A_220 : memref<64xi32, #tpu.memory_space<vmem>>) semaphore(%arg17 : memref<!tpu.dma_semaphore, #tpu.memory_space<semaphore_mem>>)
          %dma_start3A_224 = arith.constant 2 : i32
          %dma_start3A_225 = arith.constant 2 : i32
          %dma_start3A_226 = arith.constant 0 : i32
          %dma_start3A_227 = arith.constant 0 : i32
          %dma_start3A_228 = tpu.memref_slice %arg12[%dma_start3A_225, %dma_start3A_226, %dma_start3A_227] : memref<6x64x16xf32, #tpu.memory_space<vmem>> -> memref<1x64x16xf32, #tpu.memory_space<vmem>>
          %dma_start3A_229 = tpu.memref_squeeze %dma_start3A_228 : memref<1x64x16xf32, #tpu.memory_space<vmem>> -> memref<64x16xf32, #tpu.memory_space<vmem>>
          %dma_start3A_230 = arith.constant 0 : i32
          %dma_start3A_231 = tpu.memref_slice %arg10[%dma_start3A_224, %dma_start3A_230] : memref<40x64xi32, #tpu.memory_space<vmem>> -> memref<1x64xi32, #tpu.memory_space<vmem>>
          %dma_start3A_232 = tpu.memref_squeeze %dma_start3A_231 : memref<1x64xi32, #tpu.memory_space<vmem>> -> memref<64xi32, #tpu.memory_space<vmem>>
          %dma_start3A_233 = arith.constant 0 : i32
          %dma_start3A_234 = arith.constant 0 : i32
          %dma_start3A_235 = tpu.memref_slice %arg3[%dma_start3A_233, %dma_start3A_234] : memref<10240x16xf32, #tpu.memory_space<hbm>> -> memref<10240x16xf32, #tpu.memory_space<hbm>>
          tpu.enqueue_indirect_dma source(%dma_start3A_235 : memref<10240x16xf32, #tpu.memory_space<hbm>>) target(%dma_start3A_229 : memref<64x16xf32, #tpu.memory_space<vmem>>) offsets(%dma_start3A_232 : memref<64xi32, #tpu.memory_space<vmem>>) semaphore(%arg17 : memref<!tpu.dma_semaphore, #tpu.memory_space<semaphore_mem>>)
        } else {
        }
        %scan3A_177 = arith.constant 0 : i32
        %scan3A_178 = arith.constant 0 : i32
        %scan3A_179 = arith.constant 7 : i32
        %scan3A_180 = arith.addi %scan3A_178, %scan3A_179 : i32
        %scan3A_181 = arith.constant 1 : i32
        scf.for %scan3A_213 = %scan3A_178 to %scan3A_180 step %scan3A_181  : i32 {
          %mul3A_214 = arith.constant 6 : i32
          %mul3A_215 = arith.muli %scan3A_213, %mul3A_214 : i32
          %add3A_216 = arith.constant 0 : i32
          %add3A_217 = arith.addi %mul3A_215, %add3A_216 : i32
          %lt3A = arith.cmpi slt, %add3A_217, %min3A_157 : i32
          %convert_element_type3A_218 = arith.extui %lt3A : i1 to i32
          %cond3A_219 = arith.constant 0 : i32
          %cond3A_220 = arith.cmpi ne, %convert_element_type3A_218, %cond3A_219 : i32
          scf.if %cond3A_220 {
            %dma_wait3A = arith.constant 0 : i32
            %dma_wait3A_261 = arith.constant 0 : i32
            %dma_wait3A_262 = arith.constant 0 : i32
            %dma_wait3A_263 = tpu.memref_slice %arg11[%dma_wait3A, %dma_wait3A_261, %dma_wait3A_262] : memref<3x64x128xf32, #tpu.memory_space<vmem>> -> memref<1x64x128xf32, #tpu.memory_space<vmem>>
            %dma_wait3A_264 = tpu.memref_squeeze %dma_wait3A_263 : memref<1x64x128xf32, #tpu.memory_space<vmem>> -> memref<64x128xf32, #tpu.memory_space<vmem>>
            %dma_wait3A_265 = arith.constant 0 : i32
            %dma_wait3A_266 = tpu.memref_slice %arg10[%add3A_217, %dma_wait3A_265] : memref<40x64xi32, #tpu.memory_space<vmem>> -> memref<1x64xi32, #tpu.memory_space<vmem>>
            %dma_wait3A_267 = tpu.memref_squeeze %dma_wait3A_266 : memref<1x64xi32, #tpu.memory_space<vmem>> -> memref<64xi32, #tpu.memory_space<vmem>>
            %dma_wait3A_268 = arith.constant 0 : i32
            %dma_wait3A_269 = arith.constant 0 : i32
            %dma_wait3A_270 = tpu.memref_slice %arg2[%dma_wait3A_268, %dma_wait3A_269] : memref<10240x128xf32, #tpu.memory_space<hbm>> -> memref<10240x128xf32, #tpu.memory_space<hbm>>
            tpu.wait_indirect_dma semaphore(%arg15 : memref<!tpu.dma_semaphore, #tpu.memory_space<semaphore_mem>>) src(%dma_wait3A_270 : memref<10240x128xf32, #tpu.memory_space<hbm>>) dst(%dma_wait3A_264 : memref<64x128xf32, #tpu.memory_space<vmem>>)
            %dma_wait3A_271 = arith.constant 0 : i32
            %dma_wait3A_272 = arith.constant 0 : i32
            %dma_wait3A_273 = arith.constant 0 : i32
            %dma_wait3A_274 = tpu.memref_slice %arg12[%dma_wait3A_271, %dma_wait3A_272, %dma_wait3A_273] : memref<6x64x16xf32, #tpu.memory_space<vmem>> -> memref<1x64x16xf32, #tpu.memory_space<vmem>>
            %dma_wait3A_275 = tpu.memref_squeeze %dma_wait3A_274 : memref<1x64x16xf32, #tpu.memory_space<vmem>> -> memref<64x16xf32, #tpu.memory_space<vmem>>
            %dma_wait3A_276 = arith.constant 0 : i32
            %dma_wait3A_277 = tpu.memref_slice %arg10[%add3A_217, %dma_wait3A_276] : memref<40x64xi32, #tpu.memory_space<vmem>> -> memref<1x64xi32, #tpu.memory_space<vmem>>
            %dma_wait3A_278 = tpu.memref_squeeze %dma_wait3A_277 : memref<1x64xi32, #tpu.memory_space<vmem>> -> memref<64xi32, #tpu.memory_space<vmem>>
            %dma_wait3A_279 = arith.constant 0 : i32
            %dma_wait3A_280 = arith.constant 0 : i32
            %dma_wait3A_281 = tpu.memref_slice %arg3[%dma_wait3A_279, %dma_wait3A_280] : memref<10240x16xf32, #tpu.memory_space<hbm>> -> memref<10240x16xf32, #tpu.memory_space<hbm>>
            tpu.wait_indirect_dma semaphore(%arg15 : memref<!tpu.dma_semaphore, #tpu.memory_space<semaphore_mem>>) src(%dma_wait3A_281 : memref<10240x16xf32, #tpu.memory_space<hbm>>) dst(%dma_wait3A_275 : memref<64x16xf32, #tpu.memory_space<vmem>>)
            %run_scoped3A_282 = arith.constant 0 : i32
            "tpu.region"() ({
              %run_scoped3A_299 = tpu.sem_alloc : memref<!tpu.dma_semaphore, #tpu.memory_space<semaphore_mem>>
              %dma_start3A_300 = arith.constant 0 : i32
              %dma_start3A_301 = arith.constant 0 : i32
              %dma_start3A_302 = tpu.memref_slice %arg11[%run_scoped3A_282, %dma_start3A_300, %dma_start3A_301] : memref<3x64x128xf32, #tpu.memory_space<vmem>> -> memref<1x64x128xf32, #tpu.memory_space<vmem>>
              %dma_start3A_303 = tpu.memref_squeeze %dma_start3A_302 : memref<1x64x128xf32, #tpu.memory_space<vmem>> -> memref<64x128xf32, #tpu.memory_space<vmem>>
              %dma_start3A_304 = arith.constant 0 : i32
              %dma_start3A_305 = tpu.memref_slice %arg9[%add3A_217, %dma_start3A_304] : memref<40x64xi32, #tpu.memory_space<vmem>> -> memref<1x64xi32, #tpu.memory_space<vmem>>
              %dma_start3A_306 = tpu.memref_squeeze %dma_start3A_305 : memref<1x64xi32, #tpu.memory_space<vmem>> -> memref<64xi32, #tpu.memory_space<vmem>>
              %dma_start3A_307 = arith.constant 0 : i32
              %dma_start3A_308 = arith.constant 0 : i32
              %dma_start3A_309 = tpu.memref_slice %arg13[%dma_start3A_307, %dma_start3A_308] : memref<10240x128xf32, #tpu.memory_space<vmem_shared>> -> memref<10240x128xf32, #tpu.memory_space<vmem_shared>>
              tpu.enqueue_indirect_dma source(%dma_start3A_303 : memref<64x128xf32, #tpu.memory_space<vmem>>) target(%dma_start3A_309 : memref<10240x128xf32, #tpu.memory_space<vmem_shared>>) offsets(%dma_start3A_306 : memref<64xi32, #tpu.memory_space<vmem>>) semaphore(%run_scoped3A_299 : memref<!tpu.dma_semaphore, #tpu.memory_space<semaphore_mem>>) {add = true}
              %dma_wait3A_310 = arith.constant 0 : i32
              %dma_wait3A_311 = arith.constant 0 : i32
              %dma_wait3A_312 = tpu.memref_slice %arg11[%run_scoped3A_282, %dma_wait3A_310, %dma_wait3A_311] : memref<3x64x128xf32, #tpu.memory_space<vmem>> -> memref<1x64x128xf32, #tpu.memory_space<vmem>>
              %dma_wait3A_313 = tpu.memref_squeeze %dma_wait3A_312 : memref<1x64x128xf32, #tpu.memory_space<vmem>> -> memref<64x128xf32, #tpu.memory_space<vmem>>
              %dma_wait3A_314 = arith.constant 0 : i32
              %dma_wait3A_315 = tpu.memref_slice %arg9[%add3A_217, %dma_wait3A_314] : memref<40x64xi32, #tpu.memory_space<vmem>> -> memref<1x64xi32, #tpu.memory_space<vmem>>
              %dma_wait3A_316 = tpu.memref_squeeze %dma_wait3A_315 : memref<1x64xi32, #tpu.memory_space<vmem>> -> memref<64xi32, #tpu.memory_space<vmem>>
              %dma_wait3A_317 = arith.constant 0 : i32
              %dma_wait3A_318 = arith.constant 0 : i32
              %dma_wait3A_319 = tpu.memref_slice %arg13[%dma_wait3A_317, %dma_wait3A_318] : memref<10240x128xf32, #tpu.memory_space<vmem_shared>> -> memref<10240x128xf32, #tpu.memory_space<vmem_shared>>
              tpu.wait_indirect_dma semaphore(%run_scoped3A_299 : memref<!tpu.dma_semaphore, #tpu.memory_space<semaphore_mem>>) src(%dma_wait3A_313 : memref<64x128xf32, #tpu.memory_space<vmem>>) dst(%dma_wait3A_319 : memref<10240x128xf32, #tpu.memory_space<vmem_shared>>)
              tpu.yield
            }) : () -> ()
            %dma_start3A = arith.constant 0 : i32
            %dma_start3A_283 = arith.constant 0 : i32
            %dma_start3A_284 = arith.constant 0 : i32
            %dma_start3A_285 = tpu.memref_slice %arg12[%dma_start3A, %dma_start3A_283, %dma_start3A_284] : memref<6x64x16xf32, #tpu.memory_space<vmem>> -> memref<1x64x16xf32, #tpu.memory_space<vmem>>
            %dma_start3A_286 = tpu.memref_squeeze %dma_start3A_285 : memref<1x64x16xf32, #tpu.memory_space<vmem>> -> memref<64x16xf32, #tpu.memory_space<vmem>>
            %dma_start3A_287 = arith.constant 0 : i32
            %dma_start3A_288 = tpu.memref_slice %arg9[%add3A_217, %dma_start3A_287] : memref<40x64xi32, #tpu.memory_space<vmem>> -> memref<1x64xi32, #tpu.memory_space<vmem>>
            %dma_start3A_289 = tpu.memref_squeeze %dma_start3A_288 : memref<1x64xi32, #tpu.memory_space<vmem>> -> memref<64xi32, #tpu.memory_space<vmem>>
            %dma_start3A_290 = arith.constant 0 : i32
            %dma_start3A_291 = arith.constant 0 : i32
            %dma_start3A_292 = tpu.memref_slice %arg14[%dma_start3A_290, %dma_start3A_291] : memref<10240x16xf32, #tpu.memory_space<vmem_shared>> -> memref<10240x16xf32, #tpu.memory_space<vmem_shared>>
            tpu.enqueue_indirect_dma source(%dma_start3A_286 : memref<64x16xf32, #tpu.memory_space<vmem>>) target(%dma_start3A_292 : memref<10240x16xf32, #tpu.memory_space<vmem_shared>>) offsets(%dma_start3A_289 : memref<64xi32, #tpu.memory_space<vmem>>) semaphore(%arg18 : memref<!tpu.dma_semaphore, #tpu.memory_space<semaphore_mem>>) {add = true}
            %add3A_293 = arith.constant 3 : i32
            %add3A_294 = arith.addi %add3A_217, %add3A_293 : i32
            %lt3A_295 = arith.cmpi slt, %add3A_294, %min3A_157 : i32
            %convert_element_type3A_296 = arith.extui %lt3A_295 : i1 to i32
            %cond3A_297 = arith.constant 0 : i32
            %cond3A_298 = arith.cmpi ne, %convert_element_type3A_296, %cond3A_297 : i32
            scf.if %cond3A_298 {
              %dma_start3A_299 = arith.constant 0 : i32
              %dma_start3A_300 = arith.constant 0 : i32
              %dma_start3A_301 = arith.constant 0 : i32
              %dma_start3A_302 = tpu.memref_slice %arg11[%dma_start3A_299, %dma_start3A_300, %dma_start3A_301] : memref<3x64x128xf32, #tpu.memory_space<vmem>> -> memref<1x64x128xf32, #tpu.memory_space<vmem>>
              %dma_start3A_303 = tpu.memref_squeeze %dma_start3A_302 : memref<1x64x128xf32, #tpu.memory_space<vmem>> -> memref<64x128xf32, #tpu.memory_space<vmem>>
              %dma_start3A_304 = arith.constant 0 : i32
              %dma_start3A_305 = tpu.memref_slice %arg10[%add3A_294, %dma_start3A_304] : memref<40x64xi32, #tpu.memory_space<vmem>> -> memref<1x64xi32, #tpu.memory_space<vmem>>
              %dma_start3A_306 = tpu.memref_squeeze %dma_start3A_305 : memref<1x64xi32, #tpu.memory_space<vmem>> -> memref<64xi32, #tpu.memory_space<vmem>>
              %dma_start3A_307 = arith.constant 0 : i32
              %dma_start3A_308 = arith.constant 0 : i32
              %dma_start3A_309 = tpu.memref_slice %arg2[%dma_start3A_307, %dma_start3A_308] : memref<10240x128xf32, #tpu.memory_space<hbm>> -> memref<10240x128xf32, #tpu.memory_space<hbm>>
              tpu.enqueue_indirect_dma source(%dma_start3A_309 : memref<10240x128xf32, #tpu.memory_space<hbm>>) target(%dma_start3A_303 : memref<64x128xf32, #tpu.memory_space<vmem>>) offsets(%dma_start3A_306 : memref<64xi32, #tpu.memory_space<vmem>>) semaphore(%arg15 : memref<!tpu.dma_semaphore, #tpu.memory_space<semaphore_mem>>)
              %ge3A = arith.constant 3 : i32
              %ge3A_310 = arith.cmpi sge, %add3A_217, %ge3A : i32
              %convert_element_type3A_311 = arith.extui %ge3A_310 : i1 to i32
              %cond3A_312 = arith.constant 0 : i32
              %cond3A_313 = arith.cmpi ne, %convert_element_type3A_311, %cond3A_312 : i32
              scf.if %cond3A_313 {
                %dma_wait3A_325 = arith.constant 3 : i32
                %dma_wait3A_326 = arith.constant 0 : i32
                %dma_wait3A_327 = arith.constant 0 : i32
                %dma_wait3A_328 = arith.constant 0 : i32
                %dma_wait3A_329 = tpu.memref_slice %arg12[%dma_wait3A_325, %dma_wait3A_327, %dma_wait3A_328] : memref<6x64x16xf32, #tpu.memory_space<vmem>> -> memref<1x64x16xf32, #tpu.memory_space<vmem>>
                %dma_wait3A_330 = tpu.memref_squeeze %dma_wait3A_329 : memref<1x64x16xf32, #tpu.memory_space<vmem>> -> memref<64x16xf32, #tpu.memory_space<vmem>>
                %dma_wait3A_331 = arith.constant 0 : i32
                %dma_wait3A_332 = tpu.memref_slice %arg9[%dma_wait3A_326, %dma_wait3A_331] : memref<40x64xi32, #tpu.memory_space<vmem>> -> memref<1x64xi32, #tpu.memory_space<vmem>>
                %dma_wait3A_333 = tpu.memref_squeeze %dma_wait3A_332 : memref<1x64xi32, #tpu.memory_space<vmem>> -> memref<64xi32, #tpu.memory_space<vmem>>
                %dma_wait3A_334 = arith.constant 0 : i32
                %dma_wait3A_335 = arith.constant 0 : i32
                %dma_wait3A_336 = tpu.memref_slice %arg14[%dma_wait3A_334, %dma_wait3A_335] : memref<10240x16xf32, #tpu.memory_space<vmem_shared>> -> memref<10240x16xf32, #tpu.memory_space<vmem_shared>>
                tpu.wait_indirect_dma semaphore(%arg21 : memref<!tpu.dma_semaphore, #tpu.memory_space<semaphore_mem>>) src(%dma_wait3A_330 : memref<64x16xf32, #tpu.memory_space<vmem>>) dst(%dma_wait3A_336 : memref<10240x16xf32, #tpu.memory_space<vmem_shared>>)
              } else {
              }
              %dma_start3A_314 = arith.constant 3 : i32
              %dma_start3A_315 = arith.constant 0 : i32
              %dma_start3A_316 = arith.constant 0 : i32
              %dma_start3A_317 = tpu.memref_slice %arg12[%dma_start3A_314, %dma_start3A_315, %dma_start3A_316] : memref<6x64x16xf32, #tpu.memory_space<vmem>> -> memref<1x64x16xf32, #tpu.memory_space<vmem>>
              %dma_start3A_318 = tpu.memref_squeeze %dma_start3A_317 : memref<1x64x16xf32, #tpu.memory_space<vmem>> -> memref<64x16xf32, #tpu.memory_space<vmem>>
              %dma_start3A_319 = arith.constant 0 : i32
              %dma_start3A_320 = tpu.memref_slice %arg10[%add3A_294, %dma_start3A_319] : memref<40x64xi32, #tpu.memory_space<vmem>> -> memref<1x64xi32, #tpu.memory_space<vmem>>
              %dma_start3A_321 = tpu.memref_squeeze %dma_start3A_320 : memref<1x64xi32, #tpu.memory_space<vmem>> -> memref<64xi32, #tpu.memory_space<vmem>>
              %dma_start3A_322 = arith.constant 0 : i32
              %dma_start3A_323 = arith.constant 0 : i32
              %dma_start3A_324 = tpu.memref_slice %arg3[%dma_start3A_322, %dma_start3A_323] : memref<10240x16xf32, #tpu.memory_space<hbm>> -> memref<10240x16xf32, #tpu.memory_space<hbm>>
              tpu.enqueue_indirect_dma source(%dma_start3A_324 : memref<10240x16xf32, #tpu.memory_space<hbm>>) target(%dma_start3A_318 : memref<64x16xf32, #tpu.memory_space<vmem>>) offsets(%dma_start3A_321 : memref<64xi32, #tpu.memory_space<vmem>>) semaphore(%arg15 : memref<!tpu.dma_semaphore, #tpu.memory_space<semaphore_mem>>)
            } else {
            }
          } else {
          }
          %mul3A_221 = arith.constant 6 : i32
          %mul3A_222 = arith.muli %scan3A_213, %mul3A_221 : i32
          %add3A_223 = arith.constant 1 : i32
          %add3A_224 = arith.addi %mul3A_222, %add3A_223 : i32
          %lt3A_225 = arith.cmpi slt, %add3A_224, %min3A_157 : i32
          %convert_element_type3A_226 = arith.extui %lt3A_225 : i1 to i32
          %cond3A_227 = arith.constant 0 : i32
          %cond3A_228 = arith.cmpi ne, %convert_element_type3A_226, %cond3A_227 : i32
          scf.if %cond3A_228 {
            %dma_wait3A = arith.constant 1 : i32
            %dma_wait3A_261 = arith.constant 0 : i32
            %dma_wait3A_262 = arith.constant 0 : i32
            %dma_wait3A_263 = tpu.memref_slice %arg11[%dma_wait3A, %dma_wait3A_261, %dma_wait3A_262] : memref<3x64x128xf32, #tpu.memory_space<vmem>> -> memref<1x64x128xf32, #tpu.memory_space<vmem>>
            %dma_wait3A_264 = tpu.memref_squeeze %dma_wait3A_263 : memref<1x64x128xf32, #tpu.memory_space<vmem>> -> memref<64x128xf32, #tpu.memory_space<vmem>>
            %dma_wait3A_265 = arith.constant 0 : i32
            %dma_wait3A_266 = tpu.memref_slice %arg10[%add3A_224, %dma_wait3A_265] : memref<40x64xi32, #tpu.memory_space<vmem>> -> memref<1x64xi32, #tpu.memory_space<vmem>>
            %dma_wait3A_267 = tpu.memref_squeeze %dma_wait3A_266 : memref<1x64xi32, #tpu.memory_space<vmem>> -> memref<64xi32, #tpu.memory_space<vmem>>
            %dma_wait3A_268 = arith.constant 0 : i32
            %dma_wait3A_269 = arith.constant 0 : i32
            %dma_wait3A_270 = tpu.memref_slice %arg2[%dma_wait3A_268, %dma_wait3A_269] : memref<10240x128xf32, #tpu.memory_space<hbm>> -> memref<10240x128xf32, #tpu.memory_space<hbm>>
            tpu.wait_indirect_dma semaphore(%arg16 : memref<!tpu.dma_semaphore, #tpu.memory_space<semaphore_mem>>) src(%dma_wait3A_270 : memref<10240x128xf32, #tpu.memory_space<hbm>>) dst(%dma_wait3A_264 : memref<64x128xf32, #tpu.memory_space<vmem>>)
            %dma_wait3A_271 = arith.constant 1 : i32
            %dma_wait3A_272 = arith.constant 0 : i32
            %dma_wait3A_273 = arith.constant 0 : i32
            %dma_wait3A_274 = tpu.memref_slice %arg12[%dma_wait3A_271, %dma_wait3A_272, %dma_wait3A_273] : memref<6x64x16xf32, #tpu.memory_space<vmem>> -> memref<1x64x16xf32, #tpu.memory_space<vmem>>
            %dma_wait3A_275 = tpu.memref_squeeze %dma_wait3A_274 : memref<1x64x16xf32, #tpu.memory_space<vmem>> -> memref<64x16xf32, #tpu.memory_space<vmem>>
            %dma_wait3A_276 = arith.constant 0 : i32
            %dma_wait3A_277 = tpu.memref_slice %arg10[%add3A_224, %dma_wait3A_276] : memref<40x64xi32, #tpu.memory_space<vmem>> -> memref<1x64xi32, #tpu.memory_space<vmem>>
            %dma_wait3A_278 = tpu.memref_squeeze %dma_wait3A_277 : memref<1x64xi32, #tpu.memory_space<vmem>> -> memref<64xi32, #tpu.memory_space<vmem>>
            %dma_wait3A_279 = arith.constant 0 : i32
            %dma_wait3A_280 = arith.constant 0 : i32
            %dma_wait3A_281 = tpu.memref_slice %arg3[%dma_wait3A_279, %dma_wait3A_280] : memref<10240x16xf32, #tpu.memory_space<hbm>> -> memref<10240x16xf32, #tpu.memory_space<hbm>>
            tpu.wait_indirect_dma semaphore(%arg16 : memref<!tpu.dma_semaphore, #tpu.memory_space<semaphore_mem>>) src(%dma_wait3A_281 : memref<10240x16xf32, #tpu.memory_space<hbm>>) dst(%dma_wait3A_275 : memref<64x16xf32, #tpu.memory_space<vmem>>)
            %run_scoped3A_282 = arith.constant 1 : i32
            "tpu.region"() ({
              %run_scoped3A_299 = tpu.sem_alloc : memref<!tpu.dma_semaphore, #tpu.memory_space<semaphore_mem>>
              %dma_start3A_300 = arith.constant 0 : i32
              %dma_start3A_301 = arith.constant 0 : i32
              %dma_start3A_302 = tpu.memref_slice %arg11[%run_scoped3A_282, %dma_start3A_300, %dma_start3A_301] : memref<3x64x128xf32, #tpu.memory_space<vmem>> -> memref<1x64x128xf32, #tpu.memory_space<vmem>>
              %dma_start3A_303 = tpu.memref_squeeze %dma_start3A_302 : memref<1x64x128xf32, #tpu.memory_space<vmem>> -> memref<64x128xf32, #tpu.memory_space<vmem>>
              %dma_start3A_304 = arith.constant 0 : i32
              %dma_start3A_305 = tpu.memref_slice %arg9[%add3A_224, %dma_start3A_304] : memref<40x64xi32, #tpu.memory_space<vmem>> -> memref<1x64xi32, #tpu.memory_space<vmem>>
              %dma_start3A_306 = tpu.memref_squeeze %dma_start3A_305 : memref<1x64xi32, #tpu.memory_space<vmem>> -> memref<64xi32, #tpu.memory_space<vmem>>
              %dma_start3A_307 = arith.constant 0 : i32
              %dma_start3A_308 = arith.constant 0 : i32
              %dma_start3A_309 = tpu.memref_slice %arg13[%dma_start3A_307, %dma_start3A_308] : memref<10240x128xf32, #tpu.memory_space<vmem_shared>> -> memref<10240x128xf32, #tpu.memory_space<vmem_shared>>
              tpu.enqueue_indirect_dma source(%dma_start3A_303 : memref<64x128xf32, #tpu.memory_space<vmem>>) target(%dma_start3A_309 : memref<10240x128xf32, #tpu.memory_space<vmem_shared>>) offsets(%dma_start3A_306 : memref<64xi32, #tpu.memory_space<vmem>>) semaphore(%run_scoped3A_299 : memref<!tpu.dma_semaphore, #tpu.memory_space<semaphore_mem>>) {add = true}
              %dma_wait3A_310 = arith.constant 0 : i32
              %dma_wait3A_311 = arith.constant 0 : i32
              %dma_wait3A_312 = tpu.memref_slice %arg11[%run_scoped3A_282, %dma_wait3A_310, %dma_wait3A_311] : memref<3x64x128xf32, #tpu.memory_space<vmem>> -> memref<1x64x128xf32, #tpu.memory_space<vmem>>
              %dma_wait3A_313 = tpu.memref_squeeze %dma_wait3A_312 : memref<1x64x128xf32, #tpu.memory_space<vmem>> -> memref<64x128xf32, #tpu.memory_space<vmem>>
              %dma_wait3A_314 = arith.constant 0 : i32
              %dma_wait3A_315 = tpu.memref_slice %arg9[%add3A_224, %dma_wait3A_314] : memref<40x64xi32, #tpu.memory_space<vmem>> -> memref<1x64xi32, #tpu.memory_space<vmem>>
              %dma_wait3A_316 = tpu.memref_squeeze %dma_wait3A_315 : memref<1x64xi32, #tpu.memory_space<vmem>> -> memref<64xi32, #tpu.memory_space<vmem>>
              %dma_wait3A_317 = arith.constant 0 : i32
              %dma_wait3A_318 = arith.constant 0 : i32
              %dma_wait3A_319 = tpu.memref_slice %arg13[%dma_wait3A_317, %dma_wait3A_318] : memref<10240x128xf32, #tpu.memory_space<vmem_shared>> -> memref<10240x128xf32, #tpu.memory_space<vmem_shared>>
              tpu.wait_indirect_dma semaphore(%run_scoped3A_299 : memref<!tpu.dma_semaphore, #tpu.memory_space<semaphore_mem>>) src(%dma_wait3A_313 : memref<64x128xf32, #tpu.memory_space<vmem>>) dst(%dma_wait3A_319 : memref<10240x128xf32, #tpu.memory_space<vmem_shared>>)
              tpu.yield
            }) : () -> ()
            %dma_start3A = arith.constant 1 : i32
            %dma_start3A_283 = arith.constant 0 : i32
            %dma_start3A_284 = arith.constant 0 : i32
            %dma_start3A_285 = tpu.memref_slice %arg12[%dma_start3A, %dma_start3A_283, %dma_start3A_284] : memref<6x64x16xf32, #tpu.memory_space<vmem>> -> memref<1x64x16xf32, #tpu.memory_space<vmem>>
            %dma_start3A_286 = tpu.memref_squeeze %dma_start3A_285 : memref<1x64x16xf32, #tpu.memory_space<vmem>> -> memref<64x16xf32, #tpu.memory_space<vmem>>
            %dma_start3A_287 = arith.constant 0 : i32
            %dma_start3A_288 = tpu.memref_slice %arg9[%add3A_224, %dma_start3A_287] : memref<40x64xi32, #tpu.memory_space<vmem>> -> memref<1x64xi32, #tpu.memory_space<vmem>>
            %dma_start3A_289 = tpu.memref_squeeze %dma_start3A_288 : memref<1x64xi32, #tpu.memory_space<vmem>> -> memref<64xi32, #tpu.memory_space<vmem>>
            %dma_start3A_290 = arith.constant 0 : i32
            %dma_start3A_291 = arith.constant 0 : i32
            %dma_start3A_292 = tpu.memref_slice %arg14[%dma_start3A_290, %dma_start3A_291] : memref<10240x16xf32, #tpu.memory_space<vmem_shared>> -> memref<10240x16xf32, #tpu.memory_space<vmem_shared>>
            tpu.enqueue_indirect_dma source(%dma_start3A_286 : memref<64x16xf32, #tpu.memory_space<vmem>>) target(%dma_start3A_292 : memref<10240x16xf32, #tpu.memory_space<vmem_shared>>) offsets(%dma_start3A_289 : memref<64xi32, #tpu.memory_space<vmem>>) semaphore(%arg19 : memref<!tpu.dma_semaphore, #tpu.memory_space<semaphore_mem>>) {add = true}
            %add3A_293 = arith.constant 3 : i32
            %add3A_294 = arith.addi %add3A_224, %add3A_293 : i32
            %lt3A_295 = arith.cmpi slt, %add3A_294, %min3A_157 : i32
            %convert_element_type3A_296 = arith.extui %lt3A_295 : i1 to i32
            %cond3A_297 = arith.constant 0 : i32
            %cond3A_298 = arith.cmpi ne, %convert_element_type3A_296, %cond3A_297 : i32
            scf.if %cond3A_298 {
              %dma_start3A_299 = arith.constant 1 : i32
              %dma_start3A_300 = arith.constant 0 : i32
              %dma_start3A_301 = arith.constant 0 : i32
              %dma_start3A_302 = tpu.memref_slice %arg11[%dma_start3A_299, %dma_start3A_300, %dma_start3A_301] : memref<3x64x128xf32, #tpu.memory_space<vmem>> -> memref<1x64x128xf32, #tpu.memory_space<vmem>>
              %dma_start3A_303 = tpu.memref_squeeze %dma_start3A_302 : memref<1x64x128xf32, #tpu.memory_space<vmem>> -> memref<64x128xf32, #tpu.memory_space<vmem>>
              %dma_start3A_304 = arith.constant 0 : i32
              %dma_start3A_305 = tpu.memref_slice %arg10[%add3A_294, %dma_start3A_304] : memref<40x64xi32, #tpu.memory_space<vmem>> -> memref<1x64xi32, #tpu.memory_space<vmem>>
              %dma_start3A_306 = tpu.memref_squeeze %dma_start3A_305 : memref<1x64xi32, #tpu.memory_space<vmem>> -> memref<64xi32, #tpu.memory_space<vmem>>
              %dma_start3A_307 = arith.constant 0 : i32
              %dma_start3A_308 = arith.constant 0 : i32
              %dma_start3A_309 = tpu.memref_slice %arg2[%dma_start3A_307, %dma_start3A_308] : memref<10240x128xf32, #tpu.memory_space<hbm>> -> memref<10240x128xf32, #tpu.memory_space<hbm>>
              tpu.enqueue_indirect_dma source(%dma_start3A_309 : memref<10240x128xf32, #tpu.memory_space<hbm>>) target(%dma_start3A_303 : memref<64x128xf32, #tpu.memory_space<vmem>>) offsets(%dma_start3A_306 : memref<64xi32, #tpu.memory_space<vmem>>) semaphore(%arg16 : memref<!tpu.dma_semaphore, #tpu.memory_space<semaphore_mem>>)
              %ge3A = arith.constant 3 : i32
              %ge3A_310 = arith.cmpi sge, %add3A_224, %ge3A : i32
              %convert_element_type3A_311 = arith.extui %ge3A_310 : i1 to i32
              %cond3A_312 = arith.constant 0 : i32
              %cond3A_313 = arith.cmpi ne, %convert_element_type3A_311, %cond3A_312 : i32
              scf.if %cond3A_313 {
                %dma_wait3A_325 = arith.constant 4 : i32
                %dma_wait3A_326 = arith.constant 0 : i32
                %dma_wait3A_327 = arith.constant 0 : i32
                %dma_wait3A_328 = arith.constant 0 : i32
                %dma_wait3A_329 = tpu.memref_slice %arg12[%dma_wait3A_325, %dma_wait3A_327, %dma_wait3A_328] : memref<6x64x16xf32, #tpu.memory_space<vmem>> -> memref<1x64x16xf32, #tpu.memory_space<vmem>>
                %dma_wait3A_330 = tpu.memref_squeeze %dma_wait3A_329 : memref<1x64x16xf32, #tpu.memory_space<vmem>> -> memref<64x16xf32, #tpu.memory_space<vmem>>
                %dma_wait3A_331 = arith.constant 0 : i32
                %dma_wait3A_332 = tpu.memref_slice %arg9[%dma_wait3A_326, %dma_wait3A_331] : memref<40x64xi32, #tpu.memory_space<vmem>> -> memref<1x64xi32, #tpu.memory_space<vmem>>
                %dma_wait3A_333 = tpu.memref_squeeze %dma_wait3A_332 : memref<1x64xi32, #tpu.memory_space<vmem>> -> memref<64xi32, #tpu.memory_space<vmem>>
                %dma_wait3A_334 = arith.constant 0 : i32
                %dma_wait3A_335 = arith.constant 0 : i32
                %dma_wait3A_336 = tpu.memref_slice %arg14[%dma_wait3A_334, %dma_wait3A_335] : memref<10240x16xf32, #tpu.memory_space<vmem_shared>> -> memref<10240x16xf32, #tpu.memory_space<vmem_shared>>
                tpu.wait_indirect_dma semaphore(%arg22 : memref<!tpu.dma_semaphore, #tpu.memory_space<semaphore_mem>>) src(%dma_wait3A_330 : memref<64x16xf32, #tpu.memory_space<vmem>>) dst(%dma_wait3A_336 : memref<10240x16xf32, #tpu.memory_space<vmem_shared>>)
              } else {
              }
              %dma_start3A_314 = arith.constant 4 : i32
              %dma_start3A_315 = arith.constant 0 : i32
              %dma_start3A_316 = arith.constant 0 : i32
              %dma_start3A_317 = tpu.memref_slice %arg12[%dma_start3A_314, %dma_start3A_315, %dma_start3A_316] : memref<6x64x16xf32, #tpu.memory_space<vmem>> -> memref<1x64x16xf32, #tpu.memory_space<vmem>>
              %dma_start3A_318 = tpu.memref_squeeze %dma_start3A_317 : memref<1x64x16xf32, #tpu.memory_space<vmem>> -> memref<64x16xf32, #tpu.memory_space<vmem>>
              %dma_start3A_319 = arith.constant 0 : i32
              %dma_start3A_320 = tpu.memref_slice %arg10[%add3A_294, %dma_start3A_319] : memref<40x64xi32, #tpu.memory_space<vmem>> -> memref<1x64xi32, #tpu.memory_space<vmem>>
              %dma_start3A_321 = tpu.memref_squeeze %dma_start3A_320 : memref<1x64xi32, #tpu.memory_space<vmem>> -> memref<64xi32, #tpu.memory_space<vmem>>
              %dma_start3A_322 = arith.constant 0 : i32
              %dma_start3A_323 = arith.constant 0 : i32
              %dma_start3A_324 = tpu.memref_slice %arg3[%dma_start3A_322, %dma_start3A_323] : memref<10240x16xf32, #tpu.memory_space<hbm>> -> memref<10240x16xf32, #tpu.memory_space<hbm>>
              tpu.enqueue_indirect_dma source(%dma_start3A_324 : memref<10240x16xf32, #tpu.memory_space<hbm>>) target(%dma_start3A_318 : memref<64x16xf32, #tpu.memory_space<vmem>>) offsets(%dma_start3A_321 : memref<64xi32, #tpu.memory_space<vmem>>) semaphore(%arg16 : memref<!tpu.dma_semaphore, #tpu.memory_space<semaphore_mem>>)
            } else {
            }
          } else {
          }
          %mul3A_229 = arith.constant 6 : i32
          %mul3A_230 = arith.muli %scan3A_213, %mul3A_229 : i32
          %add3A_231 = arith.constant 2 : i32
          %add3A_232 = arith.addi %mul3A_230, %add3A_231 : i32
          %lt3A_233 = arith.cmpi slt, %add3A_232, %min3A_157 : i32
          %convert_element_type3A_234 = arith.extui %lt3A_233 : i1 to i32
          %cond3A_235 = arith.constant 0 : i32
          %cond3A_236 = arith.cmpi ne, %convert_element_type3A_234, %cond3A_235 : i32
          scf.if %cond3A_236 {
            %dma_wait3A = arith.constant 2 : i32
            %dma_wait3A_261 = arith.constant 0 : i32
            %dma_wait3A_262 = arith.constant 0 : i32
            %dma_wait3A_263 = tpu.memref_slice %arg11[%dma_wait3A, %dma_wait3A_261, %dma_wait3A_262] : memref<3x64x128xf32, #tpu.memory_space<vmem>> -> memref<1x64x128xf32, #tpu.memory_space<vmem>>
            %dma_wait3A_264 = tpu.memref_squeeze %dma_wait3A_263 : memref<1x64x128xf32, #tpu.memory_space<vmem>> -> memref<64x128xf32, #tpu.memory_space<vmem>>
            %dma_wait3A_265 = arith.constant 0 : i32
            %dma_wait3A_266 = tpu.memref_slice %arg10[%add3A_232, %dma_wait3A_265] : memref<40x64xi32, #tpu.memory_space<vmem>> -> memref<1x64xi32, #tpu.memory_space<vmem>>
            %dma_wait3A_267 = tpu.memref_squeeze %dma_wait3A_266 : memref<1x64xi32, #tpu.memory_space<vmem>> -> memref<64xi32, #tpu.memory_space<vmem>>
            %dma_wait3A_268 = arith.constant 0 : i32
            %dma_wait3A_269 = arith.constant 0 : i32
            %dma_wait3A_270 = tpu.memref_slice %arg2[%dma_wait3A_268, %dma_wait3A_269] : memref<10240x128xf32, #tpu.memory_space<hbm>> -> memref<10240x128xf32, #tpu.memory_space<hbm>>
            tpu.wait_indirect_dma semaphore(%arg17 : memref<!tpu.dma_semaphore, #tpu.memory_space<semaphore_mem>>) src(%dma_wait3A_270 : memref<10240x128xf32, #tpu.memory_space<hbm>>) dst(%dma_wait3A_264 : memref<64x128xf32, #tpu.memory_space<vmem>>)
            %dma_wait3A_271 = arith.constant 2 : i32
            %dma_wait3A_272 = arith.constant 0 : i32
            %dma_wait3A_273 = arith.constant 0 : i32
            %dma_wait3A_274 = tpu.memref_slice %arg12[%dma_wait3A_271, %dma_wait3A_272, %dma_wait3A_273] : memref<6x64x16xf32, #tpu.memory_space<vmem>> -> memref<1x64x16xf32, #tpu.memory_space<vmem>>
            %dma_wait3A_275 = tpu.memref_squeeze %dma_wait3A_274 : memref<1x64x16xf32, #tpu.memory_space<vmem>> -> memref<64x16xf32, #tpu.memory_space<vmem>>
            %dma_wait3A_276 = arith.constant 0 : i32
            %dma_wait3A_277 = tpu.memref_slice %arg10[%add3A_232, %dma_wait3A_276] : memref<40x64xi32, #tpu.memory_space<vmem>> -> memref<1x64xi32, #tpu.memory_space<vmem>>
            %dma_wait3A_278 = tpu.memref_squeeze %dma_wait3A_277 : memref<1x64xi32, #tpu.memory_space<vmem>> -> memref<64xi32, #tpu.memory_space<vmem>>
            %dma_wait3A_279 = arith.constant 0 : i32
            %dma_wait3A_280 = arith.constant 0 : i32
            %dma_wait3A_281 = tpu.memref_slice %arg3[%dma_wait3A_279, %dma_wait3A_280] : memref<10240x16xf32, #tpu.memory_space<hbm>> -> memref<10240x16xf32, #tpu.memory_space<hbm>>
            tpu.wait_indirect_dma semaphore(%arg17 : memref<!tpu.dma_semaphore, #tpu.memory_space<semaphore_mem>>) src(%dma_wait3A_281 : memref<10240x16xf32, #tpu.memory_space<hbm>>) dst(%dma_wait3A_275 : memref<64x16xf32, #tpu.memory_space<vmem>>)
            %run_scoped3A_282 = arith.constant 2 : i32
            "tpu.region"() ({
              %run_scoped3A_299 = tpu.sem_alloc : memref<!tpu.dma_semaphore, #tpu.memory_space<semaphore_mem>>
              %dma_start3A_300 = arith.constant 0 : i32
              %dma_start3A_301 = arith.constant 0 : i32
              %dma_start3A_302 = tpu.memref_slice %arg11[%run_scoped3A_282, %dma_start3A_300, %dma_start3A_301] : memref<3x64x128xf32, #tpu.memory_space<vmem>> -> memref<1x64x128xf32, #tpu.memory_space<vmem>>
              %dma_start3A_303 = tpu.memref_squeeze %dma_start3A_302 : memref<1x64x128xf32, #tpu.memory_space<vmem>> -> memref<64x128xf32, #tpu.memory_space<vmem>>
              %dma_start3A_304 = arith.constant 0 : i32
              %dma_start3A_305 = tpu.memref_slice %arg9[%add3A_232, %dma_start3A_304] : memref<40x64xi32, #tpu.memory_space<vmem>> -> memref<1x64xi32, #tpu.memory_space<vmem>>
              %dma_start3A_306 = tpu.memref_squeeze %dma_start3A_305 : memref<1x64xi32, #tpu.memory_space<vmem>> -> memref<64xi32, #tpu.memory_space<vmem>>
              %dma_start3A_307 = arith.constant 0 : i32
              %dma_start3A_308 = arith.constant 0 : i32
              %dma_start3A_309 = tpu.memref_slice %arg13[%dma_start3A_307, %dma_start3A_308] : memref<10240x128xf32, #tpu.memory_space<vmem_shared>> -> memref<10240x128xf32, #tpu.memory_space<vmem_shared>>
              tpu.enqueue_indirect_dma source(%dma_start3A_303 : memref<64x128xf32, #tpu.memory_space<vmem>>) target(%dma_start3A_309 : memref<10240x128xf32, #tpu.memory_space<vmem_shared>>) offsets(%dma_start3A_306 : memref<64xi32, #tpu.memory_space<vmem>>) semaphore(%run_scoped3A_299 : memref<!tpu.dma_semaphore, #tpu.memory_space<semaphore_mem>>) {add = true}
              %dma_wait3A_310 = arith.constant 0 : i32
              %dma_wait3A_311 = arith.constant 0 : i32
              %dma_wait3A_312 = tpu.memref_slice %arg11[%run_scoped3A_282, %dma_wait3A_310, %dma_wait3A_311] : memref<3x64x128xf32, #tpu.memory_space<vmem>> -> memref<1x64x128xf32, #tpu.memory_space<vmem>>
              %dma_wait3A_313 = tpu.memref_squeeze %dma_wait3A_312 : memref<1x64x128xf32, #tpu.memory_space<vmem>> -> memref<64x128xf32, #tpu.memory_space<vmem>>
              %dma_wait3A_314 = arith.constant 0 : i32
              %dma_wait3A_315 = tpu.memref_slice %arg9[%add3A_232, %dma_wait3A_314] : memref<40x64xi32, #tpu.memory_space<vmem>> -> memref<1x64xi32, #tpu.memory_space<vmem>>
              %dma_wait3A_316 = tpu.memref_squeeze %dma_wait3A_315 : memref<1x64xi32, #tpu.memory_space<vmem>> -> memref<64xi32, #tpu.memory_space<vmem>>
              %dma_wait3A_317 = arith.constant 0 : i32
              %dma_wait3A_318 = arith.constant 0 : i32
              %dma_wait3A_319 = tpu.memref_slice %arg13[%dma_wait3A_317, %dma_wait3A_318] : memref<10240x128xf32, #tpu.memory_space<vmem_shared>> -> memref<10240x128xf32, #tpu.memory_space<vmem_shared>>
              tpu.wait_indirect_dma semaphore(%run_scoped3A_299 : memref<!tpu.dma_semaphore, #tpu.memory_space<semaphore_mem>>) src(%dma_wait3A_313 : memref<64x128xf32, #tpu.memory_space<vmem>>) dst(%dma_wait3A_319 : memref<10240x128xf32, #tpu.memory_space<vmem_shared>>)
              tpu.yield
            }) : () -> ()
            %dma_start3A = arith.constant 2 : i32
            %dma_start3A_283 = arith.constant 0 : i32
            %dma_start3A_284 = arith.constant 0 : i32
            %dma_start3A_285 = tpu.memref_slice %arg12[%dma_start3A, %dma_start3A_283, %dma_start3A_284] : memref<6x64x16xf32, #tpu.memory_space<vmem>> -> memref<1x64x16xf32, #tpu.memory_space<vmem>>
            %dma_start3A_286 = tpu.memref_squeeze %dma_start3A_285 : memref<1x64x16xf32, #tpu.memory_space<vmem>> -> memref<64x16xf32, #tpu.memory_space<vmem>>
            %dma_start3A_287 = arith.constant 0 : i32
            %dma_start3A_288 = tpu.memref_slice %arg9[%add3A_232, %dma_start3A_287] : memref<40x64xi32, #tpu.memory_space<vmem>> -> memref<1x64xi32, #tpu.memory_space<vmem>>
            %dma_start3A_289 = tpu.memref_squeeze %dma_start3A_288 : memref<1x64xi32, #tpu.memory_space<vmem>> -> memref<64xi32, #tpu.memory_space<vmem>>
            %dma_start3A_290 = arith.constant 0 : i32
            %dma_start3A_291 = arith.constant 0 : i32
            %dma_start3A_292 = tpu.memref_slice %arg14[%dma_start3A_290, %dma_start3A_291] : memref<10240x16xf32, #tpu.memory_space<vmem_shared>> -> memref<10240x16xf32, #tpu.memory_space<vmem_shared>>
            tpu.enqueue_indirect_dma source(%dma_start3A_286 : memref<64x16xf32, #tpu.memory_space<vmem>>) target(%dma_start3A_292 : memref<10240x16xf32, #tpu.memory_space<vmem_shared>>) offsets(%dma_start3A_289 : memref<64xi32, #tpu.memory_space<vmem>>) semaphore(%arg20 : memref<!tpu.dma_semaphore, #tpu.memory_space<semaphore_mem>>) {add = true}
            %add3A_293 = arith.constant 3 : i32
            %add3A_294 = arith.addi %add3A_232, %add3A_293 : i32
            %lt3A_295 = arith.cmpi slt, %add3A_294, %min3A_157 : i32
            %convert_element_type3A_296 = arith.extui %lt3A_295 : i1 to i32
            %cond3A_297 = arith.constant 0 : i32
            %cond3A_298 = arith.cmpi ne, %convert_element_type3A_296, %cond3A_297 : i32
            scf.if %cond3A_298 {
              %dma_start3A_299 = arith.constant 2 : i32
              %dma_start3A_300 = arith.constant 0 : i32
              %dma_start3A_301 = arith.constant 0 : i32
              %dma_start3A_302 = tpu.memref_slice %arg11[%dma_start3A_299, %dma_start3A_300, %dma_start3A_301] : memref<3x64x128xf32, #tpu.memory_space<vmem>> -> memref<1x64x128xf32, #tpu.memory_space<vmem>>
              %dma_start3A_303 = tpu.memref_squeeze %dma_start3A_302 : memref<1x64x128xf32, #tpu.memory_space<vmem>> -> memref<64x128xf32, #tpu.memory_space<vmem>>
              %dma_start3A_304 = arith.constant 0 : i32
              %dma_start3A_305 = tpu.memref_slice %arg10[%add3A_294, %dma_start3A_304] : memref<40x64xi32, #tpu.memory_space<vmem>> -> memref<1x64xi32, #tpu.memory_space<vmem>>
              %dma_start3A_306 = tpu.memref_squeeze %dma_start3A_305 : memref<1x64xi32, #tpu.memory_space<vmem>> -> memref<64xi32, #tpu.memory_space<vmem>>
              %dma_start3A_307 = arith.constant 0 : i32
              %dma_start3A_308 = arith.constant 0 : i32
              %dma_start3A_309 = tpu.memref_slice %arg2[%dma_start3A_307, %dma_start3A_308] : memref<10240x128xf32, #tpu.memory_space<hbm>> -> memref<10240x128xf32, #tpu.memory_space<hbm>>
              tpu.enqueue_indirect_dma source(%dma_start3A_309 : memref<10240x128xf32, #tpu.memory_space<hbm>>) target(%dma_start3A_303 : memref<64x128xf32, #tpu.memory_space<vmem>>) offsets(%dma_start3A_306 : memref<64xi32, #tpu.memory_space<vmem>>) semaphore(%arg17 : memref<!tpu.dma_semaphore, #tpu.memory_space<semaphore_mem>>)
              %ge3A = arith.constant 3 : i32
              %ge3A_310 = arith.cmpi sge, %add3A_232, %ge3A : i32
              %convert_element_type3A_311 = arith.extui %ge3A_310 : i1 to i32
              %cond3A_312 = arith.constant 0 : i32
              %cond3A_313 = arith.cmpi ne, %convert_element_type3A_311, %cond3A_312 : i32
              scf.if %cond3A_313 {
                %dma_wait3A_325 = arith.constant 5 : i32
                %dma_wait3A_326 = arith.constant 0 : i32
                %dma_wait3A_327 = arith.constant 0 : i32
                %dma_wait3A_328 = arith.constant 0 : i32
                %dma_wait3A_329 = tpu.memref_slice %arg12[%dma_wait3A_325, %dma_wait3A_327, %dma_wait3A_328] : memref<6x64x16xf32, #tpu.memory_space<vmem>> -> memref<1x64x16xf32, #tpu.memory_space<vmem>>
                %dma_wait3A_330 = tpu.memref_squeeze %dma_wait3A_329 : memref<1x64x16xf32, #tpu.memory_space<vmem>> -> memref<64x16xf32, #tpu.memory_space<vmem>>
                %dma_wait3A_331 = arith.constant 0 : i32
                %dma_wait3A_332 = tpu.memref_slice %arg9[%dma_wait3A_326, %dma_wait3A_331] : memref<40x64xi32, #tpu.memory_space<vmem>> -> memref<1x64xi32, #tpu.memory_space<vmem>>
                %dma_wait3A_333 = tpu.memref_squeeze %dma_wait3A_332 : memref<1x64xi32, #tpu.memory_space<vmem>> -> memref<64xi32, #tpu.memory_space<vmem>>
                %dma_wait3A_334 = arith.constant 0 : i32
                %dma_wait3A_335 = arith.constant 0 : i32
                %dma_wait3A_336 = tpu.memref_slice %arg14[%dma_wait3A_334, %dma_wait3A_335] : memref<10240x16xf32, #tpu.memory_space<vmem_shared>> -> memref<10240x16xf32, #tpu.memory_space<vmem_shared>>
                tpu.wait_indirect_dma semaphore(%arg23 : memref<!tpu.dma_semaphore, #tpu.memory_space<semaphore_mem>>) src(%dma_wait3A_330 : memref<64x16xf32, #tpu.memory_space<vmem>>) dst(%dma_wait3A_336 : memref<10240x16xf32, #tpu.memory_space<vmem_shared>>)
              } else {
              }
              %dma_start3A_314 = arith.constant 5 : i32
              %dma_start3A_315 = arith.constant 0 : i32
              %dma_start3A_316 = arith.constant 0 : i32
              %dma_start3A_317 = tpu.memref_slice %arg12[%dma_start3A_314, %dma_start3A_315, %dma_start3A_316] : memref<6x64x16xf32, #tpu.memory_space<vmem>> -> memref<1x64x16xf32, #tpu.memory_space<vmem>>
              %dma_start3A_318 = tpu.memref_squeeze %dma_start3A_317 : memref<1x64x16xf32, #tpu.memory_space<vmem>> -> memref<64x16xf32, #tpu.memory_space<vmem>>
              %dma_start3A_319 = arith.constant 0 : i32
              %dma_start3A_320 = tpu.memref_slice %arg10[%add3A_294, %dma_start3A_319] : memref<40x64xi32, #tpu.memory_space<vmem>> -> memref<1x64xi32, #tpu.memory_space<vmem>>
              %dma_start3A_321 = tpu.memref_squeeze %dma_start3A_320 : memref<1x64xi32, #tpu.memory_space<vmem>> -> memref<64xi32, #tpu.memory_space<vmem>>
              %dma_start3A_322 = arith.constant 0 : i32
              %dma_start3A_323 = arith.constant 0 : i32
              %dma_start3A_324 = tpu.memref_slice %arg3[%dma_start3A_322, %dma_start3A_323] : memref<10240x16xf32, #tpu.memory_space<hbm>> -> memref<10240x16xf32, #tpu.memory_space<hbm>>
              tpu.enqueue_indirect_dma source(%dma_start3A_324 : memref<10240x16xf32, #tpu.memory_space<hbm>>) target(%dma_start3A_318 : memref<64x16xf32, #tpu.memory_space<vmem>>) offsets(%dma_start3A_321 : memref<64xi32, #tpu.memory_space<vmem>>) semaphore(%arg17 : memref<!tpu.dma_semaphore, #tpu.memory_space<semaphore_mem>>)
            } else {
            }
          } else {
          }
          %mul3A_237 = arith.constant 6 : i32
          %mul3A_238 = arith.muli %scan3A_213, %mul3A_237 : i32
          %add3A_239 = arith.constant 3 : i32
          %add3A_240 = arith.addi %mul3A_238, %add3A_239 : i32
          %lt3A_241 = arith.cmpi slt, %add3A_240, %min3A_157 : i32
          %convert_element_type3A_242 = arith.extui %lt3A_241 : i1 to i32
          %cond3A_243 = arith.constant 0 : i32
          %cond3A_244 = arith.cmpi ne, %convert_element_type3A_242, %cond3A_243 : i32
          scf.if %cond3A_244 {
            %dma_wait3A = arith.constant 0 : i32
            %dma_wait3A_261 = arith.constant 0 : i32
            %dma_wait3A_262 = arith.constant 0 : i32
            %dma_wait3A_263 = tpu.memref_slice %arg11[%dma_wait3A, %dma_wait3A_261, %dma_wait3A_262] : memref<3x64x128xf32, #tpu.memory_space<vmem>> -> memref<1x64x128xf32, #tpu.memory_space<vmem>>
            %dma_wait3A_264 = tpu.memref_squeeze %dma_wait3A_263 : memref<1x64x128xf32, #tpu.memory_space<vmem>> -> memref<64x128xf32, #tpu.memory_space<vmem>>
            %dma_wait3A_265 = arith.constant 0 : i32
            %dma_wait3A_266 = tpu.memref_slice %arg10[%add3A_240, %dma_wait3A_265] : memref<40x64xi32, #tpu.memory_space<vmem>> -> memref<1x64xi32, #tpu.memory_space<vmem>>
            %dma_wait3A_267 = tpu.memref_squeeze %dma_wait3A_266 : memref<1x64xi32, #tpu.memory_space<vmem>> -> memref<64xi32, #tpu.memory_space<vmem>>
            %dma_wait3A_268 = arith.constant 0 : i32
            %dma_wait3A_269 = arith.constant 0 : i32
            %dma_wait3A_270 = tpu.memref_slice %arg2[%dma_wait3A_268, %dma_wait3A_269] : memref<10240x128xf32, #tpu.memory_space<hbm>> -> memref<10240x128xf32, #tpu.memory_space<hbm>>
            tpu.wait_indirect_dma semaphore(%arg15 : memref<!tpu.dma_semaphore, #tpu.memory_space<semaphore_mem>>) src(%dma_wait3A_270 : memref<10240x128xf32, #tpu.memory_space<hbm>>) dst(%dma_wait3A_264 : memref<64x128xf32, #tpu.memory_space<vmem>>)
            %dma_wait3A_271 = arith.constant 3 : i32
            %dma_wait3A_272 = arith.constant 0 : i32
            %dma_wait3A_273 = arith.constant 0 : i32
            %dma_wait3A_274 = tpu.memref_slice %arg12[%dma_wait3A_271, %dma_wait3A_272, %dma_wait3A_273] : memref<6x64x16xf32, #tpu.memory_space<vmem>> -> memref<1x64x16xf32, #tpu.memory_space<vmem>>
            %dma_wait3A_275 = tpu.memref_squeeze %dma_wait3A_274 : memref<1x64x16xf32, #tpu.memory_space<vmem>> -> memref<64x16xf32, #tpu.memory_space<vmem>>
            %dma_wait3A_276 = arith.constant 0 : i32
            %dma_wait3A_277 = tpu.memref_slice %arg10[%add3A_240, %dma_wait3A_276] : memref<40x64xi32, #tpu.memory_space<vmem>> -> memref<1x64xi32, #tpu.memory_space<vmem>>
            %dma_wait3A_278 = tpu.memref_squeeze %dma_wait3A_277 : memref<1x64xi32, #tpu.memory_space<vmem>> -> memref<64xi32, #tpu.memory_space<vmem>>
            %dma_wait3A_279 = arith.constant 0 : i32
            %dma_wait3A_280 = arith.constant 0 : i32
            %dma_wait3A_281 = tpu.memref_slice %arg3[%dma_wait3A_279, %dma_wait3A_280] : memref<10240x16xf32, #tpu.memory_space<hbm>> -> memref<10240x16xf32, #tpu.memory_space<hbm>>
            tpu.wait_indirect_dma semaphore(%arg15 : memref<!tpu.dma_semaphore, #tpu.memory_space<semaphore_mem>>) src(%dma_wait3A_281 : memref<10240x16xf32, #tpu.memory_space<hbm>>) dst(%dma_wait3A_275 : memref<64x16xf32, #tpu.memory_space<vmem>>)
            %run_scoped3A_282 = arith.constant 0 : i32
            "tpu.region"() ({
              %run_scoped3A_299 = tpu.sem_alloc : memref<!tpu.dma_semaphore, #tpu.memory_space<semaphore_mem>>
              %dma_start3A_300 = arith.constant 0 : i32
              %dma_start3A_301 = arith.constant 0 : i32
              %dma_start3A_302 = tpu.memref_slice %arg11[%run_scoped3A_282, %dma_start3A_300, %dma_start3A_301] : memref<3x64x128xf32, #tpu.memory_space<vmem>> -> memref<1x64x128xf32, #tpu.memory_space<vmem>>
              %dma_start3A_303 = tpu.memref_squeeze %dma_start3A_302 : memref<1x64x128xf32, #tpu.memory_space<vmem>> -> memref<64x128xf32, #tpu.memory_space<vmem>>
              %dma_start3A_304 = arith.constant 0 : i32
              %dma_start3A_305 = tpu.memref_slice %arg9[%add3A_240, %dma_start3A_304] : memref<40x64xi32, #tpu.memory_space<vmem>> -> memref<1x64xi32, #tpu.memory_space<vmem>>
              %dma_start3A_306 = tpu.memref_squeeze %dma_start3A_305 : memref<1x64xi32, #tpu.memory_space<vmem>> -> memref<64xi32, #tpu.memory_space<vmem>>
              %dma_start3A_307 = arith.constant 0 : i32
              %dma_start3A_308 = arith.constant 0 : i32
              %dma_start3A_309 = tpu.memref_slice %arg13[%dma_start3A_307, %dma_start3A_308] : memref<10240x128xf32, #tpu.memory_space<vmem_shared>> -> memref<10240x128xf32, #tpu.memory_space<vmem_shared>>
              tpu.enqueue_indirect_dma source(%dma_start3A_303 : memref<64x128xf32, #tpu.memory_space<vmem>>) target(%dma_start3A_309 : memref<10240x128xf32, #tpu.memory_space<vmem_shared>>) offsets(%dma_start3A_306 : memref<64xi32, #tpu.memory_space<vmem>>) semaphore(%run_scoped3A_299 : memref<!tpu.dma_semaphore, #tpu.memory_space<semaphore_mem>>) {add = true}
              %dma_wait3A_310 = arith.constant 0 : i32
              %dma_wait3A_311 = arith.constant 0 : i32
              %dma_wait3A_312 = tpu.memref_slice %arg11[%run_scoped3A_282, %dma_wait3A_310, %dma_wait3A_311] : memref<3x64x128xf32, #tpu.memory_space<vmem>> -> memref<1x64x128xf32, #tpu.memory_space<vmem>>
              %dma_wait3A_313 = tpu.memref_squeeze %dma_wait3A_312 : memref<1x64x128xf32, #tpu.memory_space<vmem>> -> memref<64x128xf32, #tpu.memory_space<vmem>>
              %dma_wait3A_314 = arith.constant 0 : i32
              %dma_wait3A_315 = tpu.memref_slice %arg9[%add3A_240, %dma_wait3A_314] : memref<40x64xi32, #tpu.memory_space<vmem>> -> memref<1x64xi32, #tpu.memory_space<vmem>>
              %dma_wait3A_316 = tpu.memref_squeeze %dma_wait3A_315 : memref<1x64xi32, #tpu.memory_space<vmem>> -> memref<64xi32, #tpu.memory_space<vmem>>
              %dma_wait3A_317 = arith.constant 0 : i32
              %dma_wait3A_318 = arith.constant 0 : i32
              %dma_wait3A_319 = tpu.memref_slice %arg13[%dma_wait3A_317, %dma_wait3A_318] : memref<10240x128xf32, #tpu.memory_space<vmem_shared>> -> memref<10240x128xf32, #tpu.memory_space<vmem_shared>>
              tpu.wait_indirect_dma semaphore(%run_scoped3A_299 : memref<!tpu.dma_semaphore, #tpu.memory_space<semaphore_mem>>) src(%dma_wait3A_313 : memref<64x128xf32, #tpu.memory_space<vmem>>) dst(%dma_wait3A_319 : memref<10240x128xf32, #tpu.memory_space<vmem_shared>>)
              tpu.yield
            }) : () -> ()
            %dma_start3A = arith.constant 3 : i32
            %dma_start3A_283 = arith.constant 0 : i32
            %dma_start3A_284 = arith.constant 0 : i32
            %dma_start3A_285 = tpu.memref_slice %arg12[%dma_start3A, %dma_start3A_283, %dma_start3A_284] : memref<6x64x16xf32, #tpu.memory_space<vmem>> -> memref<1x64x16xf32, #tpu.memory_space<vmem>>
            %dma_start3A_286 = tpu.memref_squeeze %dma_start3A_285 : memref<1x64x16xf32, #tpu.memory_space<vmem>> -> memref<64x16xf32, #tpu.memory_space<vmem>>
            %dma_start3A_287 = arith.constant 0 : i32
            %dma_start3A_288 = tpu.memref_slice %arg9[%add3A_240, %dma_start3A_287] : memref<40x64xi32, #tpu.memory_space<vmem>> -> memref<1x64xi32, #tpu.memory_space<vmem>>
            %dma_start3A_289 = tpu.memref_squeeze %dma_start3A_288 : memref<1x64xi32, #tpu.memory_space<vmem>> -> memref<64xi32, #tpu.memory_space<vmem>>
            %dma_start3A_290 = arith.constant 0 : i32
            %dma_start3A_291 = arith.constant 0 : i32
            %dma_start3A_292 = tpu.memref_slice %arg14[%dma_start3A_290, %dma_start3A_291] : memref<10240x16xf32, #tpu.memory_space<vmem_shared>> -> memref<10240x16xf32, #tpu.memory_space<vmem_shared>>
            tpu.enqueue_indirect_dma source(%dma_start3A_286 : memref<64x16xf32, #tpu.memory_space<vmem>>) target(%dma_start3A_292 : memref<10240x16xf32, #tpu.memory_space<vmem_shared>>) offsets(%dma_start3A_289 : memref<64xi32, #tpu.memory_space<vmem>>) semaphore(%arg21 : memref<!tpu.dma_semaphore, #tpu.memory_space<semaphore_mem>>) {add = true}
            %add3A_293 = arith.constant 3 : i32
            %add3A_294 = arith.addi %add3A_240, %add3A_293 : i32
            %lt3A_295 = arith.cmpi slt, %add3A_294, %min3A_157 : i32
            %convert_element_type3A_296 = arith.extui %lt3A_295 : i1 to i32
            %cond3A_297 = arith.constant 0 : i32
            %cond3A_298 = arith.cmpi ne, %convert_element_type3A_296, %cond3A_297 : i32
            scf.if %cond3A_298 {
              %dma_start3A_299 = arith.constant 0 : i32
              %dma_start3A_300 = arith.constant 0 : i32
              %dma_start3A_301 = arith.constant 0 : i32
              %dma_start3A_302 = tpu.memref_slice %arg11[%dma_start3A_299, %dma_start3A_300, %dma_start3A_301] : memref<3x64x128xf32, #tpu.memory_space<vmem>> -> memref<1x64x128xf32, #tpu.memory_space<vmem>>
              %dma_start3A_303 = tpu.memref_squeeze %dma_start3A_302 : memref<1x64x128xf32, #tpu.memory_space<vmem>> -> memref<64x128xf32, #tpu.memory_space<vmem>>
              %dma_start3A_304 = arith.constant 0 : i32
              %dma_start3A_305 = tpu.memref_slice %arg10[%add3A_294, %dma_start3A_304] : memref<40x64xi32, #tpu.memory_space<vmem>> -> memref<1x64xi32, #tpu.memory_space<vmem>>
              %dma_start3A_306 = tpu.memref_squeeze %dma_start3A_305 : memref<1x64xi32, #tpu.memory_space<vmem>> -> memref<64xi32, #tpu.memory_space<vmem>>
              %dma_start3A_307 = arith.constant 0 : i32
              %dma_start3A_308 = arith.constant 0 : i32
              %dma_start3A_309 = tpu.memref_slice %arg2[%dma_start3A_307, %dma_start3A_308] : memref<10240x128xf32, #tpu.memory_space<hbm>> -> memref<10240x128xf32, #tpu.memory_space<hbm>>
              tpu.enqueue_indirect_dma source(%dma_start3A_309 : memref<10240x128xf32, #tpu.memory_space<hbm>>) target(%dma_start3A_303 : memref<64x128xf32, #tpu.memory_space<vmem>>) offsets(%dma_start3A_306 : memref<64xi32, #tpu.memory_space<vmem>>) semaphore(%arg15 : memref<!tpu.dma_semaphore, #tpu.memory_space<semaphore_mem>>)
              %ge3A = arith.constant 3 : i32
              %ge3A_310 = arith.cmpi sge, %add3A_240, %ge3A : i32
              %convert_element_type3A_311 = arith.extui %ge3A_310 : i1 to i32
              %cond3A_312 = arith.constant 0 : i32
              %cond3A_313 = arith.cmpi ne, %convert_element_type3A_311, %cond3A_312 : i32
              scf.if %cond3A_313 {
                %dma_wait3A_325 = arith.constant 0 : i32
                %dma_wait3A_326 = arith.constant 0 : i32
                %dma_wait3A_327 = arith.constant 0 : i32
                %dma_wait3A_328 = arith.constant 0 : i32
                %dma_wait3A_329 = tpu.memref_slice %arg12[%dma_wait3A_325, %dma_wait3A_327, %dma_wait3A_328] : memref<6x64x16xf32, #tpu.memory_space<vmem>> -> memref<1x64x16xf32, #tpu.memory_space<vmem>>
                %dma_wait3A_330 = tpu.memref_squeeze %dma_wait3A_329 : memref<1x64x16xf32, #tpu.memory_space<vmem>> -> memref<64x16xf32, #tpu.memory_space<vmem>>
                %dma_wait3A_331 = arith.constant 0 : i32
                %dma_wait3A_332 = tpu.memref_slice %arg9[%dma_wait3A_326, %dma_wait3A_331] : memref<40x64xi32, #tpu.memory_space<vmem>> -> memref<1x64xi32, #tpu.memory_space<vmem>>
                %dma_wait3A_333 = tpu.memref_squeeze %dma_wait3A_332 : memref<1x64xi32, #tpu.memory_space<vmem>> -> memref<64xi32, #tpu.memory_space<vmem>>
                %dma_wait3A_334 = arith.constant 0 : i32
                %dma_wait3A_335 = arith.constant 0 : i32
                %dma_wait3A_336 = tpu.memref_slice %arg14[%dma_wait3A_334, %dma_wait3A_335] : memref<10240x16xf32, #tpu.memory_space<vmem_shared>> -> memref<10240x16xf32, #tpu.memory_space<vmem_shared>>
                tpu.wait_indirect_dma semaphore(%arg18 : memref<!tpu.dma_semaphore, #tpu.memory_space<semaphore_mem>>) src(%dma_wait3A_330 : memref<64x16xf32, #tpu.memory_space<vmem>>) dst(%dma_wait3A_336 : memref<10240x16xf32, #tpu.memory_space<vmem_shared>>)
              } else {
              }
              %dma_start3A_314 = arith.constant 0 : i32
              %dma_start3A_315 = arith.constant 0 : i32
              %dma_start3A_316 = arith.constant 0 : i32
              %dma_start3A_317 = tpu.memref_slice %arg12[%dma_start3A_314, %dma_start3A_315, %dma_start3A_316] : memref<6x64x16xf32, #tpu.memory_space<vmem>> -> memref<1x64x16xf32, #tpu.memory_space<vmem>>
              %dma_start3A_318 = tpu.memref_squeeze %dma_start3A_317 : memref<1x64x16xf32, #tpu.memory_space<vmem>> -> memref<64x16xf32, #tpu.memory_space<vmem>>
              %dma_start3A_319 = arith.constant 0 : i32
              %dma_start3A_320 = tpu.memref_slice %arg10[%add3A_294, %dma_start3A_319] : memref<40x64xi32, #tpu.memory_space<vmem>> -> memref<1x64xi32, #tpu.memory_space<vmem>>
              %dma_start3A_321 = tpu.memref_squeeze %dma_start3A_320 : memref<1x64xi32, #tpu.memory_space<vmem>> -> memref<64xi32, #tpu.memory_space<vmem>>
              %dma_start3A_322 = arith.constant 0 : i32
              %dma_start3A_323 = arith.constant 0 : i32
              %dma_start3A_324 = tpu.memref_slice %arg3[%dma_start3A_322, %dma_start3A_323] : memref<10240x16xf32, #tpu.memory_space<hbm>> -> memref<10240x16xf32, #tpu.memory_space<hbm>>
              tpu.enqueue_indirect_dma source(%dma_start3A_324 : memref<10240x16xf32, #tpu.memory_space<hbm>>) target(%dma_start3A_318 : memref<64x16xf32, #tpu.memory_space<vmem>>) offsets(%dma_start3A_321 : memref<64xi32, #tpu.memory_space<vmem>>) semaphore(%arg15 : memref<!tpu.dma_semaphore, #tpu.memory_space<semaphore_mem>>)
            } else {
            }
          } else {
          }
          %mul3A_245 = arith.constant 6 : i32
          %mul3A_246 = arith.muli %scan3A_213, %mul3A_245 : i32
          %add3A_247 = arith.constant 4 : i32
          %add3A_248 = arith.addi %mul3A_246, %add3A_247 : i32
          %lt3A_249 = arith.cmpi slt, %add3A_248, %min3A_157 : i32
          %convert_element_type3A_250 = arith.extui %lt3A_249 : i1 to i32
          %cond3A_251 = arith.constant 0 : i32
          %cond3A_252 = arith.cmpi ne, %convert_element_type3A_250, %cond3A_251 : i32
          scf.if %cond3A_252 {
            %dma_wait3A = arith.constant 1 : i32
            %dma_wait3A_261 = arith.constant 0 : i32
            %dma_wait3A_262 = arith.constant 0 : i32
            %dma_wait3A_263 = tpu.memref_slice %arg11[%dma_wait3A, %dma_wait3A_261, %dma_wait3A_262] : memref<3x64x128xf32, #tpu.memory_space<vmem>> -> memref<1x64x128xf32, #tpu.memory_space<vmem>>
            %dma_wait3A_264 = tpu.memref_squeeze %dma_wait3A_263 : memref<1x64x128xf32, #tpu.memory_space<vmem>> -> memref<64x128xf32, #tpu.memory_space<vmem>>
            %dma_wait3A_265 = arith.constant 0 : i32
            %dma_wait3A_266 = tpu.memref_slice %arg10[%add3A_248, %dma_wait3A_265] : memref<40x64xi32, #tpu.memory_space<vmem>> -> memref<1x64xi32, #tpu.memory_space<vmem>>
            %dma_wait3A_267 = tpu.memref_squeeze %dma_wait3A_266 : memref<1x64xi32, #tpu.memory_space<vmem>> -> memref<64xi32, #tpu.memory_space<vmem>>
            %dma_wait3A_268 = arith.constant 0 : i32
            %dma_wait3A_269 = arith.constant 0 : i32
            %dma_wait3A_270 = tpu.memref_slice %arg2[%dma_wait3A_268, %dma_wait3A_269] : memref<10240x128xf32, #tpu.memory_space<hbm>> -> memref<10240x128xf32, #tpu.memory_space<hbm>>
            tpu.wait_indirect_dma semaphore(%arg16 : memref<!tpu.dma_semaphore, #tpu.memory_space<semaphore_mem>>) src(%dma_wait3A_270 : memref<10240x128xf32, #tpu.memory_space<hbm>>) dst(%dma_wait3A_264 : memref<64x128xf32, #tpu.memory_space<vmem>>)
            %dma_wait3A_271 = arith.constant 4 : i32
            %dma_wait3A_272 = arith.constant 0 : i32
            %dma_wait3A_273 = arith.constant 0 : i32
            %dma_wait3A_274 = tpu.memref_slice %arg12[%dma_wait3A_271, %dma_wait3A_272, %dma_wait3A_273] : memref<6x64x16xf32, #tpu.memory_space<vmem>> -> memref<1x64x16xf32, #tpu.memory_space<vmem>>
            %dma_wait3A_275 = tpu.memref_squeeze %dma_wait3A_274 : memref<1x64x16xf32, #tpu.memory_space<vmem>> -> memref<64x16xf32, #tpu.memory_space<vmem>>
            %dma_wait3A_276 = arith.constant 0 : i32
            %dma_wait3A_277 = tpu.memref_slice %arg10[%add3A_248, %dma_wait3A_276] : memref<40x64xi32, #tpu.memory_space<vmem>> -> memref<1x64xi32, #tpu.memory_space<vmem>>
            %dma_wait3A_278 = tpu.memref_squeeze %dma_wait3A_277 : memref<1x64xi32, #tpu.memory_space<vmem>> -> memref<64xi32, #tpu.memory_space<vmem>>
            %dma_wait3A_279 = arith.constant 0 : i32
            %dma_wait3A_280 = arith.constant 0 : i32
            %dma_wait3A_281 = tpu.memref_slice %arg3[%dma_wait3A_279, %dma_wait3A_280] : memref<10240x16xf32, #tpu.memory_space<hbm>> -> memref<10240x16xf32, #tpu.memory_space<hbm>>
            tpu.wait_indirect_dma semaphore(%arg16 : memref<!tpu.dma_semaphore, #tpu.memory_space<semaphore_mem>>) src(%dma_wait3A_281 : memref<10240x16xf32, #tpu.memory_space<hbm>>) dst(%dma_wait3A_275 : memref<64x16xf32, #tpu.memory_space<vmem>>)
            %run_scoped3A_282 = arith.constant 1 : i32
            "tpu.region"() ({
              %run_scoped3A_299 = tpu.sem_alloc : memref<!tpu.dma_semaphore, #tpu.memory_space<semaphore_mem>>
              %dma_start3A_300 = arith.constant 0 : i32
              %dma_start3A_301 = arith.constant 0 : i32
              %dma_start3A_302 = tpu.memref_slice %arg11[%run_scoped3A_282, %dma_start3A_300, %dma_start3A_301] : memref<3x64x128xf32, #tpu.memory_space<vmem>> -> memref<1x64x128xf32, #tpu.memory_space<vmem>>
              %dma_start3A_303 = tpu.memref_squeeze %dma_start3A_302 : memref<1x64x128xf32, #tpu.memory_space<vmem>> -> memref<64x128xf32, #tpu.memory_space<vmem>>
              %dma_start3A_304 = arith.constant 0 : i32
              %dma_start3A_305 = tpu.memref_slice %arg9[%add3A_248, %dma_start3A_304] : memref<40x64xi32, #tpu.memory_space<vmem>> -> memref<1x64xi32, #tpu.memory_space<vmem>>
              %dma_start3A_306 = tpu.memref_squeeze %dma_start3A_305 : memref<1x64xi32, #tpu.memory_space<vmem>> -> memref<64xi32, #tpu.memory_space<vmem>>
              %dma_start3A_307 = arith.constant 0 : i32
              %dma_start3A_308 = arith.constant 0 : i32
              %dma_start3A_309 = tpu.memref_slice %arg13[%dma_start3A_307, %dma_start3A_308] : memref<10240x128xf32, #tpu.memory_space<vmem_shared>> -> memref<10240x128xf32, #tpu.memory_space<vmem_shared>>
              tpu.enqueue_indirect_dma source(%dma_start3A_303 : memref<64x128xf32, #tpu.memory_space<vmem>>) target(%dma_start3A_309 : memref<10240x128xf32, #tpu.memory_space<vmem_shared>>) offsets(%dma_start3A_306 : memref<64xi32, #tpu.memory_space<vmem>>) semaphore(%run_scoped3A_299 : memref<!tpu.dma_semaphore, #tpu.memory_space<semaphore_mem>>) {add = true}
              %dma_wait3A_310 = arith.constant 0 : i32
              %dma_wait3A_311 = arith.constant 0 : i32
              %dma_wait3A_312 = tpu.memref_slice %arg11[%run_scoped3A_282, %dma_wait3A_310, %dma_wait3A_311] : memref<3x64x128xf32, #tpu.memory_space<vmem>> -> memref<1x64x128xf32, #tpu.memory_space<vmem>>
              %dma_wait3A_313 = tpu.memref_squeeze %dma_wait3A_312 : memref<1x64x128xf32, #tpu.memory_space<vmem>> -> memref<64x128xf32, #tpu.memory_space<vmem>>
              %dma_wait3A_314 = arith.constant 0 : i32
              %dma_wait3A_315 = tpu.memref_slice %arg9[%add3A_248, %dma_wait3A_314] : memref<40x64xi32, #tpu.memory_space<vmem>> -> memref<1x64xi32, #tpu.memory_space<vmem>>
              %dma_wait3A_316 = tpu.memref_squeeze %dma_wait3A_315 : memref<1x64xi32, #tpu.memory_space<vmem>> -> memref<64xi32, #tpu.memory_space<vmem>>
              %dma_wait3A_317 = arith.constant 0 : i32
              %dma_wait3A_318 = arith.constant 0 : i32
              %dma_wait3A_319 = tpu.memref_slice %arg13[%dma_wait3A_317, %dma_wait3A_318] : memref<10240x128xf32, #tpu.memory_space<vmem_shared>> -> memref<10240x128xf32, #tpu.memory_space<vmem_shared>>
              tpu.wait_indirect_dma semaphore(%run_scoped3A_299 : memref<!tpu.dma_semaphore, #tpu.memory_space<semaphore_mem>>) src(%dma_wait3A_313 : memref<64x128xf32, #tpu.memory_space<vmem>>) dst(%dma_wait3A_319 : memref<10240x128xf32, #tpu.memory_space<vmem_shared>>)
              tpu.yield
            }) : () -> ()
            %dma_start3A = arith.constant 4 : i32
            %dma_start3A_283 = arith.constant 0 : i32
            %dma_start3A_284 = arith.constant 0 : i32
            %dma_start3A_285 = tpu.memref_slice %arg12[%dma_start3A, %dma_start3A_283, %dma_start3A_284] : memref<6x64x16xf32, #tpu.memory_space<vmem>> -> memref<1x64x16xf32, #tpu.memory_space<vmem>>
            %dma_start3A_286 = tpu.memref_squeeze %dma_start3A_285 : memref<1x64x16xf32, #tpu.memory_space<vmem>> -> memref<64x16xf32, #tpu.memory_space<vmem>>
            %dma_start3A_287 = arith.constant 0 : i32
            %dma_start3A_288 = tpu.memref_slice %arg9[%add3A_248, %dma_start3A_287] : memref<40x64xi32, #tpu.memory_space<vmem>> -> memref<1x64xi32, #tpu.memory_space<vmem>>
            %dma_start3A_289 = tpu.memref_squeeze %dma_start3A_288 : memref<1x64xi32, #tpu.memory_space<vmem>> -> memref<64xi32, #tpu.memory_space<vmem>>
            %dma_start3A_290 = arith.constant 0 : i32
            %dma_start3A_291 = arith.constant 0 : i32
            %dma_start3A_292 = tpu.memref_slice %arg14[%dma_start3A_290, %dma_start3A_291] : memref<10240x16xf32, #tpu.memory_space<vmem_shared>> -> memref<10240x16xf32, #tpu.memory_space<vmem_shared>>
            tpu.enqueue_indirect_dma source(%dma_start3A_286 : memref<64x16xf32, #tpu.memory_space<vmem>>) target(%dma_start3A_292 : memref<10240x16xf32, #tpu.memory_space<vmem_shared>>) offsets(%dma_start3A_289 : memref<64xi32, #tpu.memory_space<vmem>>) semaphore(%arg22 : memref<!tpu.dma_semaphore, #tpu.memory_space<semaphore_mem>>) {add = true}
            %add3A_293 = arith.constant 3 : i32
            %add3A_294 = arith.addi %add3A_248, %add3A_293 : i32
            %lt3A_295 = arith.cmpi slt, %add3A_294, %min3A_157 : i32
            %convert_element_type3A_296 = arith.extui %lt3A_295 : i1 to i32
            %cond3A_297 = arith.constant 0 : i32
            %cond3A_298 = arith.cmpi ne, %convert_element_type3A_296, %cond3A_297 : i32
            scf.if %cond3A_298 {
              %dma_start3A_299 = arith.constant 1 : i32
              %dma_start3A_300 = arith.constant 0 : i32
              %dma_start3A_301 = arith.constant 0 : i32
              %dma_start3A_302 = tpu.memref_slice %arg11[%dma_start3A_299, %dma_start3A_300, %dma_start3A_301] : memref<3x64x128xf32, #tpu.memory_space<vmem>> -> memref<1x64x128xf32, #tpu.memory_space<vmem>>
              %dma_start3A_303 = tpu.memref_squeeze %dma_start3A_302 : memref<1x64x128xf32, #tpu.memory_space<vmem>> -> memref<64x128xf32, #tpu.memory_space<vmem>>
              %dma_start3A_304 = arith.constant 0 : i32
              %dma_start3A_305 = tpu.memref_slice %arg10[%add3A_294, %dma_start3A_304] : memref<40x64xi32, #tpu.memory_space<vmem>> -> memref<1x64xi32, #tpu.memory_space<vmem>>
              %dma_start3A_306 = tpu.memref_squeeze %dma_start3A_305 : memref<1x64xi32, #tpu.memory_space<vmem>> -> memref<64xi32, #tpu.memory_space<vmem>>
              %dma_start3A_307 = arith.constant 0 : i32
              %dma_start3A_308 = arith.constant 0 : i32
              %dma_start3A_309 = tpu.memref_slice %arg2[%dma_start3A_307, %dma_start3A_308] : memref<10240x128xf32, #tpu.memory_space<hbm>> -> memref<10240x128xf32, #tpu.memory_space<hbm>>
              tpu.enqueue_indirect_dma source(%dma_start3A_309 : memref<10240x128xf32, #tpu.memory_space<hbm>>) target(%dma_start3A_303 : memref<64x128xf32, #tpu.memory_space<vmem>>) offsets(%dma_start3A_306 : memref<64xi32, #tpu.memory_space<vmem>>) semaphore(%arg16 : memref<!tpu.dma_semaphore, #tpu.memory_space<semaphore_mem>>)
              %ge3A = arith.constant 3 : i32
              %ge3A_310 = arith.cmpi sge, %add3A_248, %ge3A : i32
              %convert_element_type3A_311 = arith.extui %ge3A_310 : i1 to i32
              %cond3A_312 = arith.constant 0 : i32
              %cond3A_313 = arith.cmpi ne, %convert_element_type3A_311, %cond3A_312 : i32
              scf.if %cond3A_313 {
                %dma_wait3A_325 = arith.constant 1 : i32
                %dma_wait3A_326 = arith.constant 0 : i32
                %dma_wait3A_327 = arith.constant 0 : i32
                %dma_wait3A_328 = arith.constant 0 : i32
                %dma_wait3A_329 = tpu.memref_slice %arg12[%dma_wait3A_325, %dma_wait3A_327, %dma_wait3A_328] : memref<6x64x16xf32, #tpu.memory_space<vmem>> -> memref<1x64x16xf32, #tpu.memory_space<vmem>>
                %dma_wait3A_330 = tpu.memref_squeeze %dma_wait3A_329 : memref<1x64x16xf32, #tpu.memory_space<vmem>> -> memref<64x16xf32, #tpu.memory_space<vmem>>
                %dma_wait3A_331 = arith.constant 0 : i32
                %dma_wait3A_332 = tpu.memref_slice %arg9[%dma_wait3A_326, %dma_wait3A_331] : memref<40x64xi32, #tpu.memory_space<vmem>> -> memref<1x64xi32, #tpu.memory_space<vmem>>
                %dma_wait3A_333 = tpu.memref_squeeze %dma_wait3A_332 : memref<1x64xi32, #tpu.memory_space<vmem>> -> memref<64xi32, #tpu.memory_space<vmem>>
                %dma_wait3A_334 = arith.constant 0 : i32
                %dma_wait3A_335 = arith.constant 0 : i32
                %dma_wait3A_336 = tpu.memref_slice %arg14[%dma_wait3A_334, %dma_wait3A_335] : memref<10240x16xf32, #tpu.memory_space<vmem_shared>> -> memref<10240x16xf32, #tpu.memory_space<vmem_shared>>
                tpu.wait_indirect_dma semaphore(%arg19 : memref<!tpu.dma_semaphore, #tpu.memory_space<semaphore_mem>>) src(%dma_wait3A_330 : memref<64x16xf32, #tpu.memory_space<vmem>>) dst(%dma_wait3A_336 : memref<10240x16xf32, #tpu.memory_space<vmem_shared>>)
              } else {
              }
              %dma_start3A_314 = arith.constant 1 : i32
              %dma_start3A_315 = arith.constant 0 : i32
              %dma_start3A_316 = arith.constant 0 : i32
              %dma_start3A_317 = tpu.memref_slice %arg12[%dma_start3A_314, %dma_start3A_315, %dma_start3A_316] : memref<6x64x16xf32, #tpu.memory_space<vmem>> -> memref<1x64x16xf32, #tpu.memory_space<vmem>>
              %dma_start3A_318 = tpu.memref_squeeze %dma_start3A_317 : memref<1x64x16xf32, #tpu.memory_space<vmem>> -> memref<64x16xf32, #tpu.memory_space<vmem>>
              %dma_start3A_319 = arith.constant 0 : i32
              %dma_start3A_320 = tpu.memref_slice %arg10[%add3A_294, %dma_start3A_319] : memref<40x64xi32, #tpu.memory_space<vmem>> -> memref<1x64xi32, #tpu.memory_space<vmem>>
              %dma_start3A_321 = tpu.memref_squeeze %dma_start3A_320 : memref<1x64xi32, #tpu.memory_space<vmem>> -> memref<64xi32, #tpu.memory_space<vmem>>
              %dma_start3A_322 = arith.constant 0 : i32
              %dma_start3A_323 = arith.constant 0 : i32
              %dma_start3A_324 = tpu.memref_slice %arg3[%dma_start3A_322, %dma_start3A_323] : memref<10240x16xf32, #tpu.memory_space<hbm>> -> memref<10240x16xf32, #tpu.memory_space<hbm>>
              tpu.enqueue_indirect_dma source(%dma_start3A_324 : memref<10240x16xf32, #tpu.memory_space<hbm>>) target(%dma_start3A_318 : memref<64x16xf32, #tpu.memory_space<vmem>>) offsets(%dma_start3A_321 : memref<64xi32, #tpu.memory_space<vmem>>) semaphore(%arg16 : memref<!tpu.dma_semaphore, #tpu.memory_space<semaphore_mem>>)
            } else {
            }
          } else {
          }
          %mul3A_253 = arith.constant 6 : i32
          %mul3A_254 = arith.muli %scan3A_213, %mul3A_253 : i32
          %add3A_255 = arith.constant 5 : i32
          %add3A_256 = arith.addi %mul3A_254, %add3A_255 : i32
          %lt3A_257 = arith.cmpi slt, %add3A_256, %min3A_157 : i32
          %convert_element_type3A_258 = arith.extui %lt3A_257 : i1 to i32
          %cond3A_259 = arith.constant 0 : i32
          %cond3A_260 = arith.cmpi ne, %convert_element_type3A_258, %cond3A_259 : i32
          scf.if %cond3A_260 {
            %dma_wait3A = arith.constant 2 : i32
            %dma_wait3A_261 = arith.constant 0 : i32
            %dma_wait3A_262 = arith.constant 0 : i32
            %dma_wait3A_263 = tpu.memref_slice %arg11[%dma_wait3A, %dma_wait3A_261, %dma_wait3A_262] : memref<3x64x128xf32, #tpu.memory_space<vmem>> -> memref<1x64x128xf32, #tpu.memory_space<vmem>>
            %dma_wait3A_264 = tpu.memref_squeeze %dma_wait3A_263 : memref<1x64x128xf32, #tpu.memory_space<vmem>> -> memref<64x128xf32, #tpu.memory_space<vmem>>
            %dma_wait3A_265 = arith.constant 0 : i32
            %dma_wait3A_266 = tpu.memref_slice %arg10[%add3A_256, %dma_wait3A_265] : memref<40x64xi32, #tpu.memory_space<vmem>> -> memref<1x64xi32, #tpu.memory_space<vmem>>
            %dma_wait3A_267 = tpu.memref_squeeze %dma_wait3A_266 : memref<1x64xi32, #tpu.memory_space<vmem>> -> memref<64xi32, #tpu.memory_space<vmem>>
            %dma_wait3A_268 = arith.constant 0 : i32
            %dma_wait3A_269 = arith.constant 0 : i32
            %dma_wait3A_270 = tpu.memref_slice %arg2[%dma_wait3A_268, %dma_wait3A_269] : memref<10240x128xf32, #tpu.memory_space<hbm>> -> memref<10240x128xf32, #tpu.memory_space<hbm>>
            tpu.wait_indirect_dma semaphore(%arg17 : memref<!tpu.dma_semaphore, #tpu.memory_space<semaphore_mem>>) src(%dma_wait3A_270 : memref<10240x128xf32, #tpu.memory_space<hbm>>) dst(%dma_wait3A_264 : memref<64x128xf32, #tpu.memory_space<vmem>>)
            %dma_wait3A_271 = arith.constant 5 : i32
            %dma_wait3A_272 = arith.constant 0 : i32
            %dma_wait3A_273 = arith.constant 0 : i32
            %dma_wait3A_274 = tpu.memref_slice %arg12[%dma_wait3A_271, %dma_wait3A_272, %dma_wait3A_273] : memref<6x64x16xf32, #tpu.memory_space<vmem>> -> memref<1x64x16xf32, #tpu.memory_space<vmem>>
            %dma_wait3A_275 = tpu.memref_squeeze %dma_wait3A_274 : memref<1x64x16xf32, #tpu.memory_space<vmem>> -> memref<64x16xf32, #tpu.memory_space<vmem>>
            %dma_wait3A_276 = arith.constant 0 : i32
            %dma_wait3A_277 = tpu.memref_slice %arg10[%add3A_256, %dma_wait3A_276] : memref<40x64xi32, #tpu.memory_space<vmem>> -> memref<1x64xi32, #tpu.memory_space<vmem>>
            %dma_wait3A_278 = tpu.memref_squeeze %dma_wait3A_277 : memref<1x64xi32, #tpu.memory_space<vmem>> -> memref<64xi32, #tpu.memory_space<vmem>>
            %dma_wait3A_279 = arith.constant 0 : i32
            %dma_wait3A_280 = arith.constant 0 : i32
            %dma_wait3A_281 = tpu.memref_slice %arg3[%dma_wait3A_279, %dma_wait3A_280] : memref<10240x16xf32, #tpu.memory_space<hbm>> -> memref<10240x16xf32, #tpu.memory_space<hbm>>
            tpu.wait_indirect_dma semaphore(%arg17 : memref<!tpu.dma_semaphore, #tpu.memory_space<semaphore_mem>>) src(%dma_wait3A_281 : memref<10240x16xf32, #tpu.memory_space<hbm>>) dst(%dma_wait3A_275 : memref<64x16xf32, #tpu.memory_space<vmem>>)
            %run_scoped3A_282 = arith.constant 2 : i32
            "tpu.region"() ({
              %run_scoped3A_299 = tpu.sem_alloc : memref<!tpu.dma_semaphore, #tpu.memory_space<semaphore_mem>>
              %dma_start3A_300 = arith.constant 0 : i32
              %dma_start3A_301 = arith.constant 0 : i32
              %dma_start3A_302 = tpu.memref_slice %arg11[%run_scoped3A_282, %dma_start3A_300, %dma_start3A_301] : memref<3x64x128xf32, #tpu.memory_space<vmem>> -> memref<1x64x128xf32, #tpu.memory_space<vmem>>
              %dma_start3A_303 = tpu.memref_squeeze %dma_start3A_302 : memref<1x64x128xf32, #tpu.memory_space<vmem>> -> memref<64x128xf32, #tpu.memory_space<vmem>>
              %dma_start3A_304 = arith.constant 0 : i32
              %dma_start3A_305 = tpu.memref_slice %arg9[%add3A_256, %dma_start3A_304] : memref<40x64xi32, #tpu.memory_space<vmem>> -> memref<1x64xi32, #tpu.memory_space<vmem>>
              %dma_start3A_306 = tpu.memref_squeeze %dma_start3A_305 : memref<1x64xi32, #tpu.memory_space<vmem>> -> memref<64xi32, #tpu.memory_space<vmem>>
              %dma_start3A_307 = arith.constant 0 : i32
              %dma_start3A_308 = arith.constant 0 : i32
              %dma_start3A_309 = tpu.memref_slice %arg13[%dma_start3A_307, %dma_start3A_308] : memref<10240x128xf32, #tpu.memory_space<vmem_shared>> -> memref<10240x128xf32, #tpu.memory_space<vmem_shared>>
              tpu.enqueue_indirect_dma source(%dma_start3A_303 : memref<64x128xf32, #tpu.memory_space<vmem>>) target(%dma_start3A_309 : memref<10240x128xf32, #tpu.memory_space<vmem_shared>>) offsets(%dma_start3A_306 : memref<64xi32, #tpu.memory_space<vmem>>) semaphore(%run_scoped3A_299 : memref<!tpu.dma_semaphore, #tpu.memory_space<semaphore_mem>>) {add = true}
              %dma_wait3A_310 = arith.constant 0 : i32
              %dma_wait3A_311 = arith.constant 0 : i32
              %dma_wait3A_312 = tpu.memref_slice %arg11[%run_scoped3A_282, %dma_wait3A_310, %dma_wait3A_311] : memref<3x64x128xf32, #tpu.memory_space<vmem>> -> memref<1x64x128xf32, #tpu.memory_space<vmem>>
              %dma_wait3A_313 = tpu.memref_squeeze %dma_wait3A_312 : memref<1x64x128xf32, #tpu.memory_space<vmem>> -> memref<64x128xf32, #tpu.memory_space<vmem>>
              %dma_wait3A_314 = arith.constant 0 : i32
              %dma_wait3A_315 = tpu.memref_slice %arg9[%add3A_256, %dma_wait3A_314] : memref<40x64xi32, #tpu.memory_space<vmem>> -> memref<1x64xi32, #tpu.memory_space<vmem>>
              %dma_wait3A_316 = tpu.memref_squeeze %dma_wait3A_315 : memref<1x64xi32, #tpu.memory_space<vmem>> -> memref<64xi32, #tpu.memory_space<vmem>>
              %dma_wait3A_317 = arith.constant 0 : i32
              %dma_wait3A_318 = arith.constant 0 : i32
              %dma_wait3A_319 = tpu.memref_slice %arg13[%dma_wait3A_317, %dma_wait3A_318] : memref<10240x128xf32, #tpu.memory_space<vmem_shared>> -> memref<10240x128xf32, #tpu.memory_space<vmem_shared>>
              tpu.wait_indirect_dma semaphore(%run_scoped3A_299 : memref<!tpu.dma_semaphore, #tpu.memory_space<semaphore_mem>>) src(%dma_wait3A_313 : memref<64x128xf32, #tpu.memory_space<vmem>>) dst(%dma_wait3A_319 : memref<10240x128xf32, #tpu.memory_space<vmem_shared>>)
              tpu.yield
            }) : () -> ()
            %dma_start3A = arith.constant 5 : i32
            %dma_start3A_283 = arith.constant 0 : i32
            %dma_start3A_284 = arith.constant 0 : i32
            %dma_start3A_285 = tpu.memref_slice %arg12[%dma_start3A, %dma_start3A_283, %dma_start3A_284] : memref<6x64x16xf32, #tpu.memory_space<vmem>> -> memref<1x64x16xf32, #tpu.memory_space<vmem>>
            %dma_start3A_286 = tpu.memref_squeeze %dma_start3A_285 : memref<1x64x16xf32, #tpu.memory_space<vmem>> -> memref<64x16xf32, #tpu.memory_space<vmem>>
            %dma_start3A_287 = arith.constant 0 : i32
            %dma_start3A_288 = tpu.memref_slice %arg9[%add3A_256, %dma_start3A_287] : memref<40x64xi32, #tpu.memory_space<vmem>> -> memref<1x64xi32, #tpu.memory_space<vmem>>
            %dma_start3A_289 = tpu.memref_squeeze %dma_start3A_288 : memref<1x64xi32, #tpu.memory_space<vmem>> -> memref<64xi32, #tpu.memory_space<vmem>>
            %dma_start3A_290 = arith.constant 0 : i32
            %dma_start3A_291 = arith.constant 0 : i32
            %dma_start3A_292 = tpu.memref_slice %arg14[%dma_start3A_290, %dma_start3A_291] : memref<10240x16xf32, #tpu.memory_space<vmem_shared>> -> memref<10240x16xf32, #tpu.memory_space<vmem_shared>>
            tpu.enqueue_indirect_dma source(%dma_start3A_286 : memref<64x16xf32, #tpu.memory_space<vmem>>) target(%dma_start3A_292 : memref<10240x16xf32, #tpu.memory_space<vmem_shared>>) offsets(%dma_start3A_289 : memref<64xi32, #tpu.memory_space<vmem>>) semaphore(%arg23 : memref<!tpu.dma_semaphore, #tpu.memory_space<semaphore_mem>>) {add = true}
            %add3A_293 = arith.constant 3 : i32
            %add3A_294 = arith.addi %add3A_256, %add3A_293 : i32
            %lt3A_295 = arith.cmpi slt, %add3A_294, %min3A_157 : i32
            %convert_element_type3A_296 = arith.extui %lt3A_295 : i1 to i32
            %cond3A_297 = arith.constant 0 : i32
            %cond3A_298 = arith.cmpi ne, %convert_element_type3A_296, %cond3A_297 : i32
            scf.if %cond3A_298 {
              %dma_start3A_299 = arith.constant 2 : i32
              %dma_start3A_300 = arith.constant 0 : i32
              %dma_start3A_301 = arith.constant 0 : i32
              %dma_start3A_302 = tpu.memref_slice %arg11[%dma_start3A_299, %dma_start3A_300, %dma_start3A_301] : memref<3x64x128xf32, #tpu.memory_space<vmem>> -> memref<1x64x128xf32, #tpu.memory_space<vmem>>
              %dma_start3A_303 = tpu.memref_squeeze %dma_start3A_302 : memref<1x64x128xf32, #tpu.memory_space<vmem>> -> memref<64x128xf32, #tpu.memory_space<vmem>>
              %dma_start3A_304 = arith.constant 0 : i32
              %dma_start3A_305 = tpu.memref_slice %arg10[%add3A_294, %dma_start3A_304] : memref<40x64xi32, #tpu.memory_space<vmem>> -> memref<1x64xi32, #tpu.memory_space<vmem>>
              %dma_start3A_306 = tpu.memref_squeeze %dma_start3A_305 : memref<1x64xi32, #tpu.memory_space<vmem>> -> memref<64xi32, #tpu.memory_space<vmem>>
              %dma_start3A_307 = arith.constant 0 : i32
              %dma_start3A_308 = arith.constant 0 : i32
              %dma_start3A_309 = tpu.memref_slice %arg2[%dma_start3A_307, %dma_start3A_308] : memref<10240x128xf32, #tpu.memory_space<hbm>> -> memref<10240x128xf32, #tpu.memory_space<hbm>>
              tpu.enqueue_indirect_dma source(%dma_start3A_309 : memref<10240x128xf32, #tpu.memory_space<hbm>>) target(%dma_start3A_303 : memref<64x128xf32, #tpu.memory_space<vmem>>) offsets(%dma_start3A_306 : memref<64xi32, #tpu.memory_space<vmem>>) semaphore(%arg17 : memref<!tpu.dma_semaphore, #tpu.memory_space<semaphore_mem>>)
              %ge3A = arith.constant 3 : i32
              %ge3A_310 = arith.cmpi sge, %add3A_256, %ge3A : i32
              %convert_element_type3A_311 = arith.extui %ge3A_310 : i1 to i32
              %cond3A_312 = arith.constant 0 : i32
              %cond3A_313 = arith.cmpi ne, %convert_element_type3A_311, %cond3A_312 : i32
              scf.if %cond3A_313 {
                %dma_wait3A_325 = arith.constant 2 : i32
                %dma_wait3A_326 = arith.constant 0 : i32
                %dma_wait3A_327 = arith.constant 0 : i32
                %dma_wait3A_328 = arith.constant 0 : i32
                %dma_wait3A_329 = tpu.memref_slice %arg12[%dma_wait3A_325, %dma_wait3A_327, %dma_wait3A_328] : memref<6x64x16xf32, #tpu.memory_space<vmem>> -> memref<1x64x16xf32, #tpu.memory_space<vmem>>
                %dma_wait3A_330 = tpu.memref_squeeze %dma_wait3A_329 : memref<1x64x16xf32, #tpu.memory_space<vmem>> -> memref<64x16xf32, #tpu.memory_space<vmem>>
                %dma_wait3A_331 = arith.constant 0 : i32
                %dma_wait3A_332 = tpu.memref_slice %arg9[%dma_wait3A_326, %dma_wait3A_331] : memref<40x64xi32, #tpu.memory_space<vmem>> -> memref<1x64xi32, #tpu.memory_space<vmem>>
                %dma_wait3A_333 = tpu.memref_squeeze %dma_wait3A_332 : memref<1x64xi32, #tpu.memory_space<vmem>> -> memref<64xi32, #tpu.memory_space<vmem>>
                %dma_wait3A_334 = arith.constant 0 : i32
                %dma_wait3A_335 = arith.constant 0 : i32
                %dma_wait3A_336 = tpu.memref_slice %arg14[%dma_wait3A_334, %dma_wait3A_335] : memref<10240x16xf32, #tpu.memory_space<vmem_shared>> -> memref<10240x16xf32, #tpu.memory_space<vmem_shared>>
                tpu.wait_indirect_dma semaphore(%arg20 : memref<!tpu.dma_semaphore, #tpu.memory_space<semaphore_mem>>) src(%dma_wait3A_330 : memref<64x16xf32, #tpu.memory_space<vmem>>) dst(%dma_wait3A_336 : memref<10240x16xf32, #tpu.memory_space<vmem_shared>>)
              } else {
              }
              %dma_start3A_314 = arith.constant 2 : i32
              %dma_start3A_315 = arith.constant 0 : i32
              %dma_start3A_316 = arith.constant 0 : i32
              %dma_start3A_317 = tpu.memref_slice %arg12[%dma_start3A_314, %dma_start3A_315, %dma_start3A_316] : memref<6x64x16xf32, #tpu.memory_space<vmem>> -> memref<1x64x16xf32, #tpu.memory_space<vmem>>
              %dma_start3A_318 = tpu.memref_squeeze %dma_start3A_317 : memref<1x64x16xf32, #tpu.memory_space<vmem>> -> memref<64x16xf32, #tpu.memory_space<vmem>>
              %dma_start3A_319 = arith.constant 0 : i32
              %dma_start3A_320 = tpu.memref_slice %arg10[%add3A_294, %dma_start3A_319] : memref<40x64xi32, #tpu.memory_space<vmem>> -> memref<1x64xi32, #tpu.memory_space<vmem>>
              %dma_start3A_321 = tpu.memref_squeeze %dma_start3A_320 : memref<1x64xi32, #tpu.memory_space<vmem>> -> memref<64xi32, #tpu.memory_space<vmem>>
              %dma_start3A_322 = arith.constant 0 : i32
              %dma_start3A_323 = arith.constant 0 : i32
              %dma_start3A_324 = tpu.memref_slice %arg3[%dma_start3A_322, %dma_start3A_323] : memref<10240x16xf32, #tpu.memory_space<hbm>> -> memref<10240x16xf32, #tpu.memory_space<hbm>>
              tpu.enqueue_indirect_dma source(%dma_start3A_324 : memref<10240x16xf32, #tpu.memory_space<hbm>>) target(%dma_start3A_318 : memref<64x16xf32, #tpu.memory_space<vmem>>) offsets(%dma_start3A_321 : memref<64xi32, #tpu.memory_space<vmem>>) semaphore(%arg17 : memref<!tpu.dma_semaphore, #tpu.memory_space<semaphore_mem>>)
            } else {
            }
          } else {
          }
        }
        %scan3A_182 = arith.constant 7 : i32
        %gt3A_183 = arith.constant 0 : i32
        %gt3A_184 = arith.cmpi sgt, %min3A_157, %gt3A_183 : i32
        %convert_element_type3A_185 = arith.extui %gt3A_184 : i1 to i32
        %cond3A_186 = arith.constant 0 : i32
        %cond3A_187 = arith.cmpi ne, %convert_element_type3A_185, %cond3A_186 : i32
        scf.if %cond3A_187 {
          %dma_wait3A = arith.constant 0 : i32
          %dma_wait3A_213 = arith.constant 0 : i32
          %dma_wait3A_214 = arith.constant 0 : i32
          %dma_wait3A_215 = arith.constant 0 : i32
          %dma_wait3A_216 = tpu.memref_slice %arg12[%dma_wait3A, %dma_wait3A_214, %dma_wait3A_215] : memref<6x64x16xf32, #tpu.memory_space<vmem>> -> memref<1x64x16xf32, #tpu.memory_space<vmem>>
          %dma_wait3A_217 = tpu.memref_squeeze %dma_wait3A_216 : memref<1x64x16xf32, #tpu.memory_space<vmem>> -> memref<64x16xf32, #tpu.memory_space<vmem>>
          %dma_wait3A_218 = arith.constant 0 : i32
          %dma_wait3A_219 = tpu.memref_slice %arg9[%dma_wait3A_213, %dma_wait3A_218] : memref<40x64xi32, #tpu.memory_space<vmem>> -> memref<1x64xi32, #tpu.memory_space<vmem>>
          %dma_wait3A_220 = tpu.memref_squeeze %dma_wait3A_219 : memref<1x64xi32, #tpu.memory_space<vmem>> -> memref<64xi32, #tpu.memory_space<vmem>>
          %dma_wait3A_221 = arith.constant 0 : i32
          %dma_wait3A_222 = arith.constant 0 : i32
          %dma_wait3A_223 = tpu.memref_slice %arg14[%dma_wait3A_221, %dma_wait3A_222] : memref<10240x16xf32, #tpu.memory_space<vmem_shared>> -> memref<10240x16xf32, #tpu.memory_space<vmem_shared>>
          tpu.wait_indirect_dma semaphore(%arg18 : memref<!tpu.dma_semaphore, #tpu.memory_space<semaphore_mem>>) src(%dma_wait3A_217 : memref<64x16xf32, #tpu.memory_space<vmem>>) dst(%dma_wait3A_223 : memref<10240x16xf32, #tpu.memory_space<vmem_shared>>)
        } else {
        }
        %gt3A_188 = arith.constant 1 : i32
        %gt3A_189 = arith.cmpi sgt, %min3A_157, %gt3A_188 : i32
        %convert_element_type3A_190 = arith.extui %gt3A_189 : i1 to i32
        %cond3A_191 = arith.constant 0 : i32
        %cond3A_192 = arith.cmpi ne, %convert_element_type3A_190, %cond3A_191 : i32
        scf.if %cond3A_192 {
          %dma_wait3A = arith.constant 1 : i32
          %dma_wait3A_213 = arith.constant 0 : i32
          %dma_wait3A_214 = arith.constant 0 : i32
          %dma_wait3A_215 = arith.constant 0 : i32
          %dma_wait3A_216 = tpu.memref_slice %arg12[%dma_wait3A, %dma_wait3A_214, %dma_wait3A_215] : memref<6x64x16xf32, #tpu.memory_space<vmem>> -> memref<1x64x16xf32, #tpu.memory_space<vmem>>
          %dma_wait3A_217 = tpu.memref_squeeze %dma_wait3A_216 : memref<1x64x16xf32, #tpu.memory_space<vmem>> -> memref<64x16xf32, #tpu.memory_space<vmem>>
          %dma_wait3A_218 = arith.constant 0 : i32
          %dma_wait3A_219 = tpu.memref_slice %arg9[%dma_wait3A_213, %dma_wait3A_218] : memref<40x64xi32, #tpu.memory_space<vmem>> -> memref<1x64xi32, #tpu.memory_space<vmem>>
          %dma_wait3A_220 = tpu.memref_squeeze %dma_wait3A_219 : memref<1x64xi32, #tpu.memory_space<vmem>> -> memref<64xi32, #tpu.memory_space<vmem>>
          %dma_wait3A_221 = arith.constant 0 : i32
          %dma_wait3A_222 = arith.constant 0 : i32
          %dma_wait3A_223 = tpu.memref_slice %arg14[%dma_wait3A_221, %dma_wait3A_222] : memref<10240x16xf32, #tpu.memory_space<vmem_shared>> -> memref<10240x16xf32, #tpu.memory_space<vmem_shared>>
          tpu.wait_indirect_dma semaphore(%arg19 : memref<!tpu.dma_semaphore, #tpu.memory_space<semaphore_mem>>) src(%dma_wait3A_217 : memref<64x16xf32, #tpu.memory_space<vmem>>) dst(%dma_wait3A_223 : memref<10240x16xf32, #tpu.memory_space<vmem_shared>>)
        } else {
        }
        %gt3A_193 = arith.constant 2 : i32
        %gt3A_194 = arith.cmpi sgt, %min3A_157, %gt3A_193 : i32
        %convert_element_type3A_195 = arith.extui %gt3A_194 : i1 to i32
        %cond3A_196 = arith.constant 0 : i32
        %cond3A_197 = arith.cmpi ne, %convert_element_type3A_195, %cond3A_196 : i32
        scf.if %cond3A_197 {
          %dma_wait3A = arith.constant 2 : i32
          %dma_wait3A_213 = arith.constant 0 : i32
          %dma_wait3A_214 = arith.constant 0 : i32
          %dma_wait3A_215 = arith.constant 0 : i32
          %dma_wait3A_216 = tpu.memref_slice %arg12[%dma_wait3A, %dma_wait3A_214, %dma_wait3A_215] : memref<6x64x16xf32, #tpu.memory_space<vmem>> -> memref<1x64x16xf32, #tpu.memory_space<vmem>>
          %dma_wait3A_217 = tpu.memref_squeeze %dma_wait3A_216 : memref<1x64x16xf32, #tpu.memory_space<vmem>> -> memref<64x16xf32, #tpu.memory_space<vmem>>
          %dma_wait3A_218 = arith.constant 0 : i32
          %dma_wait3A_219 = tpu.memref_slice %arg9[%dma_wait3A_213, %dma_wait3A_218] : memref<40x64xi32, #tpu.memory_space<vmem>> -> memref<1x64xi32, #tpu.memory_space<vmem>>
          %dma_wait3A_220 = tpu.memref_squeeze %dma_wait3A_219 : memref<1x64xi32, #tpu.memory_space<vmem>> -> memref<64xi32, #tpu.memory_space<vmem>>
          %dma_wait3A_221 = arith.constant 0 : i32
          %dma_wait3A_222 = arith.constant 0 : i32
          %dma_wait3A_223 = tpu.memref_slice %arg14[%dma_wait3A_221, %dma_wait3A_222] : memref<10240x16xf32, #tpu.memory_space<vmem_shared>> -> memref<10240x16xf32, #tpu.memory_space<vmem_shared>>
          tpu.wait_indirect_dma semaphore(%arg20 : memref<!tpu.dma_semaphore, #tpu.memory_space<semaphore_mem>>) src(%dma_wait3A_217 : memref<64x16xf32, #tpu.memory_space<vmem>>) dst(%dma_wait3A_223 : memref<10240x16xf32, #tpu.memory_space<vmem_shared>>)
        } else {
        }
        %gt3A_198 = arith.constant 3 : i32
        %gt3A_199 = arith.cmpi sgt, %min3A_157, %gt3A_198 : i32
        %convert_element_type3A_200 = arith.extui %gt3A_199 : i1 to i32
        %cond3A_201 = arith.constant 0 : i32
        %cond3A_202 = arith.cmpi ne, %convert_element_type3A_200, %cond3A_201 : i32
        scf.if %cond3A_202 {
          %dma_wait3A = arith.constant 3 : i32
          %dma_wait3A_213 = arith.constant 0 : i32
          %dma_wait3A_214 = arith.constant 0 : i32
          %dma_wait3A_215 = arith.constant 0 : i32
          %dma_wait3A_216 = tpu.memref_slice %arg12[%dma_wait3A, %dma_wait3A_214, %dma_wait3A_215] : memref<6x64x16xf32, #tpu.memory_space<vmem>> -> memref<1x64x16xf32, #tpu.memory_space<vmem>>
          %dma_wait3A_217 = tpu.memref_squeeze %dma_wait3A_216 : memref<1x64x16xf32, #tpu.memory_space<vmem>> -> memref<64x16xf32, #tpu.memory_space<vmem>>
          %dma_wait3A_218 = arith.constant 0 : i32
          %dma_wait3A_219 = tpu.memref_slice %arg9[%dma_wait3A_213, %dma_wait3A_218] : memref<40x64xi32, #tpu.memory_space<vmem>> -> memref<1x64xi32, #tpu.memory_space<vmem>>
          %dma_wait3A_220 = tpu.memref_squeeze %dma_wait3A_219 : memref<1x64xi32, #tpu.memory_space<vmem>> -> memref<64xi32, #tpu.memory_space<vmem>>
          %dma_wait3A_221 = arith.constant 0 : i32
          %dma_wait3A_222 = arith.constant 0 : i32
          %dma_wait3A_223 = tpu.memref_slice %arg14[%dma_wait3A_221, %dma_wait3A_222] : memref<10240x16xf32, #tpu.memory_space<vmem_shared>> -> memref<10240x16xf32, #tpu.memory_space<vmem_shared>>
          tpu.wait_indirect_dma semaphore(%arg21 : memref<!tpu.dma_semaphore, #tpu.memory_space<semaphore_mem>>) src(%dma_wait3A_217 : memref<64x16xf32, #tpu.memory_space<vmem>>) dst(%dma_wait3A_223 : memref<10240x16xf32, #tpu.memory_space<vmem_shared>>)
        } else {
        }
        %gt3A_203 = arith.constant 4 : i32
        %gt3A_204 = arith.cmpi sgt, %min3A_157, %gt3A_203 : i32
        %convert_element_type3A_205 = arith.extui %gt3A_204 : i1 to i32
        %cond3A_206 = arith.constant 0 : i32
        %cond3A_207 = arith.cmpi ne, %convert_element_type3A_205, %cond3A_206 : i32
        scf.if %cond3A_207 {
          %dma_wait3A = arith.constant 4 : i32
          %dma_wait3A_213 = arith.constant 0 : i32
          %dma_wait3A_214 = arith.constant 0 : i32
          %dma_wait3A_215 = arith.constant 0 : i32
          %dma_wait3A_216 = tpu.memref_slice %arg12[%dma_wait3A, %dma_wait3A_214, %dma_wait3A_215] : memref<6x64x16xf32, #tpu.memory_space<vmem>> -> memref<1x64x16xf32, #tpu.memory_space<vmem>>
          %dma_wait3A_217 = tpu.memref_squeeze %dma_wait3A_216 : memref<1x64x16xf32, #tpu.memory_space<vmem>> -> memref<64x16xf32, #tpu.memory_space<vmem>>
          %dma_wait3A_218 = arith.constant 0 : i32
          %dma_wait3A_219 = tpu.memref_slice %arg9[%dma_wait3A_213, %dma_wait3A_218] : memref<40x64xi32, #tpu.memory_space<vmem>> -> memref<1x64xi32, #tpu.memory_space<vmem>>
          %dma_wait3A_220 = tpu.memref_squeeze %dma_wait3A_219 : memref<1x64xi32, #tpu.memory_space<vmem>> -> memref<64xi32, #tpu.memory_space<vmem>>
          %dma_wait3A_221 = arith.constant 0 : i32
          %dma_wait3A_222 = arith.constant 0 : i32
          %dma_wait3A_223 = tpu.memref_slice %arg14[%dma_wait3A_221, %dma_wait3A_222] : memref<10240x16xf32, #tpu.memory_space<vmem_shared>> -> memref<10240x16xf32, #tpu.memory_space<vmem_shared>>
          tpu.wait_indirect_dma semaphore(%arg22 : memref<!tpu.dma_semaphore, #tpu.memory_space<semaphore_mem>>) src(%dma_wait3A_217 : memref<64x16xf32, #tpu.memory_space<vmem>>) dst(%dma_wait3A_223 : memref<10240x16xf32, #tpu.memory_space<vmem_shared>>)
        } else {
        }
        %gt3A_208 = arith.constant 5 : i32
        %gt3A_209 = arith.cmpi sgt, %min3A_157, %gt3A_208 : i32
        %convert_element_type3A_210 = arith.extui %gt3A_209 : i1 to i32
        %cond3A_211 = arith.constant 0 : i32
        %cond3A_212 = arith.cmpi ne, %convert_element_type3A_210, %cond3A_211 : i32
        scf.if %cond3A_212 {
          %dma_wait3A = arith.constant 5 : i32
          %dma_wait3A_213 = arith.constant 0 : i32
          %dma_wait3A_214 = arith.constant 0 : i32
          %dma_wait3A_215 = arith.constant 0 : i32
          %dma_wait3A_216 = tpu.memref_slice %arg12[%dma_wait3A, %dma_wait3A_214, %dma_wait3A_215] : memref<6x64x16xf32, #tpu.memory_space<vmem>> -> memref<1x64x16xf32, #tpu.memory_space<vmem>>
          %dma_wait3A_217 = tpu.memref_squeeze %dma_wait3A_216 : memref<1x64x16xf32, #tpu.memory_space<vmem>> -> memref<64x16xf32, #tpu.memory_space<vmem>>
          %dma_wait3A_218 = arith.constant 0 : i32
          %dma_wait3A_219 = tpu.memref_slice %arg9[%dma_wait3A_213, %dma_wait3A_218] : memref<40x64xi32, #tpu.memory_space<vmem>> -> memref<1x64xi32, #tpu.memory_space<vmem>>
          %dma_wait3A_220 = tpu.memref_squeeze %dma_wait3A_219 : memref<1x64xi32, #tpu.memory_space<vmem>> -> memref<64xi32, #tpu.memory_space<vmem>>
          %dma_wait3A_221 = arith.constant 0 : i32
          %dma_wait3A_222 = arith.constant 0 : i32
          %dma_wait3A_223 = tpu.memref_slice %arg14[%dma_wait3A_221, %dma_wait3A_222] : memref<10240x16xf32, #tpu.memory_space<vmem_shared>> -> memref<10240x16xf32, #tpu.memory_space<vmem_shared>>
          tpu.wait_indirect_dma semaphore(%arg23 : memref<!tpu.dma_semaphore, #tpu.memory_space<semaphore_mem>>) src(%dma_wait3A_217 : memref<64x16xf32, #tpu.memory_space<vmem>>) dst(%dma_wait3A_223 : memref<10240x16xf32, #tpu.memory_space<vmem_shared>>)
        } else {
        }
      } else {
      }
    }
    %scan3A_70 = arith.constant 4 : i32
    %barrier3A_71 = arith.constant 0 : index
    tpu.barrier barrier_id(%barrier3A_71)
    %mul3A_72 = arith.constant 640 : i32
    %mul3A_73 = arith.muli %arg1, %mul3A_72 : i32
    %add3A_74 = arith.constant 0 : i32
    %add3A_75 = arith.addi %mul3A_73, %add3A_74 : i32
    %run_scoped3A_76 = arith.constant 0 : i32
    "tpu.region"() ({
      %run_scoped3A_152 = tpu.sem_alloc : memref<!tpu.dma_semaphore, #tpu.memory_space<semaphore_mem>>
      %dma_start3A = arith.constant 0 : i32
      %dma_start3A_153 = arith.constant 0 : i32
      %dma_start3A_154 = tpu.memref_slice %arg11[%run_scoped3A_76, %dma_start3A, %dma_start3A_153] : memref<3x64x128xf32, #tpu.memory_space<vmem>> -> memref<1x64x128xf32, #tpu.memory_space<vmem>>
      %dma_start3A_155 = tpu.memref_squeeze %dma_start3A_154 : memref<1x64x128xf32, #tpu.memory_space<vmem>> -> memref<64x128xf32, #tpu.memory_space<vmem>>
      %dma_start3A_156 = arith.constant 0 : i32
      %dma_start3A_157 = tpu.memref_slice %arg13[%add3A_75, %dma_start3A_156] : memref<10240x128xf32, #tpu.memory_space<vmem_shared>> -> memref<64x128xf32, #tpu.memory_space<vmem_shared>>
      %dma_start3A_158 = arith.constant 0 : i32
      %dma_start3A_159 = arith.constant 0 : i32
      %dma_start3A_160 = tpu.memref_slice %arg11[%run_scoped3A_76, %dma_start3A_158, %dma_start3A_159] : memref<3x64x128xf32, #tpu.memory_space<vmem>> -> memref<1x64x128xf32, #tpu.memory_space<vmem>>
      %dma_start3A_161 = tpu.memref_squeeze %dma_start3A_160 : memref<1x64x128xf32, #tpu.memory_space<vmem>> -> memref<64x128xf32, #tpu.memory_space<vmem>>
      %dma_start3A_162 = arith.constant 0 : i32
      %dma_start3A_163 = tpu.memref_slice %arg13[%add3A_75, %dma_start3A_162] : memref<10240x128xf32, #tpu.memory_space<vmem_shared>> -> memref<64x128xf32, #tpu.memory_space<vmem_shared>>
      tpu.enqueue_dma source(%dma_start3A_163 : memref<64x128xf32, #tpu.memory_space<vmem_shared>>) target(%dma_start3A_161 : memref<64x128xf32, #tpu.memory_space<vmem>>) target_semaphore(%run_scoped3A_152 : memref<!tpu.dma_semaphore, #tpu.memory_space<semaphore_mem>>)
      %dma_wait3A = arith.constant 0 : i32
      %dma_wait3A_164 = arith.constant 0 : i32
      %dma_wait3A_165 = tpu.memref_slice %arg11[%run_scoped3A_76, %dma_wait3A, %dma_wait3A_164] : memref<3x64x128xf32, #tpu.memory_space<vmem>> -> memref<1x64x128xf32, #tpu.memory_space<vmem>>
      %dma_wait3A_166 = tpu.memref_squeeze %dma_wait3A_165 : memref<1x64x128xf32, #tpu.memory_space<vmem>> -> memref<64x128xf32, #tpu.memory_space<vmem>>
      %dma_wait3A_167 = arith.constant 0 : i32
      %dma_wait3A_168 = tpu.memref_slice %arg13[%add3A_75, %dma_wait3A_167] : memref<10240x128xf32, #tpu.memory_space<vmem_shared>> -> memref<64x128xf32, #tpu.memory_space<vmem_shared>>
      %dma_wait3A_169 = arith.constant 0 : i32
      %dma_wait3A_170 = arith.constant 0 : i32
      %dma_wait3A_171 = tpu.memref_slice %arg11[%run_scoped3A_76, %dma_wait3A_169, %dma_wait3A_170] : memref<3x64x128xf32, #tpu.memory_space<vmem>> -> memref<1x64x128xf32, #tpu.memory_space<vmem>>
      %dma_wait3A_172 = tpu.memref_squeeze %dma_wait3A_171 : memref<1x64x128xf32, #tpu.memory_space<vmem>> -> memref<64x128xf32, #tpu.memory_space<vmem>>
      %dma_wait3A_173 = arith.constant 0 : i32
      %dma_wait3A_174 = tpu.memref_slice %arg13[%add3A_75, %dma_wait3A_173] : memref<10240x128xf32, #tpu.memory_space<vmem_shared>> -> memref<64x128xf32, #tpu.memory_space<vmem_shared>>
      tpu.wait_dma2 semaphore(%run_scoped3A_152 : memref<!tpu.dma_semaphore, #tpu.memory_space<semaphore_mem>>) src(%dma_wait3A_174 : memref<64x128xf32, #tpu.memory_space<vmem_shared>>) dst(%dma_wait3A_172 : memref<64x128xf32, #tpu.memory_space<vmem>>)
      tpu.yield
    }) : () -> ()
    %run_scoped3A_77 = arith.constant 0 : i32
    "tpu.region"() ({
      %run_scoped3A_152 = tpu.sem_alloc : memref<!tpu.dma_semaphore, #tpu.memory_space<semaphore_mem>>
      %dma_start3A = arith.constant 0 : i32
      %dma_start3A_153 = arith.constant 0 : i32
      %dma_start3A_154 = tpu.memref_slice %arg11[%run_scoped3A_77, %dma_start3A, %dma_start3A_153] : memref<3x64x128xf32, #tpu.memory_space<vmem>> -> memref<1x64x128xf32, #tpu.memory_space<vmem>>
      %dma_start3A_155 = tpu.memref_squeeze %dma_start3A_154 : memref<1x64x128xf32, #tpu.memory_space<vmem>> -> memref<64x128xf32, #tpu.memory_space<vmem>>
      %dma_start3A_156 = arith.constant 0 : i32
      %dma_start3A_157 = tpu.memref_slice %arg7[%arg0, %add3A_75, %dma_start3A_156] : memref<2x10240x128xf32, #tpu.memory_space<hbm>> -> memref<1x64x128xf32, #tpu.memory_space<hbm>>
      %dma_start3A_158 = tpu.memref_squeeze %dma_start3A_157 : memref<1x64x128xf32, #tpu.memory_space<hbm>> -> memref<64x128xf32, #tpu.memory_space<hbm>>
      %dma_start3A_159 = arith.constant 0 : i32
      %dma_start3A_160 = tpu.memref_slice %arg7[%arg0, %add3A_75, %dma_start3A_159] : memref<2x10240x128xf32, #tpu.memory_space<hbm>> -> memref<1x64x128xf32, #tpu.memory_space<hbm>>
      %dma_start3A_161 = tpu.memref_squeeze %dma_start3A_160 : memref<1x64x128xf32, #tpu.memory_space<hbm>> -> memref<64x128xf32, #tpu.memory_space<hbm>>
      %dma_start3A_162 = arith.constant 0 : i32
      %dma_start3A_163 = arith.constant 0 : i32
      %dma_start3A_164 = tpu.memref_slice %arg11[%run_scoped3A_77, %dma_start3A_162, %dma_start3A_163] : memref<3x64x128xf32, #tpu.memory_space<vmem>> -> memref<1x64x128xf32, #tpu.memory_space<vmem>>
      %dma_start3A_165 = tpu.memref_squeeze %dma_start3A_164 : memref<1x64x128xf32, #tpu.memory_space<vmem>> -> memref<64x128xf32, #tpu.memory_space<vmem>>
      tpu.enqueue_dma source(%dma_start3A_165 : memref<64x128xf32, #tpu.memory_space<vmem>>) target(%dma_start3A_161 : memref<64x128xf32, #tpu.memory_space<hbm>>) target_semaphore(%run_scoped3A_152 : memref<!tpu.dma_semaphore, #tpu.memory_space<semaphore_mem>>)
      %dma_wait3A = arith.constant 0 : i32
      %dma_wait3A_166 = arith.constant 0 : i32
      %dma_wait3A_167 = tpu.memref_slice %arg11[%run_scoped3A_77, %dma_wait3A, %dma_wait3A_166] : memref<3x64x128xf32, #tpu.memory_space<vmem>> -> memref<1x64x128xf32, #tpu.memory_space<vmem>>
      %dma_wait3A_168 = tpu.memref_squeeze %dma_wait3A_167 : memref<1x64x128xf32, #tpu.memory_space<vmem>> -> memref<64x128xf32, #tpu.memory_space<vmem>>
      %dma_wait3A_169 = arith.constant 0 : i32
      %dma_wait3A_170 = tpu.memref_slice %arg7[%arg0, %add3A_75, %dma_wait3A_169] : memref<2x10240x128xf32, #tpu.memory_space<hbm>> -> memref<1x64x128xf32, #tpu.memory_space<hbm>>
      %dma_wait3A_171 = tpu.memref_squeeze %dma_wait3A_170 : memref<1x64x128xf32, #tpu.memory_space<hbm>> -> memref<64x128xf32, #tpu.memory_space<hbm>>
      %dma_wait3A_172 = arith.constant 0 : i32
      %dma_wait3A_173 = tpu.memref_slice %arg7[%arg0, %add3A_75, %dma_wait3A_172] : memref<2x10240x128xf32, #tpu.memory_space<hbm>> -> memref<1x64x128xf32, #tpu.memory_space<hbm>>
      %dma_wait3A_174 = tpu.memref_squeeze %dma_wait3A_173 : memref<1x64x128xf32, #tpu.memory_space<hbm>> -> memref<64x128xf32, #tpu.memory_space<hbm>>
      %dma_wait3A_175 = arith.constant 0 : i32
      %dma_wait3A_176 = arith.constant 0 : i32
      %dma_wait3A_177 = tpu.memref_slice %arg11[%run_scoped3A_77, %dma_wait3A_175, %dma_wait3A_176] : memref<3x64x128xf32, #tpu.memory_space<vmem>> -> memref<1x64x128xf32, #tpu.memory_space<vmem>>
      %dma_wait3A_178 = tpu.memref_squeeze %dma_wait3A_177 : memref<1x64x128xf32, #tpu.memory_space<vmem>> -> memref<64x128xf32, #tpu.memory_space<vmem>>
      tpu.wait_dma2 semaphore(%run_scoped3A_152 : memref<!tpu.dma_semaphore, #tpu.memory_space<semaphore_mem>>) src(%dma_wait3A_178 : memref<64x128xf32, #tpu.memory_space<vmem>>) dst(%dma_wait3A_174 : memref<64x128xf32, #tpu.memory_space<hbm>>)
      tpu.yield
    }) : () -> ()
    %run_scoped3A_78 = arith.constant 0 : i32
    "tpu.region"() ({
      %run_scoped3A_152 = tpu.sem_alloc : memref<!tpu.dma_semaphore, #tpu.memory_space<semaphore_mem>>
      %dma_start3A = arith.constant 0 : i32
      %dma_start3A_153 = arith.constant 0 : i32
      %dma_start3A_154 = tpu.memref_slice %arg12[%run_scoped3A_78, %dma_start3A, %dma_start3A_153] : memref<6x64x16xf32, #tpu.memory_space<vmem>> -> memref<1x64x16xf32, #tpu.memory_space<vmem>>
      %dma_start3A_155 = tpu.memref_squeeze %dma_start3A_154 : memref<1x64x16xf32, #tpu.memory_space<vmem>> -> memref<64x16xf32, #tpu.memory_space<vmem>>
      %dma_start3A_156 = arith.constant 0 : i32
      %dma_start3A_157 = tpu.memref_slice %arg14[%add3A_75, %dma_start3A_156] : memref<10240x16xf32, #tpu.memory_space<vmem_shared>> -> memref<64x16xf32, #tpu.memory_space<vmem_shared>>
      %dma_start3A_158 = arith.constant 0 : i32
      %dma_start3A_159 = arith.constant 0 : i32
      %dma_start3A_160 = tpu.memref_slice %arg12[%run_scoped3A_78, %dma_start3A_158, %dma_start3A_159] : memref<6x64x16xf32, #tpu.memory_space<vmem>> -> memref<1x64x16xf32, #tpu.memory_space<vmem>>
      %dma_start3A_161 = tpu.memref_squeeze %dma_start3A_160 : memref<1x64x16xf32, #tpu.memory_space<vmem>> -> memref<64x16xf32, #tpu.memory_space<vmem>>
      %dma_start3A_162 = arith.constant 0 : i32
      %dma_start3A_163 = tpu.memref_slice %arg14[%add3A_75, %dma_start3A_162] : memref<10240x16xf32, #tpu.memory_space<vmem_shared>> -> memref<64x16xf32, #tpu.memory_space<vmem_shared>>
      tpu.enqueue_dma source(%dma_start3A_163 : memref<64x16xf32, #tpu.memory_space<vmem_shared>>) target(%dma_start3A_161 : memref<64x16xf32, #tpu.memory_space<vmem>>) target_semaphore(%run_scoped3A_152 : memref<!tpu.dma_semaphore, #tpu.memory_space<semaphore_mem>>)
      %dma_wait3A = arith.constant 0 : i32
      %dma_wait3A_164 = arith.constant 0 : i32
      %dma_wait3A_165 = tpu.memref_slice %arg12[%run_scoped3A_78, %dma_wait3A, %dma_wait3A_164] : memref<6x64x16xf32, #tpu.memory_space<vmem>> -> memref<1x64x16xf32, #tpu.memory_space<vmem>>
      %dma_wait3A_166 = tpu.memref_squeeze %dma_wait3A_165 : memref<1x64x16xf32, #tpu.memory_space<vmem>> -> memref<64x16xf32, #tpu.memory_space<vmem>>
      %dma_wait3A_167 = arith.constant 0 : i32
      %dma_wait3A_168 = tpu.memref_slice %arg14[%add3A_75, %dma_wait3A_167] : memref<10240x16xf32, #tpu.memory_space<vmem_shared>> -> memref<64x16xf32, #tpu.memory_space<vmem_shared>>
      %dma_wait3A_169 = arith.constant 0 : i32
      %dma_wait3A_170 = arith.constant 0 : i32
      %dma_wait3A_171 = tpu.memref_slice %arg12[%run_scoped3A_78, %dma_wait3A_169, %dma_wait3A_170] : memref<6x64x16xf32, #tpu.memory_space<vmem>> -> memref<1x64x16xf32, #tpu.memory_space<vmem>>
      %dma_wait3A_172 = tpu.memref_squeeze %dma_wait3A_171 : memref<1x64x16xf32, #tpu.memory_space<vmem>> -> memref<64x16xf32, #tpu.memory_space<vmem>>
      %dma_wait3A_173 = arith.constant 0 : i32
      %dma_wait3A_174 = tpu.memref_slice %arg14[%add3A_75, %dma_wait3A_173] : memref<10240x16xf32, #tpu.memory_space<vmem_shared>> -> memref<64x16xf32, #tpu.memory_space<vmem_shared>>
      tpu.wait_dma2 semaphore(%run_scoped3A_152 : memref<!tpu.dma_semaphore, #tpu.memory_space<semaphore_mem>>) src(%dma_wait3A_174 : memref<64x16xf32, #tpu.memory_space<vmem_shared>>) dst(%dma_wait3A_172 : memref<64x16xf32, #tpu.memory_space<vmem>>)
      tpu.yield
    }) : () -> ()
    %run_scoped3A_79 = arith.constant 0 : i32
    "tpu.region"() ({
      %run_scoped3A_152 = tpu.sem_alloc : memref<!tpu.dma_semaphore, #tpu.memory_space<semaphore_mem>>
      %dma_start3A = arith.constant 0 : i32
      %dma_start3A_153 = arith.constant 0 : i32
      %dma_start3A_154 = tpu.memref_slice %arg12[%run_scoped3A_79, %dma_start3A, %dma_start3A_153] : memref<6x64x16xf32, #tpu.memory_space<vmem>> -> memref<1x64x16xf32, #tpu.memory_space<vmem>>
      %dma_start3A_155 = tpu.memref_squeeze %dma_start3A_154 : memref<1x64x16xf32, #tpu.memory_space<vmem>> -> memref<64x16xf32, #tpu.memory_space<vmem>>
      %dma_start3A_156 = arith.constant 0 : i32
      %dma_start3A_157 = tpu.memref_slice %arg8[%arg0, %add3A_75, %dma_start3A_156] : memref<2x10240x16xf32, #tpu.memory_space<hbm>> -> memref<1x64x16xf32, #tpu.memory_space<hbm>>
      %dma_start3A_158 = tpu.memref_squeeze %dma_start3A_157 : memref<1x64x16xf32, #tpu.memory_space<hbm>> -> memref<64x16xf32, #tpu.memory_space<hbm>>
      %dma_start3A_159 = arith.constant 0 : i32
      %dma_start3A_160 = tpu.memref_slice %arg8[%arg0, %add3A_75, %dma_start3A_159] : memref<2x10240x16xf32, #tpu.memory_space<hbm>> -> memref<1x64x16xf32, #tpu.memory_space<hbm>>
      %dma_start3A_161 = tpu.memref_squeeze %dma_start3A_160 : memref<1x64x16xf32, #tpu.memory_space<hbm>> -> memref<64x16xf32, #tpu.memory_space<hbm>>
      %dma_start3A_162 = arith.constant 0 : i32
      %dma_start3A_163 = arith.constant 0 : i32
      %dma_start3A_164 = tpu.memref_slice %arg12[%run_scoped3A_79, %dma_start3A_162, %dma_start3A_163] : memref<6x64x16xf32, #tpu.memory_space<vmem>> -> memref<1x64x16xf32, #tpu.memory_space<vmem>>
      %dma_start3A_165 = tpu.memref_squeeze %dma_start3A_164 : memref<1x64x16xf32, #tpu.memory_space<vmem>> -> memref<64x16xf32, #tpu.memory_space<vmem>>
      tpu.enqueue_dma source(%dma_start3A_165 : memref<64x16xf32, #tpu.memory_space<vmem>>) target(%dma_start3A_161 : memref<64x16xf32, #tpu.memory_space<hbm>>) target_semaphore(%run_scoped3A_152 : memref<!tpu.dma_semaphore, #tpu.memory_space<semaphore_mem>>)
      %dma_wait3A = arith.constant 0 : i32
      %dma_wait3A_166 = arith.constant 0 : i32
      %dma_wait3A_167 = tpu.memref_slice %arg12[%run_scoped3A_79, %dma_wait3A, %dma_wait3A_166] : memref<6x64x16xf32, #tpu.memory_space<vmem>> -> memref<1x64x16xf32, #tpu.memory_space<vmem>>
      %dma_wait3A_168 = tpu.memref_squeeze %dma_wait3A_167 : memref<1x64x16xf32, #tpu.memory_space<vmem>> -> memref<64x16xf32, #tpu.memory_space<vmem>>
      %dma_wait3A_169 = arith.constant 0 : i32
      %dma_wait3A_170 = tpu.memref_slice %arg8[%arg0, %add3A_75, %dma_wait3A_169] : memref<2x10240x16xf32, #tpu.memory_space<hbm>> -> memref<1x64x16xf32, #tpu.memory_space<hbm>>
      %dma_wait3A_171 = tpu.memref_squeeze %dma_wait3A_170 : memref<1x64x16xf32, #tpu.memory_space<hbm>> -> memref<64x16xf32, #tpu.memory_space<hbm>>
      %dma_wait3A_172 = arith.constant 0 : i32
      %dma_wait3A_173 = tpu.memref_slice %arg8[%arg0, %add3A_75, %dma_wait3A_172] : memref<2x10240x16xf32, #tpu.memory_space<hbm>> -> memref<1x64x16xf32, #tpu.memory_space<hbm>>
      %dma_wait3A_174 = tpu.memref_squeeze %dma_wait3A_173 : memref<1x64x16xf32, #tpu.memory_space<hbm>> -> memref<64x16xf32, #tpu.memory_space<hbm>>
      %dma_wait3A_175 = arith.constant 0 : i32
      %dma_wait3A_176 = arith.constant 0 : i32
      %dma_wait3A_177 = tpu.memref_slice %arg12[%run_scoped3A_79, %dma_wait3A_175, %dma_wait3A_176] : memref<6x64x16xf32, #tpu.memory_space<vmem>> -> memref<1x64x16xf32, #tpu.memory_space<vmem>>
      %dma_wait3A_178 = tpu.memref_squeeze %dma_wait3A_177 : memref<1x64x16xf32, #tpu.memory_space<vmem>> -> memref<64x16xf32, #tpu.memory_space<vmem>>
      tpu.wait_dma2 semaphore(%run_scoped3A_152 : memref<!tpu.dma_semaphore, #tpu.memory_space<semaphore_mem>>) src(%dma_wait3A_178 : memref<64x16xf32, #tpu.memory_space<vmem>>) dst(%dma_wait3A_174 : memref<64x16xf32, #tpu.memory_space<hbm>>)
      tpu.yield
    }) : () -> ()
    %mul3A_80 = arith.constant 640 : i32
    %mul3A_81 = arith.muli %arg1, %mul3A_80 : i32
    %add3A_82 = arith.constant 64 : i32
    %add3A_83 = arith.addi %mul3A_81, %add3A_82 : i32
    %run_scoped3A_84 = arith.constant 0 : i32
    "tpu.region"() ({
      %run_scoped3A_152 = tpu.sem_alloc : memref<!tpu.dma_semaphore, #tpu.memory_space<semaphore_mem>>
      %dma_start3A = arith.constant 0 : i32
      %dma_start3A_153 = arith.constant 0 : i32
      %dma_start3A_154 = tpu.memref_slice %arg11[%run_scoped3A_84, %dma_start3A, %dma_start3A_153] : memref<3x64x128xf32, #tpu.memory_space<vmem>> -> memref<1x64x128xf32, #tpu.memory_space<vmem>>
      %dma_start3A_155 = tpu.memref_squeeze %dma_start3A_154 : memref<1x64x128xf32, #tpu.memory_space<vmem>> -> memref<64x128xf32, #tpu.memory_space<vmem>>
      %dma_start3A_156 = arith.constant 0 : i32
      %dma_start3A_157 = tpu.memref_slice %arg13[%add3A_83, %dma_start3A_156] : memref<10240x128xf32, #tpu.memory_space<vmem_shared>> -> memref<64x128xf32, #tpu.memory_space<vmem_shared>>
      %dma_start3A_158 = arith.constant 0 : i32
      %dma_start3A_159 = arith.constant 0 : i32
      %dma_start3A_160 = tpu.memref_slice %arg11[%run_scoped3A_84, %dma_start3A_158, %dma_start3A_159] : memref<3x64x128xf32, #tpu.memory_space<vmem>> -> memref<1x64x128xf32, #tpu.memory_space<vmem>>
      %dma_start3A_161 = tpu.memref_squeeze %dma_start3A_160 : memref<1x64x128xf32, #tpu.memory_space<vmem>> -> memref<64x128xf32, #tpu.memory_space<vmem>>
      %dma_start3A_162 = arith.constant 0 : i32
      %dma_start3A_163 = tpu.memref_slice %arg13[%add3A_83, %dma_start3A_162] : memref<10240x128xf32, #tpu.memory_space<vmem_shared>> -> memref<64x128xf32, #tpu.memory_space<vmem_shared>>
      tpu.enqueue_dma source(%dma_start3A_163 : memref<64x128xf32, #tpu.memory_space<vmem_shared>>) target(%dma_start3A_161 : memref<64x128xf32, #tpu.memory_space<vmem>>) target_semaphore(%run_scoped3A_152 : memref<!tpu.dma_semaphore, #tpu.memory_space<semaphore_mem>>)
      %dma_wait3A = arith.constant 0 : i32
      %dma_wait3A_164 = arith.constant 0 : i32
      %dma_wait3A_165 = tpu.memref_slice %arg11[%run_scoped3A_84, %dma_wait3A, %dma_wait3A_164] : memref<3x64x128xf32, #tpu.memory_space<vmem>> -> memref<1x64x128xf32, #tpu.memory_space<vmem>>
      %dma_wait3A_166 = tpu.memref_squeeze %dma_wait3A_165 : memref<1x64x128xf32, #tpu.memory_space<vmem>> -> memref<64x128xf32, #tpu.memory_space<vmem>>
      %dma_wait3A_167 = arith.constant 0 : i32
      %dma_wait3A_168 = tpu.memref_slice %arg13[%add3A_83, %dma_wait3A_167] : memref<10240x128xf32, #tpu.memory_space<vmem_shared>> -> memref<64x128xf32, #tpu.memory_space<vmem_shared>>
      %dma_wait3A_169 = arith.constant 0 : i32
      %dma_wait3A_170 = arith.constant 0 : i32
      %dma_wait3A_171 = tpu.memref_slice %arg11[%run_scoped3A_84, %dma_wait3A_169, %dma_wait3A_170] : memref<3x64x128xf32, #tpu.memory_space<vmem>> -> memref<1x64x128xf32, #tpu.memory_space<vmem>>
      %dma_wait3A_172 = tpu.memref_squeeze %dma_wait3A_171 : memref<1x64x128xf32, #tpu.memory_space<vmem>> -> memref<64x128xf32, #tpu.memory_space<vmem>>
      %dma_wait3A_173 = arith.constant 0 : i32
      %dma_wait3A_174 = tpu.memref_slice %arg13[%add3A_83, %dma_wait3A_173] : memref<10240x128xf32, #tpu.memory_space<vmem_shared>> -> memref<64x128xf32, #tpu.memory_space<vmem_shared>>
      tpu.wait_dma2 semaphore(%run_scoped3A_152 : memref<!tpu.dma_semaphore, #tpu.memory_space<semaphore_mem>>) src(%dma_wait3A_174 : memref<64x128xf32, #tpu.memory_space<vmem_shared>>) dst(%dma_wait3A_172 : memref<64x128xf32, #tpu.memory_space<vmem>>)
      tpu.yield
    }) : () -> ()
    %run_scoped3A_85 = arith.constant 0 : i32
    "tpu.region"() ({
      %run_scoped3A_152 = tpu.sem_alloc : memref<!tpu.dma_semaphore, #tpu.memory_space<semaphore_mem>>
      %dma_start3A = arith.constant 0 : i32
      %dma_start3A_153 = arith.constant 0 : i32
      %dma_start3A_154 = tpu.memref_slice %arg11[%run_scoped3A_85, %dma_start3A, %dma_start3A_153] : memref<3x64x128xf32, #tpu.memory_space<vmem>> -> memref<1x64x128xf32, #tpu.memory_space<vmem>>
      %dma_start3A_155 = tpu.memref_squeeze %dma_start3A_154 : memref<1x64x128xf32, #tpu.memory_space<vmem>> -> memref<64x128xf32, #tpu.memory_space<vmem>>
      %dma_start3A_156 = arith.constant 0 : i32
      %dma_start3A_157 = tpu.memref_slice %arg7[%arg0, %add3A_83, %dma_start3A_156] : memref<2x10240x128xf32, #tpu.memory_space<hbm>> -> memref<1x64x128xf32, #tpu.memory_space<hbm>>
      %dma_start3A_158 = tpu.memref_squeeze %dma_start3A_157 : memref<1x64x128xf32, #tpu.memory_space<hbm>> -> memref<64x128xf32, #tpu.memory_space<hbm>>
      %dma_start3A_159 = arith.constant 0 : i32
      %dma_start3A_160 = tpu.memref_slice %arg7[%arg0, %add3A_83, %dma_start3A_159] : memref<2x10240x128xf32, #tpu.memory_space<hbm>> -> memref<1x64x128xf32, #tpu.memory_space<hbm>>
      %dma_start3A_161 = tpu.memref_squeeze %dma_start3A_160 : memref<1x64x128xf32, #tpu.memory_space<hbm>> -> memref<64x128xf32, #tpu.memory_space<hbm>>
      %dma_start3A_162 = arith.constant 0 : i32
      %dma_start3A_163 = arith.constant 0 : i32
      %dma_start3A_164 = tpu.memref_slice %arg11[%run_scoped3A_85, %dma_start3A_162, %dma_start3A_163] : memref<3x64x128xf32, #tpu.memory_space<vmem>> -> memref<1x64x128xf32, #tpu.memory_space<vmem>>
      %dma_start3A_165 = tpu.memref_squeeze %dma_start3A_164 : memref<1x64x128xf32, #tpu.memory_space<vmem>> -> memref<64x128xf32, #tpu.memory_space<vmem>>
      tpu.enqueue_dma source(%dma_start3A_165 : memref<64x128xf32, #tpu.memory_space<vmem>>) target(%dma_start3A_161 : memref<64x128xf32, #tpu.memory_space<hbm>>) target_semaphore(%run_scoped3A_152 : memref<!tpu.dma_semaphore, #tpu.memory_space<semaphore_mem>>)
      %dma_wait3A = arith.constant 0 : i32
      %dma_wait3A_166 = arith.constant 0 : i32
      %dma_wait3A_167 = tpu.memref_slice %arg11[%run_scoped3A_85, %dma_wait3A, %dma_wait3A_166] : memref<3x64x128xf32, #tpu.memory_space<vmem>> -> memref<1x64x128xf32, #tpu.memory_space<vmem>>
      %dma_wait3A_168 = tpu.memref_squeeze %dma_wait3A_167 : memref<1x64x128xf32, #tpu.memory_space<vmem>> -> memref<64x128xf32, #tpu.memory_space<vmem>>
      %dma_wait3A_169 = arith.constant 0 : i32
      %dma_wait3A_170 = tpu.memref_slice %arg7[%arg0, %add3A_83, %dma_wait3A_169] : memref<2x10240x128xf32, #tpu.memory_space<hbm>> -> memref<1x64x128xf32, #tpu.memory_space<hbm>>
      %dma_wait3A_171 = tpu.memref_squeeze %dma_wait3A_170 : memref<1x64x128xf32, #tpu.memory_space<hbm>> -> memref<64x128xf32, #tpu.memory_space<hbm>>
      %dma_wait3A_172 = arith.constant 0 : i32
      %dma_wait3A_173 = tpu.memref_slice %arg7[%arg0, %add3A_83, %dma_wait3A_172] : memref<2x10240x128xf32, #tpu.memory_space<hbm>> -> memref<1x64x128xf32, #tpu.memory_space<hbm>>
      %dma_wait3A_174 = tpu.memref_squeeze %dma_wait3A_173 : memref<1x64x128xf32, #tpu.memory_space<hbm>> -> memref<64x128xf32, #tpu.memory_space<hbm>>
      %dma_wait3A_175 = arith.constant 0 : i32
      %dma_wait3A_176 = arith.constant 0 : i32
      %dma_wait3A_177 = tpu.memref_slice %arg11[%run_scoped3A_85, %dma_wait3A_175, %dma_wait3A_176] : memref<3x64x128xf32, #tpu.memory_space<vmem>> -> memref<1x64x128xf32, #tpu.memory_space<vmem>>
      %dma_wait3A_178 = tpu.memref_squeeze %dma_wait3A_177 : memref<1x64x128xf32, #tpu.memory_space<vmem>> -> memref<64x128xf32, #tpu.memory_space<vmem>>
      tpu.wait_dma2 semaphore(%run_scoped3A_152 : memref<!tpu.dma_semaphore, #tpu.memory_space<semaphore_mem>>) src(%dma_wait3A_178 : memref<64x128xf32, #tpu.memory_space<vmem>>) dst(%dma_wait3A_174 : memref<64x128xf32, #tpu.memory_space<hbm>>)
      tpu.yield
    }) : () -> ()
    %run_scoped3A_86 = arith.constant 0 : i32
    "tpu.region"() ({
      %run_scoped3A_152 = tpu.sem_alloc : memref<!tpu.dma_semaphore, #tpu.memory_space<semaphore_mem>>
      %dma_start3A = arith.constant 0 : i32
      %dma_start3A_153 = arith.constant 0 : i32
      %dma_start3A_154 = tpu.memref_slice %arg12[%run_scoped3A_86, %dma_start3A, %dma_start3A_153] : memref<6x64x16xf32, #tpu.memory_space<vmem>> -> memref<1x64x16xf32, #tpu.memory_space<vmem>>
      %dma_start3A_155 = tpu.memref_squeeze %dma_start3A_154 : memref<1x64x16xf32, #tpu.memory_space<vmem>> -> memref<64x16xf32, #tpu.memory_space<vmem>>
      %dma_start3A_156 = arith.constant 0 : i32
      %dma_start3A_157 = tpu.memref_slice %arg14[%add3A_83, %dma_start3A_156] : memref<10240x16xf32, #tpu.memory_space<vmem_shared>> -> memref<64x16xf32, #tpu.memory_space<vmem_shared>>
      %dma_start3A_158 = arith.constant 0 : i32
      %dma_start3A_159 = arith.constant 0 : i32
      %dma_start3A_160 = tpu.memref_slice %arg12[%run_scoped3A_86, %dma_start3A_158, %dma_start3A_159] : memref<6x64x16xf32, #tpu.memory_space<vmem>> -> memref<1x64x16xf32, #tpu.memory_space<vmem>>
      %dma_start3A_161 = tpu.memref_squeeze %dma_start3A_160 : memref<1x64x16xf32, #tpu.memory_space<vmem>> -> memref<64x16xf32, #tpu.memory_space<vmem>>
      %dma_start3A_162 = arith.constant 0 : i32
      %dma_start3A_163 = tpu.memref_slice %arg14[%add3A_83, %dma_start3A_162] : memref<10240x16xf32, #tpu.memory_space<vmem_shared>> -> memref<64x16xf32, #tpu.memory_space<vmem_shared>>
      tpu.enqueue_dma source(%dma_start3A_163 : memref<64x16xf32, #tpu.memory_space<vmem_shared>>) target(%dma_start3A_161 : memref<64x16xf32, #tpu.memory_space<vmem>>) target_semaphore(%run_scoped3A_152 : memref<!tpu.dma_semaphore, #tpu.memory_space<semaphore_mem>>)
      %dma_wait3A = arith.constant 0 : i32
      %dma_wait3A_164 = arith.constant 0 : i32
      %dma_wait3A_165 = tpu.memref_slice %arg12[%run_scoped3A_86, %dma_wait3A, %dma_wait3A_164] : memref<6x64x16xf32, #tpu.memory_space<vmem>> -> memref<1x64x16xf32, #tpu.memory_space<vmem>>
      %dma_wait3A_166 = tpu.memref_squeeze %dma_wait3A_165 : memref<1x64x16xf32, #tpu.memory_space<vmem>> -> memref<64x16xf32, #tpu.memory_space<vmem>>
      %dma_wait3A_167 = arith.constant 0 : i32
      %dma_wait3A_168 = tpu.memref_slice %arg14[%add3A_83, %dma_wait3A_167] : memref<10240x16xf32, #tpu.memory_space<vmem_shared>> -> memref<64x16xf32, #tpu.memory_space<vmem_shared>>
      %dma_wait3A_169 = arith.constant 0 : i32
      %dma_wait3A_170 = arith.constant 0 : i32
      %dma_wait3A_171 = tpu.memref_slice %arg12[%run_scoped3A_86, %dma_wait3A_169, %dma_wait3A_170] : memref<6x64x16xf32, #tpu.memory_space<vmem>> -> memref<1x64x16xf32, #tpu.memory_space<vmem>>
      %dma_wait3A_172 = tpu.memref_squeeze %dma_wait3A_171 : memref<1x64x16xf32, #tpu.memory_space<vmem>> -> memref<64x16xf32, #tpu.memory_space<vmem>>
      %dma_wait3A_173 = arith.constant 0 : i32
      %dma_wait3A_174 = tpu.memref_slice %arg14[%add3A_83, %dma_wait3A_173] : memref<10240x16xf32, #tpu.memory_space<vmem_shared>> -> memref<64x16xf32, #tpu.memory_space<vmem_shared>>
      tpu.wait_dma2 semaphore(%run_scoped3A_152 : memref<!tpu.dma_semaphore, #tpu.memory_space<semaphore_mem>>) src(%dma_wait3A_174 : memref<64x16xf32, #tpu.memory_space<vmem_shared>>) dst(%dma_wait3A_172 : memref<64x16xf32, #tpu.memory_space<vmem>>)
      tpu.yield
    }) : () -> ()
    %run_scoped3A_87 = arith.constant 0 : i32
    "tpu.region"() ({
      %run_scoped3A_152 = tpu.sem_alloc : memref<!tpu.dma_semaphore, #tpu.memory_space<semaphore_mem>>
      %dma_start3A = arith.constant 0 : i32
      %dma_start3A_153 = arith.constant 0 : i32
      %dma_start3A_154 = tpu.memref_slice %arg12[%run_scoped3A_87, %dma_start3A, %dma_start3A_153] : memref<6x64x16xf32, #tpu.memory_space<vmem>> -> memref<1x64x16xf32, #tpu.memory_space<vmem>>
      %dma_start3A_155 = tpu.memref_squeeze %dma_start3A_154 : memref<1x64x16xf32, #tpu.memory_space<vmem>> -> memref<64x16xf32, #tpu.memory_space<vmem>>
      %dma_start3A_156 = arith.constant 0 : i32
      %dma_start3A_157 = tpu.memref_slice %arg8[%arg0, %add3A_83, %dma_start3A_156] : memref<2x10240x16xf32, #tpu.memory_space<hbm>> -> memref<1x64x16xf32, #tpu.memory_space<hbm>>
      %dma_start3A_158 = tpu.memref_squeeze %dma_start3A_157 : memref<1x64x16xf32, #tpu.memory_space<hbm>> -> memref<64x16xf32, #tpu.memory_space<hbm>>
      %dma_start3A_159 = arith.constant 0 : i32
      %dma_start3A_160 = tpu.memref_slice %arg8[%arg0, %add3A_83, %dma_start3A_159] : memref<2x10240x16xf32, #tpu.memory_space<hbm>> -> memref<1x64x16xf32, #tpu.memory_space<hbm>>
      %dma_start3A_161 = tpu.memref_squeeze %dma_start3A_160 : memref<1x64x16xf32, #tpu.memory_space<hbm>> -> memref<64x16xf32, #tpu.memory_space<hbm>>
      %dma_start3A_162 = arith.constant 0 : i32
      %dma_start3A_163 = arith.constant 0 : i32
      %dma_start3A_164 = tpu.memref_slice %arg12[%run_scoped3A_87, %dma_start3A_162, %dma_start3A_163] : memref<6x64x16xf32, #tpu.memory_space<vmem>> -> memref<1x64x16xf32, #tpu.memory_space<vmem>>
      %dma_start3A_165 = tpu.memref_squeeze %dma_start3A_164 : memref<1x64x16xf32, #tpu.memory_space<vmem>> -> memref<64x16xf32, #tpu.memory_space<vmem>>
      tpu.enqueue_dma source(%dma_start3A_165 : memref<64x16xf32, #tpu.memory_space<vmem>>) target(%dma_start3A_161 : memref<64x16xf32, #tpu.memory_space<hbm>>) target_semaphore(%run_scoped3A_152 : memref<!tpu.dma_semaphore, #tpu.memory_space<semaphore_mem>>)
      %dma_wait3A = arith.constant 0 : i32
      %dma_wait3A_166 = arith.constant 0 : i32
      %dma_wait3A_167 = tpu.memref_slice %arg12[%run_scoped3A_87, %dma_wait3A, %dma_wait3A_166] : memref<6x64x16xf32, #tpu.memory_space<vmem>> -> memref<1x64x16xf32, #tpu.memory_space<vmem>>
      %dma_wait3A_168 = tpu.memref_squeeze %dma_wait3A_167 : memref<1x64x16xf32, #tpu.memory_space<vmem>> -> memref<64x16xf32, #tpu.memory_space<vmem>>
      %dma_wait3A_169 = arith.constant 0 : i32
      %dma_wait3A_170 = tpu.memref_slice %arg8[%arg0, %add3A_83, %dma_wait3A_169] : memref<2x10240x16xf32, #tpu.memory_space<hbm>> -> memref<1x64x16xf32, #tpu.memory_space<hbm>>
      %dma_wait3A_171 = tpu.memref_squeeze %dma_wait3A_170 : memref<1x64x16xf32, #tpu.memory_space<hbm>> -> memref<64x16xf32, #tpu.memory_space<hbm>>
      %dma_wait3A_172 = arith.constant 0 : i32
      %dma_wait3A_173 = tpu.memref_slice %arg8[%arg0, %add3A_83, %dma_wait3A_172] : memref<2x10240x16xf32, #tpu.memory_space<hbm>> -> memref<1x64x16xf32, #tpu.memory_space<hbm>>
      %dma_wait3A_174 = tpu.memref_squeeze %dma_wait3A_173 : memref<1x64x16xf32, #tpu.memory_space<hbm>> -> memref<64x16xf32, #tpu.memory_space<hbm>>
      %dma_wait3A_175 = arith.constant 0 : i32
      %dma_wait3A_176 = arith.constant 0 : i32
      %dma_wait3A_177 = tpu.memref_slice %arg12[%run_scoped3A_87, %dma_wait3A_175, %dma_wait3A_176] : memref<6x64x16xf32, #tpu.memory_space<vmem>> -> memref<1x64x16xf32, #tpu.memory_space<vmem>>
      %dma_wait3A_178 = tpu.memref_squeeze %dma_wait3A_177 : memref<1x64x16xf32, #tpu.memory_space<vmem>> -> memref<64x16xf32, #tpu.memory_space<vmem>>
      tpu.wait_dma2 semaphore(%run_scoped3A_152 : memref<!tpu.dma_semaphore, #tpu.memory_space<semaphore_mem>>) src(%dma_wait3A_178 : memref<64x16xf32, #tpu.memory_space<vmem>>) dst(%dma_wait3A_174 : memref<64x16xf32, #tpu.memory_space<hbm>>)
      tpu.yield
    }) : () -> ()
    %mul3A_88 = arith.constant 640 : i32
    %mul3A_89 = arith.muli %arg1, %mul3A_88 : i32
    %add3A_90 = arith.constant 128 : i32
    %add3A_91 = arith.addi %mul3A_89, %add3A_90 : i32
    %run_scoped3A_92 = arith.constant 0 : i32
    "tpu.region"() ({
      %run_scoped3A_152 = tpu.sem_alloc : memref<!tpu.dma_semaphore, #tpu.memory_space<semaphore_mem>>
      %dma_start3A = arith.constant 0 : i32
      %dma_start3A_153 = arith.constant 0 : i32
      %dma_start3A_154 = tpu.memref_slice %arg11[%run_scoped3A_92, %dma_start3A, %dma_start3A_153] : memref<3x64x128xf32, #tpu.memory_space<vmem>> -> memref<1x64x128xf32, #tpu.memory_space<vmem>>
      %dma_start3A_155 = tpu.memref_squeeze %dma_start3A_154 : memref<1x64x128xf32, #tpu.memory_space<vmem>> -> memref<64x128xf32, #tpu.memory_space<vmem>>
      %dma_start3A_156 = arith.constant 0 : i32
      %dma_start3A_157 = tpu.memref_slice %arg13[%add3A_91, %dma_start3A_156] : memref<10240x128xf32, #tpu.memory_space<vmem_shared>> -> memref<64x128xf32, #tpu.memory_space<vmem_shared>>
      %dma_start3A_158 = arith.constant 0 : i32
      %dma_start3A_159 = arith.constant 0 : i32
      %dma_start3A_160 = tpu.memref_slice %arg11[%run_scoped3A_92, %dma_start3A_158, %dma_start3A_159] : memref<3x64x128xf32, #tpu.memory_space<vmem>> -> memref<1x64x128xf32, #tpu.memory_space<vmem>>
      %dma_start3A_161 = tpu.memref_squeeze %dma_start3A_160 : memref<1x64x128xf32, #tpu.memory_space<vmem>> -> memref<64x128xf32, #tpu.memory_space<vmem>>
      %dma_start3A_162 = arith.constant 0 : i32
      %dma_start3A_163 = tpu.memref_slice %arg13[%add3A_91, %dma_start3A_162] : memref<10240x128xf32, #tpu.memory_space<vmem_shared>> -> memref<64x128xf32, #tpu.memory_space<vmem_shared>>
      tpu.enqueue_dma source(%dma_start3A_163 : memref<64x128xf32, #tpu.memory_space<vmem_shared>>) target(%dma_start3A_161 : memref<64x128xf32, #tpu.memory_space<vmem>>) target_semaphore(%run_scoped3A_152 : memref<!tpu.dma_semaphore, #tpu.memory_space<semaphore_mem>>)
      %dma_wait3A = arith.constant 0 : i32
      %dma_wait3A_164 = arith.constant 0 : i32
      %dma_wait3A_165 = tpu.memref_slice %arg11[%run_scoped3A_92, %dma_wait3A, %dma_wait3A_164] : memref<3x64x128xf32, #tpu.memory_space<vmem>> -> memref<1x64x128xf32, #tpu.memory_space<vmem>>
      %dma_wait3A_166 = tpu.memref_squeeze %dma_wait3A_165 : memref<1x64x128xf32, #tpu.memory_space<vmem>> -> memref<64x128xf32, #tpu.memory_space<vmem>>
      %dma_wait3A_167 = arith.constant 0 : i32
      %dma_wait3A_168 = tpu.memref_slice %arg13[%add3A_91, %dma_wait3A_167] : memref<10240x128xf32, #tpu.memory_space<vmem_shared>> -> memref<64x128xf32, #tpu.memory_space<vmem_shared>>
      %dma_wait3A_169 = arith.constant 0 : i32
      %dma_wait3A_170 = arith.constant 0 : i32
      %dma_wait3A_171 = tpu.memref_slice %arg11[%run_scoped3A_92, %dma_wait3A_169, %dma_wait3A_170] : memref<3x64x128xf32, #tpu.memory_space<vmem>> -> memref<1x64x128xf32, #tpu.memory_space<vmem>>
      %dma_wait3A_172 = tpu.memref_squeeze %dma_wait3A_171 : memref<1x64x128xf32, #tpu.memory_space<vmem>> -> memref<64x128xf32, #tpu.memory_space<vmem>>
      %dma_wait3A_173 = arith.constant 0 : i32
      %dma_wait3A_174 = tpu.memref_slice %arg13[%add3A_91, %dma_wait3A_173] : memref<10240x128xf32, #tpu.memory_space<vmem_shared>> -> memref<64x128xf32, #tpu.memory_space<vmem_shared>>
      tpu.wait_dma2 semaphore(%run_scoped3A_152 : memref<!tpu.dma_semaphore, #tpu.memory_space<semaphore_mem>>) src(%dma_wait3A_174 : memref<64x128xf32, #tpu.memory_space<vmem_shared>>) dst(%dma_wait3A_172 : memref<64x128xf32, #tpu.memory_space<vmem>>)
      tpu.yield
    }) : () -> ()
    %run_scoped3A_93 = arith.constant 0 : i32
    "tpu.region"() ({
      %run_scoped3A_152 = tpu.sem_alloc : memref<!tpu.dma_semaphore, #tpu.memory_space<semaphore_mem>>
      %dma_start3A = arith.constant 0 : i32
      %dma_start3A_153 = arith.constant 0 : i32
      %dma_start3A_154 = tpu.memref_slice %arg11[%run_scoped3A_93, %dma_start3A, %dma_start3A_153] : memref<3x64x128xf32, #tpu.memory_space<vmem>> -> memref<1x64x128xf32, #tpu.memory_space<vmem>>
      %dma_start3A_155 = tpu.memref_squeeze %dma_start3A_154 : memref<1x64x128xf32, #tpu.memory_space<vmem>> -> memref<64x128xf32, #tpu.memory_space<vmem>>
      %dma_start3A_156 = arith.constant 0 : i32
      %dma_start3A_157 = tpu.memref_slice %arg7[%arg0, %add3A_91, %dma_start3A_156] : memref<2x10240x128xf32, #tpu.memory_space<hbm>> -> memref<1x64x128xf32, #tpu.memory_space<hbm>>
      %dma_start3A_158 = tpu.memref_squeeze %dma_start3A_157 : memref<1x64x128xf32, #tpu.memory_space<hbm>> -> memref<64x128xf32, #tpu.memory_space<hbm>>
      %dma_start3A_159 = arith.constant 0 : i32
      %dma_start3A_160 = tpu.memref_slice %arg7[%arg0, %add3A_91, %dma_start3A_159] : memref<2x10240x128xf32, #tpu.memory_space<hbm>> -> memref<1x64x128xf32, #tpu.memory_space<hbm>>
      %dma_start3A_161 = tpu.memref_squeeze %dma_start3A_160 : memref<1x64x128xf32, #tpu.memory_space<hbm>> -> memref<64x128xf32, #tpu.memory_space<hbm>>
      %dma_start3A_162 = arith.constant 0 : i32
      %dma_start3A_163 = arith.constant 0 : i32
      %dma_start3A_164 = tpu.memref_slice %arg11[%run_scoped3A_93, %dma_start3A_162, %dma_start3A_163] : memref<3x64x128xf32, #tpu.memory_space<vmem>> -> memref<1x64x128xf32, #tpu.memory_space<vmem>>
      %dma_start3A_165 = tpu.memref_squeeze %dma_start3A_164 : memref<1x64x128xf32, #tpu.memory_space<vmem>> -> memref<64x128xf32, #tpu.memory_space<vmem>>
      tpu.enqueue_dma source(%dma_start3A_165 : memref<64x128xf32, #tpu.memory_space<vmem>>) target(%dma_start3A_161 : memref<64x128xf32, #tpu.memory_space<hbm>>) target_semaphore(%run_scoped3A_152 : memref<!tpu.dma_semaphore, #tpu.memory_space<semaphore_mem>>)
      %dma_wait3A = arith.constant 0 : i32
      %dma_wait3A_166 = arith.constant 0 : i32
      %dma_wait3A_167 = tpu.memref_slice %arg11[%run_scoped3A_93, %dma_wait3A, %dma_wait3A_166] : memref<3x64x128xf32, #tpu.memory_space<vmem>> -> memref<1x64x128xf32, #tpu.memory_space<vmem>>
      %dma_wait3A_168 = tpu.memref_squeeze %dma_wait3A_167 : memref<1x64x128xf32, #tpu.memory_space<vmem>> -> memref<64x128xf32, #tpu.memory_space<vmem>>
      %dma_wait3A_169 = arith.constant 0 : i32
      %dma_wait3A_170 = tpu.memref_slice %arg7[%arg0, %add3A_91, %dma_wait3A_169] : memref<2x10240x128xf32, #tpu.memory_space<hbm>> -> memref<1x64x128xf32, #tpu.memory_space<hbm>>
      %dma_wait3A_171 = tpu.memref_squeeze %dma_wait3A_170 : memref<1x64x128xf32, #tpu.memory_space<hbm>> -> memref<64x128xf32, #tpu.memory_space<hbm>>
      %dma_wait3A_172 = arith.constant 0 : i32
      %dma_wait3A_173 = tpu.memref_slice %arg7[%arg0, %add3A_91, %dma_wait3A_172] : memref<2x10240x128xf32, #tpu.memory_space<hbm>> -> memref<1x64x128xf32, #tpu.memory_space<hbm>>
      %dma_wait3A_174 = tpu.memref_squeeze %dma_wait3A_173 : memref<1x64x128xf32, #tpu.memory_space<hbm>> -> memref<64x128xf32, #tpu.memory_space<hbm>>
      %dma_wait3A_175 = arith.constant 0 : i32
      %dma_wait3A_176 = arith.constant 0 : i32
      %dma_wait3A_177 = tpu.memref_slice %arg11[%run_scoped3A_93, %dma_wait3A_175, %dma_wait3A_176] : memref<3x64x128xf32, #tpu.memory_space<vmem>> -> memref<1x64x128xf32, #tpu.memory_space<vmem>>
      %dma_wait3A_178 = tpu.memref_squeeze %dma_wait3A_177 : memref<1x64x128xf32, #tpu.memory_space<vmem>> -> memref<64x128xf32, #tpu.memory_space<vmem>>
      tpu.wait_dma2 semaphore(%run_scoped3A_152 : memref<!tpu.dma_semaphore, #tpu.memory_space<semaphore_mem>>) src(%dma_wait3A_178 : memref<64x128xf32, #tpu.memory_space<vmem>>) dst(%dma_wait3A_174 : memref<64x128xf32, #tpu.memory_space<hbm>>)
      tpu.yield
    }) : () -> ()
    %run_scoped3A_94 = arith.constant 0 : i32
    "tpu.region"() ({
      %run_scoped3A_152 = tpu.sem_alloc : memref<!tpu.dma_semaphore, #tpu.memory_space<semaphore_mem>>
      %dma_start3A = arith.constant 0 : i32
      %dma_start3A_153 = arith.constant 0 : i32
      %dma_start3A_154 = tpu.memref_slice %arg12[%run_scoped3A_94, %dma_start3A, %dma_start3A_153] : memref<6x64x16xf32, #tpu.memory_space<vmem>> -> memref<1x64x16xf32, #tpu.memory_space<vmem>>
      %dma_start3A_155 = tpu.memref_squeeze %dma_start3A_154 : memref<1x64x16xf32, #tpu.memory_space<vmem>> -> memref<64x16xf32, #tpu.memory_space<vmem>>
      %dma_start3A_156 = arith.constant 0 : i32
      %dma_start3A_157 = tpu.memref_slice %arg14[%add3A_91, %dma_start3A_156] : memref<10240x16xf32, #tpu.memory_space<vmem_shared>> -> memref<64x16xf32, #tpu.memory_space<vmem_shared>>
      %dma_start3A_158 = arith.constant 0 : i32
      %dma_start3A_159 = arith.constant 0 : i32
      %dma_start3A_160 = tpu.memref_slice %arg12[%run_scoped3A_94, %dma_start3A_158, %dma_start3A_159] : memref<6x64x16xf32, #tpu.memory_space<vmem>> -> memref<1x64x16xf32, #tpu.memory_space<vmem>>
      %dma_start3A_161 = tpu.memref_squeeze %dma_start3A_160 : memref<1x64x16xf32, #tpu.memory_space<vmem>> -> memref<64x16xf32, #tpu.memory_space<vmem>>
      %dma_start3A_162 = arith.constant 0 : i32
      %dma_start3A_163 = tpu.memref_slice %arg14[%add3A_91, %dma_start3A_162] : memref<10240x16xf32, #tpu.memory_space<vmem_shared>> -> memref<64x16xf32, #tpu.memory_space<vmem_shared>>
      tpu.enqueue_dma source(%dma_start3A_163 : memref<64x16xf32, #tpu.memory_space<vmem_shared>>) target(%dma_start3A_161 : memref<64x16xf32, #tpu.memory_space<vmem>>) target_semaphore(%run_scoped3A_152 : memref<!tpu.dma_semaphore, #tpu.memory_space<semaphore_mem>>)
      %dma_wait3A = arith.constant 0 : i32
      %dma_wait3A_164 = arith.constant 0 : i32
      %dma_wait3A_165 = tpu.memref_slice %arg12[%run_scoped3A_94, %dma_wait3A, %dma_wait3A_164] : memref<6x64x16xf32, #tpu.memory_space<vmem>> -> memref<1x64x16xf32, #tpu.memory_space<vmem>>
      %dma_wait3A_166 = tpu.memref_squeeze %dma_wait3A_165 : memref<1x64x16xf32, #tpu.memory_space<vmem>> -> memref<64x16xf32, #tpu.memory_space<vmem>>
      %dma_wait3A_167 = arith.constant 0 : i32
      %dma_wait3A_168 = tpu.memref_slice %arg14[%add3A_91, %dma_wait3A_167] : memref<10240x16xf32, #tpu.memory_space<vmem_shared>> -> memref<64x16xf32, #tpu.memory_space<vmem_shared>>
      %dma_wait3A_169 = arith.constant 0 : i32
      %dma_wait3A_170 = arith.constant 0 : i32
      %dma_wait3A_171 = tpu.memref_slice %arg12[%run_scoped3A_94, %dma_wait3A_169, %dma_wait3A_170] : memref<6x64x16xf32, #tpu.memory_space<vmem>> -> memref<1x64x16xf32, #tpu.memory_space<vmem>>
      %dma_wait3A_172 = tpu.memref_squeeze %dma_wait3A_171 : memref<1x64x16xf32, #tpu.memory_space<vmem>> -> memref<64x16xf32, #tpu.memory_space<vmem>>
      %dma_wait3A_173 = arith.constant 0 : i32
      %dma_wait3A_174 = tpu.memref_slice %arg14[%add3A_91, %dma_wait3A_173] : memref<10240x16xf32, #tpu.memory_space<vmem_shared>> -> memref<64x16xf32, #tpu.memory_space<vmem_shared>>
      tpu.wait_dma2 semaphore(%run_scoped3A_152 : memref<!tpu.dma_semaphore, #tpu.memory_space<semaphore_mem>>) src(%dma_wait3A_174 : memref<64x16xf32, #tpu.memory_space<vmem_shared>>) dst(%dma_wait3A_172 : memref<64x16xf32, #tpu.memory_space<vmem>>)
      tpu.yield
    }) : () -> ()
    %run_scoped3A_95 = arith.constant 0 : i32
    "tpu.region"() ({
      %run_scoped3A_152 = tpu.sem_alloc : memref<!tpu.dma_semaphore, #tpu.memory_space<semaphore_mem>>
      %dma_start3A = arith.constant 0 : i32
      %dma_start3A_153 = arith.constant 0 : i32
      %dma_start3A_154 = tpu.memref_slice %arg12[%run_scoped3A_95, %dma_start3A, %dma_start3A_153] : memref<6x64x16xf32, #tpu.memory_space<vmem>> -> memref<1x64x16xf32, #tpu.memory_space<vmem>>
      %dma_start3A_155 = tpu.memref_squeeze %dma_start3A_154 : memref<1x64x16xf32, #tpu.memory_space<vmem>> -> memref<64x16xf32, #tpu.memory_space<vmem>>
      %dma_start3A_156 = arith.constant 0 : i32
      %dma_start3A_157 = tpu.memref_slice %arg8[%arg0, %add3A_91, %dma_start3A_156] : memref<2x10240x16xf32, #tpu.memory_space<hbm>> -> memref<1x64x16xf32, #tpu.memory_space<hbm>>
      %dma_start3A_158 = tpu.memref_squeeze %dma_start3A_157 : memref<1x64x16xf32, #tpu.memory_space<hbm>> -> memref<64x16xf32, #tpu.memory_space<hbm>>
      %dma_start3A_159 = arith.constant 0 : i32
      %dma_start3A_160 = tpu.memref_slice %arg8[%arg0, %add3A_91, %dma_start3A_159] : memref<2x10240x16xf32, #tpu.memory_space<hbm>> -> memref<1x64x16xf32, #tpu.memory_space<hbm>>
      %dma_start3A_161 = tpu.memref_squeeze %dma_start3A_160 : memref<1x64x16xf32, #tpu.memory_space<hbm>> -> memref<64x16xf32, #tpu.memory_space<hbm>>
      %dma_start3A_162 = arith.constant 0 : i32
      %dma_start3A_163 = arith.constant 0 : i32
      %dma_start3A_164 = tpu.memref_slice %arg12[%run_scoped3A_95, %dma_start3A_162, %dma_start3A_163] : memref<6x64x16xf32, #tpu.memory_space<vmem>> -> memref<1x64x16xf32, #tpu.memory_space<vmem>>
      %dma_start3A_165 = tpu.memref_squeeze %dma_start3A_164 : memref<1x64x16xf32, #tpu.memory_space<vmem>> -> memref<64x16xf32, #tpu.memory_space<vmem>>
      tpu.enqueue_dma source(%dma_start3A_165 : memref<64x16xf32, #tpu.memory_space<vmem>>) target(%dma_start3A_161 : memref<64x16xf32, #tpu.memory_space<hbm>>) target_semaphore(%run_scoped3A_152 : memref<!tpu.dma_semaphore, #tpu.memory_space<semaphore_mem>>)
      %dma_wait3A = arith.constant 0 : i32
      %dma_wait3A_166 = arith.constant 0 : i32
      %dma_wait3A_167 = tpu.memref_slice %arg12[%run_scoped3A_95, %dma_wait3A, %dma_wait3A_166] : memref<6x64x16xf32, #tpu.memory_space<vmem>> -> memref<1x64x16xf32, #tpu.memory_space<vmem>>
      %dma_wait3A_168 = tpu.memref_squeeze %dma_wait3A_167 : memref<1x64x16xf32, #tpu.memory_space<vmem>> -> memref<64x16xf32, #tpu.memory_space<vmem>>
      %dma_wait3A_169 = arith.constant 0 : i32
      %dma_wait3A_170 = tpu.memref_slice %arg8[%arg0, %add3A_91, %dma_wait3A_169] : memref<2x10240x16xf32, #tpu.memory_space<hbm>> -> memref<1x64x16xf32, #tpu.memory_space<hbm>>
      %dma_wait3A_171 = tpu.memref_squeeze %dma_wait3A_170 : memref<1x64x16xf32, #tpu.memory_space<hbm>> -> memref<64x16xf32, #tpu.memory_space<hbm>>
      %dma_wait3A_172 = arith.constant 0 : i32
      %dma_wait3A_173 = tpu.memref_slice %arg8[%arg0, %add3A_91, %dma_wait3A_172] : memref<2x10240x16xf32, #tpu.memory_space<hbm>> -> memref<1x64x16xf32, #tpu.memory_space<hbm>>
      %dma_wait3A_174 = tpu.memref_squeeze %dma_wait3A_173 : memref<1x64x16xf32, #tpu.memory_space<hbm>> -> memref<64x16xf32, #tpu.memory_space<hbm>>
      %dma_wait3A_175 = arith.constant 0 : i32
      %dma_wait3A_176 = arith.constant 0 : i32
      %dma_wait3A_177 = tpu.memref_slice %arg12[%run_scoped3A_95, %dma_wait3A_175, %dma_wait3A_176] : memref<6x64x16xf32, #tpu.memory_space<vmem>> -> memref<1x64x16xf32, #tpu.memory_space<vmem>>
      %dma_wait3A_178 = tpu.memref_squeeze %dma_wait3A_177 : memref<1x64x16xf32, #tpu.memory_space<vmem>> -> memref<64x16xf32, #tpu.memory_space<vmem>>
      tpu.wait_dma2 semaphore(%run_scoped3A_152 : memref<!tpu.dma_semaphore, #tpu.memory_space<semaphore_mem>>) src(%dma_wait3A_178 : memref<64x16xf32, #tpu.memory_space<vmem>>) dst(%dma_wait3A_174 : memref<64x16xf32, #tpu.memory_space<hbm>>)
      tpu.yield
    }) : () -> ()
    %mul3A_96 = arith.constant 640 : i32
    %mul3A_97 = arith.muli %arg1, %mul3A_96 : i32
    %add3A_98 = arith.constant 192 : i32
    %add3A_99 = arith.addi %mul3A_97, %add3A_98 : i32
    %run_scoped3A_100 = arith.constant 0 : i32
    "tpu.region"() ({
      %run_scoped3A_152 = tpu.sem_alloc : memref<!tpu.dma_semaphore, #tpu.memory_space<semaphore_mem>>
      %dma_start3A = arith.constant 0 : i32
      %dma_start3A_153 = arith.constant 0 : i32
      %dma_start3A_154 = tpu.memref_slice %arg11[%run_scoped3A_100, %dma_start3A, %dma_start3A_153] : memref<3x64x128xf32, #tpu.memory_space<vmem>> -> memref<1x64x128xf32, #tpu.memory_space<vmem>>
      %dma_start3A_155 = tpu.memref_squeeze %dma_start3A_154 : memref<1x64x128xf32, #tpu.memory_space<vmem>> -> memref<64x128xf32, #tpu.memory_space<vmem>>
      %dma_start3A_156 = arith.constant 0 : i32
      %dma_start3A_157 = tpu.memref_slice %arg13[%add3A_99, %dma_start3A_156] : memref<10240x128xf32, #tpu.memory_space<vmem_shared>> -> memref<64x128xf32, #tpu.memory_space<vmem_shared>>
      %dma_start3A_158 = arith.constant 0 : i32
      %dma_start3A_159 = arith.constant 0 : i32
      %dma_start3A_160 = tpu.memref_slice %arg11[%run_scoped3A_100, %dma_start3A_158, %dma_start3A_159] : memref<3x64x128xf32, #tpu.memory_space<vmem>> -> memref<1x64x128xf32, #tpu.memory_space<vmem>>
      %dma_start3A_161 = tpu.memref_squeeze %dma_start3A_160 : memref<1x64x128xf32, #tpu.memory_space<vmem>> -> memref<64x128xf32, #tpu.memory_space<vmem>>
      %dma_start3A_162 = arith.constant 0 : i32
      %dma_start3A_163 = tpu.memref_slice %arg13[%add3A_99, %dma_start3A_162] : memref<10240x128xf32, #tpu.memory_space<vmem_shared>> -> memref<64x128xf32, #tpu.memory_space<vmem_shared>>
      tpu.enqueue_dma source(%dma_start3A_163 : memref<64x128xf32, #tpu.memory_space<vmem_shared>>) target(%dma_start3A_161 : memref<64x128xf32, #tpu.memory_space<vmem>>) target_semaphore(%run_scoped3A_152 : memref<!tpu.dma_semaphore, #tpu.memory_space<semaphore_mem>>)
      %dma_wait3A = arith.constant 0 : i32
      %dma_wait3A_164 = arith.constant 0 : i32
      %dma_wait3A_165 = tpu.memref_slice %arg11[%run_scoped3A_100, %dma_wait3A, %dma_wait3A_164] : memref<3x64x128xf32, #tpu.memory_space<vmem>> -> memref<1x64x128xf32, #tpu.memory_space<vmem>>
      %dma_wait3A_166 = tpu.memref_squeeze %dma_wait3A_165 : memref<1x64x128xf32, #tpu.memory_space<vmem>> -> memref<64x128xf32, #tpu.memory_space<vmem>>
      %dma_wait3A_167 = arith.constant 0 : i32
      %dma_wait3A_168 = tpu.memref_slice %arg13[%add3A_99, %dma_wait3A_167] : memref<10240x128xf32, #tpu.memory_space<vmem_shared>> -> memref<64x128xf32, #tpu.memory_space<vmem_shared>>
      %dma_wait3A_169 = arith.constant 0 : i32
      %dma_wait3A_170 = arith.constant 0 : i32
      %dma_wait3A_171 = tpu.memref_slice %arg11[%run_scoped3A_100, %dma_wait3A_169, %dma_wait3A_170] : memref<3x64x128xf32, #tpu.memory_space<vmem>> -> memref<1x64x128xf32, #tpu.memory_space<vmem>>
      %dma_wait3A_172 = tpu.memref_squeeze %dma_wait3A_171 : memref<1x64x128xf32, #tpu.memory_space<vmem>> -> memref<64x128xf32, #tpu.memory_space<vmem>>
      %dma_wait3A_173 = arith.constant 0 : i32
      %dma_wait3A_174 = tpu.memref_slice %arg13[%add3A_99, %dma_wait3A_173] : memref<10240x128xf32, #tpu.memory_space<vmem_shared>> -> memref<64x128xf32, #tpu.memory_space<vmem_shared>>
      tpu.wait_dma2 semaphore(%run_scoped3A_152 : memref<!tpu.dma_semaphore, #tpu.memory_space<semaphore_mem>>) src(%dma_wait3A_174 : memref<64x128xf32, #tpu.memory_space<vmem_shared>>) dst(%dma_wait3A_172 : memref<64x128xf32, #tpu.memory_space<vmem>>)
      tpu.yield
    }) : () -> ()
    %run_scoped3A_101 = arith.constant 0 : i32
    "tpu.region"() ({
      %run_scoped3A_152 = tpu.sem_alloc : memref<!tpu.dma_semaphore, #tpu.memory_space<semaphore_mem>>
      %dma_start3A = arith.constant 0 : i32
      %dma_start3A_153 = arith.constant 0 : i32
      %dma_start3A_154 = tpu.memref_slice %arg11[%run_scoped3A_101, %dma_start3A, %dma_start3A_153] : memref<3x64x128xf32, #tpu.memory_space<vmem>> -> memref<1x64x128xf32, #tpu.memory_space<vmem>>
      %dma_start3A_155 = tpu.memref_squeeze %dma_start3A_154 : memref<1x64x128xf32, #tpu.memory_space<vmem>> -> memref<64x128xf32, #tpu.memory_space<vmem>>
      %dma_start3A_156 = arith.constant 0 : i32
      %dma_start3A_157 = tpu.memref_slice %arg7[%arg0, %add3A_99, %dma_start3A_156] : memref<2x10240x128xf32, #tpu.memory_space<hbm>> -> memref<1x64x128xf32, #tpu.memory_space<hbm>>
      %dma_start3A_158 = tpu.memref_squeeze %dma_start3A_157 : memref<1x64x128xf32, #tpu.memory_space<hbm>> -> memref<64x128xf32, #tpu.memory_space<hbm>>
      %dma_start3A_159 = arith.constant 0 : i32
      %dma_start3A_160 = tpu.memref_slice %arg7[%arg0, %add3A_99, %dma_start3A_159] : memref<2x10240x128xf32, #tpu.memory_space<hbm>> -> memref<1x64x128xf32, #tpu.memory_space<hbm>>
      %dma_start3A_161 = tpu.memref_squeeze %dma_start3A_160 : memref<1x64x128xf32, #tpu.memory_space<hbm>> -> memref<64x128xf32, #tpu.memory_space<hbm>>
      %dma_start3A_162 = arith.constant 0 : i32
      %dma_start3A_163 = arith.constant 0 : i32
      %dma_start3A_164 = tpu.memref_slice %arg11[%run_scoped3A_101, %dma_start3A_162, %dma_start3A_163] : memref<3x64x128xf32, #tpu.memory_space<vmem>> -> memref<1x64x128xf32, #tpu.memory_space<vmem>>
      %dma_start3A_165 = tpu.memref_squeeze %dma_start3A_164 : memref<1x64x128xf32, #tpu.memory_space<vmem>> -> memref<64x128xf32, #tpu.memory_space<vmem>>
      tpu.enqueue_dma source(%dma_start3A_165 : memref<64x128xf32, #tpu.memory_space<vmem>>) target(%dma_start3A_161 : memref<64x128xf32, #tpu.memory_space<hbm>>) target_semaphore(%run_scoped3A_152 : memref<!tpu.dma_semaphore, #tpu.memory_space<semaphore_mem>>)
      %dma_wait3A = arith.constant 0 : i32
      %dma_wait3A_166 = arith.constant 0 : i32
      %dma_wait3A_167 = tpu.memref_slice %arg11[%run_scoped3A_101, %dma_wait3A, %dma_wait3A_166] : memref<3x64x128xf32, #tpu.memory_space<vmem>> -> memref<1x64x128xf32, #tpu.memory_space<vmem>>
      %dma_wait3A_168 = tpu.memref_squeeze %dma_wait3A_167 : memref<1x64x128xf32, #tpu.memory_space<vmem>> -> memref<64x128xf32, #tpu.memory_space<vmem>>
      %dma_wait3A_169 = arith.constant 0 : i32
      %dma_wait3A_170 = tpu.memref_slice %arg7[%arg0, %add3A_99, %dma_wait3A_169] : memref<2x10240x128xf32, #tpu.memory_space<hbm>> -> memref<1x64x128xf32, #tpu.memory_space<hbm>>
      %dma_wait3A_171 = tpu.memref_squeeze %dma_wait3A_170 : memref<1x64x128xf32, #tpu.memory_space<hbm>> -> memref<64x128xf32, #tpu.memory_space<hbm>>
      %dma_wait3A_172 = arith.constant 0 : i32
      %dma_wait3A_173 = tpu.memref_slice %arg7[%arg0, %add3A_99, %dma_wait3A_172] : memref<2x10240x128xf32, #tpu.memory_space<hbm>> -> memref<1x64x128xf32, #tpu.memory_space<hbm>>
      %dma_wait3A_174 = tpu.memref_squeeze %dma_wait3A_173 : memref<1x64x128xf32, #tpu.memory_space<hbm>> -> memref<64x128xf32, #tpu.memory_space<hbm>>
      %dma_wait3A_175 = arith.constant 0 : i32
      %dma_wait3A_176 = arith.constant 0 : i32
      %dma_wait3A_177 = tpu.memref_slice %arg11[%run_scoped3A_101, %dma_wait3A_175, %dma_wait3A_176] : memref<3x64x128xf32, #tpu.memory_space<vmem>> -> memref<1x64x128xf32, #tpu.memory_space<vmem>>
      %dma_wait3A_178 = tpu.memref_squeeze %dma_wait3A_177 : memref<1x64x128xf32, #tpu.memory_space<vmem>> -> memref<64x128xf32, #tpu.memory_space<vmem>>
      tpu.wait_dma2 semaphore(%run_scoped3A_152 : memref<!tpu.dma_semaphore, #tpu.memory_space<semaphore_mem>>) src(%dma_wait3A_178 : memref<64x128xf32, #tpu.memory_space<vmem>>) dst(%dma_wait3A_174 : memref<64x128xf32, #tpu.memory_space<hbm>>)
      tpu.yield
    }) : () -> ()
    %run_scoped3A_102 = arith.constant 0 : i32
    "tpu.region"() ({
      %run_scoped3A_152 = tpu.sem_alloc : memref<!tpu.dma_semaphore, #tpu.memory_space<semaphore_mem>>
      %dma_start3A = arith.constant 0 : i32
      %dma_start3A_153 = arith.constant 0 : i32
      %dma_start3A_154 = tpu.memref_slice %arg12[%run_scoped3A_102, %dma_start3A, %dma_start3A_153] : memref<6x64x16xf32, #tpu.memory_space<vmem>> -> memref<1x64x16xf32, #tpu.memory_space<vmem>>
      %dma_start3A_155 = tpu.memref_squeeze %dma_start3A_154 : memref<1x64x16xf32, #tpu.memory_space<vmem>> -> memref<64x16xf32, #tpu.memory_space<vmem>>
      %dma_start3A_156 = arith.constant 0 : i32
      %dma_start3A_157 = tpu.memref_slice %arg14[%add3A_99, %dma_start3A_156] : memref<10240x16xf32, #tpu.memory_space<vmem_shared>> -> memref<64x16xf32, #tpu.memory_space<vmem_shared>>
      %dma_start3A_158 = arith.constant 0 : i32
      %dma_start3A_159 = arith.constant 0 : i32
      %dma_start3A_160 = tpu.memref_slice %arg12[%run_scoped3A_102, %dma_start3A_158, %dma_start3A_159] : memref<6x64x16xf32, #tpu.memory_space<vmem>> -> memref<1x64x16xf32, #tpu.memory_space<vmem>>
      %dma_start3A_161 = tpu.memref_squeeze %dma_start3A_160 : memref<1x64x16xf32, #tpu.memory_space<vmem>> -> memref<64x16xf32, #tpu.memory_space<vmem>>
      %dma_start3A_162 = arith.constant 0 : i32
      %dma_start3A_163 = tpu.memref_slice %arg14[%add3A_99, %dma_start3A_162] : memref<10240x16xf32, #tpu.memory_space<vmem_shared>> -> memref<64x16xf32, #tpu.memory_space<vmem_shared>>
      tpu.enqueue_dma source(%dma_start3A_163 : memref<64x16xf32, #tpu.memory_space<vmem_shared>>) target(%dma_start3A_161 : memref<64x16xf32, #tpu.memory_space<vmem>>) target_semaphore(%run_scoped3A_152 : memref<!tpu.dma_semaphore, #tpu.memory_space<semaphore_mem>>)
      %dma_wait3A = arith.constant 0 : i32
      %dma_wait3A_164 = arith.constant 0 : i32
      %dma_wait3A_165 = tpu.memref_slice %arg12[%run_scoped3A_102, %dma_wait3A, %dma_wait3A_164] : memref<6x64x16xf32, #tpu.memory_space<vmem>> -> memref<1x64x16xf32, #tpu.memory_space<vmem>>
      %dma_wait3A_166 = tpu.memref_squeeze %dma_wait3A_165 : memref<1x64x16xf32, #tpu.memory_space<vmem>> -> memref<64x16xf32, #tpu.memory_space<vmem>>
      %dma_wait3A_167 = arith.constant 0 : i32
      %dma_wait3A_168 = tpu.memref_slice %arg14[%add3A_99, %dma_wait3A_167] : memref<10240x16xf32, #tpu.memory_space<vmem_shared>> -> memref<64x16xf32, #tpu.memory_space<vmem_shared>>
      %dma_wait3A_169 = arith.constant 0 : i32
      %dma_wait3A_170 = arith.constant 0 : i32
      %dma_wait3A_171 = tpu.memref_slice %arg12[%run_scoped3A_102, %dma_wait3A_169, %dma_wait3A_170] : memref<6x64x16xf32, #tpu.memory_space<vmem>> -> memref<1x64x16xf32, #tpu.memory_space<vmem>>
      %dma_wait3A_172 = tpu.memref_squeeze %dma_wait3A_171 : memref<1x64x16xf32, #tpu.memory_space<vmem>> -> memref<64x16xf32, #tpu.memory_space<vmem>>
      %dma_wait3A_173 = arith.constant 0 : i32
      %dma_wait3A_174 = tpu.memref_slice %arg14[%add3A_99, %dma_wait3A_173] : memref<10240x16xf32, #tpu.memory_space<vmem_shared>> -> memref<64x16xf32, #tpu.memory_space<vmem_shared>>
      tpu.wait_dma2 semaphore(%run_scoped3A_152 : memref<!tpu.dma_semaphore, #tpu.memory_space<semaphore_mem>>) src(%dma_wait3A_174 : memref<64x16xf32, #tpu.memory_space<vmem_shared>>) dst(%dma_wait3A_172 : memref<64x16xf32, #tpu.memory_space<vmem>>)
      tpu.yield
    }) : () -> ()
    %run_scoped3A_103 = arith.constant 0 : i32
    "tpu.region"() ({
      %run_scoped3A_152 = tpu.sem_alloc : memref<!tpu.dma_semaphore, #tpu.memory_space<semaphore_mem>>
      %dma_start3A = arith.constant 0 : i32
      %dma_start3A_153 = arith.constant 0 : i32
      %dma_start3A_154 = tpu.memref_slice %arg12[%run_scoped3A_103, %dma_start3A, %dma_start3A_153] : memref<6x64x16xf32, #tpu.memory_space<vmem>> -> memref<1x64x16xf32, #tpu.memory_space<vmem>>
      %dma_start3A_155 = tpu.memref_squeeze %dma_start3A_154 : memref<1x64x16xf32, #tpu.memory_space<vmem>> -> memref<64x16xf32, #tpu.memory_space<vmem>>
      %dma_start3A_156 = arith.constant 0 : i32
      %dma_start3A_157 = tpu.memref_slice %arg8[%arg0, %add3A_99, %dma_start3A_156] : memref<2x10240x16xf32, #tpu.memory_space<hbm>> -> memref<1x64x16xf32, #tpu.memory_space<hbm>>
      %dma_start3A_158 = tpu.memref_squeeze %dma_start3A_157 : memref<1x64x16xf32, #tpu.memory_space<hbm>> -> memref<64x16xf32, #tpu.memory_space<hbm>>
      %dma_start3A_159 = arith.constant 0 : i32
      %dma_start3A_160 = tpu.memref_slice %arg8[%arg0, %add3A_99, %dma_start3A_159] : memref<2x10240x16xf32, #tpu.memory_space<hbm>> -> memref<1x64x16xf32, #tpu.memory_space<hbm>>
      %dma_start3A_161 = tpu.memref_squeeze %dma_start3A_160 : memref<1x64x16xf32, #tpu.memory_space<hbm>> -> memref<64x16xf32, #tpu.memory_space<hbm>>
      %dma_start3A_162 = arith.constant 0 : i32
      %dma_start3A_163 = arith.constant 0 : i32
      %dma_start3A_164 = tpu.memref_slice %arg12[%run_scoped3A_103, %dma_start3A_162, %dma_start3A_163] : memref<6x64x16xf32, #tpu.memory_space<vmem>> -> memref<1x64x16xf32, #tpu.memory_space<vmem>>
      %dma_start3A_165 = tpu.memref_squeeze %dma_start3A_164 : memref<1x64x16xf32, #tpu.memory_space<vmem>> -> memref<64x16xf32, #tpu.memory_space<vmem>>
      tpu.enqueue_dma source(%dma_start3A_165 : memref<64x16xf32, #tpu.memory_space<vmem>>) target(%dma_start3A_161 : memref<64x16xf32, #tpu.memory_space<hbm>>) target_semaphore(%run_scoped3A_152 : memref<!tpu.dma_semaphore, #tpu.memory_space<semaphore_mem>>)
      %dma_wait3A = arith.constant 0 : i32
      %dma_wait3A_166 = arith.constant 0 : i32
      %dma_wait3A_167 = tpu.memref_slice %arg12[%run_scoped3A_103, %dma_wait3A, %dma_wait3A_166] : memref<6x64x16xf32, #tpu.memory_space<vmem>> -> memref<1x64x16xf32, #tpu.memory_space<vmem>>
      %dma_wait3A_168 = tpu.memref_squeeze %dma_wait3A_167 : memref<1x64x16xf32, #tpu.memory_space<vmem>> -> memref<64x16xf32, #tpu.memory_space<vmem>>
      %dma_wait3A_169 = arith.constant 0 : i32
      %dma_wait3A_170 = tpu.memref_slice %arg8[%arg0, %add3A_99, %dma_wait3A_169] : memref<2x10240x16xf32, #tpu.memory_space<hbm>> -> memref<1x64x16xf32, #tpu.memory_space<hbm>>
      %dma_wait3A_171 = tpu.memref_squeeze %dma_wait3A_170 : memref<1x64x16xf32, #tpu.memory_space<hbm>> -> memref<64x16xf32, #tpu.memory_space<hbm>>
      %dma_wait3A_172 = arith.constant 0 : i32
      %dma_wait3A_173 = tpu.memref_slice %arg8[%arg0, %add3A_99, %dma_wait3A_172] : memref<2x10240x16xf32, #tpu.memory_space<hbm>> -> memref<1x64x16xf32, #tpu.memory_space<hbm>>
      %dma_wait3A_174 = tpu.memref_squeeze %dma_wait3A_173 : memref<1x64x16xf32, #tpu.memory_space<hbm>> -> memref<64x16xf32, #tpu.memory_space<hbm>>
      %dma_wait3A_175 = arith.constant 0 : i32
      %dma_wait3A_176 = arith.constant 0 : i32
      %dma_wait3A_177 = tpu.memref_slice %arg12[%run_scoped3A_103, %dma_wait3A_175, %dma_wait3A_176] : memref<6x64x16xf32, #tpu.memory_space<vmem>> -> memref<1x64x16xf32, #tpu.memory_space<vmem>>
      %dma_wait3A_178 = tpu.memref_squeeze %dma_wait3A_177 : memref<1x64x16xf32, #tpu.memory_space<vmem>> -> memref<64x16xf32, #tpu.memory_space<vmem>>
      tpu.wait_dma2 semaphore(%run_scoped3A_152 : memref<!tpu.dma_semaphore, #tpu.memory_space<semaphore_mem>>) src(%dma_wait3A_178 : memref<64x16xf32, #tpu.memory_space<vmem>>) dst(%dma_wait3A_174 : memref<64x16xf32, #tpu.memory_space<hbm>>)
      tpu.yield
    }) : () -> ()
    %mul3A_104 = arith.constant 640 : i32
    %mul3A_105 = arith.muli %arg1, %mul3A_104 : i32
    %add3A_106 = arith.constant 256 : i32
    %add3A_107 = arith.addi %mul3A_105, %add3A_106 : i32
    %run_scoped3A_108 = arith.constant 0 : i32
    "tpu.region"() ({
      %run_scoped3A_152 = tpu.sem_alloc : memref<!tpu.dma_semaphore, #tpu.memory_space<semaphore_mem>>
      %dma_start3A = arith.constant 0 : i32
      %dma_start3A_153 = arith.constant 0 : i32
      %dma_start3A_154 = tpu.memref_slice %arg11[%run_scoped3A_108, %dma_start3A, %dma_start3A_153] : memref<3x64x128xf32, #tpu.memory_space<vmem>> -> memref<1x64x128xf32, #tpu.memory_space<vmem>>
      %dma_start3A_155 = tpu.memref_squeeze %dma_start3A_154 : memref<1x64x128xf32, #tpu.memory_space<vmem>> -> memref<64x128xf32, #tpu.memory_space<vmem>>
      %dma_start3A_156 = arith.constant 0 : i32
      %dma_start3A_157 = tpu.memref_slice %arg13[%add3A_107, %dma_start3A_156] : memref<10240x128xf32, #tpu.memory_space<vmem_shared>> -> memref<64x128xf32, #tpu.memory_space<vmem_shared>>
      %dma_start3A_158 = arith.constant 0 : i32
      %dma_start3A_159 = arith.constant 0 : i32
      %dma_start3A_160 = tpu.memref_slice %arg11[%run_scoped3A_108, %dma_start3A_158, %dma_start3A_159] : memref<3x64x128xf32, #tpu.memory_space<vmem>> -> memref<1x64x128xf32, #tpu.memory_space<vmem>>
      %dma_start3A_161 = tpu.memref_squeeze %dma_start3A_160 : memref<1x64x128xf32, #tpu.memory_space<vmem>> -> memref<64x128xf32, #tpu.memory_space<vmem>>
      %dma_start3A_162 = arith.constant 0 : i32
      %dma_start3A_163 = tpu.memref_slice %arg13[%add3A_107, %dma_start3A_162] : memref<10240x128xf32, #tpu.memory_space<vmem_shared>> -> memref<64x128xf32, #tpu.memory_space<vmem_shared>>
      tpu.enqueue_dma source(%dma_start3A_163 : memref<64x128xf32, #tpu.memory_space<vmem_shared>>) target(%dma_start3A_161 : memref<64x128xf32, #tpu.memory_space<vmem>>) target_semaphore(%run_scoped3A_152 : memref<!tpu.dma_semaphore, #tpu.memory_space<semaphore_mem>>)
      %dma_wait3A = arith.constant 0 : i32
      %dma_wait3A_164 = arith.constant 0 : i32
      %dma_wait3A_165 = tpu.memref_slice %arg11[%run_scoped3A_108, %dma_wait3A, %dma_wait3A_164] : memref<3x64x128xf32, #tpu.memory_space<vmem>> -> memref<1x64x128xf32, #tpu.memory_space<vmem>>
      %dma_wait3A_166 = tpu.memref_squeeze %dma_wait3A_165 : memref<1x64x128xf32, #tpu.memory_space<vmem>> -> memref<64x128xf32, #tpu.memory_space<vmem>>
      %dma_wait3A_167 = arith.constant 0 : i32
      %dma_wait3A_168 = tpu.memref_slice %arg13[%add3A_107, %dma_wait3A_167] : memref<10240x128xf32, #tpu.memory_space<vmem_shared>> -> memref<64x128xf32, #tpu.memory_space<vmem_shared>>
      %dma_wait3A_169 = arith.constant 0 : i32
      %dma_wait3A_170 = arith.constant 0 : i32
      %dma_wait3A_171 = tpu.memref_slice %arg11[%run_scoped3A_108, %dma_wait3A_169, %dma_wait3A_170] : memref<3x64x128xf32, #tpu.memory_space<vmem>> -> memref<1x64x128xf32, #tpu.memory_space<vmem>>
      %dma_wait3A_172 = tpu.memref_squeeze %dma_wait3A_171 : memref<1x64x128xf32, #tpu.memory_space<vmem>> -> memref<64x128xf32, #tpu.memory_space<vmem>>
      %dma_wait3A_173 = arith.constant 0 : i32
      %dma_wait3A_174 = tpu.memref_slice %arg13[%add3A_107, %dma_wait3A_173] : memref<10240x128xf32, #tpu.memory_space<vmem_shared>> -> memref<64x128xf32, #tpu.memory_space<vmem_shared>>
      tpu.wait_dma2 semaphore(%run_scoped3A_152 : memref<!tpu.dma_semaphore, #tpu.memory_space<semaphore_mem>>) src(%dma_wait3A_174 : memref<64x128xf32, #tpu.memory_space<vmem_shared>>) dst(%dma_wait3A_172 : memref<64x128xf32, #tpu.memory_space<vmem>>)
      tpu.yield
    }) : () -> ()
    %run_scoped3A_109 = arith.constant 0 : i32
    "tpu.region"() ({
      %run_scoped3A_152 = tpu.sem_alloc : memref<!tpu.dma_semaphore, #tpu.memory_space<semaphore_mem>>
      %dma_start3A = arith.constant 0 : i32
      %dma_start3A_153 = arith.constant 0 : i32
      %dma_start3A_154 = tpu.memref_slice %arg11[%run_scoped3A_109, %dma_start3A, %dma_start3A_153] : memref<3x64x128xf32, #tpu.memory_space<vmem>> -> memref<1x64x128xf32, #tpu.memory_space<vmem>>
      %dma_start3A_155 = tpu.memref_squeeze %dma_start3A_154 : memref<1x64x128xf32, #tpu.memory_space<vmem>> -> memref<64x128xf32, #tpu.memory_space<vmem>>
      %dma_start3A_156 = arith.constant 0 : i32
      %dma_start3A_157 = tpu.memref_slice %arg7[%arg0, %add3A_107, %dma_start3A_156] : memref<2x10240x128xf32, #tpu.memory_space<hbm>> -> memref<1x64x128xf32, #tpu.memory_space<hbm>>
      %dma_start3A_158 = tpu.memref_squeeze %dma_start3A_157 : memref<1x64x128xf32, #tpu.memory_space<hbm>> -> memref<64x128xf32, #tpu.memory_space<hbm>>
      %dma_start3A_159 = arith.constant 0 : i32
      %dma_start3A_160 = tpu.memref_slice %arg7[%arg0, %add3A_107, %dma_start3A_159] : memref<2x10240x128xf32, #tpu.memory_space<hbm>> -> memref<1x64x128xf32, #tpu.memory_space<hbm>>
      %dma_start3A_161 = tpu.memref_squeeze %dma_start3A_160 : memref<1x64x128xf32, #tpu.memory_space<hbm>> -> memref<64x128xf32, #tpu.memory_space<hbm>>
      %dma_start3A_162 = arith.constant 0 : i32
      %dma_start3A_163 = arith.constant 0 : i32
      %dma_start3A_164 = tpu.memref_slice %arg11[%run_scoped3A_109, %dma_start3A_162, %dma_start3A_163] : memref<3x64x128xf32, #tpu.memory_space<vmem>> -> memref<1x64x128xf32, #tpu.memory_space<vmem>>
      %dma_start3A_165 = tpu.memref_squeeze %dma_start3A_164 : memref<1x64x128xf32, #tpu.memory_space<vmem>> -> memref<64x128xf32, #tpu.memory_space<vmem>>
      tpu.enqueue_dma source(%dma_start3A_165 : memref<64x128xf32, #tpu.memory_space<vmem>>) target(%dma_start3A_161 : memref<64x128xf32, #tpu.memory_space<hbm>>) target_semaphore(%run_scoped3A_152 : memref<!tpu.dma_semaphore, #tpu.memory_space<semaphore_mem>>)
      %dma_wait3A = arith.constant 0 : i32
      %dma_wait3A_166 = arith.constant 0 : i32
      %dma_wait3A_167 = tpu.memref_slice %arg11[%run_scoped3A_109, %dma_wait3A, %dma_wait3A_166] : memref<3x64x128xf32, #tpu.memory_space<vmem>> -> memref<1x64x128xf32, #tpu.memory_space<vmem>>
      %dma_wait3A_168 = tpu.memref_squeeze %dma_wait3A_167 : memref<1x64x128xf32, #tpu.memory_space<vmem>> -> memref<64x128xf32, #tpu.memory_space<vmem>>
      %dma_wait3A_169 = arith.constant 0 : i32
      %dma_wait3A_170 = tpu.memref_slice %arg7[%arg0, %add3A_107, %dma_wait3A_169] : memref<2x10240x128xf32, #tpu.memory_space<hbm>> -> memref<1x64x128xf32, #tpu.memory_space<hbm>>
      %dma_wait3A_171 = tpu.memref_squeeze %dma_wait3A_170 : memref<1x64x128xf32, #tpu.memory_space<hbm>> -> memref<64x128xf32, #tpu.memory_space<hbm>>
      %dma_wait3A_172 = arith.constant 0 : i32
      %dma_wait3A_173 = tpu.memref_slice %arg7[%arg0, %add3A_107, %dma_wait3A_172] : memref<2x10240x128xf32, #tpu.memory_space<hbm>> -> memref<1x64x128xf32, #tpu.memory_space<hbm>>
      %dma_wait3A_174 = tpu.memref_squeeze %dma_wait3A_173 : memref<1x64x128xf32, #tpu.memory_space<hbm>> -> memref<64x128xf32, #tpu.memory_space<hbm>>
      %dma_wait3A_175 = arith.constant 0 : i32
      %dma_wait3A_176 = arith.constant 0 : i32
      %dma_wait3A_177 = tpu.memref_slice %arg11[%run_scoped3A_109, %dma_wait3A_175, %dma_wait3A_176] : memref<3x64x128xf32, #tpu.memory_space<vmem>> -> memref<1x64x128xf32, #tpu.memory_space<vmem>>
      %dma_wait3A_178 = tpu.memref_squeeze %dma_wait3A_177 : memref<1x64x128xf32, #tpu.memory_space<vmem>> -> memref<64x128xf32, #tpu.memory_space<vmem>>
      tpu.wait_dma2 semaphore(%run_scoped3A_152 : memref<!tpu.dma_semaphore, #tpu.memory_space<semaphore_mem>>) src(%dma_wait3A_178 : memref<64x128xf32, #tpu.memory_space<vmem>>) dst(%dma_wait3A_174 : memref<64x128xf32, #tpu.memory_space<hbm>>)
      tpu.yield
    }) : () -> ()
    %run_scoped3A_110 = arith.constant 0 : i32
    "tpu.region"() ({
      %run_scoped3A_152 = tpu.sem_alloc : memref<!tpu.dma_semaphore, #tpu.memory_space<semaphore_mem>>
      %dma_start3A = arith.constant 0 : i32
      %dma_start3A_153 = arith.constant 0 : i32
      %dma_start3A_154 = tpu.memref_slice %arg12[%run_scoped3A_110, %dma_start3A, %dma_start3A_153] : memref<6x64x16xf32, #tpu.memory_space<vmem>> -> memref<1x64x16xf32, #tpu.memory_space<vmem>>
      %dma_start3A_155 = tpu.memref_squeeze %dma_start3A_154 : memref<1x64x16xf32, #tpu.memory_space<vmem>> -> memref<64x16xf32, #tpu.memory_space<vmem>>
      %dma_start3A_156 = arith.constant 0 : i32
      %dma_start3A_157 = tpu.memref_slice %arg14[%add3A_107, %dma_start3A_156] : memref<10240x16xf32, #tpu.memory_space<vmem_shared>> -> memref<64x16xf32, #tpu.memory_space<vmem_shared>>
      %dma_start3A_158 = arith.constant 0 : i32
      %dma_start3A_159 = arith.constant 0 : i32
      %dma_start3A_160 = tpu.memref_slice %arg12[%run_scoped3A_110, %dma_start3A_158, %dma_start3A_159] : memref<6x64x16xf32, #tpu.memory_space<vmem>> -> memref<1x64x16xf32, #tpu.memory_space<vmem>>
      %dma_start3A_161 = tpu.memref_squeeze %dma_start3A_160 : memref<1x64x16xf32, #tpu.memory_space<vmem>> -> memref<64x16xf32, #tpu.memory_space<vmem>>
      %dma_start3A_162 = arith.constant 0 : i32
      %dma_start3A_163 = tpu.memref_slice %arg14[%add3A_107, %dma_start3A_162] : memref<10240x16xf32, #tpu.memory_space<vmem_shared>> -> memref<64x16xf32, #tpu.memory_space<vmem_shared>>
      tpu.enqueue_dma source(%dma_start3A_163 : memref<64x16xf32, #tpu.memory_space<vmem_shared>>) target(%dma_start3A_161 : memref<64x16xf32, #tpu.memory_space<vmem>>) target_semaphore(%run_scoped3A_152 : memref<!tpu.dma_semaphore, #tpu.memory_space<semaphore_mem>>)
      %dma_wait3A = arith.constant 0 : i32
      %dma_wait3A_164 = arith.constant 0 : i32
      %dma_wait3A_165 = tpu.memref_slice %arg12[%run_scoped3A_110, %dma_wait3A, %dma_wait3A_164] : memref<6x64x16xf32, #tpu.memory_space<vmem>> -> memref<1x64x16xf32, #tpu.memory_space<vmem>>
      %dma_wait3A_166 = tpu.memref_squeeze %dma_wait3A_165 : memref<1x64x16xf32, #tpu.memory_space<vmem>> -> memref<64x16xf32, #tpu.memory_space<vmem>>
      %dma_wait3A_167 = arith.constant 0 : i32
      %dma_wait3A_168 = tpu.memref_slice %arg14[%add3A_107, %dma_wait3A_167] : memref<10240x16xf32, #tpu.memory_space<vmem_shared>> -> memref<64x16xf32, #tpu.memory_space<vmem_shared>>
      %dma_wait3A_169 = arith.constant 0 : i32
      %dma_wait3A_170 = arith.constant 0 : i32
      %dma_wait3A_171 = tpu.memref_slice %arg12[%run_scoped3A_110, %dma_wait3A_169, %dma_wait3A_170] : memref<6x64x16xf32, #tpu.memory_space<vmem>> -> memref<1x64x16xf32, #tpu.memory_space<vmem>>
      %dma_wait3A_172 = tpu.memref_squeeze %dma_wait3A_171 : memref<1x64x16xf32, #tpu.memory_space<vmem>> -> memref<64x16xf32, #tpu.memory_space<vmem>>
      %dma_wait3A_173 = arith.constant 0 : i32
      %dma_wait3A_174 = tpu.memref_slice %arg14[%add3A_107, %dma_wait3A_173] : memref<10240x16xf32, #tpu.memory_space<vmem_shared>> -> memref<64x16xf32, #tpu.memory_space<vmem_shared>>
      tpu.wait_dma2 semaphore(%run_scoped3A_152 : memref<!tpu.dma_semaphore, #tpu.memory_space<semaphore_mem>>) src(%dma_wait3A_174 : memref<64x16xf32, #tpu.memory_space<vmem_shared>>) dst(%dma_wait3A_172 : memref<64x16xf32, #tpu.memory_space<vmem>>)
      tpu.yield
    }) : () -> ()
    %run_scoped3A_111 = arith.constant 0 : i32
    "tpu.region"() ({
      %run_scoped3A_152 = tpu.sem_alloc : memref<!tpu.dma_semaphore, #tpu.memory_space<semaphore_mem>>
      %dma_start3A = arith.constant 0 : i32
      %dma_start3A_153 = arith.constant 0 : i32
      %dma_start3A_154 = tpu.memref_slice %arg12[%run_scoped3A_111, %dma_start3A, %dma_start3A_153] : memref<6x64x16xf32, #tpu.memory_space<vmem>> -> memref<1x64x16xf32, #tpu.memory_space<vmem>>
      %dma_start3A_155 = tpu.memref_squeeze %dma_start3A_154 : memref<1x64x16xf32, #tpu.memory_space<vmem>> -> memref<64x16xf32, #tpu.memory_space<vmem>>
      %dma_start3A_156 = arith.constant 0 : i32
      %dma_start3A_157 = tpu.memref_slice %arg8[%arg0, %add3A_107, %dma_start3A_156] : memref<2x10240x16xf32, #tpu.memory_space<hbm>> -> memref<1x64x16xf32, #tpu.memory_space<hbm>>
      %dma_start3A_158 = tpu.memref_squeeze %dma_start3A_157 : memref<1x64x16xf32, #tpu.memory_space<hbm>> -> memref<64x16xf32, #tpu.memory_space<hbm>>
      %dma_start3A_159 = arith.constant 0 : i32
      %dma_start3A_160 = tpu.memref_slice %arg8[%arg0, %add3A_107, %dma_start3A_159] : memref<2x10240x16xf32, #tpu.memory_space<hbm>> -> memref<1x64x16xf32, #tpu.memory_space<hbm>>
      %dma_start3A_161 = tpu.memref_squeeze %dma_start3A_160 : memref<1x64x16xf32, #tpu.memory_space<hbm>> -> memref<64x16xf32, #tpu.memory_space<hbm>>
      %dma_start3A_162 = arith.constant 0 : i32
      %dma_start3A_163 = arith.constant 0 : i32
      %dma_start3A_164 = tpu.memref_slice %arg12[%run_scoped3A_111, %dma_start3A_162, %dma_start3A_163] : memref<6x64x16xf32, #tpu.memory_space<vmem>> -> memref<1x64x16xf32, #tpu.memory_space<vmem>>
      %dma_start3A_165 = tpu.memref_squeeze %dma_start3A_164 : memref<1x64x16xf32, #tpu.memory_space<vmem>> -> memref<64x16xf32, #tpu.memory_space<vmem>>
      tpu.enqueue_dma source(%dma_start3A_165 : memref<64x16xf32, #tpu.memory_space<vmem>>) target(%dma_start3A_161 : memref<64x16xf32, #tpu.memory_space<hbm>>) target_semaphore(%run_scoped3A_152 : memref<!tpu.dma_semaphore, #tpu.memory_space<semaphore_mem>>)
      %dma_wait3A = arith.constant 0 : i32
      %dma_wait3A_166 = arith.constant 0 : i32
      %dma_wait3A_167 = tpu.memref_slice %arg12[%run_scoped3A_111, %dma_wait3A, %dma_wait3A_166] : memref<6x64x16xf32, #tpu.memory_space<vmem>> -> memref<1x64x16xf32, #tpu.memory_space<vmem>>
      %dma_wait3A_168 = tpu.memref_squeeze %dma_wait3A_167 : memref<1x64x16xf32, #tpu.memory_space<vmem>> -> memref<64x16xf32, #tpu.memory_space<vmem>>
      %dma_wait3A_169 = arith.constant 0 : i32
      %dma_wait3A_170 = tpu.memref_slice %arg8[%arg0, %add3A_107, %dma_wait3A_169] : memref<2x10240x16xf32, #tpu.memory_space<hbm>> -> memref<1x64x16xf32, #tpu.memory_space<hbm>>
      %dma_wait3A_171 = tpu.memref_squeeze %dma_wait3A_170 : memref<1x64x16xf32, #tpu.memory_space<hbm>> -> memref<64x16xf32, #tpu.memory_space<hbm>>
      %dma_wait3A_172 = arith.constant 0 : i32
      %dma_wait3A_173 = tpu.memref_slice %arg8[%arg0, %add3A_107, %dma_wait3A_172] : memref<2x10240x16xf32, #tpu.memory_space<hbm>> -> memref<1x64x16xf32, #tpu.memory_space<hbm>>
      %dma_wait3A_174 = tpu.memref_squeeze %dma_wait3A_173 : memref<1x64x16xf32, #tpu.memory_space<hbm>> -> memref<64x16xf32, #tpu.memory_space<hbm>>
      %dma_wait3A_175 = arith.constant 0 : i32
      %dma_wait3A_176 = arith.constant 0 : i32
      %dma_wait3A_177 = tpu.memref_slice %arg12[%run_scoped3A_111, %dma_wait3A_175, %dma_wait3A_176] : memref<6x64x16xf32, #tpu.memory_space<vmem>> -> memref<1x64x16xf32, #tpu.memory_space<vmem>>
      %dma_wait3A_178 = tpu.memref_squeeze %dma_wait3A_177 : memref<1x64x16xf32, #tpu.memory_space<vmem>> -> memref<64x16xf32, #tpu.memory_space<vmem>>
      tpu.wait_dma2 semaphore(%run_scoped3A_152 : memref<!tpu.dma_semaphore, #tpu.memory_space<semaphore_mem>>) src(%dma_wait3A_178 : memref<64x16xf32, #tpu.memory_space<vmem>>) dst(%dma_wait3A_174 : memref<64x16xf32, #tpu.memory_space<hbm>>)
      tpu.yield
    }) : () -> ()
    %mul3A_112 = arith.constant 640 : i32
    %mul3A_113 = arith.muli %arg1, %mul3A_112 : i32
    %add3A_114 = arith.constant 320 : i32
    %add3A_115 = arith.addi %mul3A_113, %add3A_114 : i32
    %run_scoped3A_116 = arith.constant 0 : i32
    "tpu.region"() ({
      %run_scoped3A_152 = tpu.sem_alloc : memref<!tpu.dma_semaphore, #tpu.memory_space<semaphore_mem>>
      %dma_start3A = arith.constant 0 : i32
      %dma_start3A_153 = arith.constant 0 : i32
      %dma_start3A_154 = tpu.memref_slice %arg11[%run_scoped3A_116, %dma_start3A, %dma_start3A_153] : memref<3x64x128xf32, #tpu.memory_space<vmem>> -> memref<1x64x128xf32, #tpu.memory_space<vmem>>
      %dma_start3A_155 = tpu.memref_squeeze %dma_start3A_154 : memref<1x64x128xf32, #tpu.memory_space<vmem>> -> memref<64x128xf32, #tpu.memory_space<vmem>>
      %dma_start3A_156 = arith.constant 0 : i32
      %dma_start3A_157 = tpu.memref_slice %arg13[%add3A_115, %dma_start3A_156] : memref<10240x128xf32, #tpu.memory_space<vmem_shared>> -> memref<64x128xf32, #tpu.memory_space<vmem_shared>>
      %dma_start3A_158 = arith.constant 0 : i32
      %dma_start3A_159 = arith.constant 0 : i32
      %dma_start3A_160 = tpu.memref_slice %arg11[%run_scoped3A_116, %dma_start3A_158, %dma_start3A_159] : memref<3x64x128xf32, #tpu.memory_space<vmem>> -> memref<1x64x128xf32, #tpu.memory_space<vmem>>
      %dma_start3A_161 = tpu.memref_squeeze %dma_start3A_160 : memref<1x64x128xf32, #tpu.memory_space<vmem>> -> memref<64x128xf32, #tpu.memory_space<vmem>>
      %dma_start3A_162 = arith.constant 0 : i32
      %dma_start3A_163 = tpu.memref_slice %arg13[%add3A_115, %dma_start3A_162] : memref<10240x128xf32, #tpu.memory_space<vmem_shared>> -> memref<64x128xf32, #tpu.memory_space<vmem_shared>>
      tpu.enqueue_dma source(%dma_start3A_163 : memref<64x128xf32, #tpu.memory_space<vmem_shared>>) target(%dma_start3A_161 : memref<64x128xf32, #tpu.memory_space<vmem>>) target_semaphore(%run_scoped3A_152 : memref<!tpu.dma_semaphore, #tpu.memory_space<semaphore_mem>>)
      %dma_wait3A = arith.constant 0 : i32
      %dma_wait3A_164 = arith.constant 0 : i32
      %dma_wait3A_165 = tpu.memref_slice %arg11[%run_scoped3A_116, %dma_wait3A, %dma_wait3A_164] : memref<3x64x128xf32, #tpu.memory_space<vmem>> -> memref<1x64x128xf32, #tpu.memory_space<vmem>>
      %dma_wait3A_166 = tpu.memref_squeeze %dma_wait3A_165 : memref<1x64x128xf32, #tpu.memory_space<vmem>> -> memref<64x128xf32, #tpu.memory_space<vmem>>
      %dma_wait3A_167 = arith.constant 0 : i32
      %dma_wait3A_168 = tpu.memref_slice %arg13[%add3A_115, %dma_wait3A_167] : memref<10240x128xf32, #tpu.memory_space<vmem_shared>> -> memref<64x128xf32, #tpu.memory_space<vmem_shared>>
      %dma_wait3A_169 = arith.constant 0 : i32
      %dma_wait3A_170 = arith.constant 0 : i32
      %dma_wait3A_171 = tpu.memref_slice %arg11[%run_scoped3A_116, %dma_wait3A_169, %dma_wait3A_170] : memref<3x64x128xf32, #tpu.memory_space<vmem>> -> memref<1x64x128xf32, #tpu.memory_space<vmem>>
      %dma_wait3A_172 = tpu.memref_squeeze %dma_wait3A_171 : memref<1x64x128xf32, #tpu.memory_space<vmem>> -> memref<64x128xf32, #tpu.memory_space<vmem>>
      %dma_wait3A_173 = arith.constant 0 : i32
      %dma_wait3A_174 = tpu.memref_slice %arg13[%add3A_115, %dma_wait3A_173] : memref<10240x128xf32, #tpu.memory_space<vmem_shared>> -> memref<64x128xf32, #tpu.memory_space<vmem_shared>>
      tpu.wait_dma2 semaphore(%run_scoped3A_152 : memref<!tpu.dma_semaphore, #tpu.memory_space<semaphore_mem>>) src(%dma_wait3A_174 : memref<64x128xf32, #tpu.memory_space<vmem_shared>>) dst(%dma_wait3A_172 : memref<64x128xf32, #tpu.memory_space<vmem>>)
      tpu.yield
    }) : () -> ()
    %run_scoped3A_117 = arith.constant 0 : i32
    "tpu.region"() ({
      %run_scoped3A_152 = tpu.sem_alloc : memref<!tpu.dma_semaphore, #tpu.memory_space<semaphore_mem>>
      %dma_start3A = arith.constant 0 : i32
      %dma_start3A_153 = arith.constant 0 : i32
      %dma_start3A_154 = tpu.memref_slice %arg11[%run_scoped3A_117, %dma_start3A, %dma_start3A_153] : memref<3x64x128xf32, #tpu.memory_space<vmem>> -> memref<1x64x128xf32, #tpu.memory_space<vmem>>
      %dma_start3A_155 = tpu.memref_squeeze %dma_start3A_154 : memref<1x64x128xf32, #tpu.memory_space<vmem>> -> memref<64x128xf32, #tpu.memory_space<vmem>>
      %dma_start3A_156 = arith.constant 0 : i32
      %dma_start3A_157 = tpu.memref_slice %arg7[%arg0, %add3A_115, %dma_start3A_156] : memref<2x10240x128xf32, #tpu.memory_space<hbm>> -> memref<1x64x128xf32, #tpu.memory_space<hbm>>
      %dma_start3A_158 = tpu.memref_squeeze %dma_start3A_157 : memref<1x64x128xf32, #tpu.memory_space<hbm>> -> memref<64x128xf32, #tpu.memory_space<hbm>>
      %dma_start3A_159 = arith.constant 0 : i32
      %dma_start3A_160 = tpu.memref_slice %arg7[%arg0, %add3A_115, %dma_start3A_159] : memref<2x10240x128xf32, #tpu.memory_space<hbm>> -> memref<1x64x128xf32, #tpu.memory_space<hbm>>
      %dma_start3A_161 = tpu.memref_squeeze %dma_start3A_160 : memref<1x64x128xf32, #tpu.memory_space<hbm>> -> memref<64x128xf32, #tpu.memory_space<hbm>>
      %dma_start3A_162 = arith.constant 0 : i32
      %dma_start3A_163 = arith.constant 0 : i32
      %dma_start3A_164 = tpu.memref_slice %arg11[%run_scoped3A_117, %dma_start3A_162, %dma_start3A_163] : memref<3x64x128xf32, #tpu.memory_space<vmem>> -> memref<1x64x128xf32, #tpu.memory_space<vmem>>
      %dma_start3A_165 = tpu.memref_squeeze %dma_start3A_164 : memref<1x64x128xf32, #tpu.memory_space<vmem>> -> memref<64x128xf32, #tpu.memory_space<vmem>>
      tpu.enqueue_dma source(%dma_start3A_165 : memref<64x128xf32, #tpu.memory_space<vmem>>) target(%dma_start3A_161 : memref<64x128xf32, #tpu.memory_space<hbm>>) target_semaphore(%run_scoped3A_152 : memref<!tpu.dma_semaphore, #tpu.memory_space<semaphore_mem>>)
      %dma_wait3A = arith.constant 0 : i32
      %dma_wait3A_166 = arith.constant 0 : i32
      %dma_wait3A_167 = tpu.memref_slice %arg11[%run_scoped3A_117, %dma_wait3A, %dma_wait3A_166] : memref<3x64x128xf32, #tpu.memory_space<vmem>> -> memref<1x64x128xf32, #tpu.memory_space<vmem>>
      %dma_wait3A_168 = tpu.memref_squeeze %dma_wait3A_167 : memref<1x64x128xf32, #tpu.memory_space<vmem>> -> memref<64x128xf32, #tpu.memory_space<vmem>>
      %dma_wait3A_169 = arith.constant 0 : i32
      %dma_wait3A_170 = tpu.memref_slice %arg7[%arg0, %add3A_115, %dma_wait3A_169] : memref<2x10240x128xf32, #tpu.memory_space<hbm>> -> memref<1x64x128xf32, #tpu.memory_space<hbm>>
      %dma_wait3A_171 = tpu.memref_squeeze %dma_wait3A_170 : memref<1x64x128xf32, #tpu.memory_space<hbm>> -> memref<64x128xf32, #tpu.memory_space<hbm>>
      %dma_wait3A_172 = arith.constant 0 : i32
      %dma_wait3A_173 = tpu.memref_slice %arg7[%arg0, %add3A_115, %dma_wait3A_172] : memref<2x10240x128xf32, #tpu.memory_space<hbm>> -> memref<1x64x128xf32, #tpu.memory_space<hbm>>
      %dma_wait3A_174 = tpu.memref_squeeze %dma_wait3A_173 : memref<1x64x128xf32, #tpu.memory_space<hbm>> -> memref<64x128xf32, #tpu.memory_space<hbm>>
      %dma_wait3A_175 = arith.constant 0 : i32
      %dma_wait3A_176 = arith.constant 0 : i32
      %dma_wait3A_177 = tpu.memref_slice %arg11[%run_scoped3A_117, %dma_wait3A_175, %dma_wait3A_176] : memref<3x64x128xf32, #tpu.memory_space<vmem>> -> memref<1x64x128xf32, #tpu.memory_space<vmem>>
      %dma_wait3A_178 = tpu.memref_squeeze %dma_wait3A_177 : memref<1x64x128xf32, #tpu.memory_space<vmem>> -> memref<64x128xf32, #tpu.memory_space<vmem>>
      tpu.wait_dma2 semaphore(%run_scoped3A_152 : memref<!tpu.dma_semaphore, #tpu.memory_space<semaphore_mem>>) src(%dma_wait3A_178 : memref<64x128xf32, #tpu.memory_space<vmem>>) dst(%dma_wait3A_174 : memref<64x128xf32, #tpu.memory_space<hbm>>)
      tpu.yield
    }) : () -> ()
    %run_scoped3A_118 = arith.constant 0 : i32
    "tpu.region"() ({
      %run_scoped3A_152 = tpu.sem_alloc : memref<!tpu.dma_semaphore, #tpu.memory_space<semaphore_mem>>
      %dma_start3A = arith.constant 0 : i32
      %dma_start3A_153 = arith.constant 0 : i32
      %dma_start3A_154 = tpu.memref_slice %arg12[%run_scoped3A_118, %dma_start3A, %dma_start3A_153] : memref<6x64x16xf32, #tpu.memory_space<vmem>> -> memref<1x64x16xf32, #tpu.memory_space<vmem>>
      %dma_start3A_155 = tpu.memref_squeeze %dma_start3A_154 : memref<1x64x16xf32, #tpu.memory_space<vmem>> -> memref<64x16xf32, #tpu.memory_space<vmem>>
      %dma_start3A_156 = arith.constant 0 : i32
      %dma_start3A_157 = tpu.memref_slice %arg14[%add3A_115, %dma_start3A_156] : memref<10240x16xf32, #tpu.memory_space<vmem_shared>> -> memref<64x16xf32, #tpu.memory_space<vmem_shared>>
      %dma_start3A_158 = arith.constant 0 : i32
      %dma_start3A_159 = arith.constant 0 : i32
      %dma_start3A_160 = tpu.memref_slice %arg12[%run_scoped3A_118, %dma_start3A_158, %dma_start3A_159] : memref<6x64x16xf32, #tpu.memory_space<vmem>> -> memref<1x64x16xf32, #tpu.memory_space<vmem>>
      %dma_start3A_161 = tpu.memref_squeeze %dma_start3A_160 : memref<1x64x16xf32, #tpu.memory_space<vmem>> -> memref<64x16xf32, #tpu.memory_space<vmem>>
      %dma_start3A_162 = arith.constant 0 : i32
      %dma_start3A_163 = tpu.memref_slice %arg14[%add3A_115, %dma_start3A_162] : memref<10240x16xf32, #tpu.memory_space<vmem_shared>> -> memref<64x16xf32, #tpu.memory_space<vmem_shared>>
      tpu.enqueue_dma source(%dma_start3A_163 : memref<64x16xf32, #tpu.memory_space<vmem_shared>>) target(%dma_start3A_161 : memref<64x16xf32, #tpu.memory_space<vmem>>) target_semaphore(%run_scoped3A_152 : memref<!tpu.dma_semaphore, #tpu.memory_space<semaphore_mem>>)
      %dma_wait3A = arith.constant 0 : i32
      %dma_wait3A_164 = arith.constant 0 : i32
      %dma_wait3A_165 = tpu.memref_slice %arg12[%run_scoped3A_118, %dma_wait3A, %dma_wait3A_164] : memref<6x64x16xf32, #tpu.memory_space<vmem>> -> memref<1x64x16xf32, #tpu.memory_space<vmem>>
      %dma_wait3A_166 = tpu.memref_squeeze %dma_wait3A_165 : memref<1x64x16xf32, #tpu.memory_space<vmem>> -> memref<64x16xf32, #tpu.memory_space<vmem>>
      %dma_wait3A_167 = arith.constant 0 : i32
      %dma_wait3A_168 = tpu.memref_slice %arg14[%add3A_115, %dma_wait3A_167] : memref<10240x16xf32, #tpu.memory_space<vmem_shared>> -> memref<64x16xf32, #tpu.memory_space<vmem_shared>>
      %dma_wait3A_169 = arith.constant 0 : i32
      %dma_wait3A_170 = arith.constant 0 : i32
      %dma_wait3A_171 = tpu.memref_slice %arg12[%run_scoped3A_118, %dma_wait3A_169, %dma_wait3A_170] : memref<6x64x16xf32, #tpu.memory_space<vmem>> -> memref<1x64x16xf32, #tpu.memory_space<vmem>>
      %dma_wait3A_172 = tpu.memref_squeeze %dma_wait3A_171 : memref<1x64x16xf32, #tpu.memory_space<vmem>> -> memref<64x16xf32, #tpu.memory_space<vmem>>
      %dma_wait3A_173 = arith.constant 0 : i32
      %dma_wait3A_174 = tpu.memref_slice %arg14[%add3A_115, %dma_wait3A_173] : memref<10240x16xf32, #tpu.memory_space<vmem_shared>> -> memref<64x16xf32, #tpu.memory_space<vmem_shared>>
      tpu.wait_dma2 semaphore(%run_scoped3A_152 : memref<!tpu.dma_semaphore, #tpu.memory_space<semaphore_mem>>) src(%dma_wait3A_174 : memref<64x16xf32, #tpu.memory_space<vmem_shared>>) dst(%dma_wait3A_172 : memref<64x16xf32, #tpu.memory_space<vmem>>)
      tpu.yield
    }) : () -> ()
    %run_scoped3A_119 = arith.constant 0 : i32
    "tpu.region"() ({
      %run_scoped3A_152 = tpu.sem_alloc : memref<!tpu.dma_semaphore, #tpu.memory_space<semaphore_mem>>
      %dma_start3A = arith.constant 0 : i32
      %dma_start3A_153 = arith.constant 0 : i32
      %dma_start3A_154 = tpu.memref_slice %arg12[%run_scoped3A_119, %dma_start3A, %dma_start3A_153] : memref<6x64x16xf32, #tpu.memory_space<vmem>> -> memref<1x64x16xf32, #tpu.memory_space<vmem>>
      %dma_start3A_155 = tpu.memref_squeeze %dma_start3A_154 : memref<1x64x16xf32, #tpu.memory_space<vmem>> -> memref<64x16xf32, #tpu.memory_space<vmem>>
      %dma_start3A_156 = arith.constant 0 : i32
      %dma_start3A_157 = tpu.memref_slice %arg8[%arg0, %add3A_115, %dma_start3A_156] : memref<2x10240x16xf32, #tpu.memory_space<hbm>> -> memref<1x64x16xf32, #tpu.memory_space<hbm>>
      %dma_start3A_158 = tpu.memref_squeeze %dma_start3A_157 : memref<1x64x16xf32, #tpu.memory_space<hbm>> -> memref<64x16xf32, #tpu.memory_space<hbm>>
      %dma_start3A_159 = arith.constant 0 : i32
      %dma_start3A_160 = tpu.memref_slice %arg8[%arg0, %add3A_115, %dma_start3A_159] : memref<2x10240x16xf32, #tpu.memory_space<hbm>> -> memref<1x64x16xf32, #tpu.memory_space<hbm>>
      %dma_start3A_161 = tpu.memref_squeeze %dma_start3A_160 : memref<1x64x16xf32, #tpu.memory_space<hbm>> -> memref<64x16xf32, #tpu.memory_space<hbm>>
      %dma_start3A_162 = arith.constant 0 : i32
      %dma_start3A_163 = arith.constant 0 : i32
      %dma_start3A_164 = tpu.memref_slice %arg12[%run_scoped3A_119, %dma_start3A_162, %dma_start3A_163] : memref<6x64x16xf32, #tpu.memory_space<vmem>> -> memref<1x64x16xf32, #tpu.memory_space<vmem>>
      %dma_start3A_165 = tpu.memref_squeeze %dma_start3A_164 : memref<1x64x16xf32, #tpu.memory_space<vmem>> -> memref<64x16xf32, #tpu.memory_space<vmem>>
      tpu.enqueue_dma source(%dma_start3A_165 : memref<64x16xf32, #tpu.memory_space<vmem>>) target(%dma_start3A_161 : memref<64x16xf32, #tpu.memory_space<hbm>>) target_semaphore(%run_scoped3A_152 : memref<!tpu.dma_semaphore, #tpu.memory_space<semaphore_mem>>)
      %dma_wait3A = arith.constant 0 : i32
      %dma_wait3A_166 = arith.constant 0 : i32
      %dma_wait3A_167 = tpu.memref_slice %arg12[%run_scoped3A_119, %dma_wait3A, %dma_wait3A_166] : memref<6x64x16xf32, #tpu.memory_space<vmem>> -> memref<1x64x16xf32, #tpu.memory_space<vmem>>
      %dma_wait3A_168 = tpu.memref_squeeze %dma_wait3A_167 : memref<1x64x16xf32, #tpu.memory_space<vmem>> -> memref<64x16xf32, #tpu.memory_space<vmem>>
      %dma_wait3A_169 = arith.constant 0 : i32
      %dma_wait3A_170 = tpu.memref_slice %arg8[%arg0, %add3A_115, %dma_wait3A_169] : memref<2x10240x16xf32, #tpu.memory_space<hbm>> -> memref<1x64x16xf32, #tpu.memory_space<hbm>>
      %dma_wait3A_171 = tpu.memref_squeeze %dma_wait3A_170 : memref<1x64x16xf32, #tpu.memory_space<hbm>> -> memref<64x16xf32, #tpu.memory_space<hbm>>
      %dma_wait3A_172 = arith.constant 0 : i32
      %dma_wait3A_173 = tpu.memref_slice %arg8[%arg0, %add3A_115, %dma_wait3A_172] : memref<2x10240x16xf32, #tpu.memory_space<hbm>> -> memref<1x64x16xf32, #tpu.memory_space<hbm>>
      %dma_wait3A_174 = tpu.memref_squeeze %dma_wait3A_173 : memref<1x64x16xf32, #tpu.memory_space<hbm>> -> memref<64x16xf32, #tpu.memory_space<hbm>>
      %dma_wait3A_175 = arith.constant 0 : i32
      %dma_wait3A_176 = arith.constant 0 : i32
      %dma_wait3A_177 = tpu.memref_slice %arg12[%run_scoped3A_119, %dma_wait3A_175, %dma_wait3A_176] : memref<6x64x16xf32, #tpu.memory_space<vmem>> -> memref<1x64x16xf32, #tpu.memory_space<vmem>>
      %dma_wait3A_178 = tpu.memref_squeeze %dma_wait3A_177 : memref<1x64x16xf32, #tpu.memory_space<vmem>> -> memref<64x16xf32, #tpu.memory_space<vmem>>
      tpu.wait_dma2 semaphore(%run_scoped3A_152 : memref<!tpu.dma_semaphore, #tpu.memory_space<semaphore_mem>>) src(%dma_wait3A_178 : memref<64x16xf32, #tpu.memory_space<vmem>>) dst(%dma_wait3A_174 : memref<64x16xf32, #tpu.memory_space<hbm>>)
      tpu.yield
    }) : () -> ()
    %mul3A_120 = arith.constant 640 : i32
    %mul3A_121 = arith.muli %arg1, %mul3A_120 : i32
    %add3A_122 = arith.constant 384 : i32
    %add3A_123 = arith.addi %mul3A_121, %add3A_122 : i32
    %run_scoped3A_124 = arith.constant 0 : i32
    "tpu.region"() ({
      %run_scoped3A_152 = tpu.sem_alloc : memref<!tpu.dma_semaphore, #tpu.memory_space<semaphore_mem>>
      %dma_start3A = arith.constant 0 : i32
      %dma_start3A_153 = arith.constant 0 : i32
      %dma_start3A_154 = tpu.memref_slice %arg11[%run_scoped3A_124, %dma_start3A, %dma_start3A_153] : memref<3x64x128xf32, #tpu.memory_space<vmem>> -> memref<1x64x128xf32, #tpu.memory_space<vmem>>
      %dma_start3A_155 = tpu.memref_squeeze %dma_start3A_154 : memref<1x64x128xf32, #tpu.memory_space<vmem>> -> memref<64x128xf32, #tpu.memory_space<vmem>>
      %dma_start3A_156 = arith.constant 0 : i32
      %dma_start3A_157 = tpu.memref_slice %arg13[%add3A_123, %dma_start3A_156] : memref<10240x128xf32, #tpu.memory_space<vmem_shared>> -> memref<64x128xf32, #tpu.memory_space<vmem_shared>>
      %dma_start3A_158 = arith.constant 0 : i32
      %dma_start3A_159 = arith.constant 0 : i32
      %dma_start3A_160 = tpu.memref_slice %arg11[%run_scoped3A_124, %dma_start3A_158, %dma_start3A_159] : memref<3x64x128xf32, #tpu.memory_space<vmem>> -> memref<1x64x128xf32, #tpu.memory_space<vmem>>
      %dma_start3A_161 = tpu.memref_squeeze %dma_start3A_160 : memref<1x64x128xf32, #tpu.memory_space<vmem>> -> memref<64x128xf32, #tpu.memory_space<vmem>>
      %dma_start3A_162 = arith.constant 0 : i32
      %dma_start3A_163 = tpu.memref_slice %arg13[%add3A_123, %dma_start3A_162] : memref<10240x128xf32, #tpu.memory_space<vmem_shared>> -> memref<64x128xf32, #tpu.memory_space<vmem_shared>>
      tpu.enqueue_dma source(%dma_start3A_163 : memref<64x128xf32, #tpu.memory_space<vmem_shared>>) target(%dma_start3A_161 : memref<64x128xf32, #tpu.memory_space<vmem>>) target_semaphore(%run_scoped3A_152 : memref<!tpu.dma_semaphore, #tpu.memory_space<semaphore_mem>>)
      %dma_wait3A = arith.constant 0 : i32
      %dma_wait3A_164 = arith.constant 0 : i32
      %dma_wait3A_165 = tpu.memref_slice %arg11[%run_scoped3A_124, %dma_wait3A, %dma_wait3A_164] : memref<3x64x128xf32, #tpu.memory_space<vmem>> -> memref<1x64x128xf32, #tpu.memory_space<vmem>>
      %dma_wait3A_166 = tpu.memref_squeeze %dma_wait3A_165 : memref<1x64x128xf32, #tpu.memory_space<vmem>> -> memref<64x128xf32, #tpu.memory_space<vmem>>
      %dma_wait3A_167 = arith.constant 0 : i32
      %dma_wait3A_168 = tpu.memref_slice %arg13[%add3A_123, %dma_wait3A_167] : memref<10240x128xf32, #tpu.memory_space<vmem_shared>> -> memref<64x128xf32, #tpu.memory_space<vmem_shared>>
      %dma_wait3A_169 = arith.constant 0 : i32
      %dma_wait3A_170 = arith.constant 0 : i32
      %dma_wait3A_171 = tpu.memref_slice %arg11[%run_scoped3A_124, %dma_wait3A_169, %dma_wait3A_170] : memref<3x64x128xf32, #tpu.memory_space<vmem>> -> memref<1x64x128xf32, #tpu.memory_space<vmem>>
      %dma_wait3A_172 = tpu.memref_squeeze %dma_wait3A_171 : memref<1x64x128xf32, #tpu.memory_space<vmem>> -> memref<64x128xf32, #tpu.memory_space<vmem>>
      %dma_wait3A_173 = arith.constant 0 : i32
      %dma_wait3A_174 = tpu.memref_slice %arg13[%add3A_123, %dma_wait3A_173] : memref<10240x128xf32, #tpu.memory_space<vmem_shared>> -> memref<64x128xf32, #tpu.memory_space<vmem_shared>>
      tpu.wait_dma2 semaphore(%run_scoped3A_152 : memref<!tpu.dma_semaphore, #tpu.memory_space<semaphore_mem>>) src(%dma_wait3A_174 : memref<64x128xf32, #tpu.memory_space<vmem_shared>>) dst(%dma_wait3A_172 : memref<64x128xf32, #tpu.memory_space<vmem>>)
      tpu.yield
    }) : () -> ()
    %run_scoped3A_125 = arith.constant 0 : i32
    "tpu.region"() ({
      %run_scoped3A_152 = tpu.sem_alloc : memref<!tpu.dma_semaphore, #tpu.memory_space<semaphore_mem>>
      %dma_start3A = arith.constant 0 : i32
      %dma_start3A_153 = arith.constant 0 : i32
      %dma_start3A_154 = tpu.memref_slice %arg11[%run_scoped3A_125, %dma_start3A, %dma_start3A_153] : memref<3x64x128xf32, #tpu.memory_space<vmem>> -> memref<1x64x128xf32, #tpu.memory_space<vmem>>
      %dma_start3A_155 = tpu.memref_squeeze %dma_start3A_154 : memref<1x64x128xf32, #tpu.memory_space<vmem>> -> memref<64x128xf32, #tpu.memory_space<vmem>>
      %dma_start3A_156 = arith.constant 0 : i32
      %dma_start3A_157 = tpu.memref_slice %arg7[%arg0, %add3A_123, %dma_start3A_156] : memref<2x10240x128xf32, #tpu.memory_space<hbm>> -> memref<1x64x128xf32, #tpu.memory_space<hbm>>
      %dma_start3A_158 = tpu.memref_squeeze %dma_start3A_157 : memref<1x64x128xf32, #tpu.memory_space<hbm>> -> memref<64x128xf32, #tpu.memory_space<hbm>>
      %dma_start3A_159 = arith.constant 0 : i32
      %dma_start3A_160 = tpu.memref_slice %arg7[%arg0, %add3A_123, %dma_start3A_159] : memref<2x10240x128xf32, #tpu.memory_space<hbm>> -> memref<1x64x128xf32, #tpu.memory_space<hbm>>
      %dma_start3A_161 = tpu.memref_squeeze %dma_start3A_160 : memref<1x64x128xf32, #tpu.memory_space<hbm>> -> memref<64x128xf32, #tpu.memory_space<hbm>>
      %dma_start3A_162 = arith.constant 0 : i32
      %dma_start3A_163 = arith.constant 0 : i32
      %dma_start3A_164 = tpu.memref_slice %arg11[%run_scoped3A_125, %dma_start3A_162, %dma_start3A_163] : memref<3x64x128xf32, #tpu.memory_space<vmem>> -> memref<1x64x128xf32, #tpu.memory_space<vmem>>
      %dma_start3A_165 = tpu.memref_squeeze %dma_start3A_164 : memref<1x64x128xf32, #tpu.memory_space<vmem>> -> memref<64x128xf32, #tpu.memory_space<vmem>>
      tpu.enqueue_dma source(%dma_start3A_165 : memref<64x128xf32, #tpu.memory_space<vmem>>) target(%dma_start3A_161 : memref<64x128xf32, #tpu.memory_space<hbm>>) target_semaphore(%run_scoped3A_152 : memref<!tpu.dma_semaphore, #tpu.memory_space<semaphore_mem>>)
      %dma_wait3A = arith.constant 0 : i32
      %dma_wait3A_166 = arith.constant 0 : i32
      %dma_wait3A_167 = tpu.memref_slice %arg11[%run_scoped3A_125, %dma_wait3A, %dma_wait3A_166] : memref<3x64x128xf32, #tpu.memory_space<vmem>> -> memref<1x64x128xf32, #tpu.memory_space<vmem>>
      %dma_wait3A_168 = tpu.memref_squeeze %dma_wait3A_167 : memref<1x64x128xf32, #tpu.memory_space<vmem>> -> memref<64x128xf32, #tpu.memory_space<vmem>>
      %dma_wait3A_169 = arith.constant 0 : i32
      %dma_wait3A_170 = tpu.memref_slice %arg7[%arg0, %add3A_123, %dma_wait3A_169] : memref<2x10240x128xf32, #tpu.memory_space<hbm>> -> memref<1x64x128xf32, #tpu.memory_space<hbm>>
      %dma_wait3A_171 = tpu.memref_squeeze %dma_wait3A_170 : memref<1x64x128xf32, #tpu.memory_space<hbm>> -> memref<64x128xf32, #tpu.memory_space<hbm>>
      %dma_wait3A_172 = arith.constant 0 : i32
      %dma_wait3A_173 = tpu.memref_slice %arg7[%arg0, %add3A_123, %dma_wait3A_172] : memref<2x10240x128xf32, #tpu.memory_space<hbm>> -> memref<1x64x128xf32, #tpu.memory_space<hbm>>
      %dma_wait3A_174 = tpu.memref_squeeze %dma_wait3A_173 : memref<1x64x128xf32, #tpu.memory_space<hbm>> -> memref<64x128xf32, #tpu.memory_space<hbm>>
      %dma_wait3A_175 = arith.constant 0 : i32
      %dma_wait3A_176 = arith.constant 0 : i32
      %dma_wait3A_177 = tpu.memref_slice %arg11[%run_scoped3A_125, %dma_wait3A_175, %dma_wait3A_176] : memref<3x64x128xf32, #tpu.memory_space<vmem>> -> memref<1x64x128xf32, #tpu.memory_space<vmem>>
      %dma_wait3A_178 = tpu.memref_squeeze %dma_wait3A_177 : memref<1x64x128xf32, #tpu.memory_space<vmem>> -> memref<64x128xf32, #tpu.memory_space<vmem>>
      tpu.wait_dma2 semaphore(%run_scoped3A_152 : memref<!tpu.dma_semaphore, #tpu.memory_space<semaphore_mem>>) src(%dma_wait3A_178 : memref<64x128xf32, #tpu.memory_space<vmem>>) dst(%dma_wait3A_174 : memref<64x128xf32, #tpu.memory_space<hbm>>)
      tpu.yield
    }) : () -> ()
    %run_scoped3A_126 = arith.constant 0 : i32
    "tpu.region"() ({
      %run_scoped3A_152 = tpu.sem_alloc : memref<!tpu.dma_semaphore, #tpu.memory_space<semaphore_mem>>
      %dma_start3A = arith.constant 0 : i32
      %dma_start3A_153 = arith.constant 0 : i32
      %dma_start3A_154 = tpu.memref_slice %arg12[%run_scoped3A_126, %dma_start3A, %dma_start3A_153] : memref<6x64x16xf32, #tpu.memory_space<vmem>> -> memref<1x64x16xf32, #tpu.memory_space<vmem>>
      %dma_start3A_155 = tpu.memref_squeeze %dma_start3A_154 : memref<1x64x16xf32, #tpu.memory_space<vmem>> -> memref<64x16xf32, #tpu.memory_space<vmem>>
      %dma_start3A_156 = arith.constant 0 : i32
      %dma_start3A_157 = tpu.memref_slice %arg14[%add3A_123, %dma_start3A_156] : memref<10240x16xf32, #tpu.memory_space<vmem_shared>> -> memref<64x16xf32, #tpu.memory_space<vmem_shared>>
      %dma_start3A_158 = arith.constant 0 : i32
      %dma_start3A_159 = arith.constant 0 : i32
      %dma_start3A_160 = tpu.memref_slice %arg12[%run_scoped3A_126, %dma_start3A_158, %dma_start3A_159] : memref<6x64x16xf32, #tpu.memory_space<vmem>> -> memref<1x64x16xf32, #tpu.memory_space<vmem>>
      %dma_start3A_161 = tpu.memref_squeeze %dma_start3A_160 : memref<1x64x16xf32, #tpu.memory_space<vmem>> -> memref<64x16xf32, #tpu.memory_space<vmem>>
      %dma_start3A_162 = arith.constant 0 : i32
      %dma_start3A_163 = tpu.memref_slice %arg14[%add3A_123, %dma_start3A_162] : memref<10240x16xf32, #tpu.memory_space<vmem_shared>> -> memref<64x16xf32, #tpu.memory_space<vmem_shared>>
      tpu.enqueue_dma source(%dma_start3A_163 : memref<64x16xf32, #tpu.memory_space<vmem_shared>>) target(%dma_start3A_161 : memref<64x16xf32, #tpu.memory_space<vmem>>) target_semaphore(%run_scoped3A_152 : memref<!tpu.dma_semaphore, #tpu.memory_space<semaphore_mem>>)
      %dma_wait3A = arith.constant 0 : i32
      %dma_wait3A_164 = arith.constant 0 : i32
      %dma_wait3A_165 = tpu.memref_slice %arg12[%run_scoped3A_126, %dma_wait3A, %dma_wait3A_164] : memref<6x64x16xf32, #tpu.memory_space<vmem>> -> memref<1x64x16xf32, #tpu.memory_space<vmem>>
      %dma_wait3A_166 = tpu.memref_squeeze %dma_wait3A_165 : memref<1x64x16xf32, #tpu.memory_space<vmem>> -> memref<64x16xf32, #tpu.memory_space<vmem>>
      %dma_wait3A_167 = arith.constant 0 : i32
      %dma_wait3A_168 = tpu.memref_slice %arg14[%add3A_123, %dma_wait3A_167] : memref<10240x16xf32, #tpu.memory_space<vmem_shared>> -> memref<64x16xf32, #tpu.memory_space<vmem_shared>>
      %dma_wait3A_169 = arith.constant 0 : i32
      %dma_wait3A_170 = arith.constant 0 : i32
      %dma_wait3A_171 = tpu.memref_slice %arg12[%run_scoped3A_126, %dma_wait3A_169, %dma_wait3A_170] : memref<6x64x16xf32, #tpu.memory_space<vmem>> -> memref<1x64x16xf32, #tpu.memory_space<vmem>>
      %dma_wait3A_172 = tpu.memref_squeeze %dma_wait3A_171 : memref<1x64x16xf32, #tpu.memory_space<vmem>> -> memref<64x16xf32, #tpu.memory_space<vmem>>
      %dma_wait3A_173 = arith.constant 0 : i32
      %dma_wait3A_174 = tpu.memref_slice %arg14[%add3A_123, %dma_wait3A_173] : memref<10240x16xf32, #tpu.memory_space<vmem_shared>> -> memref<64x16xf32, #tpu.memory_space<vmem_shared>>
      tpu.wait_dma2 semaphore(%run_scoped3A_152 : memref<!tpu.dma_semaphore, #tpu.memory_space<semaphore_mem>>) src(%dma_wait3A_174 : memref<64x16xf32, #tpu.memory_space<vmem_shared>>) dst(%dma_wait3A_172 : memref<64x16xf32, #tpu.memory_space<vmem>>)
      tpu.yield
    }) : () -> ()
    %run_scoped3A_127 = arith.constant 0 : i32
    "tpu.region"() ({
      %run_scoped3A_152 = tpu.sem_alloc : memref<!tpu.dma_semaphore, #tpu.memory_space<semaphore_mem>>
      %dma_start3A = arith.constant 0 : i32
      %dma_start3A_153 = arith.constant 0 : i32
      %dma_start3A_154 = tpu.memref_slice %arg12[%run_scoped3A_127, %dma_start3A, %dma_start3A_153] : memref<6x64x16xf32, #tpu.memory_space<vmem>> -> memref<1x64x16xf32, #tpu.memory_space<vmem>>
      %dma_start3A_155 = tpu.memref_squeeze %dma_start3A_154 : memref<1x64x16xf32, #tpu.memory_space<vmem>> -> memref<64x16xf32, #tpu.memory_space<vmem>>
      %dma_start3A_156 = arith.constant 0 : i32
      %dma_start3A_157 = tpu.memref_slice %arg8[%arg0, %add3A_123, %dma_start3A_156] : memref<2x10240x16xf32, #tpu.memory_space<hbm>> -> memref<1x64x16xf32, #tpu.memory_space<hbm>>
      %dma_start3A_158 = tpu.memref_squeeze %dma_start3A_157 : memref<1x64x16xf32, #tpu.memory_space<hbm>> -> memref<64x16xf32, #tpu.memory_space<hbm>>
      %dma_start3A_159 = arith.constant 0 : i32
      %dma_start3A_160 = tpu.memref_slice %arg8[%arg0, %add3A_123, %dma_start3A_159] : memref<2x10240x16xf32, #tpu.memory_space<hbm>> -> memref<1x64x16xf32, #tpu.memory_space<hbm>>
      %dma_start3A_161 = tpu.memref_squeeze %dma_start3A_160 : memref<1x64x16xf32, #tpu.memory_space<hbm>> -> memref<64x16xf32, #tpu.memory_space<hbm>>
      %dma_start3A_162 = arith.constant 0 : i32
      %dma_start3A_163 = arith.constant 0 : i32
      %dma_start3A_164 = tpu.memref_slice %arg12[%run_scoped3A_127, %dma_start3A_162, %dma_start3A_163] : memref<6x64x16xf32, #tpu.memory_space<vmem>> -> memref<1x64x16xf32, #tpu.memory_space<vmem>>
      %dma_start3A_165 = tpu.memref_squeeze %dma_start3A_164 : memref<1x64x16xf32, #tpu.memory_space<vmem>> -> memref<64x16xf32, #tpu.memory_space<vmem>>
      tpu.enqueue_dma source(%dma_start3A_165 : memref<64x16xf32, #tpu.memory_space<vmem>>) target(%dma_start3A_161 : memref<64x16xf32, #tpu.memory_space<hbm>>) target_semaphore(%run_scoped3A_152 : memref<!tpu.dma_semaphore, #tpu.memory_space<semaphore_mem>>)
      %dma_wait3A = arith.constant 0 : i32
      %dma_wait3A_166 = arith.constant 0 : i32
      %dma_wait3A_167 = tpu.memref_slice %arg12[%run_scoped3A_127, %dma_wait3A, %dma_wait3A_166] : memref<6x64x16xf32, #tpu.memory_space<vmem>> -> memref<1x64x16xf32, #tpu.memory_space<vmem>>
      %dma_wait3A_168 = tpu.memref_squeeze %dma_wait3A_167 : memref<1x64x16xf32, #tpu.memory_space<vmem>> -> memref<64x16xf32, #tpu.memory_space<vmem>>
      %dma_wait3A_169 = arith.constant 0 : i32
      %dma_wait3A_170 = tpu.memref_slice %arg8[%arg0, %add3A_123, %dma_wait3A_169] : memref<2x10240x16xf32, #tpu.memory_space<hbm>> -> memref<1x64x16xf32, #tpu.memory_space<hbm>>
      %dma_wait3A_171 = tpu.memref_squeeze %dma_wait3A_170 : memref<1x64x16xf32, #tpu.memory_space<hbm>> -> memref<64x16xf32, #tpu.memory_space<hbm>>
      %dma_wait3A_172 = arith.constant 0 : i32
      %dma_wait3A_173 = tpu.memref_slice %arg8[%arg0, %add3A_123, %dma_wait3A_172] : memref<2x10240x16xf32, #tpu.memory_space<hbm>> -> memref<1x64x16xf32, #tpu.memory_space<hbm>>
      %dma_wait3A_174 = tpu.memref_squeeze %dma_wait3A_173 : memref<1x64x16xf32, #tpu.memory_space<hbm>> -> memref<64x16xf32, #tpu.memory_space<hbm>>
      %dma_wait3A_175 = arith.constant 0 : i32
      %dma_wait3A_176 = arith.constant 0 : i32
      %dma_wait3A_177 = tpu.memref_slice %arg12[%run_scoped3A_127, %dma_wait3A_175, %dma_wait3A_176] : memref<6x64x16xf32, #tpu.memory_space<vmem>> -> memref<1x64x16xf32, #tpu.memory_space<vmem>>
      %dma_wait3A_178 = tpu.memref_squeeze %dma_wait3A_177 : memref<1x64x16xf32, #tpu.memory_space<vmem>> -> memref<64x16xf32, #tpu.memory_space<vmem>>
      tpu.wait_dma2 semaphore(%run_scoped3A_152 : memref<!tpu.dma_semaphore, #tpu.memory_space<semaphore_mem>>) src(%dma_wait3A_178 : memref<64x16xf32, #tpu.memory_space<vmem>>) dst(%dma_wait3A_174 : memref<64x16xf32, #tpu.memory_space<hbm>>)
      tpu.yield
    }) : () -> ()
    %mul3A_128 = arith.constant 640 : i32
    %mul3A_129 = arith.muli %arg1, %mul3A_128 : i32
    %add3A_130 = arith.constant 448 : i32
    %add3A_131 = arith.addi %mul3A_129, %add3A_130 : i32
    %run_scoped3A_132 = arith.constant 0 : i32
    "tpu.region"() ({
      %run_scoped3A_152 = tpu.sem_alloc : memref<!tpu.dma_semaphore, #tpu.memory_space<semaphore_mem>>
      %dma_start3A = arith.constant 0 : i32
      %dma_start3A_153 = arith.constant 0 : i32
      %dma_start3A_154 = tpu.memref_slice %arg11[%run_scoped3A_132, %dma_start3A, %dma_start3A_153] : memref<3x64x128xf32, #tpu.memory_space<vmem>> -> memref<1x64x128xf32, #tpu.memory_space<vmem>>
      %dma_start3A_155 = tpu.memref_squeeze %dma_start3A_154 : memref<1x64x128xf32, #tpu.memory_space<vmem>> -> memref<64x128xf32, #tpu.memory_space<vmem>>
      %dma_start3A_156 = arith.constant 0 : i32
      %dma_start3A_157 = tpu.memref_slice %arg13[%add3A_131, %dma_start3A_156] : memref<10240x128xf32, #tpu.memory_space<vmem_shared>> -> memref<64x128xf32, #tpu.memory_space<vmem_shared>>
      %dma_start3A_158 = arith.constant 0 : i32
      %dma_start3A_159 = arith.constant 0 : i32
      %dma_start3A_160 = tpu.memref_slice %arg11[%run_scoped3A_132, %dma_start3A_158, %dma_start3A_159] : memref<3x64x128xf32, #tpu.memory_space<vmem>> -> memref<1x64x128xf32, #tpu.memory_space<vmem>>
      %dma_start3A_161 = tpu.memref_squeeze %dma_start3A_160 : memref<1x64x128xf32, #tpu.memory_space<vmem>> -> memref<64x128xf32, #tpu.memory_space<vmem>>
      %dma_start3A_162 = arith.constant 0 : i32
      %dma_start3A_163 = tpu.memref_slice %arg13[%add3A_131, %dma_start3A_162] : memref<10240x128xf32, #tpu.memory_space<vmem_shared>> -> memref<64x128xf32, #tpu.memory_space<vmem_shared>>
      tpu.enqueue_dma source(%dma_start3A_163 : memref<64x128xf32, #tpu.memory_space<vmem_shared>>) target(%dma_start3A_161 : memref<64x128xf32, #tpu.memory_space<vmem>>) target_semaphore(%run_scoped3A_152 : memref<!tpu.dma_semaphore, #tpu.memory_space<semaphore_mem>>)
      %dma_wait3A = arith.constant 0 : i32
      %dma_wait3A_164 = arith.constant 0 : i32
      %dma_wait3A_165 = tpu.memref_slice %arg11[%run_scoped3A_132, %dma_wait3A, %dma_wait3A_164] : memref<3x64x128xf32, #tpu.memory_space<vmem>> -> memref<1x64x128xf32, #tpu.memory_space<vmem>>
      %dma_wait3A_166 = tpu.memref_squeeze %dma_wait3A_165 : memref<1x64x128xf32, #tpu.memory_space<vmem>> -> memref<64x128xf32, #tpu.memory_space<vmem>>
      %dma_wait3A_167 = arith.constant 0 : i32
      %dma_wait3A_168 = tpu.memref_slice %arg13[%add3A_131, %dma_wait3A_167] : memref<10240x128xf32, #tpu.memory_space<vmem_shared>> -> memref<64x128xf32, #tpu.memory_space<vmem_shared>>
      %dma_wait3A_169 = arith.constant 0 : i32
      %dma_wait3A_170 = arith.constant 0 : i32
      %dma_wait3A_171 = tpu.memref_slice %arg11[%run_scoped3A_132, %dma_wait3A_169, %dma_wait3A_170] : memref<3x64x128xf32, #tpu.memory_space<vmem>> -> memref<1x64x128xf32, #tpu.memory_space<vmem>>
      %dma_wait3A_172 = tpu.memref_squeeze %dma_wait3A_171 : memref<1x64x128xf32, #tpu.memory_space<vmem>> -> memref<64x128xf32, #tpu.memory_space<vmem>>
      %dma_wait3A_173 = arith.constant 0 : i32
      %dma_wait3A_174 = tpu.memref_slice %arg13[%add3A_131, %dma_wait3A_173] : memref<10240x128xf32, #tpu.memory_space<vmem_shared>> -> memref<64x128xf32, #tpu.memory_space<vmem_shared>>
      tpu.wait_dma2 semaphore(%run_scoped3A_152 : memref<!tpu.dma_semaphore, #tpu.memory_space<semaphore_mem>>) src(%dma_wait3A_174 : memref<64x128xf32, #tpu.memory_space<vmem_shared>>) dst(%dma_wait3A_172 : memref<64x128xf32, #tpu.memory_space<vmem>>)
      tpu.yield
    }) : () -> ()
    %run_scoped3A_133 = arith.constant 0 : i32
    "tpu.region"() ({
      %run_scoped3A_152 = tpu.sem_alloc : memref<!tpu.dma_semaphore, #tpu.memory_space<semaphore_mem>>
      %dma_start3A = arith.constant 0 : i32
      %dma_start3A_153 = arith.constant 0 : i32
      %dma_start3A_154 = tpu.memref_slice %arg11[%run_scoped3A_133, %dma_start3A, %dma_start3A_153] : memref<3x64x128xf32, #tpu.memory_space<vmem>> -> memref<1x64x128xf32, #tpu.memory_space<vmem>>
      %dma_start3A_155 = tpu.memref_squeeze %dma_start3A_154 : memref<1x64x128xf32, #tpu.memory_space<vmem>> -> memref<64x128xf32, #tpu.memory_space<vmem>>
      %dma_start3A_156 = arith.constant 0 : i32
      %dma_start3A_157 = tpu.memref_slice %arg7[%arg0, %add3A_131, %dma_start3A_156] : memref<2x10240x128xf32, #tpu.memory_space<hbm>> -> memref<1x64x128xf32, #tpu.memory_space<hbm>>
      %dma_start3A_158 = tpu.memref_squeeze %dma_start3A_157 : memref<1x64x128xf32, #tpu.memory_space<hbm>> -> memref<64x128xf32, #tpu.memory_space<hbm>>
      %dma_start3A_159 = arith.constant 0 : i32
      %dma_start3A_160 = tpu.memref_slice %arg7[%arg0, %add3A_131, %dma_start3A_159] : memref<2x10240x128xf32, #tpu.memory_space<hbm>> -> memref<1x64x128xf32, #tpu.memory_space<hbm>>
      %dma_start3A_161 = tpu.memref_squeeze %dma_start3A_160 : memref<1x64x128xf32, #tpu.memory_space<hbm>> -> memref<64x128xf32, #tpu.memory_space<hbm>>
      %dma_start3A_162 = arith.constant 0 : i32
      %dma_start3A_163 = arith.constant 0 : i32
      %dma_start3A_164 = tpu.memref_slice %arg11[%run_scoped3A_133, %dma_start3A_162, %dma_start3A_163] : memref<3x64x128xf32, #tpu.memory_space<vmem>> -> memref<1x64x128xf32, #tpu.memory_space<vmem>>
      %dma_start3A_165 = tpu.memref_squeeze %dma_start3A_164 : memref<1x64x128xf32, #tpu.memory_space<vmem>> -> memref<64x128xf32, #tpu.memory_space<vmem>>
      tpu.enqueue_dma source(%dma_start3A_165 : memref<64x128xf32, #tpu.memory_space<vmem>>) target(%dma_start3A_161 : memref<64x128xf32, #tpu.memory_space<hbm>>) target_semaphore(%run_scoped3A_152 : memref<!tpu.dma_semaphore, #tpu.memory_space<semaphore_mem>>)
      %dma_wait3A = arith.constant 0 : i32
      %dma_wait3A_166 = arith.constant 0 : i32
      %dma_wait3A_167 = tpu.memref_slice %arg11[%run_scoped3A_133, %dma_wait3A, %dma_wait3A_166] : memref<3x64x128xf32, #tpu.memory_space<vmem>> -> memref<1x64x128xf32, #tpu.memory_space<vmem>>
      %dma_wait3A_168 = tpu.memref_squeeze %dma_wait3A_167 : memref<1x64x128xf32, #tpu.memory_space<vmem>> -> memref<64x128xf32, #tpu.memory_space<vmem>>
      %dma_wait3A_169 = arith.constant 0 : i32
      %dma_wait3A_170 = tpu.memref_slice %arg7[%arg0, %add3A_131, %dma_wait3A_169] : memref<2x10240x128xf32, #tpu.memory_space<hbm>> -> memref<1x64x128xf32, #tpu.memory_space<hbm>>
      %dma_wait3A_171 = tpu.memref_squeeze %dma_wait3A_170 : memref<1x64x128xf32, #tpu.memory_space<hbm>> -> memref<64x128xf32, #tpu.memory_space<hbm>>
      %dma_wait3A_172 = arith.constant 0 : i32
      %dma_wait3A_173 = tpu.memref_slice %arg7[%arg0, %add3A_131, %dma_wait3A_172] : memref<2x10240x128xf32, #tpu.memory_space<hbm>> -> memref<1x64x128xf32, #tpu.memory_space<hbm>>
      %dma_wait3A_174 = tpu.memref_squeeze %dma_wait3A_173 : memref<1x64x128xf32, #tpu.memory_space<hbm>> -> memref<64x128xf32, #tpu.memory_space<hbm>>
      %dma_wait3A_175 = arith.constant 0 : i32
      %dma_wait3A_176 = arith.constant 0 : i32
      %dma_wait3A_177 = tpu.memref_slice %arg11[%run_scoped3A_133, %dma_wait3A_175, %dma_wait3A_176] : memref<3x64x128xf32, #tpu.memory_space<vmem>> -> memref<1x64x128xf32, #tpu.memory_space<vmem>>
      %dma_wait3A_178 = tpu.memref_squeeze %dma_wait3A_177 : memref<1x64x128xf32, #tpu.memory_space<vmem>> -> memref<64x128xf32, #tpu.memory_space<vmem>>
      tpu.wait_dma2 semaphore(%run_scoped3A_152 : memref<!tpu.dma_semaphore, #tpu.memory_space<semaphore_mem>>) src(%dma_wait3A_178 : memref<64x128xf32, #tpu.memory_space<vmem>>) dst(%dma_wait3A_174 : memref<64x128xf32, #tpu.memory_space<hbm>>)
      tpu.yield
    }) : () -> ()
    %run_scoped3A_134 = arith.constant 0 : i32
    "tpu.region"() ({
      %run_scoped3A_152 = tpu.sem_alloc : memref<!tpu.dma_semaphore, #tpu.memory_space<semaphore_mem>>
      %dma_start3A = arith.constant 0 : i32
      %dma_start3A_153 = arith.constant 0 : i32
      %dma_start3A_154 = tpu.memref_slice %arg12[%run_scoped3A_134, %dma_start3A, %dma_start3A_153] : memref<6x64x16xf32, #tpu.memory_space<vmem>> -> memref<1x64x16xf32, #tpu.memory_space<vmem>>
      %dma_start3A_155 = tpu.memref_squeeze %dma_start3A_154 : memref<1x64x16xf32, #tpu.memory_space<vmem>> -> memref<64x16xf32, #tpu.memory_space<vmem>>
      %dma_start3A_156 = arith.constant 0 : i32
      %dma_start3A_157 = tpu.memref_slice %arg14[%add3A_131, %dma_start3A_156] : memref<10240x16xf32, #tpu.memory_space<vmem_shared>> -> memref<64x16xf32, #tpu.memory_space<vmem_shared>>
      %dma_start3A_158 = arith.constant 0 : i32
      %dma_start3A_159 = arith.constant 0 : i32
      %dma_start3A_160 = tpu.memref_slice %arg12[%run_scoped3A_134, %dma_start3A_158, %dma_start3A_159] : memref<6x64x16xf32, #tpu.memory_space<vmem>> -> memref<1x64x16xf32, #tpu.memory_space<vmem>>
      %dma_start3A_161 = tpu.memref_squeeze %dma_start3A_160 : memref<1x64x16xf32, #tpu.memory_space<vmem>> -> memref<64x16xf32, #tpu.memory_space<vmem>>
      %dma_start3A_162 = arith.constant 0 : i32
      %dma_start3A_163 = tpu.memref_slice %arg14[%add3A_131, %dma_start3A_162] : memref<10240x16xf32, #tpu.memory_space<vmem_shared>> -> memref<64x16xf32, #tpu.memory_space<vmem_shared>>
      tpu.enqueue_dma source(%dma_start3A_163 : memref<64x16xf32, #tpu.memory_space<vmem_shared>>) target(%dma_start3A_161 : memref<64x16xf32, #tpu.memory_space<vmem>>) target_semaphore(%run_scoped3A_152 : memref<!tpu.dma_semaphore, #tpu.memory_space<semaphore_mem>>)
      %dma_wait3A = arith.constant 0 : i32
      %dma_wait3A_164 = arith.constant 0 : i32
      %dma_wait3A_165 = tpu.memref_slice %arg12[%run_scoped3A_134, %dma_wait3A, %dma_wait3A_164] : memref<6x64x16xf32, #tpu.memory_space<vmem>> -> memref<1x64x16xf32, #tpu.memory_space<vmem>>
      %dma_wait3A_166 = tpu.memref_squeeze %dma_wait3A_165 : memref<1x64x16xf32, #tpu.memory_space<vmem>> -> memref<64x16xf32, #tpu.memory_space<vmem>>
      %dma_wait3A_167 = arith.constant 0 : i32
      %dma_wait3A_168 = tpu.memref_slice %arg14[%add3A_131, %dma_wait3A_167] : memref<10240x16xf32, #tpu.memory_space<vmem_shared>> -> memref<64x16xf32, #tpu.memory_space<vmem_shared>>
      %dma_wait3A_169 = arith.constant 0 : i32
      %dma_wait3A_170 = arith.constant 0 : i32
      %dma_wait3A_171 = tpu.memref_slice %arg12[%run_scoped3A_134, %dma_wait3A_169, %dma_wait3A_170] : memref<6x64x16xf32, #tpu.memory_space<vmem>> -> memref<1x64x16xf32, #tpu.memory_space<vmem>>
      %dma_wait3A_172 = tpu.memref_squeeze %dma_wait3A_171 : memref<1x64x16xf32, #tpu.memory_space<vmem>> -> memref<64x16xf32, #tpu.memory_space<vmem>>
      %dma_wait3A_173 = arith.constant 0 : i32
      %dma_wait3A_174 = tpu.memref_slice %arg14[%add3A_131, %dma_wait3A_173] : memref<10240x16xf32, #tpu.memory_space<vmem_shared>> -> memref<64x16xf32, #tpu.memory_space<vmem_shared>>
      tpu.wait_dma2 semaphore(%run_scoped3A_152 : memref<!tpu.dma_semaphore, #tpu.memory_space<semaphore_mem>>) src(%dma_wait3A_174 : memref<64x16xf32, #tpu.memory_space<vmem_shared>>) dst(%dma_wait3A_172 : memref<64x16xf32, #tpu.memory_space<vmem>>)
      tpu.yield
    }) : () -> ()
    %run_scoped3A_135 = arith.constant 0 : i32
    "tpu.region"() ({
      %run_scoped3A_152 = tpu.sem_alloc : memref<!tpu.dma_semaphore, #tpu.memory_space<semaphore_mem>>
      %dma_start3A = arith.constant 0 : i32
      %dma_start3A_153 = arith.constant 0 : i32
      %dma_start3A_154 = tpu.memref_slice %arg12[%run_scoped3A_135, %dma_start3A, %dma_start3A_153] : memref<6x64x16xf32, #tpu.memory_space<vmem>> -> memref<1x64x16xf32, #tpu.memory_space<vmem>>
      %dma_start3A_155 = tpu.memref_squeeze %dma_start3A_154 : memref<1x64x16xf32, #tpu.memory_space<vmem>> -> memref<64x16xf32, #tpu.memory_space<vmem>>
      %dma_start3A_156 = arith.constant 0 : i32
      %dma_start3A_157 = tpu.memref_slice %arg8[%arg0, %add3A_131, %dma_start3A_156] : memref<2x10240x16xf32, #tpu.memory_space<hbm>> -> memref<1x64x16xf32, #tpu.memory_space<hbm>>
      %dma_start3A_158 = tpu.memref_squeeze %dma_start3A_157 : memref<1x64x16xf32, #tpu.memory_space<hbm>> -> memref<64x16xf32, #tpu.memory_space<hbm>>
      %dma_start3A_159 = arith.constant 0 : i32
      %dma_start3A_160 = tpu.memref_slice %arg8[%arg0, %add3A_131, %dma_start3A_159] : memref<2x10240x16xf32, #tpu.memory_space<hbm>> -> memref<1x64x16xf32, #tpu.memory_space<hbm>>
      %dma_start3A_161 = tpu.memref_squeeze %dma_start3A_160 : memref<1x64x16xf32, #tpu.memory_space<hbm>> -> memref<64x16xf32, #tpu.memory_space<hbm>>
      %dma_start3A_162 = arith.constant 0 : i32
      %dma_start3A_163 = arith.constant 0 : i32
      %dma_start3A_164 = tpu.memref_slice %arg12[%run_scoped3A_135, %dma_start3A_162, %dma_start3A_163] : memref<6x64x16xf32, #tpu.memory_space<vmem>> -> memref<1x64x16xf32, #tpu.memory_space<vmem>>
      %dma_start3A_165 = tpu.memref_squeeze %dma_start3A_164 : memref<1x64x16xf32, #tpu.memory_space<vmem>> -> memref<64x16xf32, #tpu.memory_space<vmem>>
      tpu.enqueue_dma source(%dma_start3A_165 : memref<64x16xf32, #tpu.memory_space<vmem>>) target(%dma_start3A_161 : memref<64x16xf32, #tpu.memory_space<hbm>>) target_semaphore(%run_scoped3A_152 : memref<!tpu.dma_semaphore, #tpu.memory_space<semaphore_mem>>)
      %dma_wait3A = arith.constant 0 : i32
      %dma_wait3A_166 = arith.constant 0 : i32
      %dma_wait3A_167 = tpu.memref_slice %arg12[%run_scoped3A_135, %dma_wait3A, %dma_wait3A_166] : memref<6x64x16xf32, #tpu.memory_space<vmem>> -> memref<1x64x16xf32, #tpu.memory_space<vmem>>
      %dma_wait3A_168 = tpu.memref_squeeze %dma_wait3A_167 : memref<1x64x16xf32, #tpu.memory_space<vmem>> -> memref<64x16xf32, #tpu.memory_space<vmem>>
      %dma_wait3A_169 = arith.constant 0 : i32
      %dma_wait3A_170 = tpu.memref_slice %arg8[%arg0, %add3A_131, %dma_wait3A_169] : memref<2x10240x16xf32, #tpu.memory_space<hbm>> -> memref<1x64x16xf32, #tpu.memory_space<hbm>>
      %dma_wait3A_171 = tpu.memref_squeeze %dma_wait3A_170 : memref<1x64x16xf32, #tpu.memory_space<hbm>> -> memref<64x16xf32, #tpu.memory_space<hbm>>
      %dma_wait3A_172 = arith.constant 0 : i32
      %dma_wait3A_173 = tpu.memref_slice %arg8[%arg0, %add3A_131, %dma_wait3A_172] : memref<2x10240x16xf32, #tpu.memory_space<hbm>> -> memref<1x64x16xf32, #tpu.memory_space<hbm>>
      %dma_wait3A_174 = tpu.memref_squeeze %dma_wait3A_173 : memref<1x64x16xf32, #tpu.memory_space<hbm>> -> memref<64x16xf32, #tpu.memory_space<hbm>>
      %dma_wait3A_175 = arith.constant 0 : i32
      %dma_wait3A_176 = arith.constant 0 : i32
      %dma_wait3A_177 = tpu.memref_slice %arg12[%run_scoped3A_135, %dma_wait3A_175, %dma_wait3A_176] : memref<6x64x16xf32, #tpu.memory_space<vmem>> -> memref<1x64x16xf32, #tpu.memory_space<vmem>>
      %dma_wait3A_178 = tpu.memref_squeeze %dma_wait3A_177 : memref<1x64x16xf32, #tpu.memory_space<vmem>> -> memref<64x16xf32, #tpu.memory_space<vmem>>
      tpu.wait_dma2 semaphore(%run_scoped3A_152 : memref<!tpu.dma_semaphore, #tpu.memory_space<semaphore_mem>>) src(%dma_wait3A_178 : memref<64x16xf32, #tpu.memory_space<vmem>>) dst(%dma_wait3A_174 : memref<64x16xf32, #tpu.memory_space<hbm>>)
      tpu.yield
    }) : () -> ()
    %mul3A_136 = arith.constant 640 : i32
    %mul3A_137 = arith.muli %arg1, %mul3A_136 : i32
    %add3A_138 = arith.constant 512 : i32
    %add3A_139 = arith.addi %mul3A_137, %add3A_138 : i32
    %run_scoped3A_140 = arith.constant 0 : i32
    "tpu.region"() ({
      %run_scoped3A_152 = tpu.sem_alloc : memref<!tpu.dma_semaphore, #tpu.memory_space<semaphore_mem>>
      %dma_start3A = arith.constant 0 : i32
      %dma_start3A_153 = arith.constant 0 : i32
      %dma_start3A_154 = tpu.memref_slice %arg11[%run_scoped3A_140, %dma_start3A, %dma_start3A_153] : memref<3x64x128xf32, #tpu.memory_space<vmem>> -> memref<1x64x128xf32, #tpu.memory_space<vmem>>
      %dma_start3A_155 = tpu.memref_squeeze %dma_start3A_154 : memref<1x64x128xf32, #tpu.memory_space<vmem>> -> memref<64x128xf32, #tpu.memory_space<vmem>>
      %dma_start3A_156 = arith.constant 0 : i32
      %dma_start3A_157 = tpu.memref_slice %arg13[%add3A_139, %dma_start3A_156] : memref<10240x128xf32, #tpu.memory_space<vmem_shared>> -> memref<64x128xf32, #tpu.memory_space<vmem_shared>>
      %dma_start3A_158 = arith.constant 0 : i32
      %dma_start3A_159 = arith.constant 0 : i32
      %dma_start3A_160 = tpu.memref_slice %arg11[%run_scoped3A_140, %dma_start3A_158, %dma_start3A_159] : memref<3x64x128xf32, #tpu.memory_space<vmem>> -> memref<1x64x128xf32, #tpu.memory_space<vmem>>
      %dma_start3A_161 = tpu.memref_squeeze %dma_start3A_160 : memref<1x64x128xf32, #tpu.memory_space<vmem>> -> memref<64x128xf32, #tpu.memory_space<vmem>>
      %dma_start3A_162 = arith.constant 0 : i32
      %dma_start3A_163 = tpu.memref_slice %arg13[%add3A_139, %dma_start3A_162] : memref<10240x128xf32, #tpu.memory_space<vmem_shared>> -> memref<64x128xf32, #tpu.memory_space<vmem_shared>>
      tpu.enqueue_dma source(%dma_start3A_163 : memref<64x128xf32, #tpu.memory_space<vmem_shared>>) target(%dma_start3A_161 : memref<64x128xf32, #tpu.memory_space<vmem>>) target_semaphore(%run_scoped3A_152 : memref<!tpu.dma_semaphore, #tpu.memory_space<semaphore_mem>>)
      %dma_wait3A = arith.constant 0 : i32
      %dma_wait3A_164 = arith.constant 0 : i32
      %dma_wait3A_165 = tpu.memref_slice %arg11[%run_scoped3A_140, %dma_wait3A, %dma_wait3A_164] : memref<3x64x128xf32, #tpu.memory_space<vmem>> -> memref<1x64x128xf32, #tpu.memory_space<vmem>>
      %dma_wait3A_166 = tpu.memref_squeeze %dma_wait3A_165 : memref<1x64x128xf32, #tpu.memory_space<vmem>> -> memref<64x128xf32, #tpu.memory_space<vmem>>
      %dma_wait3A_167 = arith.constant 0 : i32
      %dma_wait3A_168 = tpu.memref_slice %arg13[%add3A_139, %dma_wait3A_167] : memref<10240x128xf32, #tpu.memory_space<vmem_shared>> -> memref<64x128xf32, #tpu.memory_space<vmem_shared>>
      %dma_wait3A_169 = arith.constant 0 : i32
      %dma_wait3A_170 = arith.constant 0 : i32
      %dma_wait3A_171 = tpu.memref_slice %arg11[%run_scoped3A_140, %dma_wait3A_169, %dma_wait3A_170] : memref<3x64x128xf32, #tpu.memory_space<vmem>> -> memref<1x64x128xf32, #tpu.memory_space<vmem>>
      %dma_wait3A_172 = tpu.memref_squeeze %dma_wait3A_171 : memref<1x64x128xf32, #tpu.memory_space<vmem>> -> memref<64x128xf32, #tpu.memory_space<vmem>>
      %dma_wait3A_173 = arith.constant 0 : i32
      %dma_wait3A_174 = tpu.memref_slice %arg13[%add3A_139, %dma_wait3A_173] : memref<10240x128xf32, #tpu.memory_space<vmem_shared>> -> memref<64x128xf32, #tpu.memory_space<vmem_shared>>
      tpu.wait_dma2 semaphore(%run_scoped3A_152 : memref<!tpu.dma_semaphore, #tpu.memory_space<semaphore_mem>>) src(%dma_wait3A_174 : memref<64x128xf32, #tpu.memory_space<vmem_shared>>) dst(%dma_wait3A_172 : memref<64x128xf32, #tpu.memory_space<vmem>>)
      tpu.yield
    }) : () -> ()
    %run_scoped3A_141 = arith.constant 0 : i32
    "tpu.region"() ({
      %run_scoped3A_152 = tpu.sem_alloc : memref<!tpu.dma_semaphore, #tpu.memory_space<semaphore_mem>>
      %dma_start3A = arith.constant 0 : i32
      %dma_start3A_153 = arith.constant 0 : i32
      %dma_start3A_154 = tpu.memref_slice %arg11[%run_scoped3A_141, %dma_start3A, %dma_start3A_153] : memref<3x64x128xf32, #tpu.memory_space<vmem>> -> memref<1x64x128xf32, #tpu.memory_space<vmem>>
      %dma_start3A_155 = tpu.memref_squeeze %dma_start3A_154 : memref<1x64x128xf32, #tpu.memory_space<vmem>> -> memref<64x128xf32, #tpu.memory_space<vmem>>
      %dma_start3A_156 = arith.constant 0 : i32
      %dma_start3A_157 = tpu.memref_slice %arg7[%arg0, %add3A_139, %dma_start3A_156] : memref<2x10240x128xf32, #tpu.memory_space<hbm>> -> memref<1x64x128xf32, #tpu.memory_space<hbm>>
      %dma_start3A_158 = tpu.memref_squeeze %dma_start3A_157 : memref<1x64x128xf32, #tpu.memory_space<hbm>> -> memref<64x128xf32, #tpu.memory_space<hbm>>
      %dma_start3A_159 = arith.constant 0 : i32
      %dma_start3A_160 = tpu.memref_slice %arg7[%arg0, %add3A_139, %dma_start3A_159] : memref<2x10240x128xf32, #tpu.memory_space<hbm>> -> memref<1x64x128xf32, #tpu.memory_space<hbm>>
      %dma_start3A_161 = tpu.memref_squeeze %dma_start3A_160 : memref<1x64x128xf32, #tpu.memory_space<hbm>> -> memref<64x128xf32, #tpu.memory_space<hbm>>
      %dma_start3A_162 = arith.constant 0 : i32
      %dma_start3A_163 = arith.constant 0 : i32
      %dma_start3A_164 = tpu.memref_slice %arg11[%run_scoped3A_141, %dma_start3A_162, %dma_start3A_163] : memref<3x64x128xf32, #tpu.memory_space<vmem>> -> memref<1x64x128xf32, #tpu.memory_space<vmem>>
      %dma_start3A_165 = tpu.memref_squeeze %dma_start3A_164 : memref<1x64x128xf32, #tpu.memory_space<vmem>> -> memref<64x128xf32, #tpu.memory_space<vmem>>
      tpu.enqueue_dma source(%dma_start3A_165 : memref<64x128xf32, #tpu.memory_space<vmem>>) target(%dma_start3A_161 : memref<64x128xf32, #tpu.memory_space<hbm>>) target_semaphore(%run_scoped3A_152 : memref<!tpu.dma_semaphore, #tpu.memory_space<semaphore_mem>>)
      %dma_wait3A = arith.constant 0 : i32
      %dma_wait3A_166 = arith.constant 0 : i32
      %dma_wait3A_167 = tpu.memref_slice %arg11[%run_scoped3A_141, %dma_wait3A, %dma_wait3A_166] : memref<3x64x128xf32, #tpu.memory_space<vmem>> -> memref<1x64x128xf32, #tpu.memory_space<vmem>>
      %dma_wait3A_168 = tpu.memref_squeeze %dma_wait3A_167 : memref<1x64x128xf32, #tpu.memory_space<vmem>> -> memref<64x128xf32, #tpu.memory_space<vmem>>
      %dma_wait3A_169 = arith.constant 0 : i32
      %dma_wait3A_170 = tpu.memref_slice %arg7[%arg0, %add3A_139, %dma_wait3A_169] : memref<2x10240x128xf32, #tpu.memory_space<hbm>> -> memref<1x64x128xf32, #tpu.memory_space<hbm>>
      %dma_wait3A_171 = tpu.memref_squeeze %dma_wait3A_170 : memref<1x64x128xf32, #tpu.memory_space<hbm>> -> memref<64x128xf32, #tpu.memory_space<hbm>>
      %dma_wait3A_172 = arith.constant 0 : i32
      %dma_wait3A_173 = tpu.memref_slice %arg7[%arg0, %add3A_139, %dma_wait3A_172] : memref<2x10240x128xf32, #tpu.memory_space<hbm>> -> memref<1x64x128xf32, #tpu.memory_space<hbm>>
      %dma_wait3A_174 = tpu.memref_squeeze %dma_wait3A_173 : memref<1x64x128xf32, #tpu.memory_space<hbm>> -> memref<64x128xf32, #tpu.memory_space<hbm>>
      %dma_wait3A_175 = arith.constant 0 : i32
      %dma_wait3A_176 = arith.constant 0 : i32
      %dma_wait3A_177 = tpu.memref_slice %arg11[%run_scoped3A_141, %dma_wait3A_175, %dma_wait3A_176] : memref<3x64x128xf32, #tpu.memory_space<vmem>> -> memref<1x64x128xf32, #tpu.memory_space<vmem>>
      %dma_wait3A_178 = tpu.memref_squeeze %dma_wait3A_177 : memref<1x64x128xf32, #tpu.memory_space<vmem>> -> memref<64x128xf32, #tpu.memory_space<vmem>>
      tpu.wait_dma2 semaphore(%run_scoped3A_152 : memref<!tpu.dma_semaphore, #tpu.memory_space<semaphore_mem>>) src(%dma_wait3A_178 : memref<64x128xf32, #tpu.memory_space<vmem>>) dst(%dma_wait3A_174 : memref<64x128xf32, #tpu.memory_space<hbm>>)
      tpu.yield
    }) : () -> ()
    %run_scoped3A_142 = arith.constant 0 : i32
    "tpu.region"() ({
      %run_scoped3A_152 = tpu.sem_alloc : memref<!tpu.dma_semaphore, #tpu.memory_space<semaphore_mem>>
      %dma_start3A = arith.constant 0 : i32
      %dma_start3A_153 = arith.constant 0 : i32
      %dma_start3A_154 = tpu.memref_slice %arg12[%run_scoped3A_142, %dma_start3A, %dma_start3A_153] : memref<6x64x16xf32, #tpu.memory_space<vmem>> -> memref<1x64x16xf32, #tpu.memory_space<vmem>>
      %dma_start3A_155 = tpu.memref_squeeze %dma_start3A_154 : memref<1x64x16xf32, #tpu.memory_space<vmem>> -> memref<64x16xf32, #tpu.memory_space<vmem>>
      %dma_start3A_156 = arith.constant 0 : i32
      %dma_start3A_157 = tpu.memref_slice %arg14[%add3A_139, %dma_start3A_156] : memref<10240x16xf32, #tpu.memory_space<vmem_shared>> -> memref<64x16xf32, #tpu.memory_space<vmem_shared>>
      %dma_start3A_158 = arith.constant 0 : i32
      %dma_start3A_159 = arith.constant 0 : i32
      %dma_start3A_160 = tpu.memref_slice %arg12[%run_scoped3A_142, %dma_start3A_158, %dma_start3A_159] : memref<6x64x16xf32, #tpu.memory_space<vmem>> -> memref<1x64x16xf32, #tpu.memory_space<vmem>>
      %dma_start3A_161 = tpu.memref_squeeze %dma_start3A_160 : memref<1x64x16xf32, #tpu.memory_space<vmem>> -> memref<64x16xf32, #tpu.memory_space<vmem>>
      %dma_start3A_162 = arith.constant 0 : i32
      %dma_start3A_163 = tpu.memref_slice %arg14[%add3A_139, %dma_start3A_162] : memref<10240x16xf32, #tpu.memory_space<vmem_shared>> -> memref<64x16xf32, #tpu.memory_space<vmem_shared>>
      tpu.enqueue_dma source(%dma_start3A_163 : memref<64x16xf32, #tpu.memory_space<vmem_shared>>) target(%dma_start3A_161 : memref<64x16xf32, #tpu.memory_space<vmem>>) target_semaphore(%run_scoped3A_152 : memref<!tpu.dma_semaphore, #tpu.memory_space<semaphore_mem>>)
      %dma_wait3A = arith.constant 0 : i32
      %dma_wait3A_164 = arith.constant 0 : i32
      %dma_wait3A_165 = tpu.memref_slice %arg12[%run_scoped3A_142, %dma_wait3A, %dma_wait3A_164] : memref<6x64x16xf32, #tpu.memory_space<vmem>> -> memref<1x64x16xf32, #tpu.memory_space<vmem>>
      %dma_wait3A_166 = tpu.memref_squeeze %dma_wait3A_165 : memref<1x64x16xf32, #tpu.memory_space<vmem>> -> memref<64x16xf32, #tpu.memory_space<vmem>>
      %dma_wait3A_167 = arith.constant 0 : i32
      %dma_wait3A_168 = tpu.memref_slice %arg14[%add3A_139, %dma_wait3A_167] : memref<10240x16xf32, #tpu.memory_space<vmem_shared>> -> memref<64x16xf32, #tpu.memory_space<vmem_shared>>
      %dma_wait3A_169 = arith.constant 0 : i32
      %dma_wait3A_170 = arith.constant 0 : i32
      %dma_wait3A_171 = tpu.memref_slice %arg12[%run_scoped3A_142, %dma_wait3A_169, %dma_wait3A_170] : memref<6x64x16xf32, #tpu.memory_space<vmem>> -> memref<1x64x16xf32, #tpu.memory_space<vmem>>
      %dma_wait3A_172 = tpu.memref_squeeze %dma_wait3A_171 : memref<1x64x16xf32, #tpu.memory_space<vmem>> -> memref<64x16xf32, #tpu.memory_space<vmem>>
      %dma_wait3A_173 = arith.constant 0 : i32
      %dma_wait3A_174 = tpu.memref_slice %arg14[%add3A_139, %dma_wait3A_173] : memref<10240x16xf32, #tpu.memory_space<vmem_shared>> -> memref<64x16xf32, #tpu.memory_space<vmem_shared>>
      tpu.wait_dma2 semaphore(%run_scoped3A_152 : memref<!tpu.dma_semaphore, #tpu.memory_space<semaphore_mem>>) src(%dma_wait3A_174 : memref<64x16xf32, #tpu.memory_space<vmem_shared>>) dst(%dma_wait3A_172 : memref<64x16xf32, #tpu.memory_space<vmem>>)
      tpu.yield
    }) : () -> ()
    %run_scoped3A_143 = arith.constant 0 : i32
    "tpu.region"() ({
      %run_scoped3A_152 = tpu.sem_alloc : memref<!tpu.dma_semaphore, #tpu.memory_space<semaphore_mem>>
      %dma_start3A = arith.constant 0 : i32
      %dma_start3A_153 = arith.constant 0 : i32
      %dma_start3A_154 = tpu.memref_slice %arg12[%run_scoped3A_143, %dma_start3A, %dma_start3A_153] : memref<6x64x16xf32, #tpu.memory_space<vmem>> -> memref<1x64x16xf32, #tpu.memory_space<vmem>>
      %dma_start3A_155 = tpu.memref_squeeze %dma_start3A_154 : memref<1x64x16xf32, #tpu.memory_space<vmem>> -> memref<64x16xf32, #tpu.memory_space<vmem>>
      %dma_start3A_156 = arith.constant 0 : i32
      %dma_start3A_157 = tpu.memref_slice %arg8[%arg0, %add3A_139, %dma_start3A_156] : memref<2x10240x16xf32, #tpu.memory_space<hbm>> -> memref<1x64x16xf32, #tpu.memory_space<hbm>>
      %dma_start3A_158 = tpu.memref_squeeze %dma_start3A_157 : memref<1x64x16xf32, #tpu.memory_space<hbm>> -> memref<64x16xf32, #tpu.memory_space<hbm>>
      %dma_start3A_159 = arith.constant 0 : i32
      %dma_start3A_160 = tpu.memref_slice %arg8[%arg0, %add3A_139, %dma_start3A_159] : memref<2x10240x16xf32, #tpu.memory_space<hbm>> -> memref<1x64x16xf32, #tpu.memory_space<hbm>>
      %dma_start3A_161 = tpu.memref_squeeze %dma_start3A_160 : memref<1x64x16xf32, #tpu.memory_space<hbm>> -> memref<64x16xf32, #tpu.memory_space<hbm>>
      %dma_start3A_162 = arith.constant 0 : i32
      %dma_start3A_163 = arith.constant 0 : i32
      %dma_start3A_164 = tpu.memref_slice %arg12[%run_scoped3A_143, %dma_start3A_162, %dma_start3A_163] : memref<6x64x16xf32, #tpu.memory_space<vmem>> -> memref<1x64x16xf32, #tpu.memory_space<vmem>>
      %dma_start3A_165 = tpu.memref_squeeze %dma_start3A_164 : memref<1x64x16xf32, #tpu.memory_space<vmem>> -> memref<64x16xf32, #tpu.memory_space<vmem>>
      tpu.enqueue_dma source(%dma_start3A_165 : memref<64x16xf32, #tpu.memory_space<vmem>>) target(%dma_start3A_161 : memref<64x16xf32, #tpu.memory_space<hbm>>) target_semaphore(%run_scoped3A_152 : memref<!tpu.dma_semaphore, #tpu.memory_space<semaphore_mem>>)
      %dma_wait3A = arith.constant 0 : i32
      %dma_wait3A_166 = arith.constant 0 : i32
      %dma_wait3A_167 = tpu.memref_slice %arg12[%run_scoped3A_143, %dma_wait3A, %dma_wait3A_166] : memref<6x64x16xf32, #tpu.memory_space<vmem>> -> memref<1x64x16xf32, #tpu.memory_space<vmem>>
      %dma_wait3A_168 = tpu.memref_squeeze %dma_wait3A_167 : memref<1x64x16xf32, #tpu.memory_space<vmem>> -> memref<64x16xf32, #tpu.memory_space<vmem>>
      %dma_wait3A_169 = arith.constant 0 : i32
      %dma_wait3A_170 = tpu.memref_slice %arg8[%arg0, %add3A_139, %dma_wait3A_169] : memref<2x10240x16xf32, #tpu.memory_space<hbm>> -> memref<1x64x16xf32, #tpu.memory_space<hbm>>
      %dma_wait3A_171 = tpu.memref_squeeze %dma_wait3A_170 : memref<1x64x16xf32, #tpu.memory_space<hbm>> -> memref<64x16xf32, #tpu.memory_space<hbm>>
      %dma_wait3A_172 = arith.constant 0 : i32
      %dma_wait3A_173 = tpu.memref_slice %arg8[%arg0, %add3A_139, %dma_wait3A_172] : memref<2x10240x16xf32, #tpu.memory_space<hbm>> -> memref<1x64x16xf32, #tpu.memory_space<hbm>>
      %dma_wait3A_174 = tpu.memref_squeeze %dma_wait3A_173 : memref<1x64x16xf32, #tpu.memory_space<hbm>> -> memref<64x16xf32, #tpu.memory_space<hbm>>
      %dma_wait3A_175 = arith.constant 0 : i32
      %dma_wait3A_176 = arith.constant 0 : i32
      %dma_wait3A_177 = tpu.memref_slice %arg12[%run_scoped3A_143, %dma_wait3A_175, %dma_wait3A_176] : memref<6x64x16xf32, #tpu.memory_space<vmem>> -> memref<1x64x16xf32, #tpu.memory_space<vmem>>
      %dma_wait3A_178 = tpu.memref_squeeze %dma_wait3A_177 : memref<1x64x16xf32, #tpu.memory_space<vmem>> -> memref<64x16xf32, #tpu.memory_space<vmem>>
      tpu.wait_dma2 semaphore(%run_scoped3A_152 : memref<!tpu.dma_semaphore, #tpu.memory_space<semaphore_mem>>) src(%dma_wait3A_178 : memref<64x16xf32, #tpu.memory_space<vmem>>) dst(%dma_wait3A_174 : memref<64x16xf32, #tpu.memory_space<hbm>>)
      tpu.yield
    }) : () -> ()
    %mul3A_144 = arith.constant 640 : i32
    %mul3A_145 = arith.muli %arg1, %mul3A_144 : i32
    %add3A_146 = arith.constant 576 : i32
    %add3A_147 = arith.addi %mul3A_145, %add3A_146 : i32
    %run_scoped3A_148 = arith.constant 0 : i32
    "tpu.region"() ({
      %run_scoped3A_152 = tpu.sem_alloc : memref<!tpu.dma_semaphore, #tpu.memory_space<semaphore_mem>>
      %dma_start3A = arith.constant 0 : i32
      %dma_start3A_153 = arith.constant 0 : i32
      %dma_start3A_154 = tpu.memref_slice %arg11[%run_scoped3A_148, %dma_start3A, %dma_start3A_153] : memref<3x64x128xf32, #tpu.memory_space<vmem>> -> memref<1x64x128xf32, #tpu.memory_space<vmem>>
      %dma_start3A_155 = tpu.memref_squeeze %dma_start3A_154 : memref<1x64x128xf32, #tpu.memory_space<vmem>> -> memref<64x128xf32, #tpu.memory_space<vmem>>
      %dma_start3A_156 = arith.constant 0 : i32
      %dma_start3A_157 = tpu.memref_slice %arg13[%add3A_147, %dma_start3A_156] : memref<10240x128xf32, #tpu.memory_space<vmem_shared>> -> memref<64x128xf32, #tpu.memory_space<vmem_shared>>
      %dma_start3A_158 = arith.constant 0 : i32
      %dma_start3A_159 = arith.constant 0 : i32
      %dma_start3A_160 = tpu.memref_slice %arg11[%run_scoped3A_148, %dma_start3A_158, %dma_start3A_159] : memref<3x64x128xf32, #tpu.memory_space<vmem>> -> memref<1x64x128xf32, #tpu.memory_space<vmem>>
      %dma_start3A_161 = tpu.memref_squeeze %dma_start3A_160 : memref<1x64x128xf32, #tpu.memory_space<vmem>> -> memref<64x128xf32, #tpu.memory_space<vmem>>
      %dma_start3A_162 = arith.constant 0 : i32
      %dma_start3A_163 = tpu.memref_slice %arg13[%add3A_147, %dma_start3A_162] : memref<10240x128xf32, #tpu.memory_space<vmem_shared>> -> memref<64x128xf32, #tpu.memory_space<vmem_shared>>
      tpu.enqueue_dma source(%dma_start3A_163 : memref<64x128xf32, #tpu.memory_space<vmem_shared>>) target(%dma_start3A_161 : memref<64x128xf32, #tpu.memory_space<vmem>>) target_semaphore(%run_scoped3A_152 : memref<!tpu.dma_semaphore, #tpu.memory_space<semaphore_mem>>)
      %dma_wait3A = arith.constant 0 : i32
      %dma_wait3A_164 = arith.constant 0 : i32
      %dma_wait3A_165 = tpu.memref_slice %arg11[%run_scoped3A_148, %dma_wait3A, %dma_wait3A_164] : memref<3x64x128xf32, #tpu.memory_space<vmem>> -> memref<1x64x128xf32, #tpu.memory_space<vmem>>
      %dma_wait3A_166 = tpu.memref_squeeze %dma_wait3A_165 : memref<1x64x128xf32, #tpu.memory_space<vmem>> -> memref<64x128xf32, #tpu.memory_space<vmem>>
      %dma_wait3A_167 = arith.constant 0 : i32
      %dma_wait3A_168 = tpu.memref_slice %arg13[%add3A_147, %dma_wait3A_167] : memref<10240x128xf32, #tpu.memory_space<vmem_shared>> -> memref<64x128xf32, #tpu.memory_space<vmem_shared>>
      %dma_wait3A_169 = arith.constant 0 : i32
      %dma_wait3A_170 = arith.constant 0 : i32
      %dma_wait3A_171 = tpu.memref_slice %arg11[%run_scoped3A_148, %dma_wait3A_169, %dma_wait3A_170] : memref<3x64x128xf32, #tpu.memory_space<vmem>> -> memref<1x64x128xf32, #tpu.memory_space<vmem>>
      %dma_wait3A_172 = tpu.memref_squeeze %dma_wait3A_171 : memref<1x64x128xf32, #tpu.memory_space<vmem>> -> memref<64x128xf32, #tpu.memory_space<vmem>>
      %dma_wait3A_173 = arith.constant 0 : i32
      %dma_wait3A_174 = tpu.memref_slice %arg13[%add3A_147, %dma_wait3A_173] : memref<10240x128xf32, #tpu.memory_space<vmem_shared>> -> memref<64x128xf32, #tpu.memory_space<vmem_shared>>
      tpu.wait_dma2 semaphore(%run_scoped3A_152 : memref<!tpu.dma_semaphore, #tpu.memory_space<semaphore_mem>>) src(%dma_wait3A_174 : memref<64x128xf32, #tpu.memory_space<vmem_shared>>) dst(%dma_wait3A_172 : memref<64x128xf32, #tpu.memory_space<vmem>>)
      tpu.yield
    }) : () -> ()
    %run_scoped3A_149 = arith.constant 0 : i32
    "tpu.region"() ({
      %run_scoped3A_152 = tpu.sem_alloc : memref<!tpu.dma_semaphore, #tpu.memory_space<semaphore_mem>>
      %dma_start3A = arith.constant 0 : i32
      %dma_start3A_153 = arith.constant 0 : i32
      %dma_start3A_154 = tpu.memref_slice %arg11[%run_scoped3A_149, %dma_start3A, %dma_start3A_153] : memref<3x64x128xf32, #tpu.memory_space<vmem>> -> memref<1x64x128xf32, #tpu.memory_space<vmem>>
      %dma_start3A_155 = tpu.memref_squeeze %dma_start3A_154 : memref<1x64x128xf32, #tpu.memory_space<vmem>> -> memref<64x128xf32, #tpu.memory_space<vmem>>
      %dma_start3A_156 = arith.constant 0 : i32
      %dma_start3A_157 = tpu.memref_slice %arg7[%arg0, %add3A_147, %dma_start3A_156] : memref<2x10240x128xf32, #tpu.memory_space<hbm>> -> memref<1x64x128xf32, #tpu.memory_space<hbm>>
      %dma_start3A_158 = tpu.memref_squeeze %dma_start3A_157 : memref<1x64x128xf32, #tpu.memory_space<hbm>> -> memref<64x128xf32, #tpu.memory_space<hbm>>
      %dma_start3A_159 = arith.constant 0 : i32
      %dma_start3A_160 = tpu.memref_slice %arg7[%arg0, %add3A_147, %dma_start3A_159] : memref<2x10240x128xf32, #tpu.memory_space<hbm>> -> memref<1x64x128xf32, #tpu.memory_space<hbm>>
      %dma_start3A_161 = tpu.memref_squeeze %dma_start3A_160 : memref<1x64x128xf32, #tpu.memory_space<hbm>> -> memref<64x128xf32, #tpu.memory_space<hbm>>
      %dma_start3A_162 = arith.constant 0 : i32
      %dma_start3A_163 = arith.constant 0 : i32
      %dma_start3A_164 = tpu.memref_slice %arg11[%run_scoped3A_149, %dma_start3A_162, %dma_start3A_163] : memref<3x64x128xf32, #tpu.memory_space<vmem>> -> memref<1x64x128xf32, #tpu.memory_space<vmem>>
      %dma_start3A_165 = tpu.memref_squeeze %dma_start3A_164 : memref<1x64x128xf32, #tpu.memory_space<vmem>> -> memref<64x128xf32, #tpu.memory_space<vmem>>
      tpu.enqueue_dma source(%dma_start3A_165 : memref<64x128xf32, #tpu.memory_space<vmem>>) target(%dma_start3A_161 : memref<64x128xf32, #tpu.memory_space<hbm>>) target_semaphore(%run_scoped3A_152 : memref<!tpu.dma_semaphore, #tpu.memory_space<semaphore_mem>>)
      %dma_wait3A = arith.constant 0 : i32
      %dma_wait3A_166 = arith.constant 0 : i32
      %dma_wait3A_167 = tpu.memref_slice %arg11[%run_scoped3A_149, %dma_wait3A, %dma_wait3A_166] : memref<3x64x128xf32, #tpu.memory_space<vmem>> -> memref<1x64x128xf32, #tpu.memory_space<vmem>>
      %dma_wait3A_168 = tpu.memref_squeeze %dma_wait3A_167 : memref<1x64x128xf32, #tpu.memory_space<vmem>> -> memref<64x128xf32, #tpu.memory_space<vmem>>
      %dma_wait3A_169 = arith.constant 0 : i32
      %dma_wait3A_170 = tpu.memref_slice %arg7[%arg0, %add3A_147, %dma_wait3A_169] : memref<2x10240x128xf32, #tpu.memory_space<hbm>> -> memref<1x64x128xf32, #tpu.memory_space<hbm>>
      %dma_wait3A_171 = tpu.memref_squeeze %dma_wait3A_170 : memref<1x64x128xf32, #tpu.memory_space<hbm>> -> memref<64x128xf32, #tpu.memory_space<hbm>>
      %dma_wait3A_172 = arith.constant 0 : i32
      %dma_wait3A_173 = tpu.memref_slice %arg7[%arg0, %add3A_147, %dma_wait3A_172] : memref<2x10240x128xf32, #tpu.memory_space<hbm>> -> memref<1x64x128xf32, #tpu.memory_space<hbm>>
      %dma_wait3A_174 = tpu.memref_squeeze %dma_wait3A_173 : memref<1x64x128xf32, #tpu.memory_space<hbm>> -> memref<64x128xf32, #tpu.memory_space<hbm>>
      %dma_wait3A_175 = arith.constant 0 : i32
      %dma_wait3A_176 = arith.constant 0 : i32
      %dma_wait3A_177 = tpu.memref_slice %arg11[%run_scoped3A_149, %dma_wait3A_175, %dma_wait3A_176] : memref<3x64x128xf32, #tpu.memory_space<vmem>> -> memref<1x64x128xf32, #tpu.memory_space<vmem>>
      %dma_wait3A_178 = tpu.memref_squeeze %dma_wait3A_177 : memref<1x64x128xf32, #tpu.memory_space<vmem>> -> memref<64x128xf32, #tpu.memory_space<vmem>>
      tpu.wait_dma2 semaphore(%run_scoped3A_152 : memref<!tpu.dma_semaphore, #tpu.memory_space<semaphore_mem>>) src(%dma_wait3A_178 : memref<64x128xf32, #tpu.memory_space<vmem>>) dst(%dma_wait3A_174 : memref<64x128xf32, #tpu.memory_space<hbm>>)
      tpu.yield
    }) : () -> ()
    %run_scoped3A_150 = arith.constant 0 : i32
    "tpu.region"() ({
      %run_scoped3A_152 = tpu.sem_alloc : memref<!tpu.dma_semaphore, #tpu.memory_space<semaphore_mem>>
      %dma_start3A = arith.constant 0 : i32
      %dma_start3A_153 = arith.constant 0 : i32
      %dma_start3A_154 = tpu.memref_slice %arg12[%run_scoped3A_150, %dma_start3A, %dma_start3A_153] : memref<6x64x16xf32, #tpu.memory_space<vmem>> -> memref<1x64x16xf32, #tpu.memory_space<vmem>>
      %dma_start3A_155 = tpu.memref_squeeze %dma_start3A_154 : memref<1x64x16xf32, #tpu.memory_space<vmem>> -> memref<64x16xf32, #tpu.memory_space<vmem>>
      %dma_start3A_156 = arith.constant 0 : i32
      %dma_start3A_157 = tpu.memref_slice %arg14[%add3A_147, %dma_start3A_156] : memref<10240x16xf32, #tpu.memory_space<vmem_shared>> -> memref<64x16xf32, #tpu.memory_space<vmem_shared>>
      %dma_start3A_158 = arith.constant 0 : i32
      %dma_start3A_159 = arith.constant 0 : i32
      %dma_start3A_160 = tpu.memref_slice %arg12[%run_scoped3A_150, %dma_start3A_158, %dma_start3A_159] : memref<6x64x16xf32, #tpu.memory_space<vmem>> -> memref<1x64x16xf32, #tpu.memory_space<vmem>>
      %dma_start3A_161 = tpu.memref_squeeze %dma_start3A_160 : memref<1x64x16xf32, #tpu.memory_space<vmem>> -> memref<64x16xf32, #tpu.memory_space<vmem>>
      %dma_start3A_162 = arith.constant 0 : i32
      %dma_start3A_163 = tpu.memref_slice %arg14[%add3A_147, %dma_start3A_162] : memref<10240x16xf32, #tpu.memory_space<vmem_shared>> -> memref<64x16xf32, #tpu.memory_space<vmem_shared>>
      tpu.enqueue_dma source(%dma_start3A_163 : memref<64x16xf32, #tpu.memory_space<vmem_shared>>) target(%dma_start3A_161 : memref<64x16xf32, #tpu.memory_space<vmem>>) target_semaphore(%run_scoped3A_152 : memref<!tpu.dma_semaphore, #tpu.memory_space<semaphore_mem>>)
      %dma_wait3A = arith.constant 0 : i32
      %dma_wait3A_164 = arith.constant 0 : i32
      %dma_wait3A_165 = tpu.memref_slice %arg12[%run_scoped3A_150, %dma_wait3A, %dma_wait3A_164] : memref<6x64x16xf32, #tpu.memory_space<vmem>> -> memref<1x64x16xf32, #tpu.memory_space<vmem>>
      %dma_wait3A_166 = tpu.memref_squeeze %dma_wait3A_165 : memref<1x64x16xf32, #tpu.memory_space<vmem>> -> memref<64x16xf32, #tpu.memory_space<vmem>>
      %dma_wait3A_167 = arith.constant 0 : i32
      %dma_wait3A_168 = tpu.memref_slice %arg14[%add3A_147, %dma_wait3A_167] : memref<10240x16xf32, #tpu.memory_space<vmem_shared>> -> memref<64x16xf32, #tpu.memory_space<vmem_shared>>
      %dma_wait3A_169 = arith.constant 0 : i32
      %dma_wait3A_170 = arith.constant 0 : i32
      %dma_wait3A_171 = tpu.memref_slice %arg12[%run_scoped3A_150, %dma_wait3A_169, %dma_wait3A_170] : memref<6x64x16xf32, #tpu.memory_space<vmem>> -> memref<1x64x16xf32, #tpu.memory_space<vmem>>
      %dma_wait3A_172 = tpu.memref_squeeze %dma_wait3A_171 : memref<1x64x16xf32, #tpu.memory_space<vmem>> -> memref<64x16xf32, #tpu.memory_space<vmem>>
      %dma_wait3A_173 = arith.constant 0 : i32
      %dma_wait3A_174 = tpu.memref_slice %arg14[%add3A_147, %dma_wait3A_173] : memref<10240x16xf32, #tpu.memory_space<vmem_shared>> -> memref<64x16xf32, #tpu.memory_space<vmem_shared>>
      tpu.wait_dma2 semaphore(%run_scoped3A_152 : memref<!tpu.dma_semaphore, #tpu.memory_space<semaphore_mem>>) src(%dma_wait3A_174 : memref<64x16xf32, #tpu.memory_space<vmem_shared>>) dst(%dma_wait3A_172 : memref<64x16xf32, #tpu.memory_space<vmem>>)
      tpu.yield
    }) : () -> ()
    %run_scoped3A_151 = arith.constant 0 : i32
    "tpu.region"() ({
      %run_scoped3A_152 = tpu.sem_alloc : memref<!tpu.dma_semaphore, #tpu.memory_space<semaphore_mem>>
      %dma_start3A = arith.constant 0 : i32
      %dma_start3A_153 = arith.constant 0 : i32
      %dma_start3A_154 = tpu.memref_slice %arg12[%run_scoped3A_151, %dma_start3A, %dma_start3A_153] : memref<6x64x16xf32, #tpu.memory_space<vmem>> -> memref<1x64x16xf32, #tpu.memory_space<vmem>>
      %dma_start3A_155 = tpu.memref_squeeze %dma_start3A_154 : memref<1x64x16xf32, #tpu.memory_space<vmem>> -> memref<64x16xf32, #tpu.memory_space<vmem>>
      %dma_start3A_156 = arith.constant 0 : i32
      %dma_start3A_157 = tpu.memref_slice %arg8[%arg0, %add3A_147, %dma_start3A_156] : memref<2x10240x16xf32, #tpu.memory_space<hbm>> -> memref<1x64x16xf32, #tpu.memory_space<hbm>>
      %dma_start3A_158 = tpu.memref_squeeze %dma_start3A_157 : memref<1x64x16xf32, #tpu.memory_space<hbm>> -> memref<64x16xf32, #tpu.memory_space<hbm>>
      %dma_start3A_159 = arith.constant 0 : i32
      %dma_start3A_160 = tpu.memref_slice %arg8[%arg0, %add3A_147, %dma_start3A_159] : memref<2x10240x16xf32, #tpu.memory_space<hbm>> -> memref<1x64x16xf32, #tpu.memory_space<hbm>>
      %dma_start3A_161 = tpu.memref_squeeze %dma_start3A_160 : memref<1x64x16xf32, #tpu.memory_space<hbm>> -> memref<64x16xf32, #tpu.memory_space<hbm>>
      %dma_start3A_162 = arith.constant 0 : i32
      %dma_start3A_163 = arith.constant 0 : i32
      %dma_start3A_164 = tpu.memref_slice %arg12[%run_scoped3A_151, %dma_start3A_162, %dma_start3A_163] : memref<6x64x16xf32, #tpu.memory_space<vmem>> -> memref<1x64x16xf32, #tpu.memory_space<vmem>>
      %dma_start3A_165 = tpu.memref_squeeze %dma_start3A_164 : memref<1x64x16xf32, #tpu.memory_space<vmem>> -> memref<64x16xf32, #tpu.memory_space<vmem>>
      tpu.enqueue_dma source(%dma_start3A_165 : memref<64x16xf32, #tpu.memory_space<vmem>>) target(%dma_start3A_161 : memref<64x16xf32, #tpu.memory_space<hbm>>) target_semaphore(%run_scoped3A_152 : memref<!tpu.dma_semaphore, #tpu.memory_space<semaphore_mem>>)
      %dma_wait3A = arith.constant 0 : i32
      %dma_wait3A_166 = arith.constant 0 : i32
      %dma_wait3A_167 = tpu.memref_slice %arg12[%run_scoped3A_151, %dma_wait3A, %dma_wait3A_166] : memref<6x64x16xf32, #tpu.memory_space<vmem>> -> memref<1x64x16xf32, #tpu.memory_space<vmem>>
      %dma_wait3A_168 = tpu.memref_squeeze %dma_wait3A_167 : memref<1x64x16xf32, #tpu.memory_space<vmem>> -> memref<64x16xf32, #tpu.memory_space<vmem>>
      %dma_wait3A_169 = arith.constant 0 : i32
      %dma_wait3A_170 = tpu.memref_slice %arg8[%arg0, %add3A_147, %dma_wait3A_169] : memref<2x10240x16xf32, #tpu.memory_space<hbm>> -> memref<1x64x16xf32, #tpu.memory_space<hbm>>
      %dma_wait3A_171 = tpu.memref_squeeze %dma_wait3A_170 : memref<1x64x16xf32, #tpu.memory_space<hbm>> -> memref<64x16xf32, #tpu.memory_space<hbm>>
      %dma_wait3A_172 = arith.constant 0 : i32
      %dma_wait3A_173 = tpu.memref_slice %arg8[%arg0, %add3A_147, %dma_wait3A_172] : memref<2x10240x16xf32, #tpu.memory_space<hbm>> -> memref<1x64x16xf32, #tpu.memory_space<hbm>>
      %dma_wait3A_174 = tpu.memref_squeeze %dma_wait3A_173 : memref<1x64x16xf32, #tpu.memory_space<hbm>> -> memref<64x16xf32, #tpu.memory_space<hbm>>
      %dma_wait3A_175 = arith.constant 0 : i32
      %dma_wait3A_176 = arith.constant 0 : i32
      %dma_wait3A_177 = tpu.memref_slice %arg12[%run_scoped3A_151, %dma_wait3A_175, %dma_wait3A_176] : memref<6x64x16xf32, #tpu.memory_space<vmem>> -> memref<1x64x16xf32, #tpu.memory_space<vmem>>
      %dma_wait3A_178 = tpu.memref_squeeze %dma_wait3A_177 : memref<1x64x16xf32, #tpu.memory_space<vmem>> -> memref<64x16xf32, #tpu.memory_space<vmem>>
      tpu.wait_dma2 semaphore(%run_scoped3A_152 : memref<!tpu.dma_semaphore, #tpu.memory_space<semaphore_mem>>) src(%dma_wait3A_178 : memref<64x16xf32, #tpu.memory_space<vmem>>) dst(%dma_wait3A_174 : memref<64x16xf32, #tpu.memory_space<hbm>>)
      tpu.yield
    }) : () -> ()
    return
  }
}

module attributes {stable_mosaic.version = 14 : i64} {
  func.func @_tc_prep_body(%arg0: i32, %arg1: memref<2x2048x16xf32, #tpu.memory_space<vmem>>, %arg2: memref<2048x128xf32, #tpu.memory_space<vmem>>, %arg3: memref<2048x1xf32, #tpu.memory_space<vmem>>, %arg4: memref<2048x128xf32, #tpu.memory_space<vmem>>, %arg5: memref<2048x16xf32, #tpu.memory_space<vmem>>) attributes {dimension_semantics = [#tpu.dimension_semantics<arbitrary>], iteration_bounds = array<i64: 5>, scalar_prefetch = 0 : i64, scratch_operands = 0 : i64, tpu.core_type = #tpu.core_type<tc>, window_params = [{transform_indices = @transform_0, window_bounds = array<i64: 2, 2048, 16>}, {transform_indices = @transform_1, window_bounds = array<i64: 2048, 128>}, {transform_indices = @transform_2, window_bounds = array<i64: 2048, 1>}, {transform_indices = @transform_3, window_bounds = array<i64: 2048, 128>}, {transform_indices = @transform_4, window_bounds = array<i64: 2048, 16>}]} {
    %get3A = arith.constant 0 : index
    %get3A_0 = arith.constant 0 : index
    %get3A_1 = arith.constant 0 : index
    %get3A_2 = vector.load %arg1[%get3A, %get3A_0, %get3A_1] : memref<2x2048x16xf32, #tpu.memory_space<vmem>>, vector<1x2048x16xf32>
    %get3A_3 = vector.shape_cast %get3A_2 : vector<1x2048x16xf32> to vector<2048x16xf32>
    %get3A_4 = arith.constant 1 : index
    %get3A_5 = arith.constant 0 : index
    %get3A_6 = arith.constant 0 : index
    %get3A_7 = vector.load %arg1[%get3A_4, %get3A_5, %get3A_6] : memref<2x2048x16xf32, #tpu.memory_space<vmem>>, vector<1x2048x16xf32>
    %get3A_8 = vector.shape_cast %get3A_7 : vector<1x2048x16xf32> to vector<2048x16xf32>
    %add3A = arith.addf %get3A_3, %get3A_8 : vector<2048x16xf32>
    %slice3A = vector.extract_strided_slice %add3A {offsets = [0, 0], sizes = [2048, 1], strides = [1, 1]} : vector<2048x16xf32> to vector<2048x1xf32>
    %gt3A = arith.constant 0.000000e+00 : f32
    %gt3A_9 = vector.broadcast %gt3A : f32 to vector<2048x1xf32>
    %gt3A_10 = arith.cmpf ogt, %slice3A, %gt3A_9 : vector<2048x1xf32>
    %gt3A_11 = arith.constant 0.000000e+00 : f32
    %gt3A_12 = vector.broadcast %gt3A_11 : f32 to vector<2048x1xf32>
    %gt3A_13 = arith.cmpf ogt, %slice3A, %gt3A_12 : vector<2048x1xf32>
    %jit3A = arith.constant 1.000000e+00 : f32
    %broadcast_in_dim3A = vector.broadcast %jit3A : f32 to vector<2048x1xf32>
    %select_n3A = arith.select %gt3A_13, %slice3A, %broadcast_in_dim3A : vector<2048x1xi1>, vector<2048x1xf32>
    %rsqrt3A = math.rsqrt %select_n3A : vector<2048x1xf32>
    %jit3A_14 = arith.constant 0.000000e+00 : f32
    %broadcast_in_dim3A_15 = vector.broadcast %jit3A_14 : f32 to vector<2048x1xf32>
    %select_n3A_16 = arith.select %gt3A_10, %rsqrt3A, %broadcast_in_dim3A_15 : vector<2048x1xi1>, vector<2048x1xf32>
    %get3A_17 = arith.constant 0 : index
    %get3A_18 = arith.constant 0 : index
    %get3A_19 = vector.load %arg3[%get3A_17, %get3A_18] : memref<2048x1xf32, #tpu.memory_space<vmem>>, vector<2048x1xf32>
    %get3A_20 = arith.constant 0 : index
    %get3A_21 = arith.constant 0 : index
    %get3A_22 = vector.load %arg2[%get3A_20, %get3A_21] : memref<2048x128xf32, #tpu.memory_space<vmem>>, vector<2048x128xf32>
    %ne3A = arith.cmpf one, %get3A_22, %get3A_22 : vector<2048x128xf32>
    %jit3A_23 = arith.constant 0.000000e+00 : f32
    %broadcast_in_dim3A_24 = vector.broadcast %jit3A_23 : f32 to vector<2048x128xf32>
    %select_n3A_25 = arith.select %ne3A, %broadcast_in_dim3A_24, %get3A_22 : vector<2048x128xi1>, vector<2048x128xf32>
    %eq3A = arith.constant 0x7F800000 : f32
    %eq3A_26 = vector.broadcast %eq3A : f32 to vector<2048x128xf32>
    %eq3A_27 = arith.cmpf oeq, %select_n3A_25, %eq3A_26 : vector<2048x128xf32>
    %jit3A_28 = arith.constant 3.40282347E+38 : f32
    %broadcast_in_dim3A_29 = vector.broadcast %jit3A_28 : f32 to vector<2048x128xf32>
    %select_n3A_30 = arith.select %eq3A_27, %broadcast_in_dim3A_29, %select_n3A_25 : vector<2048x128xi1>, vector<2048x128xf32>
    %eq3A_31 = arith.constant 0xFF800000 : f32
    %eq3A_32 = vector.broadcast %eq3A_31 : f32 to vector<2048x128xf32>
    %eq3A_33 = arith.cmpf oeq, %select_n3A_30, %eq3A_32 : vector<2048x128xf32>
    %jit3A_34 = arith.constant -3.40282347E+38 : f32
    %broadcast_in_dim3A_35 = vector.broadcast %jit3A_34 : f32 to vector<2048x128xf32>
    %select_n3A_36 = arith.select %eq3A_33, %broadcast_in_dim3A_35, %select_n3A_30 : vector<2048x128xi1>, vector<2048x128xf32>
    %mul3A = arith.mulf %get3A_19, %select_n3A_16 : vector<2048x1xf32>
    %mul3A_37 = vector.broadcast %mul3A : vector<2048x1xf32> to vector<2048x128xf32>
    %mul3A_38 = arith.mulf %select_n3A_36, %mul3A_37 : vector<2048x128xf32>
    %swap3A = arith.constant 0 : index
    %swap3A_39 = arith.constant 0 : index
    %swap3A_40 = vector.load %arg4[%swap3A, %swap3A_39] : memref<2048x128xf32, #tpu.memory_space<vmem>>, vector<2048x128xf32>
    tpu.vector_store %arg4[%swap3A, %swap3A_39], %mul3A_38 {strides = array<i32>} : memref<2048x128xf32, #tpu.memory_space<vmem>>, vector<2048x128xf32>,
    %broadcast_in_dim3A_41 = arith.constant 1.000000e+00 : f32
    %broadcast_in_dim3A_42 = vector.broadcast %broadcast_in_dim3A_41 : f32 to vector<2048x1xf32>
    %broadcast_in_dim3A_43 = arith.constant 0.000000e+00 : f32
    %broadcast_in_dim3A_44 = vector.broadcast %broadcast_in_dim3A_43 : f32 to vector<2048x13xf32>
    %mul3A_45 = arith.mulf %select_n3A_16, %get3A_19 : vector<2048x1xf32>
    %concatenate3A = tpu.concatenate %select_n3A_16, %mul3A_45, %broadcast_in_dim3A_42, %broadcast_in_dim3A_44 in 1 : vector<2048x1xf32>, vector<2048x1xf32>, vector<2048x1xf32>, vector<2048x13xf32> -> vector<2048x16xf32>
    %swap3A_46 = arith.constant 0 : index
    %swap3A_47 = arith.constant 0 : index
    %swap3A_48 = vector.load %arg5[%swap3A_46, %swap3A_47] : memref<2048x16xf32, #tpu.memory_space<vmem>>, vector<2048x16xf32>
    tpu.vector_store %arg5[%swap3A_46, %swap3A_47], %concatenate3A {strides = array<i32>} : memref<2048x16xf32, #tpu.memory_space<vmem>>, vector<2048x16xf32>,
    return
  }
  func.func @transform_0(%arg0: i32) -> (i32, i32, i32) {
    %c0_i32 = arith.constant 0 : i32
    %c0_i32_0 = arith.constant 0 : i32
    %c0_i32_1 = arith.constant 0 : i32
    return %c0_i32, %arg0, %c0_i32_0 : i32, i32, i32
  }
  func.func @transform_1(%arg0: i32) -> (i32, i32) {
    %c0_i32 = arith.constant 0 : i32
    %c0_i32_0 = arith.constant 0 : i32
    return %arg0, %c0_i32 : i32, i32
  }
  func.func @transform_2(%arg0: i32) -> (i32, i32) {
    %c0_i32 = arith.constant 0 : i32
    %c0_i32_0 = arith.constant 0 : i32
    return %arg0, %c0_i32 : i32, i32
  }
  func.func @transform_3(%arg0: i32) -> (i32, i32) {
    %c0_i32 = arith.constant 0 : i32
    %c0_i32_0 = arith.constant 0 : i32
    return %arg0, %c0_i32 : i32, i32
  }
  func.func @transform_4(%arg0: i32) -> (i32, i32) {
    %c0_i32 = arith.constant 0 : i32
    %c0_i32_0 = arith.constant 0 : i32
    return %arg0, %c0_i32 : i32, i32
  }
}

module attributes {stable_mosaic.version = 14 : i64} {
  func.func @_tc_final_body(%arg0: i32, %arg1: memref<2x2048x128xf32, #tpu.memory_space<vmem>>, %arg2: memref<2x2048x16xf32, #tpu.memory_space<vmem>>, %arg3: memref<128x128xf32, #tpu.memory_space<vmem>>, %arg4: memref<1x128xf32, #tpu.memory_space<vmem>>, %arg5: memref<2048x128xf32, #tpu.memory_space<vmem>>) attributes {dimension_semantics = [#tpu.dimension_semantics<arbitrary>], iteration_bounds = array<i64: 5>, scalar_prefetch = 0 : i64, scratch_operands = 0 : i64, tpu.core_type = #tpu.core_type<tc>, window_params = [{transform_indices = @transform_0, window_bounds = array<i64: 2, 2048, 128>}, {transform_indices = @transform_1, window_bounds = array<i64: 2, 2048, 16>}, {pipeline_mode = #tpu.pipeline_mode<synchronous>, transform_indices = @transform_2, window_bounds = array<i64: 128, 128>}, {pipeline_mode = #tpu.pipeline_mode<synchronous>, transform_indices = @transform_3, window_bounds = array<i64: 1, 128>}, {transform_indices = @transform_4, window_bounds = array<i64: 2048, 128>}]} {
    %get3A = arith.constant 0 : index
    %get3A_0 = arith.constant 0 : index
    %get3A_1 = arith.constant 0 : index
    %get3A_2 = vector.load %arg1[%get3A, %get3A_0, %get3A_1] : memref<2x2048x128xf32, #tpu.memory_space<vmem>>, vector<1x2048x128xf32>
    %get3A_3 = vector.shape_cast %get3A_2 : vector<1x2048x128xf32> to vector<2048x128xf32>
    %get3A_4 = arith.constant 1 : index
    %get3A_5 = arith.constant 0 : index
    %get3A_6 = arith.constant 0 : index
    %get3A_7 = vector.load %arg1[%get3A_4, %get3A_5, %get3A_6] : memref<2x2048x128xf32, #tpu.memory_space<vmem>>, vector<1x2048x128xf32>
    %get3A_8 = vector.shape_cast %get3A_7 : vector<1x2048x128xf32> to vector<2048x128xf32>
    %add3A = arith.addf %get3A_3, %get3A_8 : vector<2048x128xf32>
    %get3A_9 = arith.constant 0 : index
    %get3A_10 = arith.constant 0 : index
    %get3A_11 = arith.constant 0 : index
    %get3A_12 = vector.load %arg2[%get3A_9, %get3A_10, %get3A_11] : memref<2x2048x16xf32, #tpu.memory_space<vmem>>, vector<1x2048x16xf32>
    %get3A_13 = vector.shape_cast %get3A_12 : vector<1x2048x16xf32> to vector<2048x16xf32>
    %get3A_14 = arith.constant 1 : index
    %get3A_15 = arith.constant 0 : index
    %get3A_16 = arith.constant 0 : index
    %get3A_17 = vector.load %arg2[%get3A_14, %get3A_15, %get3A_16] : memref<2x2048x16xf32, #tpu.memory_space<vmem>>, vector<1x2048x16xf32>
    %get3A_18 = vector.shape_cast %get3A_17 : vector<1x2048x16xf32> to vector<2048x16xf32>
    %add3A_19 = arith.addf %get3A_13, %get3A_18 : vector<2048x16xf32>
    %slice3A = vector.extract_strided_slice %add3A_19 {offsets = [0, 0], sizes = [2048, 1], strides = [1, 1]} : vector<2048x16xf32> to vector<2048x1xf32>
    %slice3A_20 = vector.extract_strided_slice %add3A_19 {offsets = [0, 1], sizes = [2048, 1], strides = [1, 1]} : vector<2048x16xf32> to vector<2048x1xf32>
    %slice3A_21 = vector.extract_strided_slice %add3A_19 {offsets = [0, 2], sizes = [2048, 1], strides = [1, 1]} : vector<2048x16xf32> to vector<2048x1xf32>
    %gt3A = arith.constant 0.000000e+00 : f32
    %gt3A_22 = vector.broadcast %gt3A : f32 to vector<2048x1xf32>
    %gt3A_23 = arith.cmpf ogt, %slice3A_21, %gt3A_22 : vector<2048x1xf32>
    %gt3A_24 = arith.constant 0.000000e+00 : f32
    %gt3A_25 = vector.broadcast %gt3A_24 : f32 to vector<2048x1xf32>
    %gt3A_26 = arith.cmpf ogt, %slice3A_21, %gt3A_25 : vector<2048x1xf32>
    %jit3A = arith.constant 1.000000e+00 : f32
    %broadcast_in_dim3A = vector.broadcast %jit3A : f32 to vector<2048x1xf32>
    %select_n3A = arith.select %gt3A_26, %slice3A_21, %broadcast_in_dim3A : vector<2048x1xi1>, vector<2048x1xf32>
    %rsqrt3A = math.rsqrt %select_n3A : vector<2048x1xf32>
    %jit3A_27 = arith.constant 0.000000e+00 : f32
    %broadcast_in_dim3A_28 = vector.broadcast %jit3A_27 : f32 to vector<2048x1xf32>
    %select_n3A_29 = arith.select %gt3A_23, %rsqrt3A, %broadcast_in_dim3A_28 : vector<2048x1xi1>, vector<2048x1xf32>
    %gt3A_30 = arith.constant 0.000000e+00 : f32
    %gt3A_31 = vector.broadcast %gt3A_30 : f32 to vector<2048x1xf32>
    %gt3A_32 = arith.cmpf ogt, %slice3A_20, %gt3A_31 : vector<2048x1xf32>
    %mul3A = arith.mulf %select_n3A_29, %slice3A : vector<2048x1xf32>
    %gt3A_33 = arith.constant 0.000000e+00 : f32
    %gt3A_34 = vector.broadcast %gt3A_33 : f32 to vector<2048x1xf32>
    %gt3A_35 = arith.cmpf ogt, %slice3A_20, %gt3A_34 : vector<2048x1xf32>
    %jit3A_36 = arith.constant 1.000000e+00 : f32
    %broadcast_in_dim3A_37 = vector.broadcast %jit3A_36 : f32 to vector<2048x1xf32>
    %select_n3A_38 = arith.select %gt3A_35, %slice3A_20, %broadcast_in_dim3A_37 : vector<2048x1xi1>, vector<2048x1xf32>
    %div3A = arith.divf %mul3A, %select_n3A_38 : vector<2048x1xf32>
    %jit3A_39 = arith.constant 0.000000e+00 : f32
    %broadcast_in_dim3A_40 = vector.broadcast %jit3A_39 : f32 to vector<2048x1xf32>
    %select_n3A_41 = arith.select %gt3A_32, %div3A, %broadcast_in_dim3A_40 : vector<2048x1xi1>, vector<2048x1xf32>
    %mul3A_42 = vector.broadcast %select_n3A_41 : vector<2048x1xf32> to vector<2048x128xf32>
    %mul3A_43 = arith.mulf %add3A, %mul3A_42 : vector<2048x128xf32>
    %get3A_44 = arith.constant 0 : index
    %get3A_45 = arith.constant 0 : index
    %get3A_46 = vector.load %arg3[%get3A_44, %get3A_45] : memref<128x128xf32, #tpu.memory_space<vmem>>, vector<128x128xf32>
    %dot_general3A = arith.constant dense<0.000000e+00> : vector<2048x128xf32>
    %dot_general3A_47 = tpu.matmul %mul3A_43, %get3A_46, %dot_general3A {dimension_numbers = #tpu.dot_dimension_numbers<[1], [1], [0], [0], [0, 0, 1, 0], [], []>, transpose_lhs_hint = false} : vector<2048x128xf32>, vector<128x128xf32>, vector<2048x128xf32> -> vector<2048x128xf32>
    %get3A_48 = arith.constant 0 : index
    %get3A_49 = arith.constant 0 : index
    %get3A_50 = vector.load %arg4[%get3A_48, %get3A_49] : memref<1x128xf32, #tpu.memory_space<vmem>>, vector<1x128xf32>
    %add3A_51 = vector.broadcast %get3A_50 : vector<1x128xf32> to vector<2048x128xf32>
    %add3A_52 = arith.addf %dot_general3A_47, %add3A_51 : vector<2048x128xf32>
    %swap3A = arith.constant 0 : index
    %swap3A_53 = arith.constant 0 : index
    %swap3A_54 = vector.load %arg5[%swap3A, %swap3A_53] : memref<2048x128xf32, #tpu.memory_space<vmem>>, vector<2048x128xf32>
    tpu.vector_store %arg5[%swap3A, %swap3A_53], %add3A_52 {strides = array<i32>} : memref<2048x128xf32, #tpu.memory_space<vmem>>, vector<2048x128xf32>,
    return
  }
  func.func @transform_0(%arg0: i32) -> (i32, i32, i32) {
    %c0_i32 = arith.constant 0 : i32
    %c0_i32_0 = arith.constant 0 : i32
    %c0_i32_1 = arith.constant 0 : i32
    return %c0_i32, %arg0, %c0_i32_0 : i32, i32, i32
  }
  func.func @transform_1(%arg0: i32) -> (i32, i32, i32) {
    %c0_i32 = arith.constant 0 : i32
    %c0_i32_0 = arith.constant 0 : i32
    %c0_i32_1 = arith.constant 0 : i32
    return %c0_i32, %arg0, %c0_i32_0 : i32, i32, i32
  }
  func.func @transform_2(%arg0: i32) -> (i32, i32) {
    %c0_i32 = arith.constant 0 : i32
    %c0_i32_0 = arith.constant 0 : i32
    %c0_i32_1 = arith.constant 0 : i32
    return %c0_i32, %c0_i32_0 : i32, i32
  }
  func.func @transform_3(%arg0: i32) -> (i32, i32) {
    %c0_i32 = arith.constant 0 : i32
    %c0_i32_0 = arith.constant 0 : i32
    %c0_i32_1 = arith.constant 0 : i32
    return %c0_i32, %c0_i32_0 : i32, i32
  }
  func.func @transform_4(%arg0: i32) -> (i32, i32) {
    %c0_i32 = arith.constant 0 : i32
    %c0_i32_0 = arith.constant 0 : i32
    return %arg0, %c0_i32 : i32, i32
  }
}

</mosaic_0001>

<sc_bundles>
// kernel: kernel.6.cloned.1.call-start
scs
__scs_entry_jumppad:
0x0: {  	(pc) =	sbr.rel $0x88, $3  }
0x1: {  	(tag) =	ssettag $0x0;
	lr =	simm.s32 $0x1  }
0x2: {  	[smem:$0x3F9C] =	sst lr;
	_ =	strace $0xD0000000  }
0x3: {  	_ = 	snop  }
0x4: {  	_ = 	snop  }
0x5: {  	_ = 	snop  }
0x6: {  	_ = 	snop  }
0x7: {  	_ = 	snop  }
__scs_overlays_trampoline_lowered:
0x8: {  	[smem:$0x3FAB] =	sst s0  }
0x9: {  	[smem:$0x3FAC] =	sst s1  }
0xa: {  	[smem:$0x3FAD] =	sst s2  }
0xb: {  	[smem:$0x3FAE] =	sst s3  }
0xc: {  	[smem:$0x3FAF] =	sst s4  }
0xd: {  	[smem:$0x3FB0] =	sst s5  }
0xe: {  	[smem:$0x3FB1] =	sst s6  }
0xf: {  	[smem:$0x3FB2] =	sst s7  }
0x10: {  	[smem:$0x3FB3] =	sst s8  }
0x11: {  	[smem:$0x3FB4] =	sst s9;
	s0 =	simm.s32 @!p0 $0x0  }
0x12: {  	s1 =	sld [smem:$0x3F9A];
	s0 =	simm.s32 @p0 $0x1  }
0x13: {  	[smem:$0x3FB5] =	sst s0;
	s0 =	simm.s32 @!p1 $0x0  }
0x14: {  	s2 =	sld [smem:$0x3F99];
	s0 =	simm.s32 @p1 $0x1  }
0x15: {  	[smem:$0x3FB6] =	sst s0;
	s0 =	simm.s32 @!p2 $0x0  }
0x16: {  	s3 =	sld [smem:$0x3FDB];
	s0 =	simm.s32 @p2 $0x1  }
0x17: {  	s4 =	simm.s32 $0x1BF5;
	[smem:$0x3FB8] =	sst s0  }
0x18: {  	s0 =	sld [smem:$0x3F9B];
	_ =	swait.ge [sflag:s4], $0x0  }
0x19: {  	s7 =	sld [smem:$0x3F9C]  }
0x1a: {  	s8 =	sadd.s32 $0xFFFFE003, lr  }
0x1b: {  	s9 =	sadd.s32 $0xFFFFFEF7, lr;
	s5 =	simm.s32 $0xFFFFFFFF;
	p2 =	slt.u32 s8, $0xFFFFF086  }
0x1c: {  	p1 =	slt.u32 s9, $0xF7A;
	s5 =	simm.s32 @!p2 $0x0  }
0x1d: {  	s5 =	simm.s32 @p1 $0x1;
	p0 =	seq.s32 s7, s2  }
0x1e: {  	s7 =	smul.u32 @!p0 $0xF7A, s2;
	p2 =	seq.s32 @!p0 s5, $0x0  }
0x1f: {  	s9 =	smul.u32 $0xF7A, s1;
	s8 =	simm.s32 @!p0 $0x1BF5;
	p2 =	por !p2, p0  }
0x20: {  	[sflag:s8] =	ssyncset.s32 @!p0 $0xFFFFF086;
	s6 =	sadd.s32 @!p0 s3, s7;
	s7 =	simm.s32 @!p0 $0x108  }
0x21: {  	s3 =	sadd.s32 s3, s9;
	s6 =	sadd.s32 @!p0 $0x88, s6;
	s7 =	simm.s32 @p2 $0x1082  }
0x22: {  	[simem:s7], [sflag:s8] =	dma.local @!p0 [hbm:s6], $0xF7A  }
0x23: {  	s9 =	sor.u32 $0xD0000000, s2;
	s6 =	simm.s32 $0x108;
	_ =	swait.ge @!p0 [sflag:s8], $0x0  }
0x24: {  	s3 =	sadd.s32 $0x88, s3;
	s6 =	simm.s32 @!p1 $0x1082;
	[sflag:s4] =	ssyncset.s32 $0xFFFFF086  }
0x25: {  	[simem:s6], [sflag:s4] =	dma.local [hbm:s3], $0xF7A  }
0x26: {  	[smem:$0x3F9C] =	sst s1;
	(tag) =	ssettag s2;
	_ =	strace s9  }
0x27: {  	s1 =	sld [smem:$0x3FAC]  }
0x28: {  	s2 =	sld [smem:$0x3FAD]  }
0x29: {  	s4 =	sld [smem:$0x3FAF]  }
0x2a: {  	p0 =	seq.s32 s5, $0x0;
	s5 =	sld [smem:$0x3FB0]  }
0x2b: {  	s6 =	sld [smem:$0x3FB1]  }
0x2c: {  	s7 =	sld [smem:$0x3FB2]  }
0x2d: {  	s3 =	simm.s32 $0x108;
	s8 =	sld [smem:$0x3FB3]  }
0x2e: {  	s3 =	simm.s32 @!p0 $0x1082;
	s9 =	sld [smem:$0x3FB4]  }
0x2f: {  	lr =	sadd.s32 s0, s3;
	s0 =	sld [smem:$0x3FAB]  }
0x30: {  	s3 =	sld [smem:$0x3FAE]  }
0x31: {  	[smem:$0x3FB7] =	sst s10  }
0x32: {  	s10 =	sld [smem:$0x3FB5];
	_ =	sdelay $0x3  }
0x33: {  	p0 =	seq.s32 s10, $0x1;
	s10 =	sld [smem:$0x3FB7];
	_ =	sdelay $0x3  }
0x34: {  	[smem:$0x3FB7] =	sst s10  }
0x35: {  	s10 =	sld [smem:$0x3FB6];
	_ =	sdelay $0x3  }
0x36: {  	p1 =	seq.s32 s10, $0x1;
	s10 =	sld [smem:$0x3FB7];
	_ =	sdelay $0x3  }
0x37: {  	[smem:$0x3FB7] =	sst s10  }
0x38: {  	s10 =	sld [smem:$0x3FB8]  }
0x39: {  	_ = 	snop;
	(pc) =	sbr.ind lr, $3  }
0x3a: {  	_ = 	snop  }
0x3b: {  	_ = 	snop  }
0x3c: {  	p2 =	seq.s32 s10, $0x1;
	s10 =	sld [smem:$0x3FB7]  }
0x3d: {  	_ =	shalt  }
0x3e: {  	_ =	shalt  }
0x3f: {  	_ =	shalt  }
0x40: {  	_ =	shalt  }
0x41: {  	_ =	shalt  }
0x42: {  	_ =	shalt  }
0x43: {  	_ =	shalt  }
0x44: {  	_ =	shalt  }
0x45: {  	_ =	shalt  }
0x46: {  	_ =	shalt  }
0x47: {  	_ =	shalt  }
0x48: {  	_ =	shalt  }
0x49: {  	_ =	shalt  }
0x4a: {  	_ =	shalt  }
0x4b: {  	_ =	shalt  }
0x4c: {  	_ =	shalt  }
0x4d: {  	_ =	shalt  }
0x4e: {  	_ =	shalt  }
0x4f: {  	_ =	shalt  }
0x50: {  	_ =	shalt  }
0x51: {  	_ =	shalt  }
0x52: {  	_ =	shalt  }
0x53: {  	_ =	shalt  }
0x54: {  	_ =	shalt  }
0x55: {  	_ =	shalt  }
0x56: {  	_ =	shalt  }
0x57: {  	_ =	shalt  }
0x58: {  	_ =	shalt  }
0x59: {  	_ =	shalt  }
0x5a: {  	_ =	shalt  }
0x5b: {  	_ =	shalt  }
0x5c: {  	_ =	shalt  }
0x5d: {  	_ =	shalt  }
0x5e: {  	_ =	shalt  }
0x5f: {  	_ =	shalt  }
0x60: {  	_ =	shalt  }
0x61: {  	_ =	shalt  }
0x62: {  	_ =	shalt  }
0x63: {  	_ =	shalt  }
0x64: {  	_ =	shalt  }
0x65: {  	_ =	shalt  }
0x66: {  	_ =	shalt  }
0x67: {  	_ =	shalt  }
0x68: {  	_ =	shalt  }
0x69: {  	_ =	shalt  }
0x6a: {  	_ =	shalt  }
0x6b: {  	_ =	shalt  }
0x6c: {  	_ =	shalt  }
0x6d: {  	_ =	shalt  }
0x6e: {  	_ =	shalt  }
0x6f: {  	_ =	shalt  }
0x70: {  	_ =	shalt  }
0x71: {  	_ =	shalt  }
0x72: {  	_ =	shalt  }
0x73: {  	_ =	shalt  }
0x74: {  	_ =	shalt  }
0x75: {  	_ =	shalt  }
0x76: {  	_ =	shalt  }
0x77: {  	_ =	shalt  }
0x78: {  	_ =	shalt  }
0x79: {  	_ =	shalt  }
0x7a: {  	_ =	shalt  }
0x7b: {  	_ =	shalt  }
0x7c: {  	_ =	shalt  }
0x7d: {  	_ =	shalt  }
0x7e: {  	_ =	shalt  }
0x7f: {  	_ =	shalt  }
0x80: {  	_ =	shalt  }
0x81: {  	_ =	shalt  }
0x82: {  	_ =	shalt  }
0x83: {  	_ =	shalt  }
0x84: {  	_ =	shalt  }
0x85: {  	_ =	shalt  }
0x86: {  	_ =	shalt  }
0x87: {  	_ =	shalt  }
.Lfunc_end0:
.L_simem_size_0:
called_computation_lowered:
.L_overlay_start_0:
0x88: {  	s2 =	sld [smem:$0x3FD9]  }
0x89: {  	s3 =	sld [smem:$0x3FFE];
	_ =	sdelay $0x1  }
0x8a: {  	s1 =	srdreg.scid  }
0x8b: {  	s0 =	sand.u32 $0x1, s1  }
0x8c: {  	s17 =	sshll.u32 s0, $0xA;
	s2 =	sadd.s32 s3, s2  }
0x8d: {  	s2 =	sadd.s32 s2, s17  }
0x8e: {  	[smem:$0x3FC3] =	sst s2  }
0x8f: {  	_ = 	snop  }
0x90: {  	s2 =	sld [smem:$0x3FD0];
	(tm) =	ssettm $0x1  }
0x91: {  	s18 =	sld [smem:$0x3FFB];
	_ =	sdelay $0x3  }
0x92: {  	_ =	strace s18  }
0x93: {  	s3 =	sld [smem:$0x3FFC];
	_ =	sdelay $0x3  }
0x94: {  	_ =	strace s3  }
0x95: {  	s3 =	sld [smem:$0x3FFD];
	_ =	sdelay $0x3  }
0x96: {  	_ =	strace s3  }
0x97: {  	_ =	strace $0x8FFFFFFF  }
0x98: {  	s19 =	sld [smem:$0x3FDB];
	_ =	sdelay $0x1  }
0x99: {  	s4 =	simm.s32 $_scs_section_size  }
0x9a: {  	s5 =	simm.s32 $_size__tile_overlayer_lowered;
	s6 =	simm.s32 $_tile_overlayer_lowered  }
0x9b: {  	s22 =	simm.s32 $0x1BFF;
	s21 =	sshll.u32 s6, $0x1;
	s3 =	sadd.s32 s4, s19  }
0x9c: {  	s7 =	simm.s32 $0x0;
	s20 =	sshll.u32 s5, $0x1;
	s5 =	sadd.s32 s21, s3  }
0x9d: {  	[timem:s7], [sflag:s22] =	dma.local [hbm:s5], s20  }
0x9e: {  	_ =	swait.ge [sflag:s22], s20  }
0x9f: {  	s4 =	ssub.s32 $0x0, s20;
	[sflag:s22] =	ssyncset.done $0x0  }
0xa0: {  	[sflag:s22] =	ssyncadd.s32 s4;
	_ =	sdelay $0x1  }
0xa1: {  	s23 =	simm.s32 $0x1B8B  }
0xa2: {  	_ =	swait.ge [sflag:s23], $0x1  }
0xa3: {  	[sflag:s23] =	ssyncset.done $0x0  }
0xa4: {  	s25 =	simm.s32 $0x1B8E;
	s24 =	sld [smem:$0x3FFE];
	[sflag:s23] =	ssyncadd.s32 $0xFFFFFFFF  }
0xa5: {  	s26 =	simm.s32 $execute0_lowered;
	[smem:$0x3FD2] =	sst s25  }
0xa6: {  	s5 =	sshll.u32 s26, $0x1;
	_ =	strace $0x80000046;
	[dreg:$0x1] =	wrdreg $0xFFFFFFFF  }
0xa7: {  	s28 =	simm.s32 $_size_execute0_lowered;
	s3 =	sadd.s32 s3, s5;
	[dreg:$0x0] =	wrdreg $0x0  }
0xa8: {  	s5 =	sshll.u32 s28, $0x1;
	[dreg:$0x2] =	wrdreg s3  }
0xa9: {  	[dreg:$0x3] =	wrdreg s5  }
0xaa: {  	[dreg:$0x4] =	wrdreg $0xC0  }
0xab: {  	_ =	task [dreg:s7], $0x5FFFF  }
0xac: {  	[dreg:$0x1] =	wrdreg $0xFFFFFFFF  }
0xad: {  	[dreg:$0x0] =	wrdreg $0x60  }
0xae: {  	[dreg:$0x2] =	wrdreg s24  }
0xaf: {  	[dreg:$0x3] =	wrdreg s2  }
0xb0: {  	[dreg:$0x4] =	wrdreg $0x2C000  }
0xb1: {  	[dreg:$0x5] =	wrdreg $0x9  }
0xb2: {  	_ =	task.clear_ibuf [dreg:s7], $0x6FFFF;
	_ =	strace $0x90000046  }
0xb3: {  	s29 =	simm.s32 $0x9;
	_ =	strace $0x80000048  }
0xb4: {  	_ =	swait.ge [sflag:s29], $0x1  }
0xb5: {  	[sflag:s29] =	ssyncadd.s32 $0xFFFFFFFF  }
0xb6: {  	_ =	strace $0x90000048  }
0xb7: {  	_ =	sfence  }
0xb8: {  	s30 =	sld [smem:$0x0];
	_ =	sdelay $0x2  }
0xb9: {  	s31 =	sshll.u32 s1, $0xD;
	s1 =	sshrl.u32 s1, $0x2  }
0xba: {  	s3 =	sand.u32 $0x4000, s31;
	s1 =	sadd.s32 s1, s30  }
0xbb: {  	s0 =	sor.u32 s3, s0;
	s1 =	sshll.u32 s1, $0x11  }
0xbc: {  	s0 =	sor.u32 s1, s0  }
0xbd: {  	s0 =	sadd.s32 $0x8F2B, s0  }
0xbe: {  	[sflag:s0] =	ssyncadd.remote.s32 $0x1  }
0xbf: {  	_ =	sfence.sel $0xFFFF  }
0xc0: {  	[dreg:$0x0] =	wrdreg $0xFFFFFFFF;
	(pc) =	sbr.abs _section_cstart, $3  }
0xc1: {  	[dreg:$0x1] =	wrdreg $0xFFFFFFFF  }
0xc2: {  	_ =	task.clear_ibuf [dreg:s7], $0x2FFFF;
	_ =	strace $0x9FFFFFFF  }
0xc3: {  	(tm) =	ssettm $0x7FFFFFFF  }
tec
execute0_lowered:
.L_overlay_start_1:
0x0: {  	(tag) =	ssettag $0x1  }
0x1: {  	s0 =	rddreg [dreg:$0x0]  }
0x2: {  	s2 =	srdreg.scid;
	s10 =	rddreg [dreg:$0x1];
	s1 =	simm.s32 $0x0  }
0x3: {  	s6 =	stileid.u32;
	s30 =	simm.s32 $0x2;
	s31 =	simm.s32 $0x2800  }
0x4: {  	s2 =	sand.u32 $0x1, s2;
	s18 =	smul.u32 $0x2800, s6;
	[smem:$0x7FF] =	sst s1  }
0x5: {  	s3 =	sshll.u32 s2, $0x4;
	s4 =	ssub.s32 $0x2, s2;
	s2 =	smul.u32 $0x28000, s2  }
0x6: {  	s3 =	sor.u32 s6, s3;
	s5 =	sshrl.u32 s4, $0x1;
	s19 =	sor.u32 $0x400, s18  }
0x7: {  	s20 =	sadd.s32 $0x800, s18;
	s21 =	sadd.s32 $0xC00, s18;
	s22 =	sadd.s32 $0x1000, s18  }
0x8: {  	s23 =	sadd.s32 $0x1400, s18;
	s24 =	sadd.s32 $0x1800, s18;
	s25 =	sadd.s32 $0x1C00, s18  }
0x9: {  	s26 =	sadd.s32 $0x2000, s18;
	s28 =	sadd.s32 $0x2400, s18;
	s14 =	smul.u32 $0x500, s3  }
0xa: {  	s29 =	ssub.s32 s4, s5;
	s16 =	smul.u32 $0xFFFFFF60, s3;
	s7 =	sadd.s32 s18, s2  }
0xb: {  	s8 =	sadd.s32 s2, s19;
	s11 =	sadd.s32 s2, s20;
	s12 =	sadd.s32 s2, s21  }
0xc: {  	s13 =	sadd.s32 s2, s22;
	s3 =	sshrl.u32 s7, $0x3;
	s4 =	sshrl.u32 s8, $0x3  }
0xd: {  	s5 =	sshrl.u32 s12, $0x3;
	s6 =	sshrl.u32 s13, $0x3;
	s7 =	sadd.s32 s2, s23  }
0xe: {  	s8 =	sadd.s32 s2, s24;
	s29 =	smax.u32 s29, $0x1;
	s3 =	sadd.s32 s10, s3  }
0xf: {  	s9 =	sadd.s32 s10, s4;
	s4 =	sshrl.u32 s11, $0x3;
	s5 =	sadd.s32 s10, s5  }
0x10: {  	s6 =	sadd.s32 s10, s6;
	s7 =	sshrl.u32 s7, $0x3;
	s8 =	sshrl.u32 s8, $0x3  }
0x11: {  	s11 =	sadd.s32 s2, s26;
	s17 =	sadd.s32 s14, s0;
	[dreg:$0x4] =	wrdreg s3  }
0x12: {  	s14 =	sadd.s32 $0xB200, s0;
	s16 =	sadd.s32 $0x1388, s16;
	[dreg:$0x5] =	wrdreg s9  }
0x13: {  	s15 =	sadd.s32 s10, s4;
	s9 =	sadd.s32 s2, s25;
	s7 =	sadd.s32 s10, s7  }
0x14: {  	s8 =	sadd.s32 s10, s8;
	s12 =	sshrl.u32 s11, $0x3;
	s11 =	rddreg [dreg:$0x2]  }
0x15: {  	s2 =	sadd.s32 s2, s28;
	s17 =	sadd.s32 $0x1200, s17;
	[dreg:$0x6] =	wrdreg s15  }
0x16: {  	s9 =	sshrl.u32 s9, $0x3;
	s12 =	sadd.s32 s10, s12;
	s2 =	sshrl.u32 s2, $0x3  }
0x17: {  	s15 =	sadd.s32 $0xB000, s0;
	s18 =	sadd.s32 s18, s11;
	s19 =	sadd.s32 s19, s11  }
0x18: {  	s20 =	sadd.s32 s20, s11;
	s21 =	sadd.s32 s21, s11;
	s22 =	sadd.s32 s22, s11  }
0x19: {  	s23 =	sadd.s32 s23, s11;
	s24 =	sadd.s32 s24, s11;
	s25 =	sadd.s32 s25, s11  }
0x1a: {  	s26 =	sadd.s32 s26, s11;
	s28 =	sadd.s32 s28, s11;
	s9 =	sadd.s32 s10, s9  }
0x1b: {  	s13 =	sadd.s32 s10, s2;
	_ =	strace $0x80000047;
	s10 =	simm.s32 $0x0  }
.LBB2_1:
0x1c: {  	[tilespmem:s1], [sflag:$0x2] =	stream.linear.gather [hbm4b:s17+s1], $0x2800, $0x38;
	[tilespmem:$0x5400] =	vst v63  }
0x1d: {  	_ =	swait.ge [sflag:s30], $0x2800  }
0x1e: {  	[sflag:s30] =	ssyncset.done $0x0  }
0x1f: {  	[sflag:s30] =	ssyncadd.s32 $0xFFFFD800  }
0x20: {  	[tilespmem:s31], [sflag:$0x2] =	stream.linear.gather [hbm4b:s14+s1], $0x400, $0x38;
	[tilespmem:$0x5400] =	vst v63  }
0x21: {  	_ =	swait.ge [sflag:s30], $0x400  }
0x22: {  	[sflag:s30] =	ssyncset.done $0x0  }
0x23: {  	[sflag:s30] =	ssyncadd.s32 $0xFFFFFC00  }
0x24: {  	[spmem:s18] =	stream.linear.scatter [tilespmem:s31], [sflag:$0x2], $0x400, $0x38;
	[tilespmem:$0x5400] =	vst v63  }
0x25: {  	_ =	swait.ge [sflag:s30], $0x400  }
0x26: {  	[sflag:s30] =	ssyncset.done $0x0  }
0x27: {  	[sflag:s30] =	ssyncadd.s32 $0xFFFFFC00  }
0x28: {  	[spmem:s19] =	stream.linear.scatter [tilespmem:s31], [sflag:$0x2], $0x400, $0x38;
	[tilespmem:$0x5400] =	vst v63  }
0x29: {  	_ =	swait.ge [sflag:s30], $0x400  }
0x2a: {  	[sflag:s30] =	ssyncset.done $0x0  }
0x2b: {  	[sflag:s30] =	ssyncadd.s32 $0xFFFFFC00  }
0x2c: {  	[spmem:s20] =	stream.linear.scatter [tilespmem:s31], [sflag:$0x2], $0x400, $0x38;
	[tilespmem:$0x5400] =	vst v63  }
0x2d: {  	_ =	swait.ge [sflag:s30], $0x400  }
0x2e: {  	[sflag:s30] =	ssyncset.done $0x0  }
0x2f: {  	[sflag:s30] =	ssyncadd.s32 $0xFFFFFC00  }
0x30: {  	[spmem:s21] =	stream.linear.scatter [tilespmem:s31], [sflag:$0x2], $0x400, $0x38;
	[tilespmem:$0x5400] =	vst v63  }
0x31: {  	_ =	swait.ge [sflag:s30], $0x400  }
0x32: {  	[sflag:s30] =	ssyncset.done $0x0  }
0x33: {  	[sflag:s30] =	ssyncadd.s32 $0xFFFFFC00  }
0x34: {  	[spmem:s22] =	stream.linear.scatter [tilespmem:s31], [sflag:$0x2], $0x400, $0x38;
	[tilespmem:$0x5400] =	vst v63  }
0x35: {  	_ =	swait.ge [sflag:s30], $0x400  }
0x36: {  	[sflag:s30] =	ssyncset.done $0x0  }
0x37: {  	[sflag:s30] =	ssyncadd.s32 $0xFFFFFC00  }
0x38: {  	[spmem:s23] =	stream.linear.scatter [tilespmem:s31], [sflag:$0x2], $0x400, $0x38;
	[tilespmem:$0x5400] =	vst v63  }
0x39: {  	_ =	swait.ge [sflag:s30], $0x400  }
0x3a: {  	[sflag:s30] =	ssyncset.done $0x0  }
0x3b: {  	[sflag:s30] =	ssyncadd.s32 $0xFFFFFC00  }
0x3c: {  	[spmem:s24] =	stream.linear.scatter [tilespmem:s31], [sflag:$0x2], $0x400, $0x38;
	[tilespmem:$0x5400] =	vst v63  }
0x3d: {  	_ =	swait.ge [sflag:s30], $0x400  }
0x3e: {  	[sflag:s30] =	ssyncset.done $0x0  }
0x3f: {  	[sflag:s30] =	ssyncadd.s32 $0xFFFFFC00  }
0x40: {  	[spmem:s25] =	stream.linear.scatter [tilespmem:s31], [sflag:$0x2], $0x400, $0x38;
	[tilespmem:$0x5400] =	vst v63  }
0x41: {  	_ =	swait.ge [sflag:s30], $0x400  }
0x42: {  	[sflag:s30] =	ssyncset.done $0x0  }
0x43: {  	[sflag:s30] =	ssyncadd.s32 $0xFFFFFC00  }
0x44: {  	[spmem:s26] =	stream.linear.scatter [tilespmem:s31], [sflag:$0x2], $0x400, $0x38;
	[tilespmem:$0x5400] =	vst v63  }
0x45: {  	_ =	swait.ge [sflag:s30], $0x400  }
0x46: {  	[sflag:s30] =	ssyncset.done $0x0  }
0x47: {  	[sflag:s30] =	ssyncadd.s32 $0xFFFFFC00  }
0x48: {  	[spmem:s28] =	stream.linear.scatter [tilespmem:s31], [sflag:$0x2], $0x400, $0x38;
	[tilespmem:$0x5400] =	vst v63  }
0x49: {  	_ =	swait.ge [sflag:s30], $0x400  }
0x4a: {  	[sflag:s30] =	ssyncset.done $0x0  }
0x4b: {  	[sflag:s30] =	ssyncadd.s32 $0xFFFFFC00  }
0x4c: {  	[tilespmem:s31], [sflag:$0x2] =	stream.linear.gather [hbm4b:s15+s1], $0x400, $0x38;
	[tilespmem:$0x5400] =	vst v63  }
0x4d: {  	_ =	swait.ge [sflag:s30], $0x400  }
0x4e: {  	[sflag:s30] =	ssyncset.done $0x0  }
0x4f: {  	[sflag:s30] =	ssyncadd.s32 $0xFFFFFC00  }
0x50: {  	s0 =	simm.s32 $0x0;
	s2 =	simm.s32 $0x0;
	[bflag:$0x0] =	sbarrier.arrive $0xFFFF  }
.LBB2_2:
0x51: {  	p0 =	sle.u32 s16, s2  }
0x52: {  	s2 =	sadd.s32 $0x1, s2;
	s3 =	simm.s32 @!p0 $0x40;
	s4 =	simm.s32 @!p0 $0x2800  }
0x53: {  	[spmem:s11] =	stream.indirect.scatter.add.f32 @!p0 [tilespmem:s4], [sflag:$0x1], $0x10, s0, s3, $0xb8;
	[tilespmem:$0x5400] =	vst v63  }
0x54: {  	p0 =	sne.s32 s2, $0xA0  }
.Ltmp0:
0x55: {  	_ = 	snop;
	(pc) =	sbr.rel @p0 .LBB2_2-.Ltmp0, $2  }
0x56: {  	_ =	sdelay $0x2  }
0x57: {  	s0 =	sadd.s32 $0x40, s0  }
0x58: {  	p0 =	sle.u32 s16, $0x0  }
0x59: {  	s2 =	simm.s32 @!p0 $0x1  }
0x5a: {  	_ =	swait.ge @!p0 [sflag:s2], $0x400  }
0x5b: {  	s0 =	simm.s32 $0x1;
	[sflag:s2] =	ssyncset.done @!p0 $0x0  }
.LBB2_4:
0x5c: {  	[sflag:s2] =	ssyncadd.s32 @!p0 $0xFFFFFC00;
	s2 =	smov.u32 s0;
	s0 =	sadd.s32 $0x1, s0  }
0x5d: {  	p1 =	sne.s32 s0, $0xA0  }
.Ltmp1:
0x5e: {  	(pc) =	sbr.rel @p1 .LBB2_4-.Ltmp1, $4  }
0x5f: {  	p0 =	sle.u32 s16, s2  }
0x60: {  	s2 =	simm.s32 @!p0 $0x1  }
0x61: {  	_ =	swait.ge @!p0 [sflag:s2], $0x400  }
0x62: {  	[sflag:s2] =	ssyncset.done @!p0 $0x0  }
0x63: {  	[sflag:s2] =	ssyncadd.s32 @!p0 $0xFFFFFC00  }
0x64: {  	[bflag:$0x0] =	sbarrier.arrive $0xFFFF  }
0x65: {  	[tilespmem:s31], [sflag:$0x2] =	stream.linear.gather [spmem:s18], $0x400, $0x38;
	[tilespmem:$0x5400] =	vst v63  }
0x66: {  	_ =	swait.ge [sflag:s30], $0x400  }
0x67: {  	[sflag:s30] =	ssyncset.done $0x0  }
0x68: {  	s0 =	rddreg [dreg:$0x4];
	[sflag:s30] =	ssyncadd.s32 $0xFFFFFC00  }
0x69: {  	[hbm4b:s0+s1] =	stream.linear.scatter [tilespmem:s31], [sflag:$0x2], $0x400, $0x38;
	[tilespmem:$0x5400] =	vst v63  }
0x6a: {  	_ =	swait.ge [sflag:s30], $0x400  }
0x6b: {  	[sflag:s30] =	ssyncset.done $0x0  }
0x6c: {  	[sflag:s30] =	ssyncadd.s32 $0xFFFFFC00  }
0x6d: {  	[tilespmem:s31], [sflag:$0x2] =	stream.linear.gather [spmem:s19], $0x400, $0x38;
	[tilespmem:$0x5400] =	vst v63  }
0x6e: {  	_ =	swait.ge [sflag:s30], $0x400  }
0x6f: {  	[sflag:s30] =	ssyncset.done $0x0  }
0x70: {  	s3 =	rddreg [dreg:$0x5];
	[sflag:s30] =	ssyncadd.s32 $0xFFFFFC00  }
0x71: {  	[hbm4b:s3+s1] =	stream.linear.scatter [tilespmem:s31], [sflag:$0x2], $0x400, $0x38;
	[tilespmem:$0x5400] =	vst v63  }
0x72: {  	_ =	swait.ge [sflag:s30], $0x400  }
0x73: {  	[sflag:s30] =	ssyncset.done $0x0  }
0x74: {  	[sflag:s30] =	ssyncadd.s32 $0xFFFFFC00  }
0x75: {  	[tilespmem:s31], [sflag:$0x2] =	stream.linear.gather [spmem:s20], $0x400, $0x38;
	[tilespmem:$0x5400] =	vst v63  }
0x76: {  	_ =	swait.ge [sflag:s30], $0x400  }
0x77: {  	[sflag:s30] =	ssyncset.done $0x0  }
0x78: {  	s4 =	rddreg [dreg:$0x6];
	[sflag:s30] =	ssyncadd.s32 $0xFFFFFC00  }
0x79: {  	[hbm4b:s4+s1] =	stream.linear.scatter [tilespmem:s31], [sflag:$0x2], $0x400, $0x38;
	[tilespmem:$0x5400] =	vst v63  }
0x7a: {  	_ =	swait.ge [sflag:s30], $0x400  }
0x7b: {  	[sflag:s30] =	ssyncset.done $0x0  }
0x7c: {  	[sflag:s30] =	ssyncadd.s32 $0xFFFFFC00  }
0x7d: {  	[tilespmem:s31], [sflag:$0x2] =	stream.linear.gather [spmem:s21], $0x400, $0x38;
	[tilespmem:$0x5400] =	vst v63  }
0x7e: {  	_ =	swait.ge [sflag:s30], $0x400  }
0x7f: {  	[sflag:s30] =	ssyncset.done $0x0  }
0x80: {  	[sflag:s30] =	ssyncadd.s32 $0xFFFFFC00  }
0x81: {  	[hbm4b:s5+s1] =	stream.linear.scatter [tilespmem:s31], [sflag:$0x2], $0x400, $0x38;
	[tilespmem:$0x5400] =	vst v63  }
0x82: {  	_ =	swait.ge [sflag:s30], $0x400  }
0x83: {  	[sflag:s30] =	ssyncset.done $0x0  }
0x84: {  	[sflag:s30] =	ssyncadd.s32 $0xFFFFFC00  }
0x85: {  	[tilespmem:s31], [sflag:$0x2] =	stream.linear.gather [spmem:s22], $0x400, $0x38;
	[tilespmem:$0x5400] =	vst v63  }
0x86: {  	_ =	swait.ge [sflag:s30], $0x400  }
0x87: {  	[sflag:s30] =	ssyncset.done $0x0  }
0x88: {  	[sflag:s30] =	ssyncadd.s32 $0xFFFFFC00  }
0x89: {  	[hbm4b:s6+s1] =	stream.linear.scatter [tilespmem:s31], [sflag:$0x2], $0x400, $0x38;
	[tilespmem:$0x5400] =	vst v63  }
0x8a: {  	_ =	swait.ge [sflag:s30], $0x400  }
0x8b: {  	[sflag:s30] =	ssyncset.done $0x0  }
0x8c: {  	[sflag:s30] =	ssyncadd.s32 $0xFFFFFC00  }
0x8d: {  	[tilespmem:s31], [sflag:$0x2] =	stream.linear.gather [spmem:s23], $0x400, $0x38;
	[tilespmem:$0x5400] =	vst v63  }
0x8e: {  	_ =	swait.ge [sflag:s30], $0x400  }
0x8f: {  	[sflag:s30] =	ssyncset.done $0x0  }
0x90: {  	[sflag:s30] =	ssyncadd.s32 $0xFFFFFC00  }
0x91: {  	[hbm4b:s7+s1] =	stream.linear.scatter [tilespmem:s31], [sflag:$0x2], $0x400, $0x38;
	[tilespmem:$0x5400] =	vst v63  }
0x92: {  	_ =	swait.ge [sflag:s30], $0x400  }
0x93: {  	[sflag:s30] =	ssyncset.done $0x0  }
0x94: {  	[sflag:s30] =	ssyncadd.s32 $0xFFFFFC00  }
0x95: {  	[tilespmem:s31], [sflag:$0x2] =	stream.linear.gather [spmem:s24], $0x400, $0x38;
	[tilespmem:$0x5400] =	vst v63  }
0x96: {  	_ =	swait.ge [sflag:s30], $0x400  }
0x97: {  	[sflag:s30] =	ssyncset.done $0x0  }
0x98: {  	[sflag:s30] =	ssyncadd.s32 $0xFFFFFC00  }
0x99: {  	[hbm4b:s8+s1] =	stream.linear.scatter [tilespmem:s31], [sflag:$0x2], $0x400, $0x38;
	[tilespmem:$0x5400] =	vst v63  }
0x9a: {  	_ =	swait.ge [sflag:s30], $0x400  }
0x9b: {  	[sflag:s30] =	ssyncset.done $0x0  }
0x9c: {  	[sflag:s30] =	ssyncadd.s32 $0xFFFFFC00  }
0x9d: {  	[tilespmem:s31], [sflag:$0x2] =	stream.linear.gather [spmem:s25], $0x400, $0x38;
	[tilespmem:$0x5400] =	vst v63  }
0x9e: {  	_ =	swait.ge [sflag:s30], $0x400  }
0x9f: {  	[sflag:s30] =	ssyncset.done $0x0  }
0xa0: {  	[sflag:s30] =	ssyncadd.s32 $0xFFFFFC00  }
0xa1: {  	[hbm4b:s9+s1] =	stream.linear.scatter [tilespmem:s31], [sflag:$0x2], $0x400, $0x38;
	[tilespmem:$0x5400] =	vst v63  }
0xa2: {  	_ =	swait.ge [sflag:s30], $0x400  }
0xa3: {  	[sflag:s30] =	ssyncset.done $0x0  }
0xa4: {  	[sflag:s30] =	ssyncadd.s32 $0xFFFFFC00  }
0xa5: {  	[tilespmem:s31], [sflag:$0x2] =	stream.linear.gather [spmem:s26], $0x400, $0x38;
	[tilespmem:$0x5400] =	vst v63  }
0xa6: {  	_ =	swait.ge [sflag:s30], $0x400  }
0xa7: {  	[sflag:s30] =	ssyncset.done $0x0  }
0xa8: {  	[sflag:s30] =	ssyncadd.s32 $0xFFFFFC00  }
0xa9: {  	[hbm4b:s12+s1] =	stream.linear.scatter [tilespmem:s31], [sflag:$0x2], $0x400, $0x38;
	[tilespmem:$0x5400] =	vst v63  }
0xaa: {  	_ =	swait.ge [sflag:s30], $0x400  }
0xab: {  	[sflag:s30] =	ssyncset.done $0x0  }
0xac: {  	[sflag:s30] =	ssyncadd.s32 $0xFFFFFC00  }
0xad: {  	[tilespmem:s31], [sflag:$0x2] =	stream.linear.gather [spmem:s28], $0x400, $0x38;
	[tilespmem:$0x5400] =	vst v63  }
0xae: {  	s10 =	sadd.s32 $0x1, s10;
	_ =	swait.ge [sflag:s30], $0x400  }
0xaf: {  	p0 =	sne.s32 s10, s29;
	[sflag:s30] =	ssyncset.done $0x0  }
.Ltmp2:
0xb0: {  	[sflag:s30] =	ssyncadd.s32 $0xFFFFFC00;
	(pc) =	sbr.rel @p0 .LBB2_1-.Ltmp2, $4  }
0xb1: {  	[hbm4b:s13+s1] =	stream.linear.scatter [tilespmem:s31], [sflag:$0x2], $0x400, $0x38;
	[tilespmem:$0x5400] =	vst v63  }
0xb2: {  	_ =	swait.ge [sflag:s30], $0x400  }
0xb3: {  	[sflag:s30] =	ssyncset.done $0x0  }
0xb4: {  	[sflag:s30] =	ssyncadd.s32 $0xFFFFFC00  }
0xb5: {  	_ =	sfence.sel $0x180000  }
0xb6: {  	[bflag:$0x0] =	sbarrier.arrive $0xFFFF  }
0xb7: {  	_ =	strace $0x90000047  }
0xb8: {  	s0 =	stileid.u32;
	[bflag:$0x2] =	sbarrier.arrive $0xFFFF  }
0xb9: {  	p0 =	sne.s32 s0, $0x0;
	s0 =	rddreg [dreg:$0x3]  }
0xba: {  	s0 =	sadd.s32 @!p0 $0x100000, s0  }
0xbb: {  	[sflag:s0] =	ssyncadd.tile.s32 @!p0 $0x1;
	_ =	shalt  }
.Lfunc_end2:
_tile_overlayer_lowered:
.L_overlay_start_2:
0xbc: {  	(tag) =	ssettag $0x2  }
0xbd: {  	s0 =	rddreg [dreg:$0x0];
	s2 =	stileid.u32  }
0xbe: {  	s1 =	rddreg [dreg:$0x1];
	p0 =	sne.s32 s2, $0x0  }
0xbf: {  	s3 =	rddreg [dreg:$0x2];
	[bflag:$0x3] =	sbarrier.arrive $0xFFFF;
	s2 =	simm.s32 @!p0 $0x1C02  }
0xc0: {  	[timem:s3], [sflag:s2] =	dma.local @!p0 [hbm:s0], s1  }
0xc1: {  	s0 =	simm.s32 @!p0 $0x2  }
0xc2: {  	_ =	swait.ge @!p0 [sflag:s0], s1  }
0xc3: {  	s1 =	ssub.s32 @!p0 $0x0, s1;
	[sflag:s0] =	ssyncset.done @!p0 $0x0  }
0xc4: {  	[sflag:s0] =	ssyncadd.s32 @!p0 s1  }
0xc5: {  	[bflag:$0x3] =	sbarrier.arrive $0xFFFF  }
0xc6: {  	_ =	shalt  }

// kernel: kernel.9.cloned.1.call-start
scs
__scs_entry_jumppad:
0x0: {  	(pc) =	sbr.rel $0x88, $3  }
0x1: {  	(tag) =	ssettag $0x0;
	lr =	simm.s32 $0x1  }
0x2: {  	[smem:$0x3F9C] =	sst lr;
	_ =	strace $0xD0000000  }
0x3: {  	_ = 	snop  }
0x4: {  	_ = 	snop  }
0x5: {  	_ = 	snop  }
0x6: {  	_ = 	snop  }
0x7: {  	_ = 	snop  }
__scs_overlays_trampoline_lowered:
0x8: {  	[smem:$0x3FAB] =	sst s0  }
0x9: {  	[smem:$0x3FAC] =	sst s1  }
0xa: {  	[smem:$0x3FAD] =	sst s2  }
0xb: {  	[smem:$0x3FAE] =	sst s3  }
0xc: {  	[smem:$0x3FAF] =	sst s4  }
0xd: {  	[smem:$0x3FB0] =	sst s5  }
0xe: {  	[smem:$0x3FB1] =	sst s6  }
0xf: {  	[smem:$0x3FB2] =	sst s7  }
0x10: {  	[smem:$0x3FB3] =	sst s8  }
0x11: {  	[smem:$0x3FB4] =	sst s9;
	s0 =	simm.s32 @!p0 $0x0  }
0x12: {  	s1 =	sld [smem:$0x3F9A];
	s0 =	simm.s32 @p0 $0x1  }
0x13: {  	[smem:$0x3FB5] =	sst s0;
	s0 =	simm.s32 @!p1 $0x0  }
0x14: {  	s2 =	sld [smem:$0x3F99];
	s0 =	simm.s32 @p1 $0x1  }
0x15: {  	[smem:$0x3FB6] =	sst s0;
	s0 =	simm.s32 @!p2 $0x0  }
0x16: {  	s3 =	sld [smem:$0x3FDB];
	s0 =	simm.s32 @p2 $0x1  }
0x17: {  	s4 =	simm.s32 $0x1BF5;
	[smem:$0x3FB8] =	sst s0  }
0x18: {  	s0 =	sld [smem:$0x3F9B];
	_ =	swait.ge [sflag:s4], $0x0  }
0x19: {  	s7 =	sld [smem:$0x3F9C]  }
0x1a: {  	s8 =	sadd.s32 $0xFFFFE003, lr  }
0x1b: {  	s9 =	sadd.s32 $0xFFFFFEF7, lr;
	s5 =	simm.s32 $0xFFFFFFFF;
	p2 =	slt.u32 s8, $0xFFFFF086  }
0x1c: {  	p1 =	slt.u32 s9, $0xF7A;
	s5 =	simm.s32 @!p2 $0x0  }
0x1d: {  	s5 =	simm.s32 @p1 $0x1;
	p0 =	seq.s32 s7, s2  }
0x1e: {  	s7 =	smul.u32 @!p0 $0xF7A, s2;
	p2 =	seq.s32 @!p0 s5, $0x0  }
0x1f: {  	s9 =	smul.u32 $0xF7A, s1;
	s8 =	simm.s32 @!p0 $0x1BF5;
	p2 =	por !p2, p0  }
0x20: {  	[sflag:s8] =	ssyncset.s32 @!p0 $0xFFFFF086;
	s6 =	sadd.s32 @!p0 s3, s7;
	s7 =	simm.s32 @!p0 $0x108  }
0x21: {  	s3 =	sadd.s32 s3, s9;
	s6 =	sadd.s32 @!p0 $0x88, s6;
	s7 =	simm.s32 @p2 $0x1082  }
0x22: {  	[simem:s7], [sflag:s8] =	dma.local @!p0 [hbm:s6], $0xF7A  }
0x23: {  	s9 =	sor.u32 $0xD0000000, s2;
	s6 =	simm.s32 $0x108;
	_ =	swait.ge @!p0 [sflag:s8], $0x0  }
0x24: {  	s3 =	sadd.s32 $0x88, s3;
	s6 =	simm.s32 @!p1 $0x1082;
	[sflag:s4] =	ssyncset.s32 $0xFFFFF086  }
0x25: {  	[simem:s6], [sflag:s4] =	dma.local [hbm:s3], $0xF7A  }
0x26: {  	[smem:$0x3F9C] =	sst s1;
	(tag) =	ssettag s2;
	_ =	strace s9  }
0x27: {  	s1 =	sld [smem:$0x3FAC]  }
0x28: {  	s2 =	sld [smem:$0x3FAD]  }
0x29: {  	s4 =	sld [smem:$0x3FAF]  }
0x2a: {  	p0 =	seq.s32 s5, $0x0;
	s5 =	sld [smem:$0x3FB0]  }
0x2b: {  	s6 =	sld [smem:$0x3FB1]  }
0x2c: {  	s7 =	sld [smem:$0x3FB2]  }
0x2d: {  	s3 =	simm.s32 $0x108;
	s8 =	sld [smem:$0x3FB3]  }
0x2e: {  	s3 =	simm.s32 @!p0 $0x1082;
	s9 =	sld [smem:$0x3FB4]  }
0x2f: {  	lr =	sadd.s32 s0, s3;
	s0 =	sld [smem:$0x3FAB]  }
0x30: {  	s3 =	sld [smem:$0x3FAE]  }
0x31: {  	[smem:$0x3FB7] =	sst s10  }
0x32: {  	s10 =	sld [smem:$0x3FB5];
	_ =	sdelay $0x3  }
0x33: {  	p0 =	seq.s32 s10, $0x1;
	s10 =	sld [smem:$0x3FB7];
	_ =	sdelay $0x3  }
0x34: {  	[smem:$0x3FB7] =	sst s10  }
0x35: {  	s10 =	sld [smem:$0x3FB6];
	_ =	sdelay $0x3  }
0x36: {  	p1 =	seq.s32 s10, $0x1;
	s10 =	sld [smem:$0x3FB7];
	_ =	sdelay $0x3  }
0x37: {  	[smem:$0x3FB7] =	sst s10  }
0x38: {  	s10 =	sld [smem:$0x3FB8]  }
0x39: {  	_ = 	snop;
	(pc) =	sbr.ind lr, $3  }
0x3a: {  	_ = 	snop  }
0x3b: {  	_ = 	snop  }
0x3c: {  	p2 =	seq.s32 s10, $0x1;
	s10 =	sld [smem:$0x3FB7]  }
0x3d: {  	_ =	shalt  }
0x3e: {  	_ =	shalt  }
0x3f: {  	_ =	shalt  }
0x40: {  	_ =	shalt  }
0x41: {  	_ =	shalt  }
0x42: {  	_ =	shalt  }
0x43: {  	_ =	shalt  }
0x44: {  	_ =	shalt  }
0x45: {  	_ =	shalt  }
0x46: {  	_ =	shalt  }
0x47: {  	_ =	shalt  }
0x48: {  	_ =	shalt  }
0x49: {  	_ =	shalt  }
0x4a: {  	_ =	shalt  }
0x4b: {  	_ =	shalt  }
0x4c: {  	_ =	shalt  }
0x4d: {  	_ =	shalt  }
0x4e: {  	_ =	shalt  }
0x4f: {  	_ =	shalt  }
0x50: {  	_ =	shalt  }
0x51: {  	_ =	shalt  }
0x52: {  	_ =	shalt  }
0x53: {  	_ =	shalt  }
0x54: {  	_ =	shalt  }
0x55: {  	_ =	shalt  }
0x56: {  	_ =	shalt  }
0x57: {  	_ =	shalt  }
0x58: {  	_ =	shalt  }
0x59: {  	_ =	shalt  }
0x5a: {  	_ =	shalt  }
0x5b: {  	_ =	shalt  }
0x5c: {  	_ =	shalt  }
0x5d: {  	_ =	shalt  }
0x5e: {  	_ =	shalt  }
0x5f: {  	_ =	shalt  }
0x60: {  	_ =	shalt  }
0x61: {  	_ =	shalt  }
0x62: {  	_ =	shalt  }
0x63: {  	_ =	shalt  }
0x64: {  	_ =	shalt  }
0x65: {  	_ =	shalt  }
0x66: {  	_ =	shalt  }
0x67: {  	_ =	shalt  }
0x68: {  	_ =	shalt  }
0x69: {  	_ =	shalt  }
0x6a: {  	_ =	shalt  }
0x6b: {  	_ =	shalt  }
0x6c: {  	_ =	shalt  }
0x6d: {  	_ =	shalt  }
0x6e: {  	_ =	shalt  }
0x6f: {  	_ =	shalt  }
0x70: {  	_ =	shalt  }
0x71: {  	_ =	shalt  }
0x72: {  	_ =	shalt  }
0x73: {  	_ =	shalt  }
0x74: {  	_ =	shalt  }
0x75: {  	_ =	shalt  }
0x76: {  	_ =	shalt  }
0x77: {  	_ =	shalt  }
0x78: {  	_ =	shalt  }
0x79: {  	_ =	shalt  }
0x7a: {  	_ =	shalt  }
0x7b: {  	_ =	shalt  }
0x7c: {  	_ =	shalt  }
0x7d: {  	_ =	shalt  }
0x7e: {  	_ =	shalt  }
0x7f: {  	_ =	shalt  }
0x80: {  	_ =	shalt  }
0x81: {  	_ =	shalt  }
0x82: {  	_ =	shalt  }
0x83: {  	_ =	shalt  }
0x84: {  	_ =	shalt  }
0x85: {  	_ =	shalt  }
0x86: {  	_ =	shalt  }
0x87: {  	_ =	shalt  }
.Lfunc_end0:
.L_simem_size_0:
called_computation.1_lowered:
.L_overlay_start_0:
0x88: {  	s2 =	sld [smem:$0x3FD9]  }
0x89: {  	s3 =	sld [smem:$0x3FFE];
	_ =	sdelay $0x1  }
0x8a: {  	s1 =	srdreg.scid  }
0x8b: {  	s0 =	sand.u32 $0x1, s1  }
0x8c: {  	s17 =	sshll.u32 s0, $0xA;
	s2 =	sadd.s32 s3, s2  }
0x8d: {  	s2 =	sadd.s32 s2, s17  }
0x8e: {  	[smem:$0x3FC3] =	sst s2  }
0x8f: {  	_ = 	snop  }
0x90: {  	s2 =	sld [smem:$0x3FD0];
	(tm) =	ssettm $0x1  }
0x91: {  	s18 =	sld [smem:$0x3FFB];
	_ =	sdelay $0x3  }
0x92: {  	_ =	strace s18  }
0x93: {  	s3 =	sld [smem:$0x3FFC];
	_ =	sdelay $0x3  }
0x94: {  	_ =	strace s3  }
0x95: {  	s3 =	sld [smem:$0x3FFD];
	_ =	sdelay $0x3  }
0x96: {  	_ =	strace s3  }
0x97: {  	_ =	strace $0x8FFFFFFF  }
0x98: {  	s19 =	sld [smem:$0x3FDB];
	_ =	sdelay $0x1  }
0x99: {  	s4 =	simm.s32 $_scs_section_size  }
0x9a: {  	s5 =	simm.s32 $_size__tile_overlayer_lowered;
	s6 =	simm.s32 $_tile_overlayer_lowered  }
0x9b: {  	s22 =	simm.s32 $0x1BFF;
	s21 =	sshll.u32 s6, $0x1;
	s3 =	sadd.s32 s4, s19  }
0x9c: {  	s7 =	simm.s32 $0x0;
	s20 =	sshll.u32 s5, $0x1;
	s5 =	sadd.s32 s21, s3  }
0x9d: {  	[timem:s7], [sflag:s22] =	dma.local [hbm:s5], s20  }
0x9e: {  	_ =	swait.ge [sflag:s22], s20  }
0x9f: {  	s4 =	ssub.s32 $0x0, s20;
	[sflag:s22] =	ssyncset.done $0x0  }
0xa0: {  	[sflag:s22] =	ssyncadd.s32 s4;
	_ =	sdelay $0x1  }
0xa1: {  	s23 =	simm.s32 $0x1B8B  }
0xa2: {  	_ =	swait.ge [sflag:s23], $0x1  }
0xa3: {  	[sflag:s23] =	ssyncset.done $0x0  }
0xa4: {  	s25 =	simm.s32 $0x1B8E;
	s24 =	sld [smem:$0x3FFE];
	[sflag:s23] =	ssyncadd.s32 $0xFFFFFFFF  }
0xa5: {  	s26 =	simm.s32 $execute0_lowered;
	[smem:$0x3FD2] =	sst s25  }
0xa6: {  	s5 =	sshll.u32 s26, $0x1;
	_ =	strace $0x80000049;
	[dreg:$0x1] =	wrdreg $0xFFFFFFFF  }
0xa7: {  	s28 =	simm.s32 $_size_execute0_lowered;
	s3 =	sadd.s32 s3, s5;
	[dreg:$0x0] =	wrdreg $0x0  }
0xa8: {  	s5 =	sshll.u32 s28, $0x1;
	[dreg:$0x2] =	wrdreg s3  }
0xa9: {  	[dreg:$0x3] =	wrdreg s5  }
0xaa: {  	[dreg:$0x4] =	wrdreg $0xC0  }
0xab: {  	_ =	task [dreg:s7], $0x5FFFF  }
0xac: {  	[dreg:$0x1] =	wrdreg $0xFFFFFFFF  }
0xad: {  	[dreg:$0x0] =	wrdreg $0x60  }
0xae: {  	[dreg:$0x2] =	wrdreg s24  }
0xaf: {  	[dreg:$0x3] =	wrdreg s2  }
0xb0: {  	[dreg:$0x4] =	wrdreg $0x8C000  }
0xb1: {  	[dreg:$0x5] =	wrdreg $0x1CC000  }
0xb2: {  	[dreg:$0x6] =	wrdreg $0x9  }
0xb3: {  	_ =	task.clear_ibuf [dreg:s7], $0x7FFFF;
	_ =	strace $0x90000049  }
0xb4: {  	s29 =	simm.s32 $0x9;
	_ =	strace $0x8000004B  }
0xb5: {  	_ =	swait.ge [sflag:s29], $0x1  }
0xb6: {  	[sflag:s29] =	ssyncadd.s32 $0xFFFFFFFF  }
0xb7: {  	_ =	strace $0x9000004B  }
0xb8: {  	_ =	sfence  }
0xb9: {  	s30 =	sld [smem:$0x0];
	_ =	sdelay $0x2  }
0xba: {  	s31 =	sshll.u32 s1, $0xD;
	s1 =	sshrl.u32 s1, $0x2  }
0xbb: {  	s3 =	sand.u32 $0x4000, s31;
	s1 =	sadd.s32 s1, s30  }
0xbc: {  	s0 =	sor.u32 s3, s0;
	s1 =	sshll.u32 s1, $0x11  }
0xbd: {  	s0 =	sor.u32 s1, s0  }
0xbe: {  	s0 =	sadd.s32 $0x8F2B, s0  }
0xbf: {  	[sflag:s0] =	ssyncadd.remote.s32 $0x1  }
0xc0: {  	_ =	sfence.sel $0xFFFF  }
0xc1: {  	[dreg:$0x0] =	wrdreg $0xFFFFFFFF;
	(pc) =	sbr.abs _section_cstart, $3  }
0xc2: {  	[dreg:$0x1] =	wrdreg $0xFFFFFFFF  }
0xc3: {  	_ =	task.clear_ibuf [dreg:s7], $0x2FFFF;
	_ =	strace $0x9FFFFFFF  }
0xc4: {  	(tm) =	ssettm $0x7FFFFFFF  }
0xc5: {  	_ =	shalt  }
tec
execute0_lowered:
.L_overlay_start_1:
0x0: {  	(tag) =	ssettag $0x1  }
0x1: {  	s0 =	srdreg.scid  }
0x2: {  	s26 =	stileid.u32;
	s1 =	rddreg [dreg:$0x0]  }
0x3: {  	s31 =	simm.s32 $0xA;
	s12 =	sand.u32 $0x1, s0;
	s8 =	smul.u32 $0x280, s26  }
0x4: {  	s13 =	sadd.s32 $0x42200, s1;
	s6 =	smul.u32 $0x14000, s26;
	s0 =	ssub.s32 $0x2, s12  }
0x5: {  	s18 =	smul.u32 $0x140000, s12;
	s2 =	sshrl.u32 s0, $0x1;
	s14 =	sor.u32 $0x40, s8  }
0x6: {  	s15 =	sadd.s32 $0x80, s8;
	s16 =	sadd.s32 $0xC0, s8;
	s17 =	sadd.s32 $0x100, s8  }
0x7: {  	s19 =	sadd.s32 $0x140, s8;
	s20 =	sadd.s32 $0x180, s8;
	s21 =	sadd.s32 $0x1C0, s8  }
0x8: {  	s22 =	sadd.s32 $0x200, s8;
	s23 =	sadd.s32 $0x240, s8;
	s0 =	ssub.s32 s0, s2  }
0x9: {  	s3 =	sshll.u32 s14, $0x7;
	s2 =	sshll.u32 s15, $0x7;
	s7 =	sshll.u32 s16, $0x7  }
0xa: {  	s4 =	sshll.u32 s17, $0x7;
	s5 =	sshll.u32 s19, $0x7;
	s9 =	sadd.s32 s6, s18  }
0xb: {  	s14 =	sshll.u32 s14, $0x4;
	s15 =	sshll.u32 s15, $0x4;
	s9 =	sshrl.u32 s9, $0x3  }
0xc: {  	s10 =	sadd.s32 s18, s3;
	s11 =	sadd.s32 s18, s2;
	s9 =	sadd.s32 s13, s9  }
0xd: {  	s8 =	sshrl.u32 s10, $0x3;
	s10 =	sadd.s32 s18, s7;
	s24 =	sshrl.u32 s11, $0x3  }
0xe: {  	s11 =	sadd.s32 s18, s4;
	[dreg:$0x5] =	wrdreg s9;
	s8 =	sadd.s32 s13, s8  }
0xf: {  	s25 =	sshrl.u32 s10, $0x3;
	[dreg:$0x6] =	wrdreg s8;
	s8 =	sadd.s32 s13, s24  }
0x10: {  	s10 =	sadd.s32 s13, s25;
	s24 =	sshrl.u32 s11, $0x3;
	[dreg:$0x7] =	wrdreg s8  }
0x11: {  	s25 =	sadd.s32 s18, s5;
	[dreg:$0x8] =	wrdreg s10;
	s8 =	sshll.u32 s20, $0x7  }
0x12: {  	s9 =	sadd.s32 s13, s24;
	s11 =	sshrl.u32 s25, $0x3;
	s24 =	sadd.s32 s18, s8  }
0x13: {  	[dreg:$0x9] =	wrdreg s9;
	s9 =	sadd.s32 s13, s11;
	s10 =	sshrl.u32 s24, $0x3  }
0x14: {  	[dreg:$0xa] =	wrdreg s9;
	s9 =	sshll.u32 s21, $0x7;
	s10 =	sadd.s32 s13, s10  }
0x15: {  	s16 =	sshll.u32 s16, $0x4;
	s11 =	sadd.s32 s18, s9;
	[dreg:$0xb] =	wrdreg s10  }
0x16: {  	s10 =	sshll.u32 s22, $0x7;
	s24 =	sshrl.u32 s11, $0x3;
	s11 =	sshll.u32 s23, $0x7  }
0x17: {  	s25 =	sadd.s32 s18, s10;
	s24 =	sadd.s32 s13, s24;
	s18 =	sadd.s32 s18, s11  }
0x18: {  	[dreg:$0xc] =	wrdreg s24;
	s25 =	sshrl.u32 s25, $0x3;
	s18 =	sshrl.u32 s18, $0x3  }
0x19: {  	s24 =	sadd.s32 s13, s25;
	s25 =	simm.s32 $0x0;
	s13 =	sadd.s32 s13, s18  }
0x1a: {  	s18 =	sshll.u32 s12, $0x4;
	s12 =	smul.u32 $0x28000, s12;
	[dreg:$0xd] =	wrdreg s24  }
0x1b: {  	[dreg:$0xe] =	wrdreg s13;
	s13 =	sor.u32 s26, s18;
	s18 =	smul.u32 $0x2800, s26  }
0x1c: {  	s17 =	sshll.u32 s17, $0x4;
	s29 =	sshll.u32 s22, $0x4;
	[smem:$0x7FF] =	sst s25  }
0x1d: {  	s24 =	sshll.u32 s20, $0x4;
	s25 =	sshll.u32 s21, $0x4;
	s22 =	sadd.s32 s18, s12  }
0x1e: {  	s21 =	rddreg [dreg:$0x1];
	s26 =	sadd.s32 s12, s14;
	s20 =	sshrl.u32 s22, $0x3  }
0x1f: {  	s19 =	sshll.u32 s19, $0x4;
	s26 =	sshrl.u32 s26, $0x3;
	s20 =	sadd.s32 s21, s20  }
0x20: {  	s22 =	sadd.s32 s12, s15;
	[dreg:$0xf] =	wrdreg s20;
	s20 =	sadd.s32 s21, s26  }
0x21: {  	s26 =	sadd.s32 s12, s16;
	[dreg:$0x10] =	wrdreg s20;
	s20 =	sshrl.u32 s22, $0x3  }
0x22: {  	s22 =	sshrl.u32 s26, $0x3;
	s26 =	sadd.s32 s12, s17;
	s20 =	sadd.s32 s21, s20  }
0x23: {  	s22 =	sadd.s32 s21, s22;
	s26 =	sshrl.u32 s26, $0x3;
	[dreg:$0x11] =	wrdreg s20  }
0x24: {  	[dreg:$0x12] =	wrdreg s22;
	s20 =	sadd.s32 s21, s26;
	s22 =	sadd.s32 s12, s19  }
0x25: {  	s26 =	sadd.s32 s12, s24;
	[dreg:$0x13] =	wrdreg s20;
	s20 =	sshrl.u32 s22, $0x3  }
0x26: {  	s28 =	sadd.s32 $0x33000, s1;
	s22 =	sshrl.u32 s26, $0x3;
	s20 =	sadd.s32 s21, s20  }
0x27: {  	s26 =	sadd.s32 s12, s25;
	s22 =	sadd.s32 s21, s22;
	[dreg:$0x14] =	wrdreg s20  }
0x28: {  	s23 =	sshll.u32 s23, $0x4;
	[dreg:$0x15] =	wrdreg s22;
	s22 =	sshrl.u32 s26, $0x3  }
0x29: {  	s26 =	sadd.s32 s12, s29;
	s20 =	sadd.s32 s21, s22;
	s22 =	rddreg [dreg:$0x3]  }
0x2a: {  	s12 =	sadd.s32 s12, s23;
	s26 =	sshrl.u32 s26, $0x3;
	[dreg:$0x16] =	wrdreg s20  }
0x2b: {  	s12 =	sshrl.u32 s12, $0x3;
	s20 =	rddreg [dreg:$0x2];
	s26 =	sadd.s32 s21, s26  }
0x2c: {  	s0 =	smax.u32 s0, $0x1;
	s12 =	sadd.s32 s21, s12;
	[dreg:$0x17] =	wrdreg s26  }
0x2d: {  	s21 =	sadd.s32 $0x1200, s1;
	s30 =	sadd.s32 s15, s22;
	[dreg:$0x18] =	wrdreg s12  }
0x2e: {  	s15 =	sadd.s32 s17, s22;
	_ =	strace $0x8000004A;
	[dreg:$0x1a] =	wrdreg s21  }
0x2f: {  	s19 =	sadd.s32 s19, s22;
	s10 =	sadd.s32 s10, s20;
	[smem:$0x7F6] =	sst s0  }
0x30: {  	s24 =	sadd.s32 s24, s22;
	s23 =	sadd.s32 s23, s22;
	[smem:$0x7FA] =	sst s10  }
0x31: {  	s12 =	smul.u32 $0xA0, s13;
	s21 =	sadd.s32 $0x38000, s1;
	[smem:$0x7FD] =	sst s23  }
0x32: {  	s26 =	sadd.s32 $0xB000, s1;
	s1 =	sadd.s32 $0x41E00, s1;
	[dreg:$0x1b] =	wrdreg s21  }
0x33: {  	s3 =	sadd.s32 s3, s20;
	s8 =	sadd.s32 s8, s20;
	[dreg:$0x1c] =	wrdreg s1  }
0x34: {  	[dreg:$0x19] =	wrdreg s12;
	s13 =	ssub.s32 $0x1388, s12;
	s12 =	sadd.s32 s14, s22  }
0x35: {  	s21 =	sadd.s32 s7, s20;
	s14 =	sadd.s32 s4, s20;
	s4 =	simm.s32 $0x0  }
0x36: {  	s1 =	smin.u32 s13, $0xA0;
	s13 =	sadd.s32 s16, s22;
	s17 =	smov.u32 s12  }
0x37: {  	s16 =	smov.u32 s3;
	s12 =	sadd.s32 s5, s20;
	[smem:$0x7F5] =	sst s1  }
0x38: {  	s1 =	sadd.s32 s6, s20;
	s6 =	sadd.s32 s18, s22;
	[dreg:$0x1f] =	wrdreg s16  }
0x39: {  	s18 =	sadd.s32 s2, s20;
	s2 =	simm.s32 $0x40;
	[smem:$0x7F8] =	sst s17  }
0x3a: {  	s7 =	smov.u32 s6;
	s6 =	smov.u32 s21;
	s5 =	smov.u32 s1  }
0x3b: {  	s21 =	sadd.s32 s9, s20;
	s9 =	sadd.s32 s25, s22;
	[dreg:$0x1d] =	wrdreg s5  }
.Ltmp0:
0x3c: {  	s25 =	sadd.s32 s29, s22;
	[dreg:$0x1e] =	wrdreg s7;
	(pc) =	sbr.rel .LBB2_1-.Ltmp0, $4  }
0x3d: {  	s29 =	sadd.s32 s11, s20;
	s0 =	smov.u32 s9;
	[smem:$0x7FB] =	sst s25  }
0x3e: {  	s9 =	smov.u32 s14;
	s14 =	simm.s32 $0x0;
	[smem:$0x7FC] =	sst s29  }
0x3f: {  	s11 =	smov.u32 s15;
	s1 =	smov.u32 s13;
	[smem:$0x7F7] =	sst s14  }
0x40: {  	s13 =	simm.s32 $0x1400;
	s15 =	simm.s32 $0x7400;
	[smem:$0x7F9] =	sst s0  }
.LBB2_7:
0x41: {  	[bflag:$0x0] =	sbarrier.arrive $0xFFFF  }
0x42: {  	s5 =	rddreg [dreg:$0x1d]  }
0x43: {  	[tilespmem:s13], [sflag:$0xA] =	stream.linear.gather [spmem:s5], $0x2000, $0x38;
	[tilespmem:$0x1F400] =	vst v63  }
0x44: {  	_ =	swait.ge [sflag:s31], $0x2000  }
0x45: {  	[sflag:s31] =	ssyncset.done $0x0  }
0x46: {  	s4 =	simm.s32 $0x0;
	s3 =	rddreg [dreg:$0x5];
	[sflag:s31] =	ssyncadd.s32 $0xFFFFE000  }
0x47: {  	[hbm4b:s3+s4] =	stream.linear.scatter [tilespmem:s13], [sflag:$0xA], $0x2000, $0x38;
	[tilespmem:$0x1F400] =	vst v63  }
0x48: {  	_ =	swait.ge [sflag:s31], $0x2000  }
0x49: {  	[sflag:s31] =	ssyncset.done $0x0  }
0x4a: {  	s7 =	rddreg [dreg:$0x1e];
	[sflag:s31] =	ssyncadd.s32 $0xFFFFE000  }
0x4b: {  	[tilespmem:s15], [sflag:$0xA] =	stream.linear.gather [spmem:s7], $0x400, $0x38;
	[tilespmem:$0x1F400] =	vst v63  }
0x4c: {  	_ =	swait.ge [sflag:s31], $0x400  }
0x4d: {  	[sflag:s31] =	ssyncset.done $0x0  }
0x4e: {  	s17 =	rddreg [dreg:$0xf];
	[sflag:s31] =	ssyncadd.s32 $0xFFFFFC00  }
0x4f: {  	[hbm4b:s17+s4] =	stream.linear.scatter [tilespmem:s15], [sflag:$0xA], $0x400, $0x38;
	[tilespmem:$0x1F400] =	vst v63  }
0x50: {  	_ =	swait.ge [sflag:s31], $0x400  }
0x51: {  	[sflag:s31] =	ssyncset.done $0x0  }
0x52: {  	s16 =	rddreg [dreg:$0x1f];
	[sflag:s31] =	ssyncadd.s32 $0xFFFFFC00  }
0x53: {  	[tilespmem:s13], [sflag:$0xA] =	stream.linear.gather [spmem:s16], $0x2000, $0x38;
	[tilespmem:$0x1F400] =	vst v63  }
0x54: {  	_ =	swait.ge [sflag:s31], $0x2000  }
0x55: {  	[sflag:s31] =	ssyncset.done $0x0  }
0x56: {  	s0 =	rddreg [dreg:$0x6];
	[sflag:s31] =	ssyncadd.s32 $0xFFFFE000  }
0x57: {  	[hbm4b:s0+s4] =	stream.linear.scatter [tilespmem:s13], [sflag:$0xA], $0x2000, $0x38;
	[tilespmem:$0x1F400] =	vst v63  }
0x58: {  	_ =	swait.ge [sflag:s31], $0x2000  }
0x59: {  	s17 =	sld [smem:$0x7F8]  }
0x5a: {  	[sflag:s31] =	ssyncset.done $0x0  }
0x5b: {  	[sflag:s31] =	ssyncadd.s32 $0xFFFFE000  }
0x5c: {  	[tilespmem:s15], [sflag:$0xA] =	stream.linear.gather [spmem:s17], $0x400, $0x38;
	[tilespmem:$0x1F400] =	vst v63  }
0x5d: {  	_ =	swait.ge [sflag:s31], $0x400  }
0x5e: {  	[sflag:s31] =	ssyncset.done $0x0  }
0x5f: {  	s14 =	rddreg [dreg:$0x10];
	[sflag:s31] =	ssyncadd.s32 $0xFFFFFC00  }
0x60: {  	[hbm4b:s14+s4] =	stream.linear.scatter [tilespmem:s15], [sflag:$0xA], $0x400, $0x38;
	[tilespmem:$0x1F400] =	vst v63  }
0x61: {  	_ =	swait.ge [sflag:s31], $0x400  }
0x62: {  	[sflag:s31] =	ssyncset.done $0x0  }
0x63: {  	[sflag:s31] =	ssyncadd.s32 $0xFFFFFC00  }
0x64: {  	[tilespmem:s13], [sflag:$0xA] =	stream.linear.gather [spmem:s18], $0x2000, $0x38;
	[tilespmem:$0x1F400] =	vst v63  }
0x65: {  	_ =	swait.ge [sflag:s31], $0x2000  }
0x66: {  	[sflag:s31] =	ssyncset.done $0x0  }
0x67: {  	s0 =	rddreg [dreg:$0x7];
	[sflag:s31] =	ssyncadd.s32 $0xFFFFE000  }
0x68: {  	[hbm4b:s0+s4] =	stream.linear.scatter [tilespmem:s13], [sflag:$0xA], $0x2000, $0x38;
	[tilespmem:$0x1F400] =	vst v63  }
0x69: {  	_ =	swait.ge [sflag:s31], $0x2000  }
0x6a: {  	[sflag:s31] =	ssyncset.done $0x0  }
0x6b: {  	[sflag:s31] =	ssyncadd.s32 $0xFFFFE000  }
0x6c: {  	[tilespmem:s15], [sflag:$0xA] =	stream.linear.gather [spmem:s30], $0x400, $0x38;
	[tilespmem:$0x1F400] =	vst v63  }
0x6d: {  	_ =	swait.ge [sflag:s31], $0x400  }
0x6e: {  	[sflag:s31] =	ssyncset.done $0x0  }
0x6f: {  	s14 =	rddreg [dreg:$0x11];
	[sflag:s31] =	ssyncadd.s32 $0xFFFFFC00  }
0x70: {  	[hbm4b:s14+s4] =	stream.linear.scatter [tilespmem:s15], [sflag:$0xA], $0x400, $0x38;
	[tilespmem:$0x1F400] =	vst v63  }
0x71: {  	_ =	swait.ge [sflag:s31], $0x400  }
0x72: {  	[sflag:s31] =	ssyncset.done $0x0  }
0x73: {  	[sflag:s31] =	ssyncadd.s32 $0xFFFFFC00  }
0x74: {  	[tilespmem:s13], [sflag:$0xA] =	stream.linear.gather [spmem:s6], $0x2000, $0x38;
	[tilespmem:$0x1F400] =	vst v63  }
0x75: {  	_ =	swait.ge [sflag:s31], $0x2000  }
0x76: {  	[sflag:s31] =	ssyncset.done $0x0  }
0x77: {  	s0 =	rddreg [dreg:$0x8];
	[sflag:s31] =	ssyncadd.s32 $0xFFFFE000  }
0x78: {  	[hbm4b:s0+s4] =	stream.linear.scatter [tilespmem:s13], [sflag:$0xA], $0x2000, $0x38;
	[tilespmem:$0x1F400] =	vst v63  }
0x79: {  	_ =	swait.ge [sflag:s31], $0x2000  }
0x7a: {  	[sflag:s31] =	ssyncset.done $0x0  }
0x7b: {  	[sflag:s31] =	ssyncadd.s32 $0xFFFFE000  }
0x7c: {  	[tilespmem:s15], [sflag:$0xA] =	stream.linear.gather [spmem:s1], $0x400, $0x38;
	[tilespmem:$0x1F400] =	vst v63  }
0x7d: {  	_ =	swait.ge [sflag:s31], $0x400  }
0x7e: {  	[sflag:s31] =	ssyncset.done $0x0  }
0x7f: {  	s14 =	rddreg [dreg:$0x12];
	[sflag:s31] =	ssyncadd.s32 $0xFFFFFC00  }
0x80: {  	[hbm4b:s14+s4] =	stream.linear.scatter [tilespmem:s15], [sflag:$0xA], $0x400, $0x38;
	[tilespmem:$0x1F400] =	vst v63  }
0x81: {  	_ =	swait.ge [sflag:s31], $0x400  }
0x82: {  	[sflag:s31] =	ssyncset.done $0x0  }
0x83: {  	[sflag:s31] =	ssyncadd.s32 $0xFFFFFC00  }
0x84: {  	[tilespmem:s13], [sflag:$0xA] =	stream.linear.gather [spmem:s9], $0x2000, $0x38;
	[tilespmem:$0x1F400] =	vst v63  }
0x85: {  	_ =	swait.ge [sflag:s31], $0x2000  }
0x86: {  	[sflag:s31] =	ssyncset.done $0x0  }
0x87: {  	s0 =	rddreg [dreg:$0x9];
	[sflag:s31] =	ssyncadd.s32 $0xFFFFE000  }
0x88: {  	[hbm4b:s0+s4] =	stream.linear.scatter [tilespmem:s13], [sflag:$0xA], $0x2000, $0x38;
	[tilespmem:$0x1F400] =	vst v63  }
0x89: {  	_ =	swait.ge [sflag:s31], $0x2000  }
0x8a: {  	[sflag:s31] =	ssyncset.done $0x0  }
0x8b: {  	[sflag:s31] =	ssyncadd.s32 $0xFFFFE000  }
0x8c: {  	[tilespmem:s15], [sflag:$0xA] =	stream.linear.gather [spmem:s11], $0x400, $0x38;
	[tilespmem:$0x1F400] =	vst v63  }
0x8d: {  	_ =	swait.ge [sflag:s31], $0x400  }
0x8e: {  	[sflag:s31] =	ssyncset.done $0x0  }
0x8f: {  	s14 =	rddreg [dreg:$0x13];
	[sflag:s31] =	ssyncadd.s32 $0xFFFFFC00  }
0x90: {  	[hbm4b:s14+s4] =	stream.linear.scatter [tilespmem:s15], [sflag:$0xA], $0x400, $0x38;
	[tilespmem:$0x1F400] =	vst v63  }
0x91: {  	_ =	swait.ge [sflag:s31], $0x400  }
0x92: {  	[sflag:s31] =	ssyncset.done $0x0  }
0x93: {  	[sflag:s31] =	ssyncadd.s32 $0xFFFFFC00  }
0x94: {  	[tilespmem:s13], [sflag:$0xA] =	stream.linear.gather [spmem:s12], $0x2000, $0x38;
	[tilespmem:$0x1F400] =	vst v63  }
0x95: {  	_ =	swait.ge [sflag:s31], $0x2000  }
0x96: {  	[sflag:s31] =	ssyncset.done $0x0  }
0x97: {  	s0 =	rddreg [dreg:$0xa];
	[sflag:s31] =	ssyncadd.s32 $0xFFFFE000  }
0x98: {  	[hbm4b:s0+s4] =	stream.linear.scatter [tilespmem:s13], [sflag:$0xA], $0x2000, $0x38;
	[tilespmem:$0x1F400] =	vst v63  }
0x99: {  	_ =	swait.ge [sflag:s31], $0x2000  }
0x9a: {  	[sflag:s31] =	ssyncset.done $0x0  }
0x9b: {  	[sflag:s31] =	ssyncadd.s32 $0xFFFFE000  }
0x9c: {  	[tilespmem:s15], [sflag:$0xA] =	stream.linear.gather [spmem:s19], $0x400, $0x38;
	[tilespmem:$0x1F400] =	vst v63  }
0x9d: {  	_ =	swait.ge [sflag:s31], $0x400  }
0x9e: {  	[sflag:s31] =	ssyncset.done $0x0  }
0x9f: {  	s14 =	rddreg [dreg:$0x14];
	[sflag:s31] =	ssyncadd.s32 $0xFFFFFC00  }
0xa0: {  	[hbm4b:s14+s4] =	stream.linear.scatter [tilespmem:s15], [sflag:$0xA], $0x400, $0x38;
	[tilespmem:$0x1F400] =	vst v63  }
0xa1: {  	_ =	swait.ge [sflag:s31], $0x400  }
0xa2: {  	[sflag:s31] =	ssyncset.done $0x0  }
0xa3: {  	[sflag:s31] =	ssyncadd.s32 $0xFFFFFC00  }
0xa4: {  	[tilespmem:s13], [sflag:$0xA] =	stream.linear.gather [spmem:s8], $0x2000, $0x38;
	[tilespmem:$0x1F400] =	vst v63  }
0xa5: {  	_ =	swait.ge [sflag:s31], $0x2000  }
0xa6: {  	[sflag:s31] =	ssyncset.done $0x0  }
0xa7: {  	s0 =	rddreg [dreg:$0xb];
	[sflag:s31] =	ssyncadd.s32 $0xFFFFE000  }
0xa8: {  	[hbm4b:s0+s4] =	stream.linear.scatter [tilespmem:s13], [sflag:$0xA], $0x2000, $0x38;
	[tilespmem:$0x1F400] =	vst v63  }
0xa9: {  	_ =	swait.ge [sflag:s31], $0x2000  }
0xaa: {  	[sflag:s31] =	ssyncset.done $0x0  }
0xab: {  	[sflag:s31] =	ssyncadd.s32 $0xFFFFE000  }
0xac: {  	[tilespmem:s15], [sflag:$0xA] =	stream.linear.gather [spmem:s24], $0x400, $0x38;
	[tilespmem:$0x1F400] =	vst v63  }
0xad: {  	_ =	swait.ge [sflag:s31], $0x400  }
0xae: {  	[sflag:s31] =	ssyncset.done $0x0  }
0xaf: {  	s14 =	rddreg [dreg:$0x15];
	[sflag:s31] =	ssyncadd.s32 $0xFFFFFC00  }
0xb0: {  	[hbm4b:s14+s4] =	stream.linear.scatter [tilespmem:s15], [sflag:$0xA], $0x400, $0x38;
	[tilespmem:$0x1F400] =	vst v63  }
0xb1: {  	_ =	swait.ge [sflag:s31], $0x400  }
0xb2: {  	[sflag:s31] =	ssyncset.done $0x0  }
0xb3: {  	[sflag:s31] =	ssyncadd.s32 $0xFFFFFC00  }
0xb4: {  	[tilespmem:s13], [sflag:$0xA] =	stream.linear.gather [spmem:s21], $0x2000, $0x38;
	[tilespmem:$0x1F400] =	vst v63  }
0xb5: {  	_ =	swait.ge [sflag:s31], $0x2000  }
0xb6: {  	[sflag:s31] =	ssyncset.done $0x0  }
0xb7: {  	s0 =	rddreg [dreg:$0xc];
	[sflag:s31] =	ssyncadd.s32 $0xFFFFE000  }
0xb8: {  	[hbm4b:s0+s4] =	stream.linear.scatter [tilespmem:s13], [sflag:$0xA], $0x2000, $0x38;
	[tilespmem:$0x1F400] =	vst v63  }
0xb9: {  	_ =	swait.ge [sflag:s31], $0x2000  }
0xba: {  	s0 =	sld [smem:$0x7F9]  }
0xbb: {  	[sflag:s31] =	ssyncset.done $0x0  }
0xbc: {  	[sflag:s31] =	ssyncadd.s32 $0xFFFFE000  }
0xbd: {  	[tilespmem:s15], [sflag:$0xA] =	stream.linear.gather [spmem:s0], $0x400, $0x38;
	[tilespmem:$0x1F400] =	vst v63  }
0xbe: {  	_ =	swait.ge [sflag:s31], $0x400  }
0xbf: {  	[sflag:s31] =	ssyncset.done $0x0  }
0xc0: {  	s14 =	rddreg [dreg:$0x16];
	[sflag:s31] =	ssyncadd.s32 $0xFFFFFC00  }
0xc1: {  	[hbm4b:s14+s4] =	stream.linear.scatter [tilespmem:s15], [sflag:$0xA], $0x400, $0x38;
	[tilespmem:$0x1F400] =	vst v63  }
0xc2: {  	_ =	swait.ge [sflag:s31], $0x400  }
0xc3: {  	[sflag:s31] =	ssyncset.done $0x0  }
0xc4: {  	[sflag:s31] =	ssyncadd.s32 $0xFFFFFC00  }
0xc5: {  	[tilespmem:s13], [sflag:$0xA] =	stream.linear.gather [spmem:s10], $0x2000, $0x38;
	[tilespmem:$0x1F400] =	vst v63  }
0xc6: {  	_ =	swait.ge [sflag:s31], $0x2000  }
0xc7: {  	[sflag:s31] =	ssyncset.done $0x0  }
0xc8: {  	s14 =	rddreg [dreg:$0xd];
	[sflag:s31] =	ssyncadd.s32 $0xFFFFE000  }
0xc9: {  	[hbm4b:s14+s4] =	stream.linear.scatter [tilespmem:s13], [sflag:$0xA], $0x2000, $0x38;
	[tilespmem:$0x1F400] =	vst v63  }
0xca: {  	_ =	swait.ge [sflag:s31], $0x2000  }
0xcb: {  	[sflag:s31] =	ssyncset.done $0x0  }
0xcc: {  	[sflag:s31] =	ssyncadd.s32 $0xFFFFE000  }
0xcd: {  	[tilespmem:s15], [sflag:$0xA] =	stream.linear.gather [spmem:s25], $0x400, $0x38;
	[tilespmem:$0x1F400] =	vst v63  }
0xce: {  	_ =	swait.ge [sflag:s31], $0x400  }
0xcf: {  	[sflag:s31] =	ssyncset.done $0x0  }
0xd0: {  	s14 =	rddreg [dreg:$0x17];
	[sflag:s31] =	ssyncadd.s32 $0xFFFFFC00  }
0xd1: {  	[hbm4b:s14+s4] =	stream.linear.scatter [tilespmem:s15], [sflag:$0xA], $0x400, $0x38;
	[tilespmem:$0x1F400] =	vst v63  }
0xd2: {  	_ =	swait.ge [sflag:s31], $0x400  }
0xd3: {  	[sflag:s31] =	ssyncset.done $0x0  }
0xd4: {  	[sflag:s31] =	ssyncadd.s32 $0xFFFFFC00  }
0xd5: {  	[tilespmem:s13], [sflag:$0xA] =	stream.linear.gather [spmem:s29], $0x2000, $0x38;
	[tilespmem:$0x1F400] =	vst v63  }
0xd6: {  	_ =	swait.ge [sflag:s31], $0x2000  }
0xd7: {  	[sflag:s31] =	ssyncset.done $0x0  }
0xd8: {  	s14 =	rddreg [dreg:$0xe];
	[sflag:s31] =	ssyncadd.s32 $0xFFFFE000  }
0xd9: {  	[hbm4b:s14+s4] =	stream.linear.scatter [tilespmem:s13], [sflag:$0xA], $0x2000, $0x38;
	[tilespmem:$0x1F400] =	vst v63  }
0xda: {  	_ =	swait.ge [sflag:s31], $0x2000  }
0xdb: {  	[sflag:s31] =	ssyncset.done $0x0  }
0xdc: {  	[sflag:s31] =	ssyncadd.s32 $0xFFFFE000  }
0xdd: {  	[tilespmem:s15], [sflag:$0xA] =	stream.linear.gather [spmem:s23], $0x400, $0x38;
	[tilespmem:$0x1F400] =	vst v63  }
0xde: {  	_ =	swait.ge [sflag:s31], $0x400  }
0xdf: {  	[sflag:s31] =	ssyncset.done $0x0  }
0xe0: {  	s14 =	rddreg [dreg:$0x18];
	[sflag:s31] =	ssyncadd.s32 $0xFFFFFC00  }
0xe1: {  	[hbm4b:s14+s4] =	stream.linear.scatter [tilespmem:s15], [sflag:$0xA], $0x400, $0x38;
	[tilespmem:$0x1F400] =	vst v63  }
0xe2: {  	_ =	swait.ge [sflag:s31], $0x400  }
0xe3: {  	s14 =	sld [smem:$0x7F7]  }
0xe4: {  	s3 =	sld [smem:$0x7F6];
	_ =	sdelay $0x1  }
0xe5: {  	s14 =	sadd.s32 $0x1, s14  }
0xe6: {  	p0 =	sne.s32 s14, s3  }
.Ltmp1:
0xe7: {  	_ = 	snop;
	(pc) =	sbr.rel @!p0 .LBB2_8-.Ltmp1, $3  }
0xe8: {  	_ =	sdelay $0x1  }
0xe9: {  	[sflag:s31] =	ssyncset.done $0x0  }
0xea: {  	[sflag:s31] =	ssyncadd.s32 $0xFFFFFC00;
	[smem:$0x7F7] =	sst s14  }
.LBB2_1:
0xeb: {  	s3 =	rddreg [dreg:$0x1c]  }
0xec: {  	[tilespmem:s13], [sflag:$0xA] =	stream.linear.gather [hbm4b:s3+s4], $0x2000, $0x38;
	[tilespmem:$0x1F400] =	vst v63  }
0xed: {  	_ =	swait.ge [sflag:s31], $0x2000  }
0xee: {  	[sflag:s31] =	ssyncset.done $0x0  }
0xef: {  	s14 =	simm.s32 $0x80;
	s4 =	simm.s32 $0x10;
	[sflag:s31] =	ssyncadd.s32 $0xFFFFE000  }
0xf0: {  	[tilespmem:s15], [sflag:$0xA] =	stream.strided.gather [hbm4b:s3+s4], $0x400, s14, s4, $0x38;
	[tilespmem:$0x1F400] =	vst v63  }
0xf1: {  	_ =	swait.ge [sflag:s31], $0x400  }
0xf2: {  	[sflag:s31] =	ssyncset.done $0x0  }
0xf3: {  	[sflag:s31] =	ssyncadd.s32 $0xFFFFFC00  }
0xf4: {  	[spmem:s5] =	stream.linear.scatter [tilespmem:s13], [sflag:$0xA], $0x2000, $0x38;
	[tilespmem:$0x1F400] =	vst v63  }
0xf5: {  	_ =	swait.ge [sflag:s31], $0x2000  }
0xf6: {  	[sflag:s31] =	ssyncset.done $0x0  }
0xf7: {  	[sflag:s31] =	ssyncadd.s32 $0xFFFFE000  }
0xf8: {  	[spmem:s7] =	stream.linear.scatter [tilespmem:s15], [sflag:$0xA], $0x400, $0x38;
	[tilespmem:$0x1F400] =	vst v63  }
0xf9: {  	_ =	swait.ge [sflag:s31], $0x400  }
0xfa: {  	[sflag:s31] =	ssyncset.done $0x0  }
0xfb: {  	[sflag:s31] =	ssyncadd.s32 $0xFFFFFC00  }
0xfc: {  	[spmem:s16] =	stream.linear.scatter [tilespmem:s13], [sflag:$0xA], $0x2000, $0x38;
	[tilespmem:$0x1F400] =	vst v63  }
0xfd: {  	_ =	swait.ge [sflag:s31], $0x2000  }
0xfe: {  	[sflag:s31] =	ssyncset.done $0x0  }
0xff: {  	[sflag:s31] =	ssyncadd.s32 $0xFFFFE000  }
0x100: {  	[spmem:s17] =	stream.linear.scatter [tilespmem:s15], [sflag:$0xA], $0x400, $0x38;
	[tilespmem:$0x1F400] =	vst v63  }
0x101: {  	_ =	swait.ge [sflag:s31], $0x400  }
0x102: {  	[sflag:s31] =	ssyncset.done $0x0  }
0x103: {  	[sflag:s31] =	ssyncadd.s32 $0xFFFFFC00  }
0x104: {  	[spmem:s18] =	stream.linear.scatter [tilespmem:s13], [sflag:$0xA], $0x2000, $0x38;
	[tilespmem:$0x1F400] =	vst v63  }
0x105: {  	_ =	swait.ge [sflag:s31], $0x2000  }
0x106: {  	[sflag:s31] =	ssyncset.done $0x0  }
0x107: {  	[sflag:s31] =	ssyncadd.s32 $0xFFFFE000  }
0x108: {  	[spmem:s30] =	stream.linear.scatter [tilespmem:s15], [sflag:$0xA], $0x400, $0x38;
	[tilespmem:$0x1F400] =	vst v63  }
0x109: {  	_ =	swait.ge [sflag:s31], $0x400  }
0x10a: {  	[sflag:s31] =	ssyncset.done $0x0  }
0x10b: {  	[sflag:s31] =	ssyncadd.s32 $0xFFFFFC00  }
0x10c: {  	[spmem:s6] =	stream.linear.scatter [tilespmem:s13], [sflag:$0xA], $0x2000, $0x38;
	[tilespmem:$0x1F400] =	vst v63  }
0x10d: {  	_ =	swait.ge [sflag:s31], $0x2000  }
0x10e: {  	[sflag:s31] =	ssyncset.done $0x0  }
0x10f: {  	[sflag:s31] =	ssyncadd.s32 $0xFFFFE000  }
0x110: {  	[spmem:s1] =	stream.linear.scatter [tilespmem:s15], [sflag:$0xA], $0x400, $0x38;
	[tilespmem:$0x1F400] =	vst v63  }
0x111: {  	_ =	swait.ge [sflag:s31], $0x400  }
0x112: {  	[sflag:s31] =	ssyncset.done $0x0  }
0x113: {  	[sflag:s31] =	ssyncadd.s32 $0xFFFFFC00  }
0x114: {  	[spmem:s9] =	stream.linear.scatter [tilespmem:s13], [sflag:$0xA], $0x2000, $0x38;
	[tilespmem:$0x1F400] =	vst v63  }
0x115: {  	_ =	swait.ge [sflag:s31], $0x2000  }
0x116: {  	[sflag:s31] =	ssyncset.done $0x0  }
0x117: {  	[sflag:s31] =	ssyncadd.s32 $0xFFFFE000  }
0x118: {  	[spmem:s11] =	stream.linear.scatter [tilespmem:s15], [sflag:$0xA], $0x400, $0x38;
	[tilespmem:$0x1F400] =	vst v63  }
0x119: {  	_ =	swait.ge [sflag:s31], $0x400  }
0x11a: {  	[sflag:s31] =	ssyncset.done $0x0  }
0x11b: {  	[sflag:s31] =	ssyncadd.s32 $0xFFFFFC00  }
0x11c: {  	[spmem:s12] =	stream.linear.scatter [tilespmem:s13], [sflag:$0xA], $0x2000, $0x38;
	[tilespmem:$0x1F400] =	vst v63  }
0x11d: {  	_ =	swait.ge [sflag:s31], $0x2000  }
0x11e: {  	[sflag:s31] =	ssyncset.done $0x0  }
0x11f: {  	[sflag:s31] =	ssyncadd.s32 $0xFFFFE000  }
0x120: {  	[spmem:s19] =	stream.linear.scatter [tilespmem:s15], [sflag:$0xA], $0x400, $0x38;
	[tilespmem:$0x1F400] =	vst v63  }
0x121: {  	_ =	swait.ge [sflag:s31], $0x400  }
0x122: {  	[sflag:s31] =	ssyncset.done $0x0  }
0x123: {  	[sflag:s31] =	ssyncadd.s32 $0xFFFFFC00  }
0x124: {  	[spmem:s8] =	stream.linear.scatter [tilespmem:s13], [sflag:$0xA], $0x2000, $0x38;
	[tilespmem:$0x1F400] =	vst v63  }
0x125: {  	_ =	swait.ge [sflag:s31], $0x2000  }
0x126: {  	[sflag:s31] =	ssyncset.done $0x0  }
0x127: {  	[sflag:s31] =	ssyncadd.s32 $0xFFFFE000  }
0x128: {  	[spmem:s24] =	stream.linear.scatter [tilespmem:s15], [sflag:$0xA], $0x400, $0x38;
	[tilespmem:$0x1F400] =	vst v63  }
0x129: {  	_ =	swait.ge [sflag:s31], $0x400  }
0x12a: {  	[sflag:s31] =	ssyncset.done $0x0  }
0x12b: {  	[sflag:s31] =	ssyncadd.s32 $0xFFFFFC00  }
0x12c: {  	[spmem:s21] =	stream.linear.scatter [tilespmem:s13], [sflag:$0xA], $0x2000, $0x38;
	[tilespmem:$0x1F400] =	vst v63  }
0x12d: {  	_ =	swait.ge [sflag:s31], $0x2000  }
0x12e: {  	[sflag:s31] =	ssyncset.done $0x0  }
0x12f: {  	[sflag:s31] =	ssyncadd.s32 $0xFFFFE000  }
0x130: {  	[spmem:s0] =	stream.linear.scatter [tilespmem:s15], [sflag:$0xA], $0x400, $0x38;
	[tilespmem:$0x1F400] =	vst v63  }
0x131: {  	_ =	swait.ge [sflag:s31], $0x400  }
0x132: {  	[sflag:s31] =	ssyncset.done $0x0  }
0x133: {  	[sflag:s31] =	ssyncadd.s32 $0xFFFFFC00  }
0x134: {  	[spmem:s10] =	stream.linear.scatter [tilespmem:s13], [sflag:$0xA], $0x2000, $0x38;
	[tilespmem:$0x1F400] =	vst v63  }
0x135: {  	_ =	swait.ge [sflag:s31], $0x2000  }
0x136: {  	[sflag:s31] =	ssyncset.done $0x0  }
0x137: {  	[sflag:s31] =	ssyncadd.s32 $0xFFFFE000  }
0x138: {  	[spmem:s25] =	stream.linear.scatter [tilespmem:s15], [sflag:$0xA], $0x400, $0x38;
	[tilespmem:$0x1F400] =	vst v63  }
0x139: {  	_ =	swait.ge [sflag:s31], $0x400  }
0x13a: {  	[sflag:s31] =	ssyncset.done $0x0  }
0x13b: {  	[sflag:s31] =	ssyncadd.s32 $0xFFFFFC00  }
0x13c: {  	[spmem:s29] =	stream.linear.scatter [tilespmem:s13], [sflag:$0xA], $0x2000, $0x38;
	[tilespmem:$0x1F400] =	vst v63  }
0x13d: {  	_ =	swait.ge [sflag:s31], $0x2000  }
0x13e: {  	[sflag:s31] =	ssyncset.done $0x0  }
0x13f: {  	[sflag:s31] =	ssyncadd.s32 $0xFFFFE000  }
0x140: {  	[spmem:s23] =	stream.linear.scatter [tilespmem:s15], [sflag:$0xA], $0x400, $0x38;
	[tilespmem:$0x1F400] =	vst v63  }
.Ltmp2:
0x141: {  	_ =	swait.ge [sflag:s31], $0x400;
	(pc) =	sbr.rel .LBB2_2-.Ltmp2, $4  }
0x142: {  	[sflag:s31] =	ssyncset.done $0x0  }
0x143: {  	[sflag:s31] =	ssyncadd.s32 $0xFFFFFC00  }
0x144: {  	[bflag:$0x0] =	sbarrier.arrive $0xFFFF  }
0x145: {  	s17 =	simm.s32 $0x0  }
.LBB2_6:
0x146: {  	s17 =	sadd.s32 $0x1, s17  }
0x147: {  	p0 =	sne.s32 s17, $0x4  }
.Ltmp3:
0x148: {  	_ = 	snop;
	(pc) =	sbr.rel @!p0 .LBB2_7-.Ltmp3, $1  }
0x149: {  	_ =	sdelay $0x3  }
.LBB2_2:
0x14a: {  	s0 =	sld [smem:$0x7F5]  }
0x14b: {  	s5 =	smul.u32 $0x28, s17;
	_ =	sdelay $0x1  }
0x14c: {  	s4 =	ssub.s32 s0, s5  }
0x14d: {  	p0 =	slt.s32 s4, $0x1  }
.Ltmp4:
0x14e: {  	_ = 	snop;
	(pc) =	sbr.rel @p0 .LBB2_6-.Ltmp4, $1  }
0x14f: {  	_ =	sdelay $0x3  }
0x150: {  	s3 =	rddreg [dreg:$0x19]  }
0x151: {  	s5 =	sadd.s32 s3, s5  }
0x152: {  	s25 =	rddreg [dreg:$0x1a];
	s5 =	sshll.u32 s5, $0x3  }
0x153: {  	s16 =	simm.s32 $0x0;
	s7 =	sadd.s32 s25, s5  }
0x154: {  	[tilespmem:s16], [sflag:$0xA] =	stream.linear.gather [hbm4b:s7+s16], $0xA00, $0x38;
	[tilespmem:$0x1F400] =	vst v63  }
0x155: {  	s15 =	smov.u32 s24;
	_ =	swait.ge [sflag:s31], $0xA00  }
0x156: {  	s24 =	smov.u32 s30;
	[sflag:s31] =	ssyncset.done $0x0;
	s30 =	rddreg [dreg:$0x1b]  }
0x157: {  	s7 =	simm.s32 $0xA00;
	[sflag:s31] =	ssyncadd.s32 $0xFFFFF600;
	s5 =	sadd.s32 s30, s5  }
0x158: {  	[tilespmem:s7], [sflag:$0xA] =	stream.linear.gather [hbm4b:s5+s16], $0xA00, $0x38;
	[tilespmem:$0x1F400] =	vst v63  }
0x159: {  	_ =	swait.ge [sflag:s31], $0xA00  }
0x15a: {  	[sflag:s31] =	ssyncset.done $0x0  }
0x15b: {  	s10 =	simm.s32 $0x7400;
	s23 =	simm.s32 $0x1400;
	[sflag:s31] =	ssyncadd.s32 $0xFFFFF600  }
0x15c: {  	[tilespmem:s23], [sflag:$0x1] =	stream.indirect.gather [hbm4b:s26+s2], $0x80, s7, s2, $0xb8;
	[tilespmem:$0x1F400] =	vst v63  }
0x15d: {  	s0 =	smov.u32 s6;
	s6 =	smov.u32 s18;
	p0 =	sgt.s32 s4, $0x0  }
0x15e: {  	[tilespmem:s10], [sflag:$0x1] =	stream.indirect.gather [hbm4b:s28+s2], $0x10, s7, s2, $0xb8;
	[tilespmem:$0x1F400] =	vst v63  }
0x15f: {  	s18 =	simm.s32 $0x3400;
	s4 =	simm.s32 @!p0 $0x0;
	s10 =	simm.s32 $0xA40  }
0x160: {  	[tilespmem:s18], [sflag:$0x2] =	stream.indirect.gather [hbm4b:s26+s2], $0x80, s10, s2, $0xb8;
	[tilespmem:$0x1F400] =	vst v63  }
0x161: {  	s13 =	smov.u32 s19;
	s19 =	simm.s32 $0x7800;
	s18 =	smin.u32 s4, $0x28  }
0x162: {  	[tilespmem:s19], [sflag:$0x2] =	stream.indirect.gather [hbm4b:s28+s2], $0x10, s10, s2, $0xb8;
	[tilespmem:$0x1F400] =	vst v63  }
0x163: {  	s25 =	simm.s32 $0x5400;
	s23 =	simm.s32 $0xA80;
	p0 =	sle.u32 s18, $0x0  }
0x164: {  	[tilespmem:s25], [sflag:$0x3] =	stream.indirect.gather [hbm4b:s26+s2], $0x80, s23, s2, $0xb8;
	[tilespmem:$0x1F400] =	vst v63  }
0x165: {  	s30 =	simm.s32 $0x7C00;
	s4 =	simm.s32 @!p0 $0x1  }
0x166: {  	[tilespmem:s30], [sflag:$0x3] =	stream.indirect.gather [hbm4b:s28+s2], $0x10, s23, s2, $0xb8;
	[tilespmem:$0x1F400] =	vst v63  }
0x167: {  	_ =	swait.ge @!p0 [sflag:s4], $0x2000  }
0x168: {  	[sflag:s4] =	ssyncset.done @!p0 $0x0  }
0x169: {  	s14 =	smov.u32 s8;
	[sflag:s4] =	ssyncadd.s32 @!p0 $0xFFFFE000  }
0x16a: {  	p2 =	sle.u32 @!p0 s18, $0x3;
	s5 =	simm.s32 @!p0 $0x0;
	_ =	swait.ge @!p0 [sflag:s4], $0x400  }
0x16b: {  	s7 =	simm.s32 @!p0 $0x40;
	s8 =	simm.s32 @!p0 $0xA;
	[sflag:s4] =	ssyncset.done @!p0 $0x0  }
0x16c: {  	p1 =	por p2, p0;
	[sflag:s4] =	ssyncadd.s32 @!p0 $0xFFFFFC00;
	s4 =	simm.s32 @!p0 $0x1400  }
0x16d: {  	[spmem:s20] =	stream.indirect.scatter.add.f32 @!p0 [tilespmem:s4], [sflag:$0xA], $0x80, s5, s7, $0xb8;
	[tilespmem:$0x1F400] =	vst v63  }
0x16e: {  	p3 =	por @!p1 $0x1, $0x1;
	_ =	swait.ge @!p0 [sflag:s8], $0x2000  }
0x16f: {  	s10 =	simm.s32 @!p0 $0x7400;
	p2 =	por @!p0 p3, p2;
	[sflag:s8] =	ssyncset.done @!p0 $0x0  }
0x170: {  	p2 =	por p2, p0;
	s4 =	simm.s32 @!p1 $0xAC0;
	[sflag:s8] =	ssyncadd.s32 @!p0 $0xFFFFE000  }
0x171: {  	[spmem:s22] =	stream.indirect.scatter.add.f32 @!p0 [tilespmem:s10], [sflag:$0x4], $0x10, s5, s7, $0xb8;
	[tilespmem:$0x1F400] =	vst v63  }
0x172: {  	s8 =	simm.s32 @!p2 $0x7;
	s5 =	simm.s32 @!p1 $0x1400;
	s7 =	simm.s32 @!p1 $0x40  }
0x173: {  	[tilespmem:s5], [sflag:$0x1] =	stream.indirect.gather @!p1 [hbm4b:s26+s7], $0x80, s4, s7, $0xb8;
	[tilespmem:$0x1F400] =	vst v63  }
0x174: {  	_ =	swait.ge @!p2 [sflag:s8], $0x400  }
0x175: {  	p0 =	sle.u32 s18, $0x1;
	[sflag:s8] =	ssyncset.done @!p2 $0x0  }
0x176: {  	s5 =	simm.s32 @!p1 $0x8000;
	[sflag:s8] =	ssyncadd.s32 @!p2 $0xFFFFFC00;
	s8 =	simm.s32 @!p0 $0x2  }
0x177: {  	[tilespmem:s5], [sflag:$0x1] =	stream.indirect.gather @!p1 [hbm4b:s28+s7], $0x10, s4, s7, $0xb8;
	[tilespmem:$0x1F400] =	vst v63  }
0x178: {  	_ =	swait.ge @!p0 [sflag:s8], $0x2000  }
0x179: {  	[sflag:s8] =	ssyncset.done @!p0 $0x0  }
0x17a: {  	s10 =	simm.s32 @!p0 $0xA;
	[sflag:s8] =	ssyncadd.s32 @!p0 $0xFFFFE000  }
0x17b: {  	p2 =	sle.u32 @!p0 s18, $0x4;
	s4 =	simm.s32 @!p0 $0x3400;
	_ =	swait.ge @!p0 [sflag:s8], $0x400  }
0x17c: {  	s5 =	simm.s32 @!p0 $0x40;
	p1 =	por p2, p0;
	[sflag:s8] =	ssyncset.done @!p0 $0x0  }
0x17d: {  	s7 =	simm.s32 @!p0 $0x40;
	p3 =	por @!p1 $0x1, $0x1;
	[sflag:s8] =	ssyncadd.s32 @!p0 $0xFFFFFC00  }
0x17e: {  	[spmem:s20] =	stream.indirect.scatter.add.f32 @!p0 [tilespmem:s4], [sflag:$0xA], $0x80, s5, s7, $0xb8;
	[tilespmem:$0x1F400] =	vst v63  }
0x17f: {  	p2 =	por @!p0 p3, p2;
	_ =	swait.ge @!p0 [sflag:s10], $0x2000  }
0x180: {  	p2 =	por p2, p0;
	[sflag:s10] =	ssyncset.done @!p0 $0x0  }
0x181: {  	s8 =	simm.s32 @!p0 $0x7800;
	s4 =	simm.s32 @!p1 $0xB00;
	[sflag:s10] =	ssyncadd.s32 @!p0 $0xFFFFE000  }
0x182: {  	[spmem:s22] =	stream.indirect.scatter.add.f32 @!p0 [tilespmem:s8], [sflag:$0x5], $0x10, s5, s7, $0xb8;
	[tilespmem:$0x1F400] =	vst v63  }
0x183: {  	s5 =	simm.s32 @!p1 $0x40;
	s7 =	simm.s32 @!p1 $0x3400;
	s8 =	simm.s32 @!p2 $0x8  }
0x184: {  	[tilespmem:s7], [sflag:$0x2] =	stream.indirect.gather @!p1 [hbm4b:s26+s5], $0x80, s4, s5, $0xb8;
	[tilespmem:$0x1F400] =	vst v63  }
0x185: {  	_ =	swait.ge @!p2 [sflag:s8], $0x400  }
0x186: {  	p0 =	sle.u32 s18, $0x2;
	[sflag:s8] =	ssyncset.done @!p2 $0x0  }
0x187: {  	s7 =	simm.s32 @!p1 $0x8400;
	[sflag:s8] =	ssyncadd.s32 @!p2 $0xFFFFFC00;
	s8 =	simm.s32 @!p0 $0x3  }
0x188: {  	[tilespmem:s7], [sflag:$0x2] =	stream.indirect.gather @!p1 [hbm4b:s28+s5], $0x10, s4, s5, $0xb8;
	[tilespmem:$0x1F400] =	vst v63  }
0x189: {  	_ =	swait.ge @!p0 [sflag:s8], $0x2000  }
0x18a: {  	[sflag:s8] =	ssyncset.done @!p0 $0x0  }
0x18b: {  	[sflag:s8] =	ssyncadd.s32 @!p0 $0xFFFFE000  }
0x18c: {  	p2 =	sle.u32 @!p0 s18, $0x5;
	s4 =	simm.s32 @!p0 $0x5400;
	_ =	swait.ge @!p0 [sflag:s8], $0x400  }
0x18d: {  	s5 =	simm.s32 @!p0 $0x80;
	s7 =	simm.s32 @!p0 $0x40;
	[sflag:s8] =	ssyncset.done @!p0 $0x0  }
0x18e: {  	p1 =	por p2, p0;
	[sflag:s8] =	ssyncadd.s32 @!p0 $0xFFFFFC00;
	s8 =	simm.s32 @!p0 $0xA  }
0x18f: {  	[spmem:s20] =	stream.indirect.scatter.add.f32 @!p0 [tilespmem:s4], [sflag:$0xA], $0x80, s5, s7, $0xb8;
	[tilespmem:$0x1F400] =	vst v63  }
0x190: {  	p3 =	por @!p1 $0x1, $0x1;
	_ =	swait.ge @!p0 [sflag:s8], $0x2000  }
0x191: {  	p2 =	por @!p0 p3, p2;
	[sflag:s8] =	ssyncset.done @!p0 $0x0  }
0x192: {  	p2 =	por p2, p0;
	s4 =	simm.s32 @!p0 $0x7C00;
	[sflag:s8] =	ssyncadd.s32 @!p0 $0xFFFFE000  }
0x193: {  	[spmem:s22] =	stream.indirect.scatter.add.f32 @!p0 [tilespmem:s4], [sflag:$0x6], $0x10, s5, s7, $0xb8;
	[tilespmem:$0x1F400] =	vst v63  }
0x194: {  	s8 =	simm.s32 @!p1 $0xB40;
	s4 =	simm.s32 @!p1 $0x40;
	s5 =	simm.s32 @!p1 $0x5400  }
0x195: {  	[tilespmem:s5], [sflag:$0x3] =	stream.indirect.gather @!p1 [hbm4b:s26+s4], $0x80, s8, s4, $0xb8;
	[tilespmem:$0x1F400] =	vst v63  }
0x196: {  	s5 =	simm.s32 @!p2 $0x9  }
0x197: {  	_ =	swait.ge @!p2 [sflag:s5], $0x400  }
0x198: {  	p0 =	sle.u32 s18, $0x3;
	[sflag:s5] =	ssyncset.done @!p2 $0x0  }
0x199: {  	s7 =	simm.s32 @!p1 $0x8800;
	[sflag:s5] =	ssyncadd.s32 @!p2 $0xFFFFFC00;
	s5 =	simm.s32 @!p0 $0x1  }
0x19a: {  	[tilespmem:s7], [sflag:$0x3] =	stream.indirect.gather @!p1 [hbm4b:s28+s4], $0x10, s8, s4, $0xb8;
	[tilespmem:$0x1F400] =	vst v63  }
0x19b: {  	_ =	swait.ge @!p0 [sflag:s5], $0x2000  }
0x19c: {  	[sflag:s5] =	ssyncset.done @!p0 $0x0  }
0x19d: {  	[sflag:s5] =	ssyncadd.s32 @!p0 $0xFFFFE000  }
0x19e: {  	_ =	swait.ge @!p0 [sflag:s5], $0x400  }
0x19f: {  	s4 =	simm.s32 @!p0 $0x1400;
	s7 =	simm.s32 @!p0 $0xC0;
	[sflag:s5] =	ssyncset.done @!p0 $0x0  }
0x1a0: {  	s8 =	simm.s32 @!p0 $0x40;
	[sflag:s5] =	ssyncadd.s32 @!p0 $0xFFFFFC00;
	s5 =	simm.s32 @!p0 $0xA  }
0x1a1: {  	[spmem:s20] =	stream.indirect.scatter.add.f32 @!p0 [tilespmem:s4], [sflag:$0xA], $0x80, s7, s8, $0xb8;
	[tilespmem:$0x1F400] =	vst v63  }
0x1a2: {  	p1 =	sle.u32 @!p0 s18, $0x6;
	_ =	swait.ge @!p0 [sflag:s5], $0x2000  }
0x1a3: {  	p2 =	por p1, p0;
	[sflag:s5] =	ssyncset.done @!p0 $0x0  }
0x1a4: {  	s4 =	simm.s32 @!p0 $0x8000;
	[sflag:s5] =	ssyncadd.s32 @!p0 $0xFFFFE000;
	s5 =	simm.s32 @!p2 $0x1400  }
0x1a5: {  	[spmem:s22] =	stream.indirect.scatter.add.f32 @!p0 [tilespmem:s4], [sflag:$0x7], $0x10, s7, s8, $0xb8;
	[tilespmem:$0x1F400] =	vst v63  }
0x1a6: {  	s4 =	simm.s32 @!p2 $0xB80;
	s7 =	simm.s32 @!p2 $0x40;
	s8 =	simm.s32 @!p2 $0x4  }
0x1a7: {  	[tilespmem:s5], [sflag:$0x1] =	stream.indirect.gather @!p2 [hbm4b:s26+s7], $0x80, s4, s7, $0xb8;
	[tilespmem:$0x1F400] =	vst v63  }
0x1a8: {  	_ =	swait.ge @!p2 [sflag:s8], $0x400  }
0x1a9: {  	p1 =	sle.u32 s18, $0x4;
	[sflag:s8] =	ssyncset.done @!p2 $0x0  }
0x1aa: {  	s5 =	simm.s32 @!p2 $0x7400;
	[sflag:s8] =	ssyncadd.s32 @!p2 $0xFFFFFC00;
	s8 =	simm.s32 @!p1 $0x2  }
0x1ab: {  	[tilespmem:s5], [sflag:$0x1] =	stream.indirect.gather @!p2 [hbm4b:s28+s7], $0x10, s4, s7, $0xb8;
	[tilespmem:$0x1F400] =	vst v63  }
0x1ac: {  	_ =	swait.ge @!p1 [sflag:s8], $0x2000  }
0x1ad: {  	s19 =	simm.s32 $0x600;
	p3 =	sle.u32 @!p1 s18, $0x7;
	[sflag:s8] =	ssyncset.done @!p1 $0x0  }
0x1ae: {  	s10 =	simm.s32 $0xC00;
	p3 =	por p3, p1;
	[sflag:s8] =	ssyncadd.s32 @!p1 $0xFFFFE000  }
0x1af: {  	s23 =	simm.s32 @!p1 $0x8400;
	s25 =	simm.s32 @!p3 $0x5;
	_ =	swait.ge @!p1 [sflag:s8], $0x400  }
0x1b0: {  	s4 =	simm.s32 @!p1 $0x3400;
	s5 =	simm.s32 @!p1 $0x100;
	[sflag:s8] =	ssyncset.done @!p1 $0x0  }
0x1b1: {  	s7 =	simm.s32 @!p1 $0x40;
	[sflag:s8] =	ssyncadd.s32 @!p1 $0xFFFFFC00;
	s8 =	simm.s32 @!p1 $0xA  }
0x1b2: {  	[spmem:s20] =	stream.indirect.scatter.add.f32 @!p1 [tilespmem:s4], [sflag:$0xA], $0x80, s5, s7, $0xb8;
	[tilespmem:$0x1F400] =	vst v63  }
0x1b3: {  	s29 =	simm.s32 @!p3 $0x7800;
	p0 =	sle.u32 s18, $0x5;
	_ =	swait.ge @!p1 [sflag:s8], $0x2000  }
0x1b4: {  	p2 =	sle.u32 @!p0 s18, $0x8;
	s4 =	simm.s32 @!p0 $0x0;
	[sflag:s8] =	ssyncset.done @!p1 $0x0  }
0x1b5: {  	p0 =	por p0, p0;
	[sflag:s8] =	ssyncadd.s32 @!p1 $0xFFFFE000;
	s8 =	simm.s32 @!p3 $0x40  }
0x1b6: {  	[spmem:s22] =	stream.indirect.scatter.add.f32 @!p1 [tilespmem:s23], [sflag:$0x8], $0x10, s5, s7, $0xb8;
	[tilespmem:$0x1F400] =	vst v63  }
0x1b7: {  	s5 =	simm.s32 @!p3 $0x3400;
	s7 =	simm.s32 @!p3 $0xBC0;
	p1 =	por p2, p2  }
0x1b8: {  	[tilespmem:s5], [sflag:$0x2] =	stream.indirect.gather @!p3 [hbm4b:s26+s8], $0x80, s7, s8, $0xb8;
	[tilespmem:$0x1F400] =	vst v63  }
0x1b9: {  	s23 =	simm.s32 $0xE;
	s5 =	simm.s32 $0xB;
	_ =	swait.ge @!p3 [sflag:s25], $0x400  }
.LBB2_4:
0x1ba: {  	p4 =	sge.u32 s5, s18  }
0x1bb: {  	[sflag:s25] =	ssyncset.done @!p3 $0x0;
	s5 =	smov.u32 s10;
	s10 =	sadd.s32 $0x600, s10  }
0x1bc: {  	p5 =	sge.u32 @!p4 s23, s18;
	[sflag:s25] =	ssyncadd.s32 @!p3 $0xFFFFFC00;
	s25 =	simm.s32 @!p0 $0x3  }
0x1bd: {  	[tilespmem:s29], [sflag:$0x2] =	stream.indirect.gather @!p3 [hbm4b:s28+s8], $0x10, s7, s8, $0xb8;
	[tilespmem:$0x1F400] =	vst v63  }
0x1be: {  	p2 =	sne.s32 s10, $0x2A00;
	s7 =	sshra.s32 @!p4 s19, $0x2;
	_ =	swait.ge @!p0 [sflag:s25], $0x2000  }
0x1bf: {  	[sflag:s25] =	ssyncset.done @!p0 $0x0  }
0x1c0: {  	s8 =	sadd.s32 $0xFFFFFFF8, s23;
	[sflag:s25] =	ssyncadd.s32 @!p0 $0xFFFFE000  }
0x1c1: {  	p3 =	sge.u32 s8, s18;
	_ =	swait.ge @!p0 [sflag:s25], $0x400  }
0x1c2: {  	s29 =	simm.s32 @!p0 $0xA;
	s8 =	simm.s32 @!p0 $0x5400;
	[sflag:s25] =	ssyncset.done @!p0 $0x0  }
0x1c3: {  	s30 =	simm.s32 @!p0 $0x40;
	[sflag:s25] =	ssyncadd.s32 @!p0 $0xFFFFFC00;
	s25 =	sadd.s32 @!p0 $0x140, s4  }
0x1c4: {  	[spmem:s20] =	stream.indirect.scatter.add.f32 @!p0 [tilespmem:s8], [sflag:$0xA], $0x80, s25, s30, $0xb8;
	[tilespmem:$0x1F400] =	vst v63  }
0x1c5: {  	s4 =	smov.u32 s7;
	_ =	swait.ge @!p0 [sflag:s29], $0x2000  }
0x1c6: {  	p1 =	por p1, p0;
	s7 =	simm.s32 @!p0 $0x8800;
	[sflag:s29] =	ssyncset.done @!p0 $0x0  }
0x1c7: {  	s8 =	sshra.s32 @!p1 s16, $0x2;
	s16 =	simm.s32 @!p1 $0x5400;
	[sflag:s29] =	ssyncadd.s32 @!p0 $0xFFFFE000  }
0x1c8: {  	[spmem:s22] =	stream.indirect.scatter.add.f32 @!p0 [tilespmem:s7], [sflag:$0x9], $0x10, s25, s30, $0xb8;
	[tilespmem:$0x1F400] =	vst v63  }
0x1c9: {  	s7 =	sadd.s32 @!p1 $0xC00, s8;
	s8 =	simm.s32 @!p1 $0x40;
	s25 =	simm.s32 @!p1 $0x6  }
0x1ca: {  	[tilespmem:s16], [sflag:$0x3] =	stream.indirect.gather @!p1 [hbm4b:s26+s8], $0x80, s7, s8, $0xb8;
	[tilespmem:$0x1F400] =	vst v63  }
0x1cb: {  	s29 =	simm.s32 @!p1 $0x7C00;
	s16 =	smov.u32 s19;
	_ =	swait.ge @!p1 [sflag:s25], $0x400  }
0x1cc: {  	s30 =	simm.s32 @!p3 $0x1;
	s19 =	sadd.s32 @!p3 $0xFFFFFFFB, s23;
	[sflag:s25] =	ssyncset.done @!p1 $0x0  }
0x1cd: {  	p6 =	sge.u32 @!p3 s19, s18;
	s19 =	smov.u32 s5;
	[sflag:s25] =	ssyncadd.s32 @!p1 $0xFFFFFC00  }
0x1ce: {  	[tilespmem:s29], [sflag:$0x3] =	stream.indirect.gather @!p1 [hbm4b:s28+s8], $0x10, s7, s8, $0xb8;
	[tilespmem:$0x1F400] =	vst v63  }
0x1cf: {  	s5 =	sshra.s32 @!p3 s16, $0x2;
	s7 =	simm.s32 @!p3 $0x40;
	_ =	swait.ge @!p3 [sflag:s30], $0x2000  }
0x1d0: {  	p0 =	por p4, p4;
	p1 =	por p5, p5;
	[sflag:s30] =	ssyncset.done @!p3 $0x0  }
0x1d1: {  	p5 =	por p6, p3;
	[sflag:s30] =	ssyncadd.s32 @!p3 $0xFFFFE000  }
0x1d2: {  	p4 =	seq.s32 @!p5 s16, $0x0;
	_ =	swait.ge @!p3 [sflag:s30], $0x400  }
0x1d3: {  	s8 =	simm.s32 @!p3 $0xA;
	p4 =	por @!p3 p4, p6;
	[sflag:s30] =	ssyncset.done @!p3 $0x0  }
0x1d4: {  	s25 =	simm.s32 @!p3 $0x1400;
	s29 =	sshra.s32 @!p5 s16, $0x2;
	[sflag:s30] =	ssyncadd.s32 @!p3 $0xFFFFFC00  }
0x1d5: {  	[spmem:s20] =	stream.indirect.scatter.add.f32 @!p3 [tilespmem:s25], [sflag:$0xA], $0x80, s5, s7, $0xb8;
	[tilespmem:$0x1F400] =	vst v63  }
0x1d6: {  	s25 =	sadd.s32 @!p5 $0xAC0, s29;
	s29 =	sadd.s32 $0xFFFFFFF9, s23;
	_ =	swait.ge @!p3 [sflag:s8], $0x2000  }
0x1d7: {  	s3 =	simm.s32 @!p5 $0x1400;
	s30 =	simm.s32 @!p3 $0x7400;
	[sflag:s8] =	ssyncset.done @!p3 $0x0  }
0x1d8: {  	p6 =	por p4, p3;
	p4 =	sge.u32 s29, s18;
	[sflag:s8] =	ssyncadd.s32 @!p3 $0xFFFFE000  }
0x1d9: {  	[spmem:s22] =	stream.indirect.scatter.add.f32 @!p3 [tilespmem:s30], [sflag:$0x4], $0x10, s5, s7, $0xb8;
	[tilespmem:$0x1F400] =	vst v63  }
0x1da: {  	s8 =	sadd.s32 @!p4 $0xFFFFFFFC, s23;
	s5 =	simm.s32 @!p5 $0x40;
	s7 =	simm.s32 @!p6 $0x7  }
0x1db: {  	[tilespmem:s3], [sflag:$0x1] =	stream.indirect.gather @!p5 [hbm4b:s26+s5], $0x80, s25, s5, $0xb8;
	[tilespmem:$0x1F400] =	vst v63  }
0x1dc: {  	p3 =	sge.u32 @!p4 s8, s18;
	s3 =	sshra.s32 @!p4 s16, $0x2;
	_ =	swait.ge @!p6 [sflag:s7], $0x400  }
0x1dd: {  	s8 =	simm.s32 @!p5 $0x8000;
	[sflag:s7] =	ssyncset.done @!p6 $0x0  }
0x1de: {  	[sflag:s7] =	ssyncadd.s32 @!p6 $0xFFFFFC00;
	s7 =	simm.s32 @!p4 $0x2  }
0x1df: {  	[tilespmem:s8], [sflag:$0x1] =	stream.indirect.gather @!p5 [hbm4b:s28+s5], $0x10, s25, s5, $0xb8;
	[tilespmem:$0x1F400] =	vst v63  }
0x1e0: {  	s5 =	simm.s32 @!p4 $0x3400;
	_ =	swait.ge @!p4 [sflag:s7], $0x2000  }
0x1e1: {  	s3 =	sadd.s32 @!p4 $0x40, s3;
	s8 =	simm.s32 @!p4 $0x40;
	[sflag:s7] =	ssyncset.done @!p4 $0x0  }
0x1e2: {  	[sflag:s7] =	ssyncadd.s32 @!p4 $0xFFFFE000  }
0x1e3: {  	_ =	swait.ge @!p4 [sflag:s7], $0x400  }
0x1e4: {  	s25 =	simm.s32 @!p4 $0xA;
	p5 =	por p3, p4;
	[sflag:s7] =	ssyncset.done @!p4 $0x0  }
0x1e5: {  	p6 =	seq.s32 @!p5 s16, $0x0;
	[sflag:s7] =	ssyncadd.s32 @!p4 $0xFFFFFC00;
	s7 =	sshra.s32 @!p5 s16, $0x2  }
0x1e6: {  	[spmem:s20] =	stream.indirect.scatter.add.f32 @!p4 [tilespmem:s5], [sflag:$0xA], $0x80, s3, s8, $0xb8;
	[tilespmem:$0x1F400] =	vst v63  }
0x1e7: {  	p3 =	por @!p4 p6, p3;
	s5 =	sadd.s32 @!p5 $0xB00, s7;
	_ =	swait.ge @!p4 [sflag:s25], $0x2000  }
0x1e8: {  	p6 =	por p3, p4;
	s7 =	simm.s32 @!p4 $0x7800;
	[sflag:s25] =	ssyncset.done @!p4 $0x0  }
0x1e9: {  	s29 =	simm.s32 @!p5 $0x3400;
	[sflag:s25] =	ssyncadd.s32 @!p4 $0xFFFFE000;
	s25 =	simm.s32 @!p5 $0x40  }
0x1ea: {  	[spmem:s22] =	stream.indirect.scatter.add.f32 @!p4 [tilespmem:s7], [sflag:$0x5], $0x10, s3, s8, $0xb8;
	[tilespmem:$0x1F400] =	vst v63  }
0x1eb: {  	s3 =	simm.s32 @!p6 $0x8  }
0x1ec: {  	[tilespmem:s29], [sflag:$0x2] =	stream.indirect.gather @!p5 [hbm4b:s26+s25], $0x80, s5, s25, $0xb8;
	[tilespmem:$0x1F400] =	vst v63  }
0x1ed: {  	s7 =	sadd.s32 $0xFFFFFFFA, s23;
	_ =	swait.ge @!p6 [sflag:s3], $0x400  }
0x1ee: {  	s8 =	simm.s32 @!p5 $0x8400;
	p3 =	sge.u32 s7, s18;
	[sflag:s3] =	ssyncset.done @!p6 $0x0  }
0x1ef: {  	s7 =	sshra.s32 @!p3 s16, $0x2;
	[sflag:s3] =	ssyncadd.s32 @!p6 $0xFFFFFC00;
	s3 =	simm.s32 @!p3 $0x3  }
0x1f0: {  	[tilespmem:s8], [sflag:$0x2] =	stream.indirect.gather @!p5 [hbm4b:s28+s25], $0x10, s5, s25, $0xb8;
	[tilespmem:$0x1F400] =	vst v63  }
0x1f1: {  	s5 =	sadd.s32 @!p3 $0xFFFFFFFD, s23;
	_ =	swait.ge @!p3 [sflag:s3], $0x2000  }
0x1f2: {  	p5 =	sge.u32 @!p3 s5, s18;
	[sflag:s3] =	ssyncset.done @!p3 $0x0  }
0x1f3: {  	[sflag:s3] =	ssyncadd.s32 @!p3 $0xFFFFE000  }
0x1f4: {  	s5 =	simm.s32 @!p3 $0x5400;
	_ =	swait.ge @!p3 [sflag:s3], $0x400  }
0x1f5: {  	s7 =	sadd.s32 @!p3 $0x80, s7;
	s8 =	simm.s32 @!p3 $0x40;
	[sflag:s3] =	ssyncset.done @!p3 $0x0  }
0x1f6: {  	[sflag:s3] =	ssyncadd.s32 @!p3 $0xFFFFFC00;
	s3 =	simm.s32 @!p3 $0xA  }
0x1f7: {  	[spmem:s20] =	stream.indirect.scatter.add.f32 @!p3 [tilespmem:s5], [sflag:$0xA], $0x80, s7, s8, $0xb8;
	[tilespmem:$0x1F400] =	vst v63  }
0x1f8: {  	p4 =	por p5, p3;
	s5 =	simm.s32 @!p3 $0x7C00;
	_ =	swait.ge @!p3 [sflag:s3], $0x2000  }
0x1f9: {  	s25 =	sshra.s32 @!p4 s16, $0x2;
	p6 =	seq.s32 @!p4 s16, $0x0;
	[sflag:s3] =	ssyncset.done @!p3 $0x0  }
0x1fa: {  	p5 =	por @!p3 p6, p5;
	[sflag:s3] =	ssyncadd.s32 @!p3 $0xFFFFE000;
	s3 =	sadd.s32 @!p4 $0xB40, s25  }
0x1fb: {  	[spmem:s22] =	stream.indirect.scatter.add.f32 @!p3 [tilespmem:s5], [sflag:$0x6], $0x10, s7, s8, $0xb8;
	[tilespmem:$0x1F400] =	vst v63  }
0x1fc: {  	p5 =	por p5, p3;
	s5 =	simm.s32 @!p4 $0x40;
	s7 =	simm.s32 @!p4 $0x5400  }
0x1fd: {  	[tilespmem:s7], [sflag:$0x3] =	stream.indirect.gather @!p4 [hbm4b:s26+s5], $0x80, s3, s5, $0xb8;
	[tilespmem:$0x1F400] =	vst v63  }
0x1fe: {  	s7 =	simm.s32 @!p5 $0x9  }
0x1ff: {  	s8 =	sadd.s32 $0xFFFFFFFB, s23;
	_ =	swait.ge @!p5 [sflag:s7], $0x400  }
0x200: {  	s25 =	simm.s32 @!p4 $0x8800;
	p3 =	sge.u32 s8, s18;
	[sflag:s7] =	ssyncset.done @!p5 $0x0  }
0x201: {  	s8 =	sshra.s32 @!p3 s16, $0x2;
	[sflag:s7] =	ssyncadd.s32 @!p5 $0xFFFFFC00;
	s7 =	simm.s32 @!p3 $0x1  }
0x202: {  	[tilespmem:s25], [sflag:$0x3] =	stream.indirect.gather @!p4 [hbm4b:s28+s5], $0x10, s3, s5, $0xb8;
	[tilespmem:$0x1F400] =	vst v63  }
0x203: {  	s3 =	sadd.s32 @!p3 $0xFFFFFFFE, s23;
	_ =	swait.ge @!p3 [sflag:s7], $0x2000  }
0x204: {  	p4 =	sge.u32 @!p3 s3, s18;
	[sflag:s7] =	ssyncset.done @!p3 $0x0  }
0x205: {  	[sflag:s7] =	ssyncadd.s32 @!p3 $0xFFFFE000  }
0x206: {  	s3 =	simm.s32 @!p3 $0x1400;
	_ =	swait.ge @!p3 [sflag:s7], $0x400  }
0x207: {  	s5 =	sadd.s32 @!p3 $0xC0, s8;
	s8 =	simm.s32 @!p3 $0x40;
	[sflag:s7] =	ssyncset.done @!p3 $0x0  }
0x208: {  	[sflag:s7] =	ssyncadd.s32 @!p3 $0xFFFFFC00;
	s7 =	simm.s32 @!p3 $0xA  }
0x209: {  	[spmem:s20] =	stream.indirect.scatter.add.f32 @!p3 [tilespmem:s3], [sflag:$0xA], $0x80, s5, s8, $0xb8;
	[tilespmem:$0x1F400] =	vst v63  }
0x20a: {  	_ =	swait.ge @!p3 [sflag:s7], $0x2000  }
0x20b: {  	p5 =	por p4, p3;
	s3 =	simm.s32 @!p3 $0x8000;
	[sflag:s7] =	ssyncset.done @!p3 $0x0  }
0x20c: {  	s25 =	simm.s32 @!p5 $0x1400;
	[sflag:s7] =	ssyncadd.s32 @!p3 $0xFFFFE000;
	s7 =	sshra.s32 @!p5 s16, $0x2  }
0x20d: {  	[spmem:s22] =	stream.indirect.scatter.add.f32 @!p3 [tilespmem:s3], [sflag:$0x7], $0x10, s5, s8, $0xb8;
	[tilespmem:$0x1F400] =	vst v63  }
0x20e: {  	s3 =	sadd.s32 @!p5 $0xB80, s7;
	s5 =	simm.s32 @!p5 $0x40;
	s7 =	simm.s32 @!p5 $0x4  }
0x20f: {  	[tilespmem:s25], [sflag:$0x1] =	stream.indirect.gather @!p5 [hbm4b:s26+s5], $0x80, s3, s5, $0xb8;
	[tilespmem:$0x1F400] =	vst v63  }
0x210: {  	s8 =	sadd.s32 $0xFFFFFFFC, s23;
	_ =	swait.ge @!p5 [sflag:s7], $0x400  }
0x211: {  	p4 =	sge.u32 s8, s18;
	s25 =	simm.s32 @!p5 $0x7400;
	[sflag:s7] =	ssyncset.done @!p5 $0x0  }
0x212: {  	s8 =	sshra.s32 @!p4 s16, $0x2;
	[sflag:s7] =	ssyncadd.s32 @!p5 $0xFFFFFC00;
	s7 =	simm.s32 @!p4 $0x2  }
0x213: {  	[tilespmem:s25], [sflag:$0x1] =	stream.indirect.gather @!p5 [hbm4b:s28+s5], $0x10, s3, s5, $0xb8;
	[tilespmem:$0x1F400] =	vst v63  }
0x214: {  	s3 =	sadd.s32 @!p4 $0xFFFFFFFF, s23;
	_ =	swait.ge @!p4 [sflag:s7], $0x2000  }
0x215: {  	p3 =	sge.u32 @!p4 s3, s18;
	[sflag:s7] =	ssyncset.done @!p4 $0x0  }
0x216: {  	[sflag:s7] =	ssyncadd.s32 @!p4 $0xFFFFE000  }
0x217: {  	s3 =	simm.s32 @!p4 $0x3400;
	_ =	swait.ge @!p4 [sflag:s7], $0x400  }
0x218: {  	s5 =	sadd.s32 @!p4 $0x100, s8;
	s8 =	simm.s32 @!p4 $0x40;
	[sflag:s7] =	ssyncset.done @!p4 $0x0  }
0x219: {  	[sflag:s7] =	ssyncadd.s32 @!p4 $0xFFFFFC00;
	s7 =	simm.s32 @!p4 $0xA  }
0x21a: {  	[spmem:s20] =	stream.indirect.scatter.add.f32 @!p4 [tilespmem:s3], [sflag:$0xA], $0x80, s5, s8, $0xb8;
	[tilespmem:$0x1F400] =	vst v63  }
0x21b: {  	s23 =	sadd.s32 $0x6, s23;
	p3 =	por p3, p4;
	_ =	swait.ge @!p4 [sflag:s7], $0x2000  }
0x21c: {  	s29 =	simm.s32 @!p3 $0x3400;
	s3 =	simm.s32 @!p4 $0x8400;
	[sflag:s7] =	ssyncset.done @!p4 $0x0  }
.Ltmp5:
0x21d: {  	[sflag:s7] =	ssyncadd.s32 @!p4 $0xFFFFE000;
	s7 =	sshra.s32 @!p3 s16, $0x2;
	(pc) =	sbr.rel @p2 .LBB2_4-.Ltmp5, $4  }
0x21e: {  	[spmem:s22] =	stream.indirect.scatter.add.f32 @!p4 [tilespmem:s3], [sflag:$0x8], $0x10, s5, s8, $0xb8;
	[tilespmem:$0x1F400] =	vst v63  }
0x21f: {  	s25 =	simm.s32 @!p3 $0x5;
	s7 =	sadd.s32 @!p3 $0xBC0, s7;
	s8 =	simm.s32 @!p3 $0x40  }
0x220: {  	[tilespmem:s29], [sflag:$0x2] =	stream.indirect.gather @!p3 [hbm4b:s26+s8], $0x80, s7, s8, $0xb8;
	[tilespmem:$0x1F400] =	vst v63  }
0x221: {  	s5 =	sadd.s32 $0xFFFFFFFD, s23;
	s29 =	simm.s32 @!p3 $0x7800;
	_ =	swait.ge @!p3 [sflag:s25], $0x400  }
0x222: {  	[sflag:s25] =	ssyncset.done @!p3 $0x0  }
0x223: {  	s3 =	simm.s32 @!p0 $0x3;
	[sflag:s25] =	ssyncadd.s32 @!p3 $0xFFFFFC00  }
0x224: {  	[tilespmem:s29], [sflag:$0x2] =	stream.indirect.gather @!p3 [hbm4b:s28+s8], $0x10, s7, s8, $0xb8;
	[tilespmem:$0x1F400] =	vst v63  }
0x225: {  	_ =	swait.ge @!p0 [sflag:s3], $0x2000  }
0x226: {  	[sflag:s3] =	ssyncset.done @!p0 $0x0  }
0x227: {  	[sflag:s3] =	ssyncadd.s32 @!p0 $0xFFFFE000  }
0x228: {  	_ =	swait.ge @!p0 [sflag:s3], $0x400  }
0x229: {  	s7 =	simm.s32 @!p0 $0x5400;
	s8 =	simm.s32 @!p0 $0xA;
	[sflag:s3] =	ssyncset.done @!p0 $0x0  }
0x22a: {  	[sflag:s3] =	ssyncadd.s32 @!p0 $0xFFFFFC00;
	s3 =	sadd.s32 @!p0 $0x140, s4;
	s4 =	simm.s32 @!p0 $0x40  }
0x22b: {  	[spmem:s20] =	stream.indirect.scatter.add.f32 @!p0 [tilespmem:s7], [sflag:$0xA], $0x80, s3, s4, $0xb8;
	[tilespmem:$0x1F400] =	vst v63  }
0x22c: {  	p1 =	por p1, p0;
	_ =	swait.ge @!p0 [sflag:s8], $0x2000  }
0x22d: {  	s10 =	simm.s32 @!p1 $0x5400;
	[sflag:s8] =	ssyncset.done @!p0 $0x0  }
0x22e: {  	s7 =	simm.s32 @!p0 $0x8800;
	[sflag:s8] =	ssyncadd.s32 @!p0 $0xFFFFE000;
	s8 =	sshra.s32 @!p1 s16, $0x2  }
0x22f: {  	[spmem:s22] =	stream.indirect.scatter.add.f32 @!p0 [tilespmem:s7], [sflag:$0x9], $0x10, s3, s4, $0xb8;
	[tilespmem:$0x1F400] =	vst v63  }
0x230: {  	s3 =	sadd.s32 @!p1 $0xC00, s8;
	s4 =	simm.s32 @!p1 $0x40;
	s7 =	simm.s32 @!p1 $0x6  }
0x231: {  	[tilespmem:s10], [sflag:$0x3] =	stream.indirect.gather @!p1 [hbm4b:s26+s4], $0x80, s3, s4, $0xb8;
	[tilespmem:$0x1F400] =	vst v63  }
0x232: {  	s16 =	sadd.s32 $0xFFFFFFF8, s23;
	_ =	swait.ge @!p1 [sflag:s7], $0x400  }
0x233: {  	p0 =	sge.u32 s16, s18;
	[sflag:s7] =	ssyncset.done @!p1 $0x0  }
0x234: {  	s8 =	simm.s32 @!p1 $0x7C00;
	s10 =	simm.s32 @!p0 $0x1;
	[sflag:s7] =	ssyncadd.s32 @!p1 $0xFFFFFC00  }
0x235: {  	[tilespmem:s8], [sflag:$0x3] =	stream.indirect.gather @!p1 [hbm4b:s28+s4], $0x10, s3, s4, $0xb8;
	[tilespmem:$0x1F400] =	vst v63  }
0x236: {  	_ =	swait.ge @!p0 [sflag:s10], $0x2000  }
0x237: {  	[sflag:s10] =	ssyncset.done @!p0 $0x0  }
0x238: {  	s7 =	simm.s32 @!p0 $0xA;
	s3 =	sadd.s32 @!p0 $0xFFFFFFFB, s23;
	[sflag:s10] =	ssyncadd.s32 @!p0 $0xFFFFE000  }
0x239: {  	s4 =	simm.s32 @!p0 $0x40;
	p2 =	sge.u32 @!p0 s3, s18;
	_ =	swait.ge @!p0 [sflag:s10], $0x400  }
0x23a: {  	s8 =	simm.s32 @!p0 $0x1400;
	p1 =	por p2, p0;
	[sflag:s10] =	ssyncset.done @!p0 $0x0  }
0x23b: {  	s3 =	sshra.s32 @!p0 s19, $0x2;
	p3 =	seq.s32 @!p1 s19, $0x0;
	[sflag:s10] =	ssyncadd.s32 @!p0 $0xFFFFFC00  }
0x23c: {  	[spmem:s20] =	stream.indirect.scatter.add.f32 @!p0 [tilespmem:s8], [sflag:$0xA], $0x80, s3, s4, $0xb8;
	[tilespmem:$0x1F400] =	vst v63  }
0x23d: {  	p2 =	por @!p0 p3, p2;
	_ =	swait.ge @!p0 [sflag:s7], $0x2000  }
0x23e: {  	p2 =	por p2, p0;
	s8 =	sshra.s32 @!p1 s19, $0x2;
	[sflag:s7] =	ssyncset.done @!p0 $0x0  }
0x23f: {  	s10 =	simm.s32 @!p0 $0x7400;
	s8 =	sadd.s32 @!p1 $0xAC0, s8;
	[sflag:s7] =	ssyncadd.s32 @!p0 $0xFFFFE000  }
0x240: {  	[spmem:s22] =	stream.indirect.scatter.add.f32 @!p0 [tilespmem:s10], [sflag:$0x4], $0x10, s3, s4, $0xb8;
	[tilespmem:$0x1F400] =	vst v63  }
0x241: {  	s7 =	simm.s32 @!p2 $0x7;
	s3 =	simm.s32 @!p1 $0x1400;
	s4 =	simm.s32 @!p1 $0x40  }
0x242: {  	[tilespmem:s3], [sflag:$0x1] =	stream.indirect.gather @!p1 [hbm4b:s26+s4], $0x80, s8, s4, $0xb8;
	[tilespmem:$0x1F400] =	vst v63  }
0x243: {  	s25 =	sadd.s32 $0xFFFFFFF9, s23;
	_ =	swait.ge @!p2 [sflag:s7], $0x400  }
0x244: {  	p0 =	sge.u32 s25, s18;
	[sflag:s7] =	ssyncset.done @!p2 $0x0  }
0x245: {  	s3 =	simm.s32 @!p1 $0x8000;
	[sflag:s7] =	ssyncadd.s32 @!p2 $0xFFFFFC00;
	s7 =	simm.s32 @!p0 $0x2  }
0x246: {  	[tilespmem:s3], [sflag:$0x1] =	stream.indirect.gather @!p1 [hbm4b:s28+s4], $0x10, s8, s4, $0xb8;
	[tilespmem:$0x1F400] =	vst v63  }
0x247: {  	_ =	swait.ge @!p0 [sflag:s7], $0x2000  }
0x248: {  	s10 =	simm.s32 @!p0 $0xA;
	[sflag:s7] =	ssyncset.done @!p0 $0x0  }
0x249: {  	s3 =	sadd.s32 @!p0 $0xFFFFFFFC, s23;
	s4 =	sshra.s32 @!p0 s19, $0x2;
	[sflag:s7] =	ssyncadd.s32 @!p0 $0xFFFFE000  }
0x24a: {  	s8 =	simm.s32 @!p0 $0x40;
	p2 =	sge.u32 @!p0 s3, s18;
	_ =	swait.ge @!p0 [sflag:s7], $0x400  }
0x24b: {  	s3 =	simm.s32 @!p0 $0x3400;
	p1 =	por p2, p0;
	[sflag:s7] =	ssyncset.done @!p0 $0x0  }
0x24c: {  	s4 =	sadd.s32 @!p0 $0x40, s4;
	p3 =	seq.s32 @!p1 s19, $0x0;
	[sflag:s7] =	ssyncadd.s32 @!p0 $0xFFFFFC00  }
0x24d: {  	[spmem:s20] =	stream.indirect.scatter.add.f32 @!p0 [tilespmem:s3], [sflag:$0xA], $0x80, s4, s8, $0xb8;
	[tilespmem:$0x1F400] =	vst v63  }
0x24e: {  	p2 =	por @!p0 p3, p2;
	_ =	swait.ge @!p0 [sflag:s10], $0x2000  }
0x24f: {  	p2 =	por p2, p0;
	s3 =	sshra.s32 @!p1 s19, $0x2;
	[sflag:s10] =	ssyncset.done @!p0 $0x0  }
0x250: {  	s7 =	simm.s32 @!p0 $0x7800;
	s3 =	sadd.s32 @!p1 $0xB00, s3;
	[sflag:s10] =	ssyncadd.s32 @!p0 $0xFFFFE000  }
0x251: {  	[spmem:s22] =	stream.indirect.scatter.add.f32 @!p0 [tilespmem:s7], [sflag:$0x5], $0x10, s4, s8, $0xb8;
	[tilespmem:$0x1F400] =	vst v63  }
0x252: {  	s4 =	simm.s32 @!p1 $0x40;
	s7 =	simm.s32 @!p1 $0x3400;
	s8 =	simm.s32 @!p2 $0x8  }
0x253: {  	[tilespmem:s7], [sflag:$0x2] =	stream.indirect.gather @!p1 [hbm4b:s26+s4], $0x80, s3, s4, $0xb8;
	[tilespmem:$0x1F400] =	vst v63  }
0x254: {  	s10 =	sadd.s32 $0xFFFFFFFA, s23;
	_ =	swait.ge @!p2 [sflag:s8], $0x400  }
0x255: {  	p0 =	sge.u32 s10, s18;
	[sflag:s8] =	ssyncset.done @!p2 $0x0  }
0x256: {  	s7 =	simm.s32 @!p1 $0x8400;
	[sflag:s8] =	ssyncadd.s32 @!p2 $0xFFFFFC00;
	s8 =	simm.s32 @!p0 $0x3  }
0x257: {  	[tilespmem:s7], [sflag:$0x2] =	stream.indirect.gather @!p1 [hbm4b:s28+s4], $0x10, s3, s4, $0xb8;
	[tilespmem:$0x1F400] =	vst v63  }
0x258: {  	_ =	swait.ge @!p0 [sflag:s8], $0x2000  }
0x259: {  	[sflag:s8] =	ssyncset.done @!p0 $0x0  }
0x25a: {  	s3 =	sadd.s32 @!p0 $0xFFFFFFFD, s23;
	s4 =	sshra.s32 @!p0 s19, $0x2;
	[sflag:s8] =	ssyncadd.s32 @!p0 $0xFFFFE000  }
0x25b: {  	s7 =	simm.s32 @!p0 $0x40;
	p2 =	sge.u32 @!p0 s3, s18;
	_ =	swait.ge @!p0 [sflag:s8], $0x400  }
0x25c: {  	s3 =	simm.s32 @!p0 $0x5400;
	s4 =	sadd.s32 @!p0 $0x80, s4;
	[sflag:s8] =	ssyncset.done @!p0 $0x0  }
0x25d: {  	p1 =	por p2, p0;
	[sflag:s8] =	ssyncadd.s32 @!p0 $0xFFFFFC00;
	s8 =	simm.s32 @!p0 $0xA  }
0x25e: {  	[spmem:s20] =	stream.indirect.scatter.add.f32 @!p0 [tilespmem:s3], [sflag:$0xA], $0x80, s4, s7, $0xb8;
	[tilespmem:$0x1F400] =	vst v63  }
0x25f: {  	p3 =	seq.s32 @!p1 s19, $0x0;
	_ =	swait.ge @!p0 [sflag:s8], $0x2000  }
0x260: {  	s10 =	sshra.s32 @!p1 s19, $0x2;
	p2 =	por @!p0 p3, p2;
	[sflag:s8] =	ssyncset.done @!p0 $0x0  }
0x261: {  	p2 =	por p2, p0;
	s3 =	simm.s32 @!p0 $0x7C00;
	[sflag:s8] =	ssyncadd.s32 @!p0 $0xFFFFE000  }
0x262: {  	[spmem:s22] =	stream.indirect.scatter.add.f32 @!p0 [tilespmem:s3], [sflag:$0x6], $0x10, s4, s7, $0xb8;
	[tilespmem:$0x1F400] =	vst v63  }
0x263: {  	s8 =	sadd.s32 @!p1 $0xB40, s10;
	s3 =	simm.s32 @!p1 $0x40;
	s4 =	simm.s32 @!p1 $0x5400  }
0x264: {  	[tilespmem:s4], [sflag:$0x3] =	stream.indirect.gather @!p1 [hbm4b:s26+s3], $0x80, s8, s3, $0xb8;
	[tilespmem:$0x1F400] =	vst v63  }
0x265: {  	s4 =	simm.s32 @!p2 $0x9  }
0x266: {  	s16 =	sadd.s32 $0xFFFFFFFB, s23;
	_ =	swait.ge @!p2 [sflag:s4], $0x400  }
0x267: {  	p0 =	sge.u32 s16, s18;
	[sflag:s4] =	ssyncset.done @!p2 $0x0  }
0x268: {  	s7 =	simm.s32 @!p1 $0x8800;
	[sflag:s4] =	ssyncadd.s32 @!p2 $0xFFFFFC00;
	s4 =	simm.s32 @!p0 $0x1  }
0x269: {  	[tilespmem:s7], [sflag:$0x3] =	stream.indirect.gather @!p1 [hbm4b:s28+s3], $0x10, s8, s3, $0xb8;
	[tilespmem:$0x1F400] =	vst v63  }
0x26a: {  	_ =	swait.ge @!p0 [sflag:s4], $0x2000  }
0x26b: {  	[sflag:s4] =	ssyncset.done @!p0 $0x0  }
0x26c: {  	[sflag:s4] =	ssyncadd.s32 @!p0 $0xFFFFE000  }
0x26d: {  	s10 =	simm.s32 @!p0 $0x40;
	s3 =	sshra.s32 @!p0 s19, $0x2;
	_ =	swait.ge @!p0 [sflag:s4], $0x400  }
0x26e: {  	s7 =	sadd.s32 @!p0 $0xFFFFFFFE, s23;
	s8 =	simm.s32 @!p0 $0x1400;
	[sflag:s4] =	ssyncset.done @!p0 $0x0  }
0x26f: {  	s3 =	sadd.s32 @!p0 $0xC0, s3;
	[sflag:s4] =	ssyncadd.s32 @!p0 $0xFFFFFC00;
	s4 =	simm.s32 @!p0 $0xA  }
0x270: {  	[spmem:s20] =	stream.indirect.scatter.add.f32 @!p0 [tilespmem:s8], [sflag:$0xA], $0x80, s3, s10, $0xb8;
	[tilespmem:$0x1F400] =	vst v63  }
0x271: {  	p1 =	sge.u32 @!p0 s7, s18;
	_ =	swait.ge @!p0 [sflag:s4], $0x2000  }
0x272: {  	s7 =	simm.s32 @!p0 $0x8000;
	p1 =	por p1, p0;
	[sflag:s4] =	ssyncset.done @!p0 $0x0  }
0x273: {  	s8 =	simm.s32 @!p1 $0x1400;
	[sflag:s4] =	ssyncadd.s32 @!p0 $0xFFFFE000;
	s4 =	sshra.s32 @!p1 s19, $0x2  }
0x274: {  	[spmem:s22] =	stream.indirect.scatter.add.f32 @!p0 [tilespmem:s7], [sflag:$0x7], $0x10, s3, s10, $0xb8;
	[tilespmem:$0x1F400] =	vst v63  }
0x275: {  	s3 =	sadd.s32 @!p1 $0xB80, s4;
	s4 =	simm.s32 @!p1 $0x40;
	s7 =	simm.s32 @!p1 $0x4  }
0x276: {  	[tilespmem:s8], [sflag:$0x1] =	stream.indirect.gather @!p1 [hbm4b:s26+s4], $0x80, s3, s4, $0xb8;
	[tilespmem:$0x1F400] =	vst v63  }
0x277: {  	s25 =	sadd.s32 $0xFFFFFFFC, s23;
	_ =	swait.ge @!p1 [sflag:s7], $0x400  }
0x278: {  	p0 =	sge.u32 s25, s18;
	[sflag:s7] =	ssyncset.done @!p1 $0x0  }
0x279: {  	s8 =	simm.s32 @!p1 $0x7400;
	[sflag:s7] =	ssyncadd.s32 @!p1 $0xFFFFFC00;
	s7 =	simm.s32 @!p0 $0x2  }
0x27a: {  	[tilespmem:s8], [sflag:$0x1] =	stream.indirect.gather @!p1 [hbm4b:s28+s4], $0x10, s3, s4, $0xb8;
	[tilespmem:$0x1F400] =	vst v63  }
0x27b: {  	_ =	swait.ge @!p0 [sflag:s7], $0x2000  }
0x27c: {  	[sflag:s7] =	ssyncset.done @!p0 $0x0  }
0x27d: {  	[sflag:s7] =	ssyncadd.s32 @!p0 $0xFFFFE000  }
0x27e: {  	s10 =	simm.s32 @!p0 $0x40;
	s3 =	sshra.s32 @!p0 s19, $0x2;
	_ =	swait.ge @!p0 [sflag:s7], $0x400  }
0x27f: {  	s4 =	sadd.s32 @!p0 $0xFFFFFFFF, s23;
	s8 =	simm.s32 @!p0 $0x3400;
	[sflag:s7] =	ssyncset.done @!p0 $0x0  }
0x280: {  	s3 =	sadd.s32 @!p0 $0x100, s3;
	[sflag:s7] =	ssyncadd.s32 @!p0 $0xFFFFFC00;
	s7 =	simm.s32 @!p0 $0xA  }
0x281: {  	[spmem:s20] =	stream.indirect.scatter.add.f32 @!p0 [tilespmem:s8], [sflag:$0xA], $0x80, s3, s10, $0xb8;
	[tilespmem:$0x1F400] =	vst v63  }
0x282: {  	p1 =	sge.u32 @!p0 s4, s18;
	_ =	swait.ge @!p0 [sflag:s7], $0x2000  }
0x283: {  	s4 =	simm.s32 @!p0 $0x8400;
	p1 =	por p1, p0;
	[sflag:s7] =	ssyncset.done @!p0 $0x0  }
0x284: {  	s8 =	simm.s32 @!p1 $0x3400;
	[sflag:s7] =	ssyncadd.s32 @!p0 $0xFFFFE000;
	s7 =	sshra.s32 @!p1 s19, $0x2  }
0x285: {  	[spmem:s22] =	stream.indirect.scatter.add.f32 @!p0 [tilespmem:s4], [sflag:$0x8], $0x10, s3, s10, $0xb8;
	[tilespmem:$0x1F400] =	vst v63  }
0x286: {  	s3 =	sadd.s32 @!p1 $0xBC0, s7;
	s4 =	simm.s32 @!p1 $0x40;
	s7 =	simm.s32 @!p1 $0x5  }
0x287: {  	[tilespmem:s8], [sflag:$0x2] =	stream.indirect.gather @!p1 [hbm4b:s26+s4], $0x80, s3, s4, $0xb8;
	[tilespmem:$0x1F400] =	vst v63  }
0x288: {  	p2 =	sge.u32 s5, s18;
	_ =	swait.ge @!p1 [sflag:s7], $0x400  }
0x289: {  	p0 =	por p2, p2;
	[sflag:s7] =	ssyncset.done @!p1 $0x0  }
0x28a: {  	s5 =	simm.s32 @!p1 $0x7800;
	[sflag:s7] =	ssyncadd.s32 @!p1 $0xFFFFFC00;
	s7 =	simm.s32 @!p0 $0x3  }
0x28b: {  	[tilespmem:s5], [sflag:$0x2] =	stream.indirect.gather @!p1 [hbm4b:s28+s4], $0x10, s3, s4, $0xb8;
	[tilespmem:$0x1F400] =	vst v63  }
0x28c: {  	_ =	swait.ge @!p0 [sflag:s7], $0x2000  }
0x28d: {  	[sflag:s7] =	ssyncset.done @!p0 $0x0  }
0x28e: {  	p1 =	sge.u32 @!p2 s23, s18;
	[sflag:s7] =	ssyncadd.s32 @!p0 $0xFFFFE000  }
0x28f: {  	s3 =	sshra.s32 @!p2 s19, $0x2;
	s4 =	simm.s32 @!p0 $0x5400;
	_ =	swait.ge @!p0 [sflag:s7], $0x400  }
0x290: {  	s5 =	simm.s32 @!p0 $0xA;
	s3 =	sadd.s32 @!p0 $0x140, s3;
	[sflag:s7] =	ssyncset.done @!p0 $0x0  }
0x291: {  	p1 =	por p1, p1;
	[sflag:s7] =	ssyncadd.s32 @!p0 $0xFFFFFC00;
	s7 =	simm.s32 @!p0 $0x40  }
0x292: {  	[spmem:s20] =	stream.indirect.scatter.add.f32 @!p0 [tilespmem:s4], [sflag:$0xA], $0x80, s3, s7, $0xb8;
	[tilespmem:$0x1F400] =	vst v63  }
0x293: {  	p1 =	por p1, p0;
	_ =	swait.ge @!p0 [sflag:s5], $0x2000  }
0x294: {  	s8 =	simm.s32 @!p1 $0x5400;
	[sflag:s5] =	ssyncset.done @!p0 $0x0  }
0x295: {  	s4 =	simm.s32 @!p0 $0x8800;
	[sflag:s5] =	ssyncadd.s32 @!p0 $0xFFFFE000;
	s5 =	sshra.s32 @!p1 s19, $0x2  }
0x296: {  	[spmem:s22] =	stream.indirect.scatter.add.f32 @!p0 [tilespmem:s4], [sflag:$0x9], $0x10, s3, s7, $0xb8;
	[tilespmem:$0x1F400] =	vst v63  }
0x297: {  	s3 =	sadd.s32 @!p1 $0xC00, s5;
	s4 =	simm.s32 @!p1 $0x40;
	s5 =	simm.s32 @!p1 $0x6  }
0x298: {  	[tilespmem:s8], [sflag:$0x3] =	stream.indirect.gather @!p1 [hbm4b:s26+s4], $0x80, s3, s4, $0xb8;
	[tilespmem:$0x1F400] =	vst v63  }
0x299: {  	_ =	swait.ge @!p1 [sflag:s5], $0x400  }
0x29a: {  	[sflag:s5] =	ssyncset.done @!p1 $0x0  }
0x29b: {  	s10 =	simm.s32 $0x4;
	s7 =	simm.s32 @!p1 $0x7C00;
	[sflag:s5] =	ssyncadd.s32 @!p1 $0xFFFFFC00  }
0x29c: {  	[tilespmem:s7], [sflag:$0x3] =	stream.indirect.gather @!p1 [hbm4b:s28+s4], $0x10, s3, s4, $0xb8;
	[tilespmem:$0x1F400] =	vst v63  }
0x29d: {  	_ =	swait.ge [sflag:s10], $0x400  }
0x29e: {  	[sflag:s10] =	ssyncset.done $0x0  }
0x29f: {  	s16 =	simm.s32 $0x5;
	[sflag:s10] =	ssyncadd.s32 $0xFFFFFC00  }
0x2a0: {  	_ =	swait.ge [sflag:s16], $0x400  }
0x2a1: {  	[sflag:s16] =	ssyncset.done $0x0  }
0x2a2: {  	s18 =	simm.s32 $0x6;
	[sflag:s16] =	ssyncadd.s32 $0xFFFFFC00  }
0x2a3: {  	_ =	swait.ge [sflag:s18], $0x400  }
0x2a4: {  	[sflag:s18] =	ssyncset.done $0x0  }
0x2a5: {  	s19 =	simm.s32 $0x7;
	[sflag:s18] =	ssyncadd.s32 $0xFFFFFC00  }
0x2a6: {  	_ =	swait.ge [sflag:s19], $0x400  }
0x2a7: {  	[sflag:s19] =	ssyncset.done $0x0  }
0x2a8: {  	s23 =	simm.s32 $0x8;
	[sflag:s19] =	ssyncadd.s32 $0xFFFFFC00  }
0x2a9: {  	_ =	swait.ge [sflag:s23], $0x400  }
0x2aa: {  	[sflag:s23] =	ssyncset.done $0x0  }
0x2ab: {  	s30 =	smov.u32 s24;
	s25 =	simm.s32 $0x9;
	[sflag:s23] =	ssyncadd.s32 $0xFFFFFC00  }
.Ltmp6:
0x2ac: {  	s24 =	smov.u32 s15;
	_ =	swait.ge [sflag:s25], $0x400;
	(pc) =	sbr.rel .LBB2_6-.Ltmp6, $4  }
0x2ad: {  	s15 =	simm.s32 $0x7400;
	s8 =	smov.u32 s14;
	s10 =	sld [smem:$0x7FA]  }
0x2ae: {  	s18 =	smov.u32 s6;
	s6 =	smov.u32 s0;
	s29 =	sld [smem:$0x7FC]  }
0x2af: {  	s19 =	smov.u32 s13;
	[sflag:s25] =	ssyncset.done $0x0;
	s23 =	sld [smem:$0x7FD]  }
0x2b0: {  	s13 =	simm.s32 $0x1400;
	[sflag:s25] =	ssyncadd.s32 $0xFFFFFC00;
	s25 =	sld [smem:$0x7FB]  }
.LBB2_8:
0x2b1: {  	_ =	sfence.sel $0x180000  }
0x2b2: {  	[bflag:$0x0] =	sbarrier.arrive $0xFFFF  }
0x2b3: {  	_ =	strace $0x9000004A  }
0x2b4: {  	s0 =	stileid.u32;
	[bflag:$0x2] =	sbarrier.arrive $0xFFFF  }
0x2b5: {  	p0 =	sne.s32 s0, $0x0;
	s0 =	rddreg [dreg:$0x4]  }
0x2b6: {  	s0 =	sadd.s32 @!p0 $0x100000, s0  }
0x2b7: {  	[sflag:s0] =	ssyncadd.tile.s32 @!p0 $0x1;
	_ =	shalt  }
.Lfunc_end2:
_tile_overlayer_lowered:
.L_overlay_start_2:
0x2b8: {  	(tag) =	ssettag $0x2  }
0x2b9: {  	s0 =	rddreg [dreg:$0x0];
	s2 =	stileid.u32  }
0x2ba: {  	s1 =	rddreg [dreg:$0x1];
	p0 =	sne.s32 s2, $0x0  }
0x2bb: {  	s3 =	rddreg [dreg:$0x2];
	[bflag:$0x3] =	sbarrier.arrive $0xFFFF;
	s2 =	simm.s32 @!p0 $0x1C0A  }
0x2bc: {  	[timem:s3], [sflag:s2] =	dma.local @!p0 [hbm:s0], s1  }
0x2bd: {  	s0 =	simm.s32 @!p0 $0xA  }
0x2be: {  	_ =	swait.ge @!p0 [sflag:s0], s1  }
0x2bf: {  	s1 =	ssub.s32 @!p0 $0x0, s1;
	[sflag:s0] =	ssyncset.done @!p0 $0x0  }
0x2c0: {  	[sflag:s0] =	ssyncadd.s32 @!p0 s1  }
0x2c1: {  	[bflag:$0x3] =	sbarrier.arrive $0xFFFF  }
0x2c2: {  	_ =	shalt  }

</sc_bundles>
